<compile_context>
chip_gen: v7x
topology: tpu7x:2x2x1
jax: 0.10.2.dev20260603
libtpu: 0.0.44.dev20260713+nightly
codegen_flags: <defaults>
</compile_context>

<pallas_src>
import dataclasses

import jax
import jax.numpy as jnp
from jax.experimental import pallas as pl
from jax.experimental.pallas import tpu as pltpu
from jax.experimental.pallas import tpu_sc as plsc

K = 8
SC_BT = 16


def _to_monotone(bits):
    return bits ^ (jax.lax.shift_right_arithmetic(bits, 31) & 0x7FFFFFFF)


def _tc_logits_kernel(x_ref, wt_ref, b_ref, logits_ref, conf_ref,
                      *, n_tokens: int):
    i = pl.program_id(0)
    logits = jnp.dot(x_ref[...], wt_ref[...],
                     preferred_element_type=jnp.float32)
    logits = logits + b_ref[...]
    logits_ref[...] = logits

    @pl.when(i == 0)
    def _():
        conf_ref[0, 0] = 0.0

    rowmax = jnp.max(logits, axis=1, keepdims=True)
    conf_ref[0, 0] += jnp.sum(rowmax) * (1.0 / n_tokens)


def _sc_topk_token(l_vmem, t, num_experts):
    it = jax.lax.iota(jnp.int32, 16)
    kregs = []
    for c in range(num_experts // 16):
        r = l_vmem.at[t, pl.ds(16 * c, 16)][...]
        bits = jax.lax.bitcast_convert_type(r, jnp.int32)
        s = _to_monotone(bits)
        ks = (s & -64) | ((num_experts - 1 - 16 * c) - it)
        kf = jax.lax.bitcast_convert_type(_to_monotone(ks), jnp.float32)
        kregs.append(kf)

    lo8 = it < 8

    def sort16(v):
        sk, _ = plsc.sort_key_val(v, v, descending=True)
        return sk

    def top8_merge(a, b):
        m = jnp.where(lo8, a, jax.lax.rev(b, (0,)))
        return sort16(m)

    s0, s1, s2, s3 = [sort16(kf) for kf in kregs]
    s01 = top8_merge(s0, s1)
    s23 = top8_merge(s2, s3)
    final = top8_merge(s01, s23)
    return kregs, final


def _sc_gates_token(g_vmem, t, kregs, final, num_experts):
    it = jax.lax.iota(jnp.int32, 16)
    kmax = jnp.max(final)
    kth = jnp.min(jnp.where(it < K, final, jnp.float32(jnp.inf)))
    gs = []
    for kf in kregs:
        e = jnp.exp(kf - kmax)
        gs.append(jnp.where(kf >= kth, e, jnp.float32(0.0)))
    tot = gs[0]
    for g in gs[1:]:
        tot = tot + g
    denom = jnp.sum(tot)
    ones = jnp.full((16,), 1.0, jnp.float32)
    inv = ones / (ones * denom)
    for c, g in enumerate(gs):
        g_vmem.at[t, pl.ds(16 * c, 16)][...] = g * inv


def _sc_decode_idx(final, num_experts):
    sb = _to_monotone(jax.lax.bitcast_convert_type(final, jnp.int32))
    return (num_experts - 1) - (sb & (num_experts - 1))


def _sc_router(logits, num_experts):
    n_tokens = logits.shape[0]
    mesh = plsc.VectorSubcoreMesh(core_axis_name="core",
                                  subcore_axis_name="subcore")
    cp = pltpu.CompilerParams()
    if "needs_layout_passes" in pltpu.CompilerParams.__dataclass_fields__:
        cp = dataclasses.replace(cp, needs_layout_passes=False)

    @pl.kernel(
        out_type=[
            jax.ShapeDtypeStruct((n_tokens, num_experts), jnp.float32),
            jax.ShapeDtypeStruct((n_tokens, 16), jnp.int32),
        ],
        mesh=mesh,
        compiler_params=cp,
    )
    def k(logits_hbm, gates_hbm, idx_hbm):
        def body(l_vmem, g_vmem, i_vmem):
            @pl.loop(0, SC_BT)
            def _(t):
                kregs0, final0 = _sc_topk_token(l_vmem, t, num_experts)
                _sc_gates_token(g_vmem, t, kregs0, final0, num_experts)
                i_vmem.at[t, :][...] = _sc_decode_idx(final0, num_experts)

        pltpu.emit_pipeline(
            body,
            grid=(n_tokens // SC_BT,),
            in_specs=[pl.BlockSpec((SC_BT, num_experts),
                                   index_map=lambda i: (i, 0))],
            out_specs=[pl.BlockSpec((SC_BT, num_experts),
                                    index_map=lambda i: (i, 0)),
                       pl.BlockSpec((SC_BT, 16),
                                    index_map=lambda i: (i, 0))],
            core_axis_name=("core", "subcore"),
            dimension_semantics=(pltpu.PARALLEL,),
        )(logits_hbm, gates_hbm, idx_hbm)

    return k(logits)


def kernel(x, W, b):
    n_tokens, input_dim = x.shape
    num_experts = W.shape[0]
    bt = min(1024, n_tokens)

    wt = W.T
    b2 = b.reshape(1, num_experts)

    n_chunks = 4
    nc = n_tokens // n_chunks
    blocks_per_chunk = nc // bt

    gates_parts = []
    idx_parts = []
    conf_parts = []
    for j in range(n_chunks):
        base = j * blocks_per_chunk
        logits, conf = pl.pallas_call(
            lambda *refs: _tc_logits_kernel(*refs, n_tokens=n_tokens),
            grid=(blocks_per_chunk,),
            in_specs=[
                pl.BlockSpec((bt, input_dim),
                             lambda i, base=base: (base + i, 0)),
                pl.BlockSpec((input_dim, num_experts), lambda i: (0, 0)),
                pl.BlockSpec((1, num_experts), lambda i: (0, 0)),
            ],
            out_specs=[
                pl.BlockSpec((bt, num_experts), lambda i: (i, 0)),
                pl.BlockSpec((1, 1), lambda i: (0, 0),
                             memory_space=pltpu.SMEM),
            ],
            out_shape=[
                jax.ShapeDtypeStruct((nc, num_experts), jnp.float32),
                jax.ShapeDtypeStruct((1, 1), jnp.float32),
            ],
            compiler_params=pltpu.CompilerParams(
                dimension_semantics=("arbitrary",)),
        )(x, wt, b2)
        g, i16 = _sc_router(logits, num_experts)
        gates_parts.append(g)
        idx_parts.append(jax.lax.slice(i16, (0, 0), (nc, K)))
        conf_parts.append(conf.reshape(()))

    gates = jnp.concatenate(gates_parts, axis=0)
    idx = jnp.concatenate(idx_parts, axis=0)
    conf = conf_parts[0]
    for c in conf_parts[1:]:
        conf = conf + c
    return gates, idx, conf

# --- scband reference (transcript-rebuilt; emitter-appended) ---
"""Pipeline reference for scband-noisy-top-krouter-87342454931821 (READ-ONLY COPY).

The authoritative reference and input builder live on the scoring server;
editing this copy changes nothing except your own understanding.
"""

import jax, jax.numpy as jnp
import numpy as np

K = 8
TEMPERATURE = 1.0
NUM_EXPERTS = 64
INPUT_DIM = 4096
N_TOKENS = 32768


def setup_inputs(seed: int = 0) -> dict:
    key = jax.random.key(seed)
    k1, k2, k3 = jax.random.split(key, 3)
    x = jax.random.normal(k1, (N_TOKENS, INPUT_DIM), dtype=jnp.float32)
    # nn.Linear(input_dim, num_experts): weight [num_experts, input_dim], bias [num_experts]
    bound = 1.0 / np.sqrt(INPUT_DIM)
    W = jax.random.uniform(k2, (NUM_EXPERTS, INPUT_DIM), dtype=jnp.float32, minval=-bound, maxval=bound)
    b = jax.random.uniform(k3, (NUM_EXPERTS,), dtype=jnp.float32, minval=-bound, maxval=bound)
    return {"x": x, "W": W, "b": b}


def reference(x, W, b):
    # logits = Linear(x) / temperature  (eval mode: no noise added)
    logits = (x @ W.T + b) / TEMPERATURE
    topk_vals, topk_idx = jax.lax.top_k(logits, K)
    gates = jax.nn.softmax(topk_vals, axis=-1)
    rows = jnp.arange(logits.shape[0])[:, None]
    sparse_gates = jnp.zeros_like(logits).at[rows, topk_idx].set(gates)
    router_confidence = topk_vals.max(axis=-1).mean()
    return (sparse_gates, topk_idx, router_confidence)

if __name__ == "__main__":
    import jax
    _d = setup_inputs()
    print(jax.jit(kernel)(*tuple(_d.values())))

</pallas_src>

<mosaic_0001>
#map = affine_map<(d0, d1) -> (0, 0)>
module attributes {stable_mosaic.version = 14 : i64} {
  func.func @k(%arg0: i32, %arg1: i32, %arg2: memref<8192x64xf32, #tpu.memory_space<hbm>>, %arg3: memref<8192x64xf32, #tpu.memory_space<hbm>>, %arg4: memref<8192x16xi32, #tpu.memory_space<hbm>>) attributes {dimension_semantics = [#tpu.dimension_semantics<core_parallel>, #tpu.dimension_semantics<subcore_parallel>], iteration_bounds = array<i64: 2, 16>, scalar_prefetch = 0 : i64, scratch_operands = 0 : i64, tpu.core_type = #tpu.core_type<sc_vector_subcore>, window_params = [{transform_indices = #map}, {transform_indices = #map}, {transform_indices = #map}]} {
    %mul3A = arith.constant 1 : i32
    %mul3A_0 = arith.muli %arg1, %mul3A : i32
    %add3A = arith.constant 0 : i32
    %add3A_1 = arith.addi %add3A, %mul3A_0 : i32
    %mul3A_2 = arith.constant 16 : i32
    %mul3A_3 = arith.muli %arg0, %mul3A_2 : i32
    %add3A_4 = arith.addi %add3A_1, %mul3A_3 : i32
    %mul3A_5 = arith.constant 16 : i32
    %mul3A_6 = arith.muli %add3A_4, %mul3A_5 : i32
    "tpu.region"() ({
      %run_scoped3A = memref.alloca() : memref<2x16x64xf32, #tpu.memory_space<vmem>>
      %run_scoped3A_7 = tpu.sem_alloc : memref<2x!tpu.dma_semaphore, #tpu.memory_space<semaphore_mem>>
      %run_scoped3A_8 = memref.alloca() : memref<2x16x64xf32, #tpu.memory_space<vmem>>
      %run_scoped3A_9 = tpu.sem_alloc : memref<2x!tpu.dma_semaphore, #tpu.memory_space<semaphore_mem>>
      %run_scoped3A_10 = memref.alloca() : memref<2x16x16xi32, #tpu.memory_space<vmem>>
      %run_scoped3A_11 = tpu.sem_alloc : memref<2x!tpu.dma_semaphore, #tpu.memory_space<semaphore_mem>>
      %add3A_12 = arith.constant 0 : i32
      %add3A_13 = arith.addi %add3A_12, %mul3A_6 : i32
      %select_n3A = arith.constant true
      %select_n3A_14 = arith.constant 0 : i32
      %select_n3A_15 = arith.constant -1 : i32
      %select_n3A_16 = arith.select %select_n3A, %select_n3A_15, %select_n3A_14 : i32
      %eq3A = arith.constant -1 : i32
      %eq3A_17 = arith.cmpi eq, %select_n3A_16, %eq3A : i32
      %select_n3A_18 = arith.constant 15 : i32
      %select_n3A_19 = arith.select %eq3A_17, %select_n3A_18, %select_n3A_16 : i32
      %add3A_20 = arith.addi %select_n3A_19, %mul3A_6 : i32
      %select_n3A_21 = arith.constant true
      %select_n3A_22 = arith.constant 0 : i32
      %select_n3A_23 = arith.constant 1 : i32
      %select_n3A_24 = arith.select %select_n3A_21, %select_n3A_23, %select_n3A_22 : i32
      %eq3A_25 = arith.constant 16 : i32
      %eq3A_26 = arith.cmpi eq, %select_n3A_24, %eq3A_25 : i32
      %select_n3A_27 = arith.constant 0 : i32
      %select_n3A_28 = arith.select %eq3A_26, %select_n3A_27, %select_n3A_24 : i32
      %add3A_29 = arith.addi %select_n3A_28, %mul3A_6 : i32
      %add3A_30 = arith.constant 1 : i32
      %add3A_31 = arith.addi %select_n3A_28, %add3A_30 : i32
      %select_n3A_32 = arith.constant true
      %select_n3A_33 = arith.select %select_n3A_32, %add3A_31, %select_n3A_28 : i32
      %eq3A_34 = arith.constant 16 : i32
      %eq3A_35 = arith.cmpi eq, %select_n3A_33, %eq3A_34 : i32
      %select_n3A_36 = arith.constant 0 : i32
      %select_n3A_37 = arith.select %eq3A_35, %select_n3A_36, %select_n3A_33 : i32
      %add3A_38 = arith.addi %select_n3A_37, %mul3A_6 : i32
      "tpu.trace_start"() <{level = 10 : i32, message = "ep_initialize_0"}> : () -> ()
      %rem3A = arith.constant 0 : i32
      %rem3A_39 = arith.constant 2 : i32
      %rem3A_40 = arith.remui %rem3A, %rem3A_39 : i32
      %mul3A_41 = arith.constant 16 : i32
      %mul3A_42 = arith.muli %mul3A_41, %add3A_13 : i32
      %dma_start3A = arith.constant 0 : i32
      %dma_start3A_43 = arith.constant 0 : i32
      %dma_start3A_44 = tpu.memref_slice %run_scoped3A[%rem3A_40, %dma_start3A, %dma_start3A_43] : memref<2x16x64xf32, #tpu.memory_space<vmem>> -> memref<1x16x64xf32, #tpu.memory_space<vmem>>
      %dma_start3A_45 = tpu.memref_squeeze %dma_start3A_44 : memref<1x16x64xf32, #tpu.memory_space<vmem>> -> memref<16x64xf32, #tpu.memory_space<vmem>>
      %dma_start3A_46 = arith.constant 0 : i32
      %dma_start3A_47 = tpu.memref_slice %arg2[%mul3A_42, %dma_start3A_46] : memref<8192x64xf32, #tpu.memory_space<hbm>> -> memref<16x64xf32, #tpu.memory_space<hbm>>
      %dma_start3A_48 = tpu.memref_slice %run_scoped3A_7[%rem3A_40] : memref<2x!tpu.dma_semaphore, #tpu.memory_space<semaphore_mem>> -> memref<1x!tpu.dma_semaphore, #tpu.memory_space<semaphore_mem>>
      %dma_start3A_49 = tpu.memref_squeeze %dma_start3A_48 : memref<1x!tpu.dma_semaphore, #tpu.memory_space<semaphore_mem>> -> memref<!tpu.dma_semaphore, #tpu.memory_space<semaphore_mem>>
      %dma_start3A_50 = arith.constant 0 : i32
      %dma_start3A_51 = arith.constant 0 : i32
      %dma_start3A_52 = tpu.memref_slice %run_scoped3A[%rem3A_40, %dma_start3A_50, %dma_start3A_51] : memref<2x16x64xf32, #tpu.memory_space<vmem>> -> memref<1x16x64xf32, #tpu.memory_space<vmem>>
      %dma_start3A_53 = tpu.memref_squeeze %dma_start3A_52 : memref<1x16x64xf32, #tpu.memory_space<vmem>> -> memref<16x64xf32, #tpu.memory_space<vmem>>
      %dma_start3A_54 = arith.constant 0 : i32
      %dma_start3A_55 = tpu.memref_slice %arg2[%mul3A_42, %dma_start3A_54] : memref<8192x64xf32, #tpu.memory_space<hbm>> -> memref<16x64xf32, #tpu.memory_space<hbm>>
      tpu.enqueue_dma source(%dma_start3A_55 : memref<16x64xf32, #tpu.memory_space<hbm>>) target(%dma_start3A_53 : memref<16x64xf32, #tpu.memory_space<vmem>>) target_semaphore(%dma_start3A_49 : memref<!tpu.dma_semaphore, #tpu.memory_space<semaphore_mem>>)
      %add3A_56 = arith.constant 0 : i32
      %add3A_57 = arith.constant 1 : i32
      %add3A_58 = arith.addi %add3A_56, %add3A_57 : i32
      %select_n3A_59 = arith.constant true
      %select_n3A_60 = arith.constant 0 : i32
      %select_n3A_61 = arith.select %select_n3A_59, %add3A_58, %select_n3A_60 : i32
      "tpu.trace_stop"() : () -> ()
      %scan3A = arith.constant 0 : i32
      %scan3A_62 = arith.constant 0 : i32
      %scan3A_63 = arith.constant 0 : i32
      %scan3A_64 = arith.constant 0 : i32
      %scan3A_65 = arith.constant 0 : i32
      %scan3A_66 = arith.constant 0 : i32
      %scan3A_67 = arith.constant 0 : i32
      %scan3A_68 = arith.constant 16 : i32
      %scan3A_69 = arith.addi %scan3A_67, %scan3A_68 : i32
      %scan3A_70 = arith.constant 1 : i32
      %scan3A_71:7 = scf.for %scan3A_143 = %scan3A_67 to %scan3A_69 step %scan3A_70 iter_args(%scan3A_144 = %select_n3A_61, %scan3A_145 = %scan3A, %scan3A_146 = %scan3A_62, %scan3A_147 = %scan3A_63, %scan3A_148 = %scan3A_64, %scan3A_149 = %scan3A_65, %scan3A_150 = %scan3A_66) -> (i32, i32, i32, i32, i32, i32, i32)  : i32 {
        %eq3A_151 = arith.constant 0 : i32
        %eq3A_152 = arith.cmpi eq, %scan3A_143, %eq3A_151 : i32
        %eq3A_153 = arith.constant 15 : i32
        %eq3A_154 = arith.cmpi eq, %scan3A_143, %eq3A_153 : i32
        %add3A_155 = arith.addi %scan3A_150, %mul3A_6 : i32
        %sub3A_156 = arith.constant 1 : i32
        %sub3A_157 = arith.subi %scan3A_150, %sub3A_156 : i32
        %select_n3A_158 = arith.constant true
        %select_n3A_159 = arith.select %select_n3A_158, %sub3A_157, %scan3A_150 : i32
        %eq3A_160 = arith.constant -1 : i32
        %eq3A_161 = arith.cmpi eq, %select_n3A_159, %eq3A_160 : i32
        %select_n3A_162 = arith.constant 15 : i32
        %select_n3A_163 = arith.select %eq3A_161, %select_n3A_162, %select_n3A_159 : i32
        %add3A_164 = arith.addi %select_n3A_163, %mul3A_6 : i32
        %add3A_165 = arith.constant 1 : i32
        %add3A_166 = arith.addi %scan3A_150, %add3A_165 : i32
        %select_n3A_167 = arith.constant true
        %select_n3A_168 = arith.select %select_n3A_167, %add3A_166, %scan3A_150 : i32
        %eq3A_169 = arith.constant 16 : i32
        %eq3A_170 = arith.cmpi eq, %select_n3A_168, %eq3A_169 : i32
        %select_n3A_171 = arith.constant 0 : i32
        %select_n3A_172 = arith.select %eq3A_170, %select_n3A_171, %select_n3A_168 : i32
        %add3A_173 = arith.addi %select_n3A_172, %mul3A_6 : i32
        %add3A_174 = arith.constant 1 : i32
        %add3A_175 = arith.addi %select_n3A_172, %add3A_174 : i32
        %select_n3A_176 = arith.constant true
        %select_n3A_177 = arith.select %select_n3A_176, %add3A_175, %select_n3A_172 : i32
        %eq3A_178 = arith.constant 16 : i32
        %eq3A_179 = arith.cmpi eq, %select_n3A_177, %eq3A_178 : i32
        %select_n3A_180 = arith.constant 0 : i32
        %select_n3A_181 = arith.select %eq3A_179, %select_n3A_180, %select_n3A_177 : i32
        %add3A_182 = arith.addi %select_n3A_181, %mul3A_6 : i32
        %ne3A = arith.cmpi ne, %add3A_155, %add3A_173 : i32
        %or3A = arith.constant false
        %or3A_183 = arith.ori %or3A, %ne3A : i1
        %or3A_184 = arith.constant false
        %or3A_185 = arith.ori %or3A_183, %or3A_184 : i1
        %ge3A = arith.constant 15 : i32
        %ge3A_186 = arith.cmpi sge, %scan3A_143, %ge3A : i32
        %not3A = arith.constant true
        %not3A_187 = arith.xori %ge3A_186, %not3A : i1
        %and3A = arith.andi %or3A_185, %not3A_187 : i1
        %convert_element_type3A = arith.extui %and3A : i1 to i32
        %cond3A = arith.constant 0 : i32
        %cond3A_188 = arith.cmpi ne, %convert_element_type3A, %cond3A : i32
        scf.if %cond3A_188 {
          "tpu.trace_start"() <{level = 10 : i32, message = "ep_copy_in"}> : () -> ()
          %rem3A_353 = arith.constant 2 : i32
          %rem3A_354 = arith.remui %scan3A_144, %rem3A_353 : i32
          %mul3A_355 = arith.constant 16 : i32
          %mul3A_356 = arith.muli %mul3A_355, %add3A_173 : i32
          %dma_start3A_357 = arith.constant 0 : i32
          %dma_start3A_358 = arith.constant 0 : i32
          %dma_start3A_359 = tpu.memref_slice %run_scoped3A[%rem3A_354, %dma_start3A_357, %dma_start3A_358] : memref<2x16x64xf32, #tpu.memory_space<vmem>> -> memref<1x16x64xf32, #tpu.memory_space<vmem>>
          %dma_start3A_360 = tpu.memref_squeeze %dma_start3A_359 : memref<1x16x64xf32, #tpu.memory_space<vmem>> -> memref<16x64xf32, #tpu.memory_space<vmem>>
          %dma_start3A_361 = arith.constant 0 : i32
          %dma_start3A_362 = tpu.memref_slice %arg2[%mul3A_356, %dma_start3A_361] : memref<8192x64xf32, #tpu.memory_space<hbm>> -> memref<16x64xf32, #tpu.memory_space<hbm>>
          %dma_start3A_363 = tpu.memref_slice %run_scoped3A_7[%rem3A_354] : memref<2x!tpu.dma_semaphore, #tpu.memory_space<semaphore_mem>> -> memref<1x!tpu.dma_semaphore, #tpu.memory_space<semaphore_mem>>
          %dma_start3A_364 = tpu.memref_squeeze %dma_start3A_363 : memref<1x!tpu.dma_semaphore, #tpu.memory_space<semaphore_mem>> -> memref<!tpu.dma_semaphore, #tpu.memory_space<semaphore_mem>>
          %dma_start3A_365 = arith.constant 0 : i32
          %dma_start3A_366 = arith.constant 0 : i32
          %dma_start3A_367 = tpu.memref_slice %run_scoped3A[%rem3A_354, %dma_start3A_365, %dma_start3A_366] : memref<2x16x64xf32, #tpu.memory_space<vmem>> -> memref<1x16x64xf32, #tpu.memory_space<vmem>>
          %dma_start3A_368 = tpu.memref_squeeze %dma_start3A_367 : memref<1x16x64xf32, #tpu.memory_space<vmem>> -> memref<16x64xf32, #tpu.memory_space<vmem>>
          %dma_start3A_369 = arith.constant 0 : i32
          %dma_start3A_370 = tpu.memref_slice %arg2[%mul3A_356, %dma_start3A_369] : memref<8192x64xf32, #tpu.memory_space<hbm>> -> memref<16x64xf32, #tpu.memory_space<hbm>>
          tpu.enqueue_dma source(%dma_start3A_370 : memref<16x64xf32, #tpu.memory_space<hbm>>) target(%dma_start3A_368 : memref<16x64xf32, #tpu.memory_space<vmem>>) target_semaphore(%dma_start3A_364 : memref<!tpu.dma_semaphore, #tpu.memory_space<semaphore_mem>>)
          "tpu.trace_stop"() : () -> ()
        } else {
        }
        %and3A_189 = arith.constant true
        %and3A_190 = arith.andi %and3A, %and3A_189 : i1
        %add3A_191 = arith.constant 1 : i32
        %add3A_192 = arith.addi %scan3A_144, %add3A_191 : i32
        %select_n3A_193 = arith.select %and3A_190, %add3A_192, %scan3A_144 : i32
        %ne3A_194 = arith.cmpi ne, %add3A_155, %add3A_173 : i32
        %or3A_195 = arith.constant false
        %or3A_196 = arith.ori %or3A_195, %ne3A_194 : i1
        %or3A_197 = arith.constant false
        %or3A_198 = arith.ori %or3A_196, %or3A_197 : i1
        %ge3A_199 = arith.constant 15 : i32
        %ge3A_200 = arith.cmpi sge, %scan3A_143, %ge3A_199 : i32
        %not3A_201 = arith.constant true
        %not3A_202 = arith.xori %ge3A_200, %not3A_201 : i1
        %and3A_203 = arith.andi %or3A_198, %not3A_202 : i1
        %ne3A_204 = arith.cmpi ne, %add3A_155, %add3A_173 : i32
        %or3A_205 = arith.constant false
        %or3A_206 = arith.ori %or3A_205, %ne3A_204 : i1
        %or3A_207 = arith.constant false
        %or3A_208 = arith.ori %or3A_206, %or3A_207 : i1
        %ge3A_209 = arith.constant 15 : i32
        %ge3A_210 = arith.cmpi sge, %scan3A_143, %ge3A_209 : i32
        %not3A_211 = arith.constant true
        %not3A_212 = arith.xori %ge3A_210, %not3A_211 : i1
        %and3A_213 = arith.andi %or3A_208, %not3A_212 : i1
        %ne3A_214 = arith.cmpi ne, %add3A_155, %add3A_164 : i32
        %or3A_215 = arith.constant false
        %or3A_216 = arith.ori %or3A_215, %ne3A_214 : i1
        %or3A_217 = arith.constant false
        %or3A_218 = arith.ori %or3A_216, %or3A_217 : i1
        %or3A_219 = arith.ori %or3A_218, %eq3A_152 : i1
        %convert_element_type3A_220 = arith.extui %or3A_219 : i1 to i32
        %cond3A_221 = arith.constant 0 : i32
        %cond3A_222 = arith.cmpi ne, %convert_element_type3A_220, %cond3A_221 : i32
        scf.if %cond3A_222 {
          "tpu.trace_start"() <{level = 10 : i32, message = "ep_wait_in"}> : () -> ()
          %mul3A_353 = arith.constant 16 : i32
          %mul3A_354 = arith.muli %mul3A_353, %add3A_155 : i32
          %rem3A_355 = arith.constant 2 : i32
          %rem3A_356 = arith.remui %scan3A_145, %rem3A_355 : i32
          %dma_wait3A_357 = arith.constant 0 : i32
          %dma_wait3A_358 = arith.constant 0 : i32
          %dma_wait3A_359 = tpu.memref_slice %run_scoped3A[%rem3A_356, %dma_wait3A_357, %dma_wait3A_358] : memref<2x16x64xf32, #tpu.memory_space<vmem>> -> memref<1x16x64xf32, #tpu.memory_space<vmem>>
          %dma_wait3A_360 = tpu.memref_squeeze %dma_wait3A_359 : memref<1x16x64xf32, #tpu.memory_space<vmem>> -> memref<16x64xf32, #tpu.memory_space<vmem>>
          %dma_wait3A_361 = arith.constant 0 : i32
          %dma_wait3A_362 = tpu.memref_slice %arg2[%mul3A_354, %dma_wait3A_361] : memref<8192x64xf32, #tpu.memory_space<hbm>> -> memref<16x64xf32, #tpu.memory_space<hbm>>
          %dma_wait3A_363 = tpu.memref_slice %run_scoped3A_7[%rem3A_356] : memref<2x!tpu.dma_semaphore, #tpu.memory_space<semaphore_mem>> -> memref<1x!tpu.dma_semaphore, #tpu.memory_space<semaphore_mem>>
          %dma_wait3A_364 = tpu.memref_squeeze %dma_wait3A_363 : memref<1x!tpu.dma_semaphore, #tpu.memory_space<semaphore_mem>> -> memref<!tpu.dma_semaphore, #tpu.memory_space<semaphore_mem>>
          %dma_wait3A_365 = arith.constant 0 : i32
          %dma_wait3A_366 = arith.constant 0 : i32
          %dma_wait3A_367 = tpu.memref_slice %run_scoped3A[%rem3A_356, %dma_wait3A_365, %dma_wait3A_366] : memref<2x16x64xf32, #tpu.memory_space<vmem>> -> memref<1x16x64xf32, #tpu.memory_space<vmem>>
          %dma_wait3A_368 = tpu.memref_squeeze %dma_wait3A_367 : memref<1x16x64xf32, #tpu.memory_space<vmem>> -> memref<16x64xf32, #tpu.memory_space<vmem>>
          %dma_wait3A_369 = arith.constant 0 : i32
          %dma_wait3A_370 = tpu.memref_slice %arg2[%mul3A_354, %dma_wait3A_369] : memref<8192x64xf32, #tpu.memory_space<hbm>> -> memref<16x64xf32, #tpu.memory_space<hbm>>
          tpu.wait_dma2 semaphore(%dma_wait3A_364 : memref<!tpu.dma_semaphore, #tpu.memory_space<semaphore_mem>>) src(%dma_wait3A_370 : memref<16x64xf32, #tpu.memory_space<hbm>>) dst(%dma_wait3A_368 : memref<16x64xf32, #tpu.memory_space<vmem>>)
          "tpu.trace_stop"() : () -> ()
        } else {
        }
        %ne3A_223 = arith.cmpi ne, %add3A_155, %add3A_164 : i32
        %or3A_224 = arith.constant false
        %or3A_225 = arith.ori %or3A_224, %ne3A_223 : i1
        %or3A_226 = arith.constant false
        %or3A_227 = arith.ori %or3A_225, %or3A_226 : i1
        %or3A_228 = arith.ori %or3A_227, %eq3A_152 : i1
        %convert_element_type3A_229 = arith.extui %or3A_228 : i1 to i32
        %cond3A_230 = arith.constant 0 : i32
        %cond3A_231 = arith.cmpi ne, %convert_element_type3A_229, %cond3A_230 : i32
        scf.if %cond3A_231 {
        } else {
        }
        %ne3A_232 = arith.cmpi ne, %add3A_155, %add3A_164 : i32
        %or3A_233 = arith.constant false
        %or3A_234 = arith.ori %or3A_233, %ne3A_232 : i1
        %or3A_235 = arith.constant false
        %or3A_236 = arith.ori %or3A_234, %or3A_235 : i1
        %or3A_237 = arith.ori %or3A_236, %eq3A_152 : i1
        %convert_element_type3A_238 = arith.extui %or3A_237 : i1 to i32
        %cond3A_239 = arith.constant 0 : i32
        %cond3A_240 = arith.cmpi ne, %convert_element_type3A_238, %cond3A_239 : i32
        scf.if %cond3A_240 {
        } else {
        }
        %rem3A_241 = arith.constant 2 : i32
        %rem3A_242 = arith.remui %scan3A_145, %rem3A_241 : i32
        %rem3A_243 = arith.constant 2 : i32
        %rem3A_244 = arith.remui %scan3A_146, %rem3A_243 : i32
        %rem3A_245 = arith.constant 2 : i32
        %rem3A_246 = arith.remui %scan3A_148, %rem3A_245 : i32
        "tpu.trace_start"() <{level = 10 : i32, message = "ep_run_kernel"}> : () -> ()
        %scan3A_247 = arith.constant 0 : i32
        %scan3A_248 = arith.constant 16 : i32
        %scan3A_249 = arith.addi %scan3A_247, %scan3A_248 : i32
        %scan3A_250 = arith.constant 1 : i32
        scf.for %scan3A_353 = %scan3A_247 to %scan3A_249 step %scan3A_250  : i32 {
          %mul3A_354 = arith.constant 1 : i32
          %mul3A_355 = arith.muli %scan3A_353, %mul3A_354 : i32
          %add3A_356 = arith.constant 0 : i32
          %add3A_357 = arith.addi %add3A_356, %mul3A_355 : i32
          %iota3A = tpu.iota {dimensions = array<i32: 0>} : vector<16xi32>
          %get3A = arith.constant 0 : i32
          %get3A_358 = arith.constant 0 : i32
          %get3A_359 = tpu.memref_slice %run_scoped3A[%rem3A_242, %get3A, %get3A_358] : memref<2x16x64xf32, #tpu.memory_space<vmem>> -> memref<1x16x64xf32, #tpu.memory_space<vmem>>
          %get3A_360 = tpu.memref_squeeze %get3A_359 : memref<1x16x64xf32, #tpu.memory_space<vmem>> -> memref<16x64xf32, #tpu.memory_space<vmem>>
          %get3A_361 = arith.index_cast %add3A_357 : i32 to index
          %get3A_362 = arith.constant 0 : index
          %get3A_363 = tpu.vector_load %get3A_360[%get3A_361, %get3A_362] {strides = array<i32>} : memref<16x64xf32, #tpu.memory_space<vmem>>, vector<16xf32>,
          %bitcast_convert_type3A = tpu.bitcast %get3A_363 : vector<16xf32> -> vector<16xi32>
          %shift_right_arithmetic3A = arith.constant 31 : i32
          %shift_right_arithmetic3A_364 = vector.broadcast %shift_right_arithmetic3A : i32 to vector<16xi32>
          %shift_right_arithmetic3A_365 = arith.shrsi %bitcast_convert_type3A, %shift_right_arithmetic3A_364 : vector<16xi32>
          %and3A_366 = arith.constant 2147483647 : i32
          %and3A_367 = vector.broadcast %and3A_366 : i32 to vector<16xi32>
          %and3A_368 = arith.andi %shift_right_arithmetic3A_365, %and3A_367 : vector<16xi32>
          %xor3A = arith.xori %bitcast_convert_type3A, %and3A_368 : vector<16xi32>
          %and3A_369 = arith.constant -64 : i32
          %and3A_370 = vector.broadcast %and3A_369 : i32 to vector<16xi32>
          %and3A_371 = arith.andi %xor3A, %and3A_370 : vector<16xi32>
          %sub3A_372 = arith.constant 63 : i32
          %sub3A_373 = vector.broadcast %sub3A_372 : i32 to vector<16xi32>
          %sub3A_374 = arith.subi %sub3A_373, %iota3A : vector<16xi32>
          %or3A_375 = arith.ori %and3A_371, %sub3A_374 : vector<16xi32>
          %shift_right_arithmetic3A_376 = arith.constant 31 : i32
          %shift_right_arithmetic3A_377 = vector.broadcast %shift_right_arithmetic3A_376 : i32 to vector<16xi32>
          %shift_right_arithmetic3A_378 = arith.shrsi %or3A_375, %shift_right_arithmetic3A_377 : vector<16xi32>
          %and3A_379 = arith.constant 2147483647 : i32
          %and3A_380 = vector.broadcast %and3A_379 : i32 to vector<16xi32>
          %and3A_381 = arith.andi %shift_right_arithmetic3A_378, %and3A_380 : vector<16xi32>
          %xor3A_382 = arith.xori %or3A_375, %and3A_381 : vector<16xi32>
          %bitcast_convert_type3A_383 = tpu.bitcast %xor3A_382 : vector<16xi32> -> vector<16xf32>
          %get3A_384 = arith.constant 0 : i32
          %get3A_385 = arith.constant 0 : i32
          %get3A_386 = tpu.memref_slice %run_scoped3A[%rem3A_242, %get3A_384, %get3A_385] : memref<2x16x64xf32, #tpu.memory_space<vmem>> -> memref<1x16x64xf32, #tpu.memory_space<vmem>>
          %get3A_387 = tpu.memref_squeeze %get3A_386 : memref<1x16x64xf32, #tpu.memory_space<vmem>> -> memref<16x64xf32, #tpu.memory_space<vmem>>
          %get3A_388 = arith.index_cast %add3A_357 : i32 to index
          %get3A_389 = arith.constant 16 : index
          %get3A_390 = tpu.vector_load %get3A_387[%get3A_388, %get3A_389] {strides = array<i32>} : memref<16x64xf32, #tpu.memory_space<vmem>>, vector<16xf32>,
          %bitcast_convert_type3A_391 = tpu.bitcast %get3A_390 : vector<16xf32> -> vector<16xi32>
          %shift_right_arithmetic3A_392 = arith.constant 31 : i32
          %shift_right_arithmetic3A_393 = vector.broadcast %shift_right_arithmetic3A_392 : i32 to vector<16xi32>
          %shift_right_arithmetic3A_394 = arith.shrsi %bitcast_convert_type3A_391, %shift_right_arithmetic3A_393 : vector<16xi32>
          %and3A_395 = arith.constant 2147483647 : i32
          %and3A_396 = vector.broadcast %and3A_395 : i32 to vector<16xi32>
          %and3A_397 = arith.andi %shift_right_arithmetic3A_394, %and3A_396 : vector<16xi32>
          %xor3A_398 = arith.xori %bitcast_convert_type3A_391, %and3A_397 : vector<16xi32>
          %and3A_399 = arith.constant -64 : i32
          %and3A_400 = vector.broadcast %and3A_399 : i32 to vector<16xi32>
          %and3A_401 = arith.andi %xor3A_398, %and3A_400 : vector<16xi32>
          %sub3A_402 = arith.constant 47 : i32
          %sub3A_403 = vector.broadcast %sub3A_402 : i32 to vector<16xi32>
          %sub3A_404 = arith.subi %sub3A_403, %iota3A : vector<16xi32>
          %or3A_405 = arith.ori %and3A_401, %sub3A_404 : vector<16xi32>
          %shift_right_arithmetic3A_406 = arith.constant 31 : i32
          %shift_right_arithmetic3A_407 = vector.broadcast %shift_right_arithmetic3A_406 : i32 to vector<16xi32>
          %shift_right_arithmetic3A_408 = arith.shrsi %or3A_405, %shift_right_arithmetic3A_407 : vector<16xi32>
          %and3A_409 = arith.constant 2147483647 : i32
          %and3A_410 = vector.broadcast %and3A_409 : i32 to vector<16xi32>
          %and3A_411 = arith.andi %shift_right_arithmetic3A_408, %and3A_410 : vector<16xi32>
          %xor3A_412 = arith.xori %or3A_405, %and3A_411 : vector<16xi32>
          %bitcast_convert_type3A_413 = tpu.bitcast %xor3A_412 : vector<16xi32> -> vector<16xf32>
          %get3A_414 = arith.constant 0 : i32
          %get3A_415 = arith.constant 0 : i32
          %get3A_416 = tpu.memref_slice %run_scoped3A[%rem3A_242, %get3A_414, %get3A_415] : memref<2x16x64xf32, #tpu.memory_space<vmem>> -> memref<1x16x64xf32, #tpu.memory_space<vmem>>
          %get3A_417 = tpu.memref_squeeze %get3A_416 : memref<1x16x64xf32, #tpu.memory_space<vmem>> -> memref<16x64xf32, #tpu.memory_space<vmem>>
          %get3A_418 = arith.index_cast %add3A_357 : i32 to index
          %get3A_419 = arith.constant 32 : index
          %get3A_420 = tpu.vector_load %get3A_417[%get3A_418, %get3A_419] {strides = array<i32>} : memref<16x64xf32, #tpu.memory_space<vmem>>, vector<16xf32>,
          %bitcast_convert_type3A_421 = tpu.bitcast %get3A_420 : vector<16xf32> -> vector<16xi32>
          %shift_right_arithmetic3A_422 = arith.constant 31 : i32
          %shift_right_arithmetic3A_423 = vector.broadcast %shift_right_arithmetic3A_422 : i32 to vector<16xi32>
          %shift_right_arithmetic3A_424 = arith.shrsi %bitcast_convert_type3A_421, %shift_right_arithmetic3A_423 : vector<16xi32>
          %and3A_425 = arith.constant 2147483647 : i32
          %and3A_426 = vector.broadcast %and3A_425 : i32 to vector<16xi32>
          %and3A_427 = arith.andi %shift_right_arithmetic3A_424, %and3A_426 : vector<16xi32>
          %xor3A_428 = arith.xori %bitcast_convert_type3A_421, %and3A_427 : vector<16xi32>
          %and3A_429 = arith.constant -64 : i32
          %and3A_430 = vector.broadcast %and3A_429 : i32 to vector<16xi32>
          %and3A_431 = arith.andi %xor3A_428, %and3A_430 : vector<16xi32>
          %sub3A_432 = arith.constant 31 : i32
          %sub3A_433 = vector.broadcast %sub3A_432 : i32 to vector<16xi32>
          %sub3A_434 = arith.subi %sub3A_433, %iota3A : vector<16xi32>
          %or3A_435 = arith.ori %and3A_431, %sub3A_434 : vector<16xi32>
          %shift_right_arithmetic3A_436 = arith.constant 31 : i32
          %shift_right_arithmetic3A_437 = vector.broadcast %shift_right_arithmetic3A_436 : i32 to vector<16xi32>
          %shift_right_arithmetic3A_438 = arith.shrsi %or3A_435, %shift_right_arithmetic3A_437 : vector<16xi32>
          %and3A_439 = arith.constant 2147483647 : i32
          %and3A_440 = vector.broadcast %and3A_439 : i32 to vector<16xi32>
          %and3A_441 = arith.andi %shift_right_arithmetic3A_438, %and3A_440 : vector<16xi32>
          %xor3A_442 = arith.xori %or3A_435, %and3A_441 : vector<16xi32>
          %bitcast_convert_type3A_443 = tpu.bitcast %xor3A_442 : vector<16xi32> -> vector<16xf32>
          %get3A_444 = arith.constant 0 : i32
          %get3A_445 = arith.constant 0 : i32
          %get3A_446 = tpu.memref_slice %run_scoped3A[%rem3A_242, %get3A_444, %get3A_445] : memref<2x16x64xf32, #tpu.memory_space<vmem>> -> memref<1x16x64xf32, #tpu.memory_space<vmem>>
          %get3A_447 = tpu.memref_squeeze %get3A_446 : memref<1x16x64xf32, #tpu.memory_space<vmem>> -> memref<16x64xf32, #tpu.memory_space<vmem>>
          %get3A_448 = arith.index_cast %add3A_357 : i32 to index
          %get3A_449 = arith.constant 48 : index
          %get3A_450 = tpu.vector_load %get3A_447[%get3A_448, %get3A_449] {strides = array<i32>} : memref<16x64xf32, #tpu.memory_space<vmem>>, vector<16xf32>,
          %bitcast_convert_type3A_451 = tpu.bitcast %get3A_450 : vector<16xf32> -> vector<16xi32>
          %shift_right_arithmetic3A_452 = arith.constant 31 : i32
          %shift_right_arithmetic3A_453 = vector.broadcast %shift_right_arithmetic3A_452 : i32 to vector<16xi32>
          %shift_right_arithmetic3A_454 = arith.shrsi %bitcast_convert_type3A_451, %shift_right_arithmetic3A_453 : vector<16xi32>
          %and3A_455 = arith.constant 2147483647 : i32
          %and3A_456 = vector.broadcast %and3A_455 : i32 to vector<16xi32>
          %and3A_457 = arith.andi %shift_right_arithmetic3A_454, %and3A_456 : vector<16xi32>
          %xor3A_458 = arith.xori %bitcast_convert_type3A_451, %and3A_457 : vector<16xi32>
          %and3A_459 = arith.constant -64 : i32
          %and3A_460 = vector.broadcast %and3A_459 : i32 to vector<16xi32>
          %and3A_461 = arith.andi %xor3A_458, %and3A_460 : vector<16xi32>
          %sub3A_462 = arith.constant 15 : i32
          %sub3A_463 = vector.broadcast %sub3A_462 : i32 to vector<16xi32>
          %sub3A_464 = arith.subi %sub3A_463, %iota3A : vector<16xi32>
          %or3A_465 = arith.ori %and3A_461, %sub3A_464 : vector<16xi32>
          %shift_right_arithmetic3A_466 = arith.constant 31 : i32
          %shift_right_arithmetic3A_467 = vector.broadcast %shift_right_arithmetic3A_466 : i32 to vector<16xi32>
          %shift_right_arithmetic3A_468 = arith.shrsi %or3A_465, %shift_right_arithmetic3A_467 : vector<16xi32>
          %and3A_469 = arith.constant 2147483647 : i32
          %and3A_470 = vector.broadcast %and3A_469 : i32 to vector<16xi32>
          %and3A_471 = arith.andi %shift_right_arithmetic3A_468, %and3A_470 : vector<16xi32>
          %xor3A_472 = arith.xori %or3A_465, %and3A_471 : vector<16xi32>
          %bitcast_convert_type3A_473 = tpu.bitcast %xor3A_472 : vector<16xi32> -> vector<16xf32>
          %lt3A = arith.constant 8 : i32
          %lt3A_474 = vector.broadcast %lt3A : i32 to vector<16xi32>
          %lt3A_475 = arith.cmpi slt, %iota3A, %lt3A_474 : vector<16xi32>
          %masked_sort3A = arith.constant dense<true> : vector<16xi1>
          %masked_sort3A_476, %masked_sort3A_477, %masked_sort3A_478 = tpu.sort %bitcast_convert_type3A_383, %bitcast_convert_type3A_383 masked %masked_sort3A {descending = true} : (vector<16xf32>, vector<16xf32>, vector<16xi1>) -> (vector<16xi1>, vector<16xf32>, vector<16xf32>)
          %masked_sort3A_479 = arith.constant dense<true> : vector<16xi1>
          %masked_sort3A_480, %masked_sort3A_481, %masked_sort3A_482 = tpu.sort %bitcast_convert_type3A_413, %bitcast_convert_type3A_413 masked %masked_sort3A_479 {descending = true} : (vector<16xf32>, vector<16xf32>, vector<16xi1>) -> (vector<16xi1>, vector<16xf32>, vector<16xf32>)
          %masked_sort3A_483 = arith.constant dense<true> : vector<16xi1>
          %masked_sort3A_484, %masked_sort3A_485, %masked_sort3A_486 = tpu.sort %bitcast_convert_type3A_443, %bitcast_convert_type3A_443 masked %masked_sort3A_483 {descending = true} : (vector<16xf32>, vector<16xf32>, vector<16xi1>) -> (vector<16xi1>, vector<16xf32>, vector<16xf32>)
          %masked_sort3A_487 = arith.constant dense<true> : vector<16xi1>
          %masked_sort3A_488, %masked_sort3A_489, %masked_sort3A_490 = tpu.sort %bitcast_convert_type3A_473, %bitcast_convert_type3A_473 masked %masked_sort3A_487 {descending = true} : (vector<16xf32>, vector<16xf32>, vector<16xi1>) -> (vector<16xi1>, vector<16xf32>, vector<16xf32>)
          %rev3A = arith.constant 15 : i32
          %rev3A_491 = vector.broadcast %rev3A : i32 to vector<16xi32>
          %rev3A_492 = tpu.iota {dimensions = array<i32: 0>} : vector<16xi32>
          %rev3A_493 = arith.subi %rev3A_491, %rev3A_492 : vector<16xi32>
          %rev3A_494 = tpu.dynamic_gather %masked_sort3A_481[%rev3A_493] in [0] : vector<16xf32>, vector<16xi32> -> vector<16xf32>
          %select_n3A_495 = arith.select %lt3A_475, %masked_sort3A_477, %rev3A_494 : vector<16xi1>, vector<16xf32>
          %masked_sort3A_496 = arith.constant dense<true> : vector<16xi1>
          %masked_sort3A_497, %masked_sort3A_498, %masked_sort3A_499 = tpu.sort %select_n3A_495, %select_n3A_495 masked %masked_sort3A_496 {descending = true} : (vector<16xf32>, vector<16xf32>, vector<16xi1>) -> (vector<16xi1>, vector<16xf32>, vector<16xf32>)
          %rev3A_500 = arith.constant 15 : i32
          %rev3A_501 = vector.broadcast %rev3A_500 : i32 to vector<16xi32>
          %rev3A_502 = tpu.iota {dimensions = array<i32: 0>} : vector<16xi32>
          %rev3A_503 = arith.subi %rev3A_501, %rev3A_502 : vector<16xi32>
          %rev3A_504 = tpu.dynamic_gather %masked_sort3A_489[%rev3A_503] in [0] : vector<16xf32>, vector<16xi32> -> vector<16xf32>
          %select_n3A_505 = arith.select %lt3A_475, %masked_sort3A_485, %rev3A_504 : vector<16xi1>, vector<16xf32>
          %masked_sort3A_506 = arith.constant dense<true> : vector<16xi1>
          %masked_sort3A_507, %masked_sort3A_508, %masked_sort3A_509 = tpu.sort %select_n3A_505, %select_n3A_505 masked %masked_sort3A_506 {descending = true} : (vector<16xf32>, vector<16xf32>, vector<16xi1>) -> (vector<16xi1>, vector<16xf32>, vector<16xf32>)
          %rev3A_510 = arith.constant 15 : i32
          %rev3A_511 = vector.broadcast %rev3A_510 : i32 to vector<16xi32>
          %rev3A_512 = tpu.iota {dimensions = array<i32: 0>} : vector<16xi32>
          %rev3A_513 = arith.subi %rev3A_511, %rev3A_512 : vector<16xi32>
          %rev3A_514 = tpu.dynamic_gather %masked_sort3A_508[%rev3A_513] in [0] : vector<16xf32>, vector<16xi32> -> vector<16xf32>
          %select_n3A_515 = arith.select %lt3A_475, %masked_sort3A_498, %rev3A_514 : vector<16xi1>, vector<16xf32>
          %masked_sort3A_516 = arith.constant dense<true> : vector<16xi1>
          %masked_sort3A_517, %masked_sort3A_518, %masked_sort3A_519 = tpu.sort %select_n3A_515, %select_n3A_515 masked %masked_sort3A_516 {descending = true} : (vector<16xf32>, vector<16xf32>, vector<16xi1>) -> (vector<16xi1>, vector<16xf32>, vector<16xf32>)
          %iota3A_520 = tpu.iota {dimensions = array<i32: 0>} : vector<16xi32>
          %reduce_max3A = arith.constant true
          %reduce_max3A_521 = vector.broadcast %reduce_max3A : i1 to vector<16xi1>
          %reduce_max3A_522 = tpu.scan <max>, %masked_sort3A_518 masked %reduce_max3A_521 : vector<16xf32>, vector<16xi1> -> vector<16xf32>
          %reduce_max3A_523 = vector.extract %reduce_max3A_522[15] : f32 from vector<16xf32>
          %lt3A_524 = arith.constant 8 : i32
          %lt3A_525 = vector.broadcast %lt3A_524 : i32 to vector<16xi32>
          %lt3A_526 = arith.cmpi slt, %iota3A_520, %lt3A_525 : vector<16xi32>
          %jit3A = arith.constant 0x7F800000 : f32
          %broadcast_in_dim3A = vector.broadcast %jit3A : f32 to vector<16xf32>
          %select_n3A_527 = arith.select %lt3A_526, %masked_sort3A_518, %broadcast_in_dim3A : vector<16xi1>, vector<16xf32>
          %reduce_min3A = arith.constant true
          %reduce_min3A_528 = vector.broadcast %reduce_min3A : i1 to vector<16xi1>
          %reduce_min3A_529 = tpu.scan <min>, %select_n3A_527 masked %reduce_min3A_528 : vector<16xf32>, vector<16xi1> -> vector<16xf32>
          %reduce_min3A_530 = vector.extract %reduce_min3A_529[15] : f32 from vector<16xf32>
          %sub3A_531 = vector.broadcast %reduce_max3A_523 : f32 to vector<16xf32>
          %sub3A_532 = arith.subf %bitcast_convert_type3A_383, %sub3A_531 : vector<16xf32>
          %exp3A = math.exp %sub3A_532 : vector<16xf32>
          %ge3A_533 = vector.broadcast %reduce_min3A_530 : f32 to vector<16xf32>
          %ge3A_534 = arith.cmpf oge, %bitcast_convert_type3A_383, %ge3A_533 : vector<16xf32>
          %jit3A_535 = arith.constant 0.000000e+00 : f32
          %broadcast_in_dim3A_536 = vector.broadcast %jit3A_535 : f32 to vector<16xf32>
          %select_n3A_537 = arith.select %ge3A_534, %exp3A, %broadcast_in_dim3A_536 : vector<16xi1>, vector<16xf32>
          %sub3A_538 = vector.broadcast %reduce_max3A_523 : f32 to vector<16xf32>
          %sub3A_539 = arith.subf %bitcast_convert_type3A_413, %sub3A_538 : vector<16xf32>
          %exp3A_540 = math.exp %sub3A_539 : vector<16xf32>
          %ge3A_541 = vector.broadcast %reduce_min3A_530 : f32 to vector<16xf32>
          %ge3A_542 = arith.cmpf oge, %bitcast_convert_type3A_413, %ge3A_541 : vector<16xf32>
          %jit3A_543 = arith.constant 0.000000e+00 : f32
          %broadcast_in_dim3A_544 = vector.broadcast %jit3A_543 : f32 to vector<16xf32>
          %select_n3A_545 = arith.select %ge3A_542, %exp3A_540, %broadcast_in_dim3A_544 : vector<16xi1>, vector<16xf32>
          %sub3A_546 = vector.broadcast %reduce_max3A_523 : f32 to vector<16xf32>
          %sub3A_547 = arith.subf %bitcast_convert_type3A_443, %sub3A_546 : vector<16xf32>
          %exp3A_548 = math.exp %sub3A_547 : vector<16xf32>
          %ge3A_549 = vector.broadcast %reduce_min3A_530 : f32 to vector<16xf32>
          %ge3A_550 = arith.cmpf oge, %bitcast_convert_type3A_443, %ge3A_549 : vector<16xf32>
          %jit3A_551 = arith.constant 0.000000e+00 : f32
          %broadcast_in_dim3A_552 = vector.broadcast %jit3A_551 : f32 to vector<16xf32>
          %select_n3A_553 = arith.select %ge3A_550, %exp3A_548, %broadcast_in_dim3A_552 : vector<16xi1>, vector<16xf32>
          %sub3A_554 = vector.broadcast %reduce_max3A_523 : f32 to vector<16xf32>
          %sub3A_555 = arith.subf %bitcast_convert_type3A_473, %sub3A_554 : vector<16xf32>
          %exp3A_556 = math.exp %sub3A_555 : vector<16xf32>
          %ge3A_557 = vector.broadcast %reduce_min3A_530 : f32 to vector<16xf32>
          %ge3A_558 = arith.cmpf oge, %bitcast_convert_type3A_473, %ge3A_557 : vector<16xf32>
          %jit3A_559 = arith.constant 0.000000e+00 : f32
          %broadcast_in_dim3A_560 = vector.broadcast %jit3A_559 : f32 to vector<16xf32>
          %select_n3A_561 = arith.select %ge3A_558, %exp3A_556, %broadcast_in_dim3A_560 : vector<16xi1>, vector<16xf32>
          %add3A_562 = arith.addf %select_n3A_537, %select_n3A_545 : vector<16xf32>
          %add3A_563 = arith.addf %add3A_562, %select_n3A_553 : vector<16xf32>
          %add3A_564 = arith.addf %add3A_563, %select_n3A_561 : vector<16xf32>
          %reduce_sum3A = arith.constant true
          %reduce_sum3A_565 = vector.broadcast %reduce_sum3A : i1 to vector<16xi1>
          %reduce_sum3A_566 = tpu.scan <sum>, %add3A_564 masked %reduce_sum3A_565 : vector<16xf32>, vector<16xi1> -> vector<16xf32>
          %reduce_sum3A_567 = vector.extract %reduce_sum3A_566[15] : f32 from vector<16xf32>
          %broadcast_in_dim3A_568 = arith.constant 1.000000e+00 : f32
          %broadcast_in_dim3A_569 = vector.broadcast %broadcast_in_dim3A_568 : f32 to vector<16xf32>
          %mul3A_570 = vector.broadcast %reduce_sum3A_567 : f32 to vector<16xf32>
          %mul3A_571 = arith.mulf %broadcast_in_dim3A_569, %mul3A_570 : vector<16xf32>
          %div3A = arith.divf %broadcast_in_dim3A_569, %mul3A_571 : vector<16xf32>
          %mul3A_572 = arith.mulf %select_n3A_537, %div3A : vector<16xf32>
          %swap3A = arith.constant 0 : i32
          %swap3A_573 = arith.constant 0 : i32
          %swap3A_574 = tpu.memref_slice %run_scoped3A_8[%rem3A_244, %swap3A, %swap3A_573] : memref<2x16x64xf32, #tpu.memory_space<vmem>> -> memref<1x16x64xf32, #tpu.memory_space<vmem>>
          %swap3A_575 = tpu.memref_squeeze %swap3A_574 : memref<1x16x64xf32, #tpu.memory_space<vmem>> -> memref<16x64xf32, #tpu.memory_space<vmem>>
          %swap3A_576 = arith.index_cast %add3A_357 : i32 to index
          %swap3A_577 = arith.constant 0 : index
          %swap3A_578 = tpu.vector_load %swap3A_575[%swap3A_576, %swap3A_577] {strides = array<i32>} : memref<16x64xf32, #tpu.memory_space<vmem>>, vector<16xf32>,
          tpu.vector_store %swap3A_575[%swap3A_576, %swap3A_577], %mul3A_572 {strides = array<i32>} : memref<16x64xf32, #tpu.memory_space<vmem>>, vector<16xf32>,
          %mul3A_579 = arith.mulf %select_n3A_545, %div3A : vector<16xf32>
          %swap3A_580 = arith.constant 0 : i32
          %swap3A_581 = arith.constant 0 : i32
          %swap3A_582 = tpu.memref_slice %run_scoped3A_8[%rem3A_244, %swap3A_580, %swap3A_581] : memref<2x16x64xf32, #tpu.memory_space<vmem>> -> memref<1x16x64xf32, #tpu.memory_space<vmem>>
          %swap3A_583 = tpu.memref_squeeze %swap3A_582 : memref<1x16x64xf32, #tpu.memory_space<vmem>> -> memref<16x64xf32, #tpu.memory_space<vmem>>
          %swap3A_584 = arith.index_cast %add3A_357 : i32 to index
          %swap3A_585 = arith.constant 16 : index
          %swap3A_586 = tpu.vector_load %swap3A_583[%swap3A_584, %swap3A_585] {strides = array<i32>} : memref<16x64xf32, #tpu.memory_space<vmem>>, vector<16xf32>,
          tpu.vector_store %swap3A_583[%swap3A_584, %swap3A_585], %mul3A_579 {strides = array<i32>} : memref<16x64xf32, #tpu.memory_space<vmem>>, vector<16xf32>,
          %mul3A_587 = arith.mulf %select_n3A_553, %div3A : vector<16xf32>
          %swap3A_588 = arith.constant 0 : i32
          %swap3A_589 = arith.constant 0 : i32
          %swap3A_590 = tpu.memref_slice %run_scoped3A_8[%rem3A_244, %swap3A_588, %swap3A_589] : memref<2x16x64xf32, #tpu.memory_space<vmem>> -> memref<1x16x64xf32, #tpu.memory_space<vmem>>
          %swap3A_591 = tpu.memref_squeeze %swap3A_590 : memref<1x16x64xf32, #tpu.memory_space<vmem>> -> memref<16x64xf32, #tpu.memory_space<vmem>>
          %swap3A_592 = arith.index_cast %add3A_357 : i32 to index
          %swap3A_593 = arith.constant 32 : index
          %swap3A_594 = tpu.vector_load %swap3A_591[%swap3A_592, %swap3A_593] {strides = array<i32>} : memref<16x64xf32, #tpu.memory_space<vmem>>, vector<16xf32>,
          tpu.vector_store %swap3A_591[%swap3A_592, %swap3A_593], %mul3A_587 {strides = array<i32>} : memref<16x64xf32, #tpu.memory_space<vmem>>, vector<16xf32>,
          %mul3A_595 = arith.mulf %select_n3A_561, %div3A : vector<16xf32>
          %swap3A_596 = arith.constant 0 : i32
          %swap3A_597 = arith.constant 0 : i32
          %swap3A_598 = tpu.memref_slice %run_scoped3A_8[%rem3A_244, %swap3A_596, %swap3A_597] : memref<2x16x64xf32, #tpu.memory_space<vmem>> -> memref<1x16x64xf32, #tpu.memory_space<vmem>>
          %swap3A_599 = tpu.memref_squeeze %swap3A_598 : memref<1x16x64xf32, #tpu.memory_space<vmem>> -> memref<16x64xf32, #tpu.memory_space<vmem>>
          %swap3A_600 = arith.index_cast %add3A_357 : i32 to index
          %swap3A_601 = arith.constant 48 : index
          %swap3A_602 = tpu.vector_load %swap3A_599[%swap3A_600, %swap3A_601] {strides = array<i32>} : memref<16x64xf32, #tpu.memory_space<vmem>>, vector<16xf32>,
          tpu.vector_store %swap3A_599[%swap3A_600, %swap3A_601], %mul3A_595 {strides = array<i32>} : memref<16x64xf32, #tpu.memory_space<vmem>>, vector<16xf32>,
          %bitcast_convert_type3A_603 = tpu.bitcast %masked_sort3A_518 : vector<16xf32> -> vector<16xi32>
          %shift_right_arithmetic3A_604 = arith.constant 31 : i32
          %shift_right_arithmetic3A_605 = vector.broadcast %shift_right_arithmetic3A_604 : i32 to vector<16xi32>
          %shift_right_arithmetic3A_606 = arith.shrsi %bitcast_convert_type3A_603, %shift_right_arithmetic3A_605 : vector<16xi32>
          %and3A_607 = arith.constant 2147483647 : i32
          %and3A_608 = vector.broadcast %and3A_607 : i32 to vector<16xi32>
          %and3A_609 = arith.andi %shift_right_arithmetic3A_606, %and3A_608 : vector<16xi32>
          %xor3A_610 = arith.xori %bitcast_convert_type3A_603, %and3A_609 : vector<16xi32>
          %and3A_611 = arith.constant 63 : i32
          %and3A_612 = vector.broadcast %and3A_611 : i32 to vector<16xi32>
          %and3A_613 = arith.andi %xor3A_610, %and3A_612 : vector<16xi32>
          %sub3A_614 = arith.constant 63 : i32
          %sub3A_615 = vector.broadcast %sub3A_614 : i32 to vector<16xi32>
          %sub3A_616 = arith.subi %sub3A_615, %and3A_613 : vector<16xi32>
          %swap3A_617 = arith.constant 0 : i32
          %swap3A_618 = arith.constant 0 : i32
          %swap3A_619 = tpu.memref_slice %run_scoped3A_10[%rem3A_246, %swap3A_617, %swap3A_618] : memref<2x16x16xi32, #tpu.memory_space<vmem>> -> memref<1x16x16xi32, #tpu.memory_space<vmem>>
          %swap3A_620 = tpu.memref_squeeze %swap3A_619 : memref<1x16x16xi32, #tpu.memory_space<vmem>> -> memref<16x16xi32, #tpu.memory_space<vmem>>
          %swap3A_621 = arith.index_cast %add3A_357 : i32 to index
          %swap3A_622 = arith.constant 0 : index
          %swap3A_623 = tpu.vector_load %swap3A_620[%swap3A_621, %swap3A_622] {strides = array<i32>} : memref<16x16xi32, #tpu.memory_space<vmem>>, vector<16xi32>,
          tpu.vector_store %swap3A_620[%swap3A_621, %swap3A_622], %sub3A_616 {strides = array<i32>} : memref<16x16xi32, #tpu.memory_space<vmem>>, vector<16xi32>,
        }
        %scan3A_251 = arith.constant 16 : i32
        "tpu.trace_stop"() : () -> ()
        %ne3A_252 = arith.cmpi ne, %add3A_155, %add3A_173 : i32
        %or3A_253 = arith.constant false
        %or3A_254 = arith.ori %or3A_253, %ne3A_252 : i1
        %or3A_255 = arith.constant false
        %or3A_256 = arith.ori %or3A_254, %or3A_255 : i1
        %or3A_257 = arith.ori %or3A_256, %eq3A_154 : i1
        %convert_element_type3A_258 = arith.extui %or3A_257 : i1 to i32
        %cond3A_259 = arith.constant 0 : i32
        %cond3A_260 = arith.cmpi ne, %convert_element_type3A_258, %cond3A_259 : i32
        scf.if %cond3A_260 {
        } else {
        }
        %and3A_261 = arith.constant false
        %and3A_262 = arith.andi %or3A_257, %and3A_261 : i1
        %ne3A_263 = arith.cmpi ne, %add3A_155, %add3A_173 : i32
        %or3A_264 = arith.constant false
        %or3A_265 = arith.ori %or3A_264, %ne3A_263 : i1
        %or3A_266 = arith.constant false
        %or3A_267 = arith.ori %or3A_265, %or3A_266 : i1
        %or3A_268 = arith.ori %or3A_267, %eq3A_154 : i1
        %convert_element_type3A_269 = arith.extui %or3A_268 : i1 to i32
        %cond3A_270 = arith.constant 0 : i32
        %cond3A_271 = arith.cmpi ne, %convert_element_type3A_269, %cond3A_270 : i32
        scf.if %cond3A_271 {
          "tpu.trace_start"() <{level = 10 : i32, message = "ep_copy_out"}> : () -> ()
          %rem3A_353 = arith.constant 2 : i32
          %rem3A_354 = arith.remui %scan3A_146, %rem3A_353 : i32
          %mul3A_355 = arith.constant 16 : i32
          %mul3A_356 = arith.muli %mul3A_355, %add3A_155 : i32
          %dma_start3A_357 = arith.constant 0 : i32
          %dma_start3A_358 = arith.constant 0 : i32
          %dma_start3A_359 = tpu.memref_slice %run_scoped3A_8[%rem3A_354, %dma_start3A_357, %dma_start3A_358] : memref<2x16x64xf32, #tpu.memory_space<vmem>> -> memref<1x16x64xf32, #tpu.memory_space<vmem>>
          %dma_start3A_360 = tpu.memref_squeeze %dma_start3A_359 : memref<1x16x64xf32, #tpu.memory_space<vmem>> -> memref<16x64xf32, #tpu.memory_space<vmem>>
          %dma_start3A_361 = arith.constant 0 : i32
          %dma_start3A_362 = tpu.memref_slice %arg3[%mul3A_356, %dma_start3A_361] : memref<8192x64xf32, #tpu.memory_space<hbm>> -> memref<16x64xf32, #tpu.memory_space<hbm>>
          %dma_start3A_363 = tpu.memref_slice %run_scoped3A_9[%rem3A_354] : memref<2x!tpu.dma_semaphore, #tpu.memory_space<semaphore_mem>> -> memref<1x!tpu.dma_semaphore, #tpu.memory_space<semaphore_mem>>
          %dma_start3A_364 = tpu.memref_squeeze %dma_start3A_363 : memref<1x!tpu.dma_semaphore, #tpu.memory_space<semaphore_mem>> -> memref<!tpu.dma_semaphore, #tpu.memory_space<semaphore_mem>>
          %dma_start3A_365 = arith.constant 0 : i32
          %dma_start3A_366 = tpu.memref_slice %arg3[%mul3A_356, %dma_start3A_365] : memref<8192x64xf32, #tpu.memory_space<hbm>> -> memref<16x64xf32, #tpu.memory_space<hbm>>
          %dma_start3A_367 = arith.constant 0 : i32
          %dma_start3A_368 = arith.constant 0 : i32
          %dma_start3A_369 = tpu.memref_slice %run_scoped3A_8[%rem3A_354, %dma_start3A_367, %dma_start3A_368] : memref<2x16x64xf32, #tpu.memory_space<vmem>> -> memref<1x16x64xf32, #tpu.memory_space<vmem>>
          %dma_start3A_370 = tpu.memref_squeeze %dma_start3A_369 : memref<1x16x64xf32, #tpu.memory_space<vmem>> -> memref<16x64xf32, #tpu.memory_space<vmem>>
          tpu.enqueue_dma source(%dma_start3A_370 : memref<16x64xf32, #tpu.memory_space<vmem>>) target(%dma_start3A_366 : memref<16x64xf32, #tpu.memory_space<hbm>>) target_semaphore(%dma_start3A_364 : memref<!tpu.dma_semaphore, #tpu.memory_space<semaphore_mem>>)
          "tpu.trace_stop"() : () -> ()
        } else {
        }
        %and3A_272 = arith.constant true
        %and3A_273 = arith.andi %or3A_268, %and3A_272 : i1
        %add3A_274 = arith.constant 1 : i32
        %add3A_275 = arith.addi %scan3A_146, %add3A_274 : i32
        %select_n3A_276 = arith.select %and3A_273, %add3A_275, %scan3A_146 : i32
        %ne3A_277 = arith.cmpi ne, %add3A_155, %add3A_173 : i32
        %or3A_278 = arith.constant false
        %or3A_279 = arith.ori %or3A_278, %ne3A_277 : i1
        %or3A_280 = arith.constant false
        %or3A_281 = arith.ori %or3A_279, %or3A_280 : i1
        %or3A_282 = arith.ori %or3A_281, %eq3A_154 : i1
        %convert_element_type3A_283 = arith.extui %or3A_282 : i1 to i32
        %cond3A_284 = arith.constant 0 : i32
        %cond3A_285 = arith.cmpi ne, %convert_element_type3A_283, %cond3A_284 : i32
        scf.if %cond3A_285 {
          "tpu.trace_start"() <{level = 10 : i32, message = "ep_copy_out"}> : () -> ()
          %rem3A_353 = arith.constant 2 : i32
          %rem3A_354 = arith.remui %scan3A_148, %rem3A_353 : i32
          %mul3A_355 = arith.constant 16 : i32
          %mul3A_356 = arith.muli %mul3A_355, %add3A_155 : i32
          %dma_start3A_357 = arith.constant 0 : i32
          %dma_start3A_358 = arith.constant 0 : i32
          %dma_start3A_359 = tpu.memref_slice %run_scoped3A_10[%rem3A_354, %dma_start3A_357, %dma_start3A_358] : memref<2x16x16xi32, #tpu.memory_space<vmem>> -> memref<1x16x16xi32, #tpu.memory_space<vmem>>
          %dma_start3A_360 = tpu.memref_squeeze %dma_start3A_359 : memref<1x16x16xi32, #tpu.memory_space<vmem>> -> memref<16x16xi32, #tpu.memory_space<vmem>>
          %dma_start3A_361 = arith.constant 0 : i32
          %dma_start3A_362 = tpu.memref_slice %arg4[%mul3A_356, %dma_start3A_361] : memref<8192x16xi32, #tpu.memory_space<hbm>> -> memref<16x16xi32, #tpu.memory_space<hbm>>
          %dma_start3A_363 = tpu.memref_slice %run_scoped3A_11[%rem3A_354] : memref<2x!tpu.dma_semaphore, #tpu.memory_space<semaphore_mem>> -> memref<1x!tpu.dma_semaphore, #tpu.memory_space<semaphore_mem>>
          %dma_start3A_364 = tpu.memref_squeeze %dma_start3A_363 : memref<1x!tpu.dma_semaphore, #tpu.memory_space<semaphore_mem>> -> memref<!tpu.dma_semaphore, #tpu.memory_space<semaphore_mem>>
          %dma_start3A_365 = arith.constant 0 : i32
          %dma_start3A_366 = tpu.memref_slice %arg4[%mul3A_356, %dma_start3A_365] : memref<8192x16xi32, #tpu.memory_space<hbm>> -> memref<16x16xi32, #tpu.memory_space<hbm>>
          %dma_start3A_367 = arith.constant 0 : i32
          %dma_start3A_368 = arith.constant 0 : i32
          %dma_start3A_369 = tpu.memref_slice %run_scoped3A_10[%rem3A_354, %dma_start3A_367, %dma_start3A_368] : memref<2x16x16xi32, #tpu.memory_space<vmem>> -> memref<1x16x16xi32, #tpu.memory_space<vmem>>
          %dma_start3A_370 = tpu.memref_squeeze %dma_start3A_369 : memref<1x16x16xi32, #tpu.memory_space<vmem>> -> memref<16x16xi32, #tpu.memory_space<vmem>>
          tpu.enqueue_dma source(%dma_start3A_370 : memref<16x16xi32, #tpu.memory_space<vmem>>) target(%dma_start3A_366 : memref<16x16xi32, #tpu.memory_space<hbm>>) target_semaphore(%dma_start3A_364 : memref<!tpu.dma_semaphore, #tpu.memory_space<semaphore_mem>>)
          "tpu.trace_stop"() : () -> ()
        } else {
        }
        %and3A_286 = arith.constant true
        %and3A_287 = arith.andi %or3A_282, %and3A_286 : i1
        %add3A_288 = arith.constant 1 : i32
        %add3A_289 = arith.addi %scan3A_148, %add3A_288 : i32
        %select_n3A_290 = arith.select %and3A_287, %add3A_289, %scan3A_148 : i32
        %ne3A_291 = arith.cmpi ne, %add3A_155, %add3A_164 : i32
        %or3A_292 = arith.constant false
        %or3A_293 = arith.ori %or3A_292, %ne3A_291 : i1
        %or3A_294 = arith.constant false
        %or3A_295 = arith.ori %or3A_293, %or3A_294 : i1
        %not3A_296 = arith.constant true
        %not3A_297 = arith.xori %eq3A_152, %not3A_296 : i1
        %and3A_298 = arith.andi %or3A_295, %not3A_297 : i1
        %convert_element_type3A_299 = arith.extui %and3A_298 : i1 to i32
        %cond3A_300 = arith.constant 0 : i32
        %cond3A_301 = arith.cmpi ne, %convert_element_type3A_299, %cond3A_300 : i32
        scf.if %cond3A_301 {
        } else {
        }
        %and3A_302 = arith.constant false
        %and3A_303 = arith.andi %and3A_298, %and3A_302 : i1
        %ne3A_304 = arith.cmpi ne, %add3A_155, %add3A_164 : i32
        %or3A_305 = arith.constant false
        %or3A_306 = arith.ori %or3A_305, %ne3A_304 : i1
        %or3A_307 = arith.constant false
        %or3A_308 = arith.ori %or3A_306, %or3A_307 : i1
        %not3A_309 = arith.constant true
        %not3A_310 = arith.xori %eq3A_152, %not3A_309 : i1
        %and3A_311 = arith.andi %or3A_308, %not3A_310 : i1
        %convert_element_type3A_312 = arith.extui %and3A_311 : i1 to i32
        %cond3A_313 = arith.constant 0 : i32
        %cond3A_314 = arith.cmpi ne, %convert_element_type3A_312, %cond3A_313 : i32
        scf.if %cond3A_314 {
          "tpu.trace_start"() <{level = 10 : i32, message = "ep_wait_out"}> : () -> ()
          %rem3A_353 = arith.constant 2 : i32
          %rem3A_354 = arith.remui %scan3A_147, %rem3A_353 : i32
          %mul3A_355 = arith.constant 16 : i32
          %mul3A_356 = arith.muli %mul3A_355, %add3A_164 : i32
          %dma_wait3A_357 = arith.constant 0 : i32
          %dma_wait3A_358 = arith.constant 0 : i32
          %dma_wait3A_359 = tpu.memref_slice %run_scoped3A_8[%rem3A_354, %dma_wait3A_357, %dma_wait3A_358] : memref<2x16x64xf32, #tpu.memory_space<vmem>> -> memref<1x16x64xf32, #tpu.memory_space<vmem>>
          %dma_wait3A_360 = tpu.memref_squeeze %dma_wait3A_359 : memref<1x16x64xf32, #tpu.memory_space<vmem>> -> memref<16x64xf32, #tpu.memory_space<vmem>>
          %dma_wait3A_361 = arith.constant 0 : i32
          %dma_wait3A_362 = tpu.memref_slice %arg3[%mul3A_356, %dma_wait3A_361] : memref<8192x64xf32, #tpu.memory_space<hbm>> -> memref<16x64xf32, #tpu.memory_space<hbm>>
          %dma_wait3A_363 = tpu.memref_slice %run_scoped3A_9[%rem3A_354] : memref<2x!tpu.dma_semaphore, #tpu.memory_space<semaphore_mem>> -> memref<1x!tpu.dma_semaphore, #tpu.memory_space<semaphore_mem>>
          %dma_wait3A_364 = tpu.memref_squeeze %dma_wait3A_363 : memref<1x!tpu.dma_semaphore, #tpu.memory_space<semaphore_mem>> -> memref<!tpu.dma_semaphore, #tpu.memory_space<semaphore_mem>>
          %dma_wait3A_365 = arith.constant 0 : i32
          %dma_wait3A_366 = tpu.memref_slice %arg3[%mul3A_356, %dma_wait3A_365] : memref<8192x64xf32, #tpu.memory_space<hbm>> -> memref<16x64xf32, #tpu.memory_space<hbm>>
          %dma_wait3A_367 = arith.constant 0 : i32
          %dma_wait3A_368 = arith.constant 0 : i32
          %dma_wait3A_369 = tpu.memref_slice %run_scoped3A_8[%rem3A_354, %dma_wait3A_367, %dma_wait3A_368] : memref<2x16x64xf32, #tpu.memory_space<vmem>> -> memref<1x16x64xf32, #tpu.memory_space<vmem>>
          %dma_wait3A_370 = tpu.memref_squeeze %dma_wait3A_369 : memref<1x16x64xf32, #tpu.memory_space<vmem>> -> memref<16x64xf32, #tpu.memory_space<vmem>>
          tpu.wait_dma2 semaphore(%dma_wait3A_364 : memref<!tpu.dma_semaphore, #tpu.memory_space<semaphore_mem>>) src(%dma_wait3A_370 : memref<16x64xf32, #tpu.memory_space<vmem>>) dst(%dma_wait3A_366 : memref<16x64xf32, #tpu.memory_space<hbm>>)
          "tpu.trace_stop"() : () -> ()
        } else {
        }
        %and3A_315 = arith.constant true
        %and3A_316 = arith.andi %and3A_311, %and3A_315 : i1
        %add3A_317 = arith.constant 1 : i32
        %add3A_318 = arith.addi %scan3A_147, %add3A_317 : i32
        %select_n3A_319 = arith.select %and3A_316, %add3A_318, %scan3A_147 : i32
        %ne3A_320 = arith.cmpi ne, %add3A_155, %add3A_164 : i32
        %or3A_321 = arith.constant false
        %or3A_322 = arith.ori %or3A_321, %ne3A_320 : i1
        %or3A_323 = arith.constant false
        %or3A_324 = arith.ori %or3A_322, %or3A_323 : i1
        %not3A_325 = arith.constant true
        %not3A_326 = arith.xori %eq3A_152, %not3A_325 : i1
        %and3A_327 = arith.andi %or3A_324, %not3A_326 : i1
        %convert_element_type3A_328 = arith.extui %and3A_327 : i1 to i32
        %cond3A_329 = arith.constant 0 : i32
        %cond3A_330 = arith.cmpi ne, %convert_element_type3A_328, %cond3A_329 : i32
        scf.if %cond3A_330 {
          "tpu.trace_start"() <{level = 10 : i32, message = "ep_wait_out"}> : () -> ()
          %rem3A_353 = arith.constant 2 : i32
          %rem3A_354 = arith.remui %scan3A_149, %rem3A_353 : i32
          %mul3A_355 = arith.constant 16 : i32
          %mul3A_356 = arith.muli %mul3A_355, %add3A_164 : i32
          %dma_wait3A_357 = arith.constant 0 : i32
          %dma_wait3A_358 = arith.constant 0 : i32
          %dma_wait3A_359 = tpu.memref_slice %run_scoped3A_10[%rem3A_354, %dma_wait3A_357, %dma_wait3A_358] : memref<2x16x16xi32, #tpu.memory_space<vmem>> -> memref<1x16x16xi32, #tpu.memory_space<vmem>>
          %dma_wait3A_360 = tpu.memref_squeeze %dma_wait3A_359 : memref<1x16x16xi32, #tpu.memory_space<vmem>> -> memref<16x16xi32, #tpu.memory_space<vmem>>
          %dma_wait3A_361 = arith.constant 0 : i32
          %dma_wait3A_362 = tpu.memref_slice %arg4[%mul3A_356, %dma_wait3A_361] : memref<8192x16xi32, #tpu.memory_space<hbm>> -> memref<16x16xi32, #tpu.memory_space<hbm>>
          %dma_wait3A_363 = tpu.memref_slice %run_scoped3A_11[%rem3A_354] : memref<2x!tpu.dma_semaphore, #tpu.memory_space<semaphore_mem>> -> memref<1x!tpu.dma_semaphore, #tpu.memory_space<semaphore_mem>>
          %dma_wait3A_364 = tpu.memref_squeeze %dma_wait3A_363 : memref<1x!tpu.dma_semaphore, #tpu.memory_space<semaphore_mem>> -> memref<!tpu.dma_semaphore, #tpu.memory_space<semaphore_mem>>
          %dma_wait3A_365 = arith.constant 0 : i32
          %dma_wait3A_366 = tpu.memref_slice %arg4[%mul3A_356, %dma_wait3A_365] : memref<8192x16xi32, #tpu.memory_space<hbm>> -> memref<16x16xi32, #tpu.memory_space<hbm>>
          %dma_wait3A_367 = arith.constant 0 : i32
          %dma_wait3A_368 = arith.constant 0 : i32
          %dma_wait3A_369 = tpu.memref_slice %run_scoped3A_10[%rem3A_354, %dma_wait3A_367, %dma_wait3A_368] : memref<2x16x16xi32, #tpu.memory_space<vmem>> -> memref<1x16x16xi32, #tpu.memory_space<vmem>>
          %dma_wait3A_370 = tpu.memref_squeeze %dma_wait3A_369 : memref<1x16x16xi32, #tpu.memory_space<vmem>> -> memref<16x16xi32, #tpu.memory_space<vmem>>
          tpu.wait_dma2 semaphore(%dma_wait3A_364 : memref<!tpu.dma_semaphore, #tpu.memory_space<semaphore_mem>>) src(%dma_wait3A_370 : memref<16x16xi32, #tpu.memory_space<vmem>>) dst(%dma_wait3A_366 : memref<16x16xi32, #tpu.memory_space<hbm>>)
          "tpu.trace_stop"() : () -> ()
        } else {
        }
        %and3A_331 = arith.constant true
        %and3A_332 = arith.andi %and3A_327, %and3A_331 : i1
        %add3A_333 = arith.constant 1 : i32
        %add3A_334 = arith.addi %scan3A_149, %add3A_333 : i32
        %select_n3A_335 = arith.select %and3A_332, %add3A_334, %scan3A_149 : i32
        %ne3A_336 = arith.cmpi ne, %add3A_155, %add3A_173 : i32
        %or3A_337 = arith.constant false
        %or3A_338 = arith.ori %or3A_337, %ne3A_336 : i1
        %or3A_339 = arith.constant false
        %or3A_340 = arith.ori %or3A_338, %or3A_339 : i1
        %or3A_341 = arith.ori %or3A_340, %eq3A_154 : i1
        %add3A_342 = arith.constant 1 : i32
        %add3A_343 = arith.addi %scan3A_145, %add3A_342 : i32
        %select_n3A_344 = arith.select %or3A_341, %add3A_343, %scan3A_145 : i32
        %add3A_345 = arith.constant 1 : i32
        %add3A_346 = arith.addi %scan3A_150, %add3A_345 : i32
        %select_n3A_347 = arith.constant true
        %select_n3A_348 = arith.select %select_n3A_347, %add3A_346, %scan3A_150 : i32
        %eq3A_349 = arith.constant 16 : i32
        %eq3A_350 = arith.cmpi eq, %select_n3A_348, %eq3A_349 : i32
        %select_n3A_351 = arith.constant 0 : i32
        %select_n3A_352 = arith.select %eq3A_350, %select_n3A_351, %select_n3A_348 : i32
        scf.yield %select_n3A_193, %select_n3A_344, %select_n3A_276, %select_n3A_319, %select_n3A_290, %select_n3A_335, %select_n3A_352 : i32, i32, i32, i32, i32, i32, i32
      }
      %scan3A_72 = arith.constant 16 : i32
      %sub3A = arith.constant 1 : i32
      %sub3A_73 = arith.subi %scan3A_71#6, %sub3A : i32
      %select_n3A_74 = arith.constant true
      %select_n3A_75 = arith.select %select_n3A_74, %sub3A_73, %scan3A_71#6 : i32
      %eq3A_76 = arith.constant -1 : i32
      %eq3A_77 = arith.cmpi eq, %select_n3A_75, %eq3A_76 : i32
      %select_n3A_78 = arith.constant 15 : i32
      %select_n3A_79 = arith.select %eq3A_77, %select_n3A_78, %select_n3A_75 : i32
      %add3A_80 = arith.addi %select_n3A_79, %mul3A_6 : i32
      %sub3A_81 = arith.constant 1 : i32
      %sub3A_82 = arith.subi %select_n3A_79, %sub3A_81 : i32
      %select_n3A_83 = arith.constant true
      %select_n3A_84 = arith.select %select_n3A_83, %sub3A_82, %select_n3A_79 : i32
      %eq3A_85 = arith.constant -1 : i32
      %eq3A_86 = arith.cmpi eq, %select_n3A_84, %eq3A_85 : i32
      %select_n3A_87 = arith.constant 15 : i32
      %select_n3A_88 = arith.select %eq3A_86, %select_n3A_87, %select_n3A_84 : i32
      %add3A_89 = arith.addi %select_n3A_88, %mul3A_6 : i32
      %add3A_90 = arith.constant 1 : i32
      %add3A_91 = arith.addi %select_n3A_79, %add3A_90 : i32
      %select_n3A_92 = arith.constant true
      %select_n3A_93 = arith.select %select_n3A_92, %add3A_91, %select_n3A_79 : i32
      %eq3A_94 = arith.constant 16 : i32
      %eq3A_95 = arith.cmpi eq, %select_n3A_93, %eq3A_94 : i32
      %select_n3A_96 = arith.constant 0 : i32
      %select_n3A_97 = arith.select %eq3A_95, %select_n3A_96, %select_n3A_93 : i32
      %add3A_98 = arith.addi %select_n3A_97, %mul3A_6 : i32
      %add3A_99 = arith.constant 1 : i32
      %add3A_100 = arith.addi %select_n3A_97, %add3A_99 : i32
      %select_n3A_101 = arith.constant true
      %select_n3A_102 = arith.select %select_n3A_101, %add3A_100, %select_n3A_97 : i32
      %eq3A_103 = arith.constant 16 : i32
      %eq3A_104 = arith.cmpi eq, %select_n3A_102, %eq3A_103 : i32
      %select_n3A_105 = arith.constant 0 : i32
      %select_n3A_106 = arith.select %eq3A_104, %select_n3A_105, %select_n3A_102 : i32
      %add3A_107 = arith.addi %select_n3A_106, %mul3A_6 : i32
      "tpu.trace_start"() <{level = 10 : i32, message = "ep_finalize"}> : () -> ()
      %rem3A_108 = arith.constant 2 : i32
      %rem3A_109 = arith.remui %scan3A_71#3, %rem3A_108 : i32
      %mul3A_110 = arith.constant 16 : i32
      %mul3A_111 = arith.muli %mul3A_110, %add3A_80 : i32
      %dma_wait3A = arith.constant 0 : i32
      %dma_wait3A_112 = arith.constant 0 : i32
      %dma_wait3A_113 = tpu.memref_slice %run_scoped3A_8[%rem3A_109, %dma_wait3A, %dma_wait3A_112] : memref<2x16x64xf32, #tpu.memory_space<vmem>> -> memref<1x16x64xf32, #tpu.memory_space<vmem>>
      %dma_wait3A_114 = tpu.memref_squeeze %dma_wait3A_113 : memref<1x16x64xf32, #tpu.memory_space<vmem>> -> memref<16x64xf32, #tpu.memory_space<vmem>>
      %dma_wait3A_115 = arith.constant 0 : i32
      %dma_wait3A_116 = tpu.memref_slice %arg3[%mul3A_111, %dma_wait3A_115] : memref<8192x64xf32, #tpu.memory_space<hbm>> -> memref<16x64xf32, #tpu.memory_space<hbm>>
      %dma_wait3A_117 = tpu.memref_slice %run_scoped3A_9[%rem3A_109] : memref<2x!tpu.dma_semaphore, #tpu.memory_space<semaphore_mem>> -> memref<1x!tpu.dma_semaphore, #tpu.memory_space<semaphore_mem>>
      %dma_wait3A_118 = tpu.memref_squeeze %dma_wait3A_117 : memref<1x!tpu.dma_semaphore, #tpu.memory_space<semaphore_mem>> -> memref<!tpu.dma_semaphore, #tpu.memory_space<semaphore_mem>>
      %dma_wait3A_119 = arith.constant 0 : i32
      %dma_wait3A_120 = tpu.memref_slice %arg3[%mul3A_111, %dma_wait3A_119] : memref<8192x64xf32, #tpu.memory_space<hbm>> -> memref<16x64xf32, #tpu.memory_space<hbm>>
      %dma_wait3A_121 = arith.constant 0 : i32
      %dma_wait3A_122 = arith.constant 0 : i32
      %dma_wait3A_123 = tpu.memref_slice %run_scoped3A_8[%rem3A_109, %dma_wait3A_121, %dma_wait3A_122] : memref<2x16x64xf32, #tpu.memory_space<vmem>> -> memref<1x16x64xf32, #tpu.memory_space<vmem>>
      %dma_wait3A_124 = tpu.memref_squeeze %dma_wait3A_123 : memref<1x16x64xf32, #tpu.memory_space<vmem>> -> memref<16x64xf32, #tpu.memory_space<vmem>>
      tpu.wait_dma2 semaphore(%dma_wait3A_118 : memref<!tpu.dma_semaphore, #tpu.memory_space<semaphore_mem>>) src(%dma_wait3A_124 : memref<16x64xf32, #tpu.memory_space<vmem>>) dst(%dma_wait3A_120 : memref<16x64xf32, #tpu.memory_space<hbm>>)
      %rem3A_125 = arith.constant 2 : i32
      %rem3A_126 = arith.remui %scan3A_71#5, %rem3A_125 : i32
      %mul3A_127 = arith.constant 16 : i32
      %mul3A_128 = arith.muli %mul3A_127, %add3A_80 : i32
      %dma_wait3A_129 = arith.constant 0 : i32
      %dma_wait3A_130 = arith.constant 0 : i32
      %dma_wait3A_131 = tpu.memref_slice %run_scoped3A_10[%rem3A_126, %dma_wait3A_129, %dma_wait3A_130] : memref<2x16x16xi32, #tpu.memory_space<vmem>> -> memref<1x16x16xi32, #tpu.memory_space<vmem>>
      %dma_wait3A_132 = tpu.memref_squeeze %dma_wait3A_131 : memref<1x16x16xi32, #tpu.memory_space<vmem>> -> memref<16x16xi32, #tpu.memory_space<vmem>>
      %dma_wait3A_133 = arith.constant 0 : i32
      %dma_wait3A_134 = tpu.memref_slice %arg4[%mul3A_128, %dma_wait3A_133] : memref<8192x16xi32, #tpu.memory_space<hbm>> -> memref<16x16xi32, #tpu.memory_space<hbm>>
      %dma_wait3A_135 = tpu.memref_slice %run_scoped3A_11[%rem3A_126] : memref<2x!tpu.dma_semaphore, #tpu.memory_space<semaphore_mem>> -> memref<1x!tpu.dma_semaphore, #tpu.memory_space<semaphore_mem>>
      %dma_wait3A_136 = tpu.memref_squeeze %dma_wait3A_135 : memref<1x!tpu.dma_semaphore, #tpu.memory_space<semaphore_mem>> -> memref<!tpu.dma_semaphore, #tpu.memory_space<semaphore_mem>>
      %dma_wait3A_137 = arith.constant 0 : i32
      %dma_wait3A_138 = tpu.memref_slice %arg4[%mul3A_128, %dma_wait3A_137] : memref<8192x16xi32, #tpu.memory_space<hbm>> -> memref<16x16xi32, #tpu.memory_space<hbm>>
      %dma_wait3A_139 = arith.constant 0 : i32
      %dma_wait3A_140 = arith.constant 0 : i32
      %dma_wait3A_141 = tpu.memref_slice %run_scoped3A_10[%rem3A_126, %dma_wait3A_139, %dma_wait3A_140] : memref<2x16x16xi32, #tpu.memory_space<vmem>> -> memref<1x16x16xi32, #tpu.memory_space<vmem>>
      %dma_wait3A_142 = tpu.memref_squeeze %dma_wait3A_141 : memref<1x16x16xi32, #tpu.memory_space<vmem>> -> memref<16x16xi32, #tpu.memory_space<vmem>>
      tpu.wait_dma2 semaphore(%dma_wait3A_136 : memref<!tpu.dma_semaphore, #tpu.memory_space<semaphore_mem>>) src(%dma_wait3A_142 : memref<16x16xi32, #tpu.memory_space<vmem>>) dst(%dma_wait3A_138 : memref<16x16xi32, #tpu.memory_space<hbm>>)
      "tpu.trace_stop"() : () -> ()
      tpu.yield
    }) : () -> ()
    return
  }
}

#map = affine_map<(d0, d1) -> (0, 0)>
module attributes {stable_mosaic.version = 14 : i64} {
  func.func @k(%arg0: i32, %arg1: i32, %arg2: memref<8192x64xf32, #tpu.memory_space<hbm>>, %arg3: memref<8192x64xf32, #tpu.memory_space<hbm>>, %arg4: memref<8192x16xi32, #tpu.memory_space<hbm>>) attributes {dimension_semantics = [#tpu.dimension_semantics<core_parallel>, #tpu.dimension_semantics<subcore_parallel>], iteration_bounds = array<i64: 2, 16>, scalar_prefetch = 0 : i64, scratch_operands = 0 : i64, tpu.core_type = #tpu.core_type<sc_vector_subcore>, window_params = [{transform_indices = #map}, {transform_indices = #map}, {transform_indices = #map}]} {
    %mul3A = arith.constant 1 : i32
    %mul3A_0 = arith.muli %arg1, %mul3A : i32
    %add3A = arith.constant 0 : i32
    %add3A_1 = arith.addi %add3A, %mul3A_0 : i32
    %mul3A_2 = arith.constant 16 : i32
    %mul3A_3 = arith.muli %arg0, %mul3A_2 : i32
    %add3A_4 = arith.addi %add3A_1, %mul3A_3 : i32
    %mul3A_5 = arith.constant 16 : i32
    %mul3A_6 = arith.muli %add3A_4, %mul3A_5 : i32
    "tpu.region"() ({
      %run_scoped3A = memref.alloca() : memref<2x16x64xf32, #tpu.memory_space<vmem>>
      %run_scoped3A_7 = tpu.sem_alloc : memref<2x!tpu.dma_semaphore, #tpu.memory_space<semaphore_mem>>
      %run_scoped3A_8 = memref.alloca() : memref<2x16x64xf32, #tpu.memory_space<vmem>>
      %run_scoped3A_9 = tpu.sem_alloc : memref<2x!tpu.dma_semaphore, #tpu.memory_space<semaphore_mem>>
      %run_scoped3A_10 = memref.alloca() : memref<2x16x16xi32, #tpu.memory_space<vmem>>
      %run_scoped3A_11 = tpu.sem_alloc : memref<2x!tpu.dma_semaphore, #tpu.memory_space<semaphore_mem>>
      %add3A_12 = arith.constant 0 : i32
      %add3A_13 = arith.addi %add3A_12, %mul3A_6 : i32
      %select_n3A = arith.constant true
      %select_n3A_14 = arith.constant 0 : i32
      %select_n3A_15 = arith.constant -1 : i32
      %select_n3A_16 = arith.select %select_n3A, %select_n3A_15, %select_n3A_14 : i32
      %eq3A = arith.constant -1 : i32
      %eq3A_17 = arith.cmpi eq, %select_n3A_16, %eq3A : i32
      %select_n3A_18 = arith.constant 15 : i32
      %select_n3A_19 = arith.select %eq3A_17, %select_n3A_18, %select_n3A_16 : i32
      %add3A_20 = arith.addi %select_n3A_19, %mul3A_6 : i32
      %select_n3A_21 = arith.constant true
      %select_n3A_22 = arith.constant 0 : i32
      %select_n3A_23 = arith.constant 1 : i32
      %select_n3A_24 = arith.select %select_n3A_21, %select_n3A_23, %select_n3A_22 : i32
      %eq3A_25 = arith.constant 16 : i32
      %eq3A_26 = arith.cmpi eq, %select_n3A_24, %eq3A_25 : i32
      %select_n3A_27 = arith.constant 0 : i32
      %select_n3A_28 = arith.select %eq3A_26, %select_n3A_27, %select_n3A_24 : i32
      %add3A_29 = arith.addi %select_n3A_28, %mul3A_6 : i32
      %add3A_30 = arith.constant 1 : i32
      %add3A_31 = arith.addi %select_n3A_28, %add3A_30 : i32
      %select_n3A_32 = arith.constant true
      %select_n3A_33 = arith.select %select_n3A_32, %add3A_31, %select_n3A_28 : i32
      %eq3A_34 = arith.constant 16 : i32
      %eq3A_35 = arith.cmpi eq, %select_n3A_33, %eq3A_34 : i32
      %select_n3A_36 = arith.constant 0 : i32
      %select_n3A_37 = arith.select %eq3A_35, %select_n3A_36, %select_n3A_33 : i32
      %add3A_38 = arith.addi %select_n3A_37, %mul3A_6 : i32
      "tpu.trace_start"() <{level = 10 : i32, message = "ep_initialize_0"}> : () -> ()
      %rem3A = arith.constant 0 : i32
      %rem3A_39 = arith.constant 2 : i32
      %rem3A_40 = arith.remui %rem3A, %rem3A_39 : i32
      %mul3A_41 = arith.constant 16 : i32
      %mul3A_42 = arith.muli %mul3A_41, %add3A_13 : i32
      %dma_start3A = arith.constant 0 : i32
      %dma_start3A_43 = arith.constant 0 : i32
      %dma_start3A_44 = tpu.memref_slice %run_scoped3A[%rem3A_40, %dma_start3A, %dma_start3A_43] : memref<2x16x64xf32, #tpu.memory_space<vmem>> -> memref<1x16x64xf32, #tpu.memory_space<vmem>>
      %dma_start3A_45 = tpu.memref_squeeze %dma_start3A_44 : memref<1x16x64xf32, #tpu.memory_space<vmem>> -> memref<16x64xf32, #tpu.memory_space<vmem>>
      %dma_start3A_46 = arith.constant 0 : i32
      %dma_start3A_47 = tpu.memref_slice %arg2[%mul3A_42, %dma_start3A_46] : memref<8192x64xf32, #tpu.memory_space<hbm>> -> memref<16x64xf32, #tpu.memory_space<hbm>>
      %dma_start3A_48 = tpu.memref_slice %run_scoped3A_7[%rem3A_40] : memref<2x!tpu.dma_semaphore, #tpu.memory_space<semaphore_mem>> -> memref<1x!tpu.dma_semaphore, #tpu.memory_space<semaphore_mem>>
      %dma_start3A_49 = tpu.memref_squeeze %dma_start3A_48 : memref<1x!tpu.dma_semaphore, #tpu.memory_space<semaphore_mem>> -> memref<!tpu.dma_semaphore, #tpu.memory_space<semaphore_mem>>
      %dma_start3A_50 = arith.constant 0 : i32
      %dma_start3A_51 = arith.constant 0 : i32
      %dma_start3A_52 = tpu.memref_slice %run_scoped3A[%rem3A_40, %dma_start3A_50, %dma_start3A_51] : memref<2x16x64xf32, #tpu.memory_space<vmem>> -> memref<1x16x64xf32, #tpu.memory_space<vmem>>
      %dma_start3A_53 = tpu.memref_squeeze %dma_start3A_52 : memref<1x16x64xf32, #tpu.memory_space<vmem>> -> memref<16x64xf32, #tpu.memory_space<vmem>>
      %dma_start3A_54 = arith.constant 0 : i32
      %dma_start3A_55 = tpu.memref_slice %arg2[%mul3A_42, %dma_start3A_54] : memref<8192x64xf32, #tpu.memory_space<hbm>> -> memref<16x64xf32, #tpu.memory_space<hbm>>
      tpu.enqueue_dma source(%dma_start3A_55 : memref<16x64xf32, #tpu.memory_space<hbm>>) target(%dma_start3A_53 : memref<16x64xf32, #tpu.memory_space<vmem>>) target_semaphore(%dma_start3A_49 : memref<!tpu.dma_semaphore, #tpu.memory_space<semaphore_mem>>)
      %add3A_56 = arith.constant 0 : i32
      %add3A_57 = arith.constant 1 : i32
      %add3A_58 = arith.addi %add3A_56, %add3A_57 : i32
      %select_n3A_59 = arith.constant true
      %select_n3A_60 = arith.constant 0 : i32
      %select_n3A_61 = arith.select %select_n3A_59, %add3A_58, %select_n3A_60 : i32
      "tpu.trace_stop"() : () -> ()
      %scan3A = arith.constant 0 : i32
      %scan3A_62 = arith.constant 0 : i32
      %scan3A_63 = arith.constant 0 : i32
      %scan3A_64 = arith.constant 0 : i32
      %scan3A_65 = arith.constant 0 : i32
      %scan3A_66 = arith.constant 0 : i32
      %scan3A_67 = arith.constant 0 : i32
      %scan3A_68 = arith.constant 16 : i32
      %scan3A_69 = arith.addi %scan3A_67, %scan3A_68 : i32
      %scan3A_70 = arith.constant 1 : i32
      %scan3A_71:7 = scf.for %scan3A_143 = %scan3A_67 to %scan3A_69 step %scan3A_70 iter_args(%scan3A_144 = %select_n3A_61, %scan3A_145 = %scan3A, %scan3A_146 = %scan3A_62, %scan3A_147 = %scan3A_63, %scan3A_148 = %scan3A_64, %scan3A_149 = %scan3A_65, %scan3A_150 = %scan3A_66) -> (i32, i32, i32, i32, i32, i32, i32)  : i32 {
        %eq3A_151 = arith.constant 0 : i32
        %eq3A_152 = arith.cmpi eq, %scan3A_143, %eq3A_151 : i32
        %eq3A_153 = arith.constant 15 : i32
        %eq3A_154 = arith.cmpi eq, %scan3A_143, %eq3A_153 : i32
        %add3A_155 = arith.addi %scan3A_150, %mul3A_6 : i32
        %sub3A_156 = arith.constant 1 : i32
        %sub3A_157 = arith.subi %scan3A_150, %sub3A_156 : i32
        %select_n3A_158 = arith.constant true
        %select_n3A_159 = arith.select %select_n3A_158, %sub3A_157, %scan3A_150 : i32
        %eq3A_160 = arith.constant -1 : i32
        %eq3A_161 = arith.cmpi eq, %select_n3A_159, %eq3A_160 : i32
        %select_n3A_162 = arith.constant 15 : i32
        %select_n3A_163 = arith.select %eq3A_161, %select_n3A_162, %select_n3A_159 : i32
        %add3A_164 = arith.addi %select_n3A_163, %mul3A_6 : i32
        %add3A_165 = arith.constant 1 : i32
        %add3A_166 = arith.addi %scan3A_150, %add3A_165 : i32
        %select_n3A_167 = arith.constant true
        %select_n3A_168 = arith.select %select_n3A_167, %add3A_166, %scan3A_150 : i32
        %eq3A_169 = arith.constant 16 : i32
        %eq3A_170 = arith.cmpi eq, %select_n3A_168, %eq3A_169 : i32
        %select_n3A_171 = arith.constant 0 : i32
        %select_n3A_172 = arith.select %eq3A_170, %select_n3A_171, %select_n3A_168 : i32
        %add3A_173 = arith.addi %select_n3A_172, %mul3A_6 : i32
        %add3A_174 = arith.constant 1 : i32
        %add3A_175 = arith.addi %select_n3A_172, %add3A_174 : i32
        %select_n3A_176 = arith.constant true
        %select_n3A_177 = arith.select %select_n3A_176, %add3A_175, %select_n3A_172 : i32
        %eq3A_178 = arith.constant 16 : i32
        %eq3A_179 = arith.cmpi eq, %select_n3A_177, %eq3A_178 : i32
        %select_n3A_180 = arith.constant 0 : i32
        %select_n3A_181 = arith.select %eq3A_179, %select_n3A_180, %select_n3A_177 : i32
        %add3A_182 = arith.addi %select_n3A_181, %mul3A_6 : i32
        %ne3A = arith.cmpi ne, %add3A_155, %add3A_173 : i32
        %or3A = arith.constant false
        %or3A_183 = arith.ori %or3A, %ne3A : i1
        %or3A_184 = arith.constant false
        %or3A_185 = arith.ori %or3A_183, %or3A_184 : i1
        %ge3A = arith.constant 15 : i32
        %ge3A_186 = arith.cmpi sge, %scan3A_143, %ge3A : i32
        %not3A = arith.constant true
        %not3A_187 = arith.xori %ge3A_186, %not3A : i1
        %and3A = arith.andi %or3A_185, %not3A_187 : i1
        %convert_element_type3A = arith.extui %and3A : i1 to i32
        %cond3A = arith.constant 0 : i32
        %cond3A_188 = arith.cmpi ne, %convert_element_type3A, %cond3A : i32
        scf.if %cond3A_188 {
          "tpu.trace_start"() <{level = 10 : i32, message = "ep_copy_in"}> : () -> ()
          %rem3A_353 = arith.constant 2 : i32
          %rem3A_354 = arith.remui %scan3A_144, %rem3A_353 : i32
          %mul3A_355 = arith.constant 16 : i32
          %mul3A_356 = arith.muli %mul3A_355, %add3A_173 : i32
          %dma_start3A_357 = arith.constant 0 : i32
          %dma_start3A_358 = arith.constant 0 : i32
          %dma_start3A_359 = tpu.memref_slice %run_scoped3A[%rem3A_354, %dma_start3A_357, %dma_start3A_358] : memref<2x16x64xf32, #tpu.memory_space<vmem>> -> memref<1x16x64xf32, #tpu.memory_space<vmem>>
          %dma_start3A_360 = tpu.memref_squeeze %dma_start3A_359 : memref<1x16x64xf32, #tpu.memory_space<vmem>> -> memref<16x64xf32, #tpu.memory_space<vmem>>
          %dma_start3A_361 = arith.constant 0 : i32
          %dma_start3A_362 = tpu.memref_slice %arg2[%mul3A_356, %dma_start3A_361] : memref<8192x64xf32, #tpu.memory_space<hbm>> -> memref<16x64xf32, #tpu.memory_space<hbm>>
          %dma_start3A_363 = tpu.memref_slice %run_scoped3A_7[%rem3A_354] : memref<2x!tpu.dma_semaphore, #tpu.memory_space<semaphore_mem>> -> memref<1x!tpu.dma_semaphore, #tpu.memory_space<semaphore_mem>>
          %dma_start3A_364 = tpu.memref_squeeze %dma_start3A_363 : memref<1x!tpu.dma_semaphore, #tpu.memory_space<semaphore_mem>> -> memref<!tpu.dma_semaphore, #tpu.memory_space<semaphore_mem>>
          %dma_start3A_365 = arith.constant 0 : i32
          %dma_start3A_366 = arith.constant 0 : i32
          %dma_start3A_367 = tpu.memref_slice %run_scoped3A[%rem3A_354, %dma_start3A_365, %dma_start3A_366] : memref<2x16x64xf32, #tpu.memory_space<vmem>> -> memref<1x16x64xf32, #tpu.memory_space<vmem>>
          %dma_start3A_368 = tpu.memref_squeeze %dma_start3A_367 : memref<1x16x64xf32, #tpu.memory_space<vmem>> -> memref<16x64xf32, #tpu.memory_space<vmem>>
          %dma_start3A_369 = arith.constant 0 : i32
          %dma_start3A_370 = tpu.memref_slice %arg2[%mul3A_356, %dma_start3A_369] : memref<8192x64xf32, #tpu.memory_space<hbm>> -> memref<16x64xf32, #tpu.memory_space<hbm>>
          tpu.enqueue_dma source(%dma_start3A_370 : memref<16x64xf32, #tpu.memory_space<hbm>>) target(%dma_start3A_368 : memref<16x64xf32, #tpu.memory_space<vmem>>) target_semaphore(%dma_start3A_364 : memref<!tpu.dma_semaphore, #tpu.memory_space<semaphore_mem>>)
          "tpu.trace_stop"() : () -> ()
        } else {
        }
        %and3A_189 = arith.constant true
        %and3A_190 = arith.andi %and3A, %and3A_189 : i1
        %add3A_191 = arith.constant 1 : i32
        %add3A_192 = arith.addi %scan3A_144, %add3A_191 : i32
        %select_n3A_193 = arith.select %and3A_190, %add3A_192, %scan3A_144 : i32
        %ne3A_194 = arith.cmpi ne, %add3A_155, %add3A_173 : i32
        %or3A_195 = arith.constant false
        %or3A_196 = arith.ori %or3A_195, %ne3A_194 : i1
        %or3A_197 = arith.constant false
        %or3A_198 = arith.ori %or3A_196, %or3A_197 : i1
        %ge3A_199 = arith.constant 15 : i32
        %ge3A_200 = arith.cmpi sge, %scan3A_143, %ge3A_199 : i32
        %not3A_201 = arith.constant true
        %not3A_202 = arith.xori %ge3A_200, %not3A_201 : i1
        %and3A_203 = arith.andi %or3A_198, %not3A_202 : i1
        %ne3A_204 = arith.cmpi ne, %add3A_155, %add3A_173 : i32
        %or3A_205 = arith.constant false
        %or3A_206 = arith.ori %or3A_205, %ne3A_204 : i1
        %or3A_207 = arith.constant false
        %or3A_208 = arith.ori %or3A_206, %or3A_207 : i1
        %ge3A_209 = arith.constant 15 : i32
        %ge3A_210 = arith.cmpi sge, %scan3A_143, %ge3A_209 : i32
        %not3A_211 = arith.constant true
        %not3A_212 = arith.xori %ge3A_210, %not3A_211 : i1
        %and3A_213 = arith.andi %or3A_208, %not3A_212 : i1
        %ne3A_214 = arith.cmpi ne, %add3A_155, %add3A_164 : i32
        %or3A_215 = arith.constant false
        %or3A_216 = arith.ori %or3A_215, %ne3A_214 : i1
        %or3A_217 = arith.constant false
        %or3A_218 = arith.ori %or3A_216, %or3A_217 : i1
        %or3A_219 = arith.ori %or3A_218, %eq3A_152 : i1
        %convert_element_type3A_220 = arith.extui %or3A_219 : i1 to i32
        %cond3A_221 = arith.constant 0 : i32
        %cond3A_222 = arith.cmpi ne, %convert_element_type3A_220, %cond3A_221 : i32
        scf.if %cond3A_222 {
          "tpu.trace_start"() <{level = 10 : i32, message = "ep_wait_in"}> : () -> ()
          %mul3A_353 = arith.constant 16 : i32
          %mul3A_354 = arith.muli %mul3A_353, %add3A_155 : i32
          %rem3A_355 = arith.constant 2 : i32
          %rem3A_356 = arith.remui %scan3A_145, %rem3A_355 : i32
          %dma_wait3A_357 = arith.constant 0 : i32
          %dma_wait3A_358 = arith.constant 0 : i32
          %dma_wait3A_359 = tpu.memref_slice %run_scoped3A[%rem3A_356, %dma_wait3A_357, %dma_wait3A_358] : memref<2x16x64xf32, #tpu.memory_space<vmem>> -> memref<1x16x64xf32, #tpu.memory_space<vmem>>
          %dma_wait3A_360 = tpu.memref_squeeze %dma_wait3A_359 : memref<1x16x64xf32, #tpu.memory_space<vmem>> -> memref<16x64xf32, #tpu.memory_space<vmem>>
          %dma_wait3A_361 = arith.constant 0 : i32
          %dma_wait3A_362 = tpu.memref_slice %arg2[%mul3A_354, %dma_wait3A_361] : memref<8192x64xf32, #tpu.memory_space<hbm>> -> memref<16x64xf32, #tpu.memory_space<hbm>>
          %dma_wait3A_363 = tpu.memref_slice %run_scoped3A_7[%rem3A_356] : memref<2x!tpu.dma_semaphore, #tpu.memory_space<semaphore_mem>> -> memref<1x!tpu.dma_semaphore, #tpu.memory_space<semaphore_mem>>
          %dma_wait3A_364 = tpu.memref_squeeze %dma_wait3A_363 : memref<1x!tpu.dma_semaphore, #tpu.memory_space<semaphore_mem>> -> memref<!tpu.dma_semaphore, #tpu.memory_space<semaphore_mem>>
          %dma_wait3A_365 = arith.constant 0 : i32
          %dma_wait3A_366 = arith.constant 0 : i32
          %dma_wait3A_367 = tpu.memref_slice %run_scoped3A[%rem3A_356, %dma_wait3A_365, %dma_wait3A_366] : memref<2x16x64xf32, #tpu.memory_space<vmem>> -> memref<1x16x64xf32, #tpu.memory_space<vmem>>
          %dma_wait3A_368 = tpu.memref_squeeze %dma_wait3A_367 : memref<1x16x64xf32, #tpu.memory_space<vmem>> -> memref<16x64xf32, #tpu.memory_space<vmem>>
          %dma_wait3A_369 = arith.constant 0 : i32
          %dma_wait3A_370 = tpu.memref_slice %arg2[%mul3A_354, %dma_wait3A_369] : memref<8192x64xf32, #tpu.memory_space<hbm>> -> memref<16x64xf32, #tpu.memory_space<hbm>>
          tpu.wait_dma2 semaphore(%dma_wait3A_364 : memref<!tpu.dma_semaphore, #tpu.memory_space<semaphore_mem>>) src(%dma_wait3A_370 : memref<16x64xf32, #tpu.memory_space<hbm>>) dst(%dma_wait3A_368 : memref<16x64xf32, #tpu.memory_space<vmem>>)
          "tpu.trace_stop"() : () -> ()
        } else {
        }
        %ne3A_223 = arith.cmpi ne, %add3A_155, %add3A_164 : i32
        %or3A_224 = arith.constant false
        %or3A_225 = arith.ori %or3A_224, %ne3A_223 : i1
        %or3A_226 = arith.constant false
        %or3A_227 = arith.ori %or3A_225, %or3A_226 : i1
        %or3A_228 = arith.ori %or3A_227, %eq3A_152 : i1
        %convert_element_type3A_229 = arith.extui %or3A_228 : i1 to i32
        %cond3A_230 = arith.constant 0 : i32
        %cond3A_231 = arith.cmpi ne, %convert_element_type3A_229, %cond3A_230 : i32
        scf.if %cond3A_231 {
        } else {
        }
        %ne3A_232 = arith.cmpi ne, %add3A_155, %add3A_164 : i32
        %or3A_233 = arith.constant false
        %or3A_234 = arith.ori %or3A_233, %ne3A_232 : i1
        %or3A_235 = arith.constant false
        %or3A_236 = arith.ori %or3A_234, %or3A_235 : i1
        %or3A_237 = arith.ori %or3A_236, %eq3A_152 : i1
        %convert_element_type3A_238 = arith.extui %or3A_237 : i1 to i32
        %cond3A_239 = arith.constant 0 : i32
        %cond3A_240 = arith.cmpi ne, %convert_element_type3A_238, %cond3A_239 : i32
        scf.if %cond3A_240 {
        } else {
        }
        %rem3A_241 = arith.constant 2 : i32
        %rem3A_242 = arith.remui %scan3A_145, %rem3A_241 : i32
        %rem3A_243 = arith.constant 2 : i32
        %rem3A_244 = arith.remui %scan3A_146, %rem3A_243 : i32
        %rem3A_245 = arith.constant 2 : i32
        %rem3A_246 = arith.remui %scan3A_148, %rem3A_245 : i32
        "tpu.trace_start"() <{level = 10 : i32, message = "ep_run_kernel"}> : () -> ()
        %scan3A_247 = arith.constant 0 : i32
        %scan3A_248 = arith.constant 16 : i32
        %scan3A_249 = arith.addi %scan3A_247, %scan3A_248 : i32
        %scan3A_250 = arith.constant 1 : i32
        scf.for %scan3A_353 = %scan3A_247 to %scan3A_249 step %scan3A_250  : i32 {
          %mul3A_354 = arith.constant 1 : i32
          %mul3A_355 = arith.muli %scan3A_353, %mul3A_354 : i32
          %add3A_356 = arith.constant 0 : i32
          %add3A_357 = arith.addi %add3A_356, %mul3A_355 : i32
          %iota3A = tpu.iota {dimensions = array<i32: 0>} : vector<16xi32>
          %get3A = arith.constant 0 : i32
          %get3A_358 = arith.constant 0 : i32
          %get3A_359 = tpu.memref_slice %run_scoped3A[%rem3A_242, %get3A, %get3A_358] : memref<2x16x64xf32, #tpu.memory_space<vmem>> -> memref<1x16x64xf32, #tpu.memory_space<vmem>>
          %get3A_360 = tpu.memref_squeeze %get3A_359 : memref<1x16x64xf32, #tpu.memory_space<vmem>> -> memref<16x64xf32, #tpu.memory_space<vmem>>
          %get3A_361 = arith.index_cast %add3A_357 : i32 to index
          %get3A_362 = arith.constant 0 : index
          %get3A_363 = tpu.vector_load %get3A_360[%get3A_361, %get3A_362] {strides = array<i32>} : memref<16x64xf32, #tpu.memory_space<vmem>>, vector<16xf32>,
          %bitcast_convert_type3A = tpu.bitcast %get3A_363 : vector<16xf32> -> vector<16xi32>
          %shift_right_arithmetic3A = arith.constant 31 : i32
          %shift_right_arithmetic3A_364 = vector.broadcast %shift_right_arithmetic3A : i32 to vector<16xi32>
          %shift_right_arithmetic3A_365 = arith.shrsi %bitcast_convert_type3A, %shift_right_arithmetic3A_364 : vector<16xi32>
          %and3A_366 = arith.constant 2147483647 : i32
          %and3A_367 = vector.broadcast %and3A_366 : i32 to vector<16xi32>
          %and3A_368 = arith.andi %shift_right_arithmetic3A_365, %and3A_367 : vector<16xi32>
          %xor3A = arith.xori %bitcast_convert_type3A, %and3A_368 : vector<16xi32>
          %and3A_369 = arith.constant -64 : i32
          %and3A_370 = vector.broadcast %and3A_369 : i32 to vector<16xi32>
          %and3A_371 = arith.andi %xor3A, %and3A_370 : vector<16xi32>
          %sub3A_372 = arith.constant 63 : i32
          %sub3A_373 = vector.broadcast %sub3A_372 : i32 to vector<16xi32>
          %sub3A_374 = arith.subi %sub3A_373, %iota3A : vector<16xi32>
          %or3A_375 = arith.ori %and3A_371, %sub3A_374 : vector<16xi32>
          %shift_right_arithmetic3A_376 = arith.constant 31 : i32
          %shift_right_arithmetic3A_377 = vector.broadcast %shift_right_arithmetic3A_376 : i32 to vector<16xi32>
          %shift_right_arithmetic3A_378 = arith.shrsi %or3A_375, %shift_right_arithmetic3A_377 : vector<16xi32>
          %and3A_379 = arith.constant 2147483647 : i32
          %and3A_380 = vector.broadcast %and3A_379 : i32 to vector<16xi32>
          %and3A_381 = arith.andi %shift_right_arithmetic3A_378, %and3A_380 : vector<16xi32>
          %xor3A_382 = arith.xori %or3A_375, %and3A_381 : vector<16xi32>
          %bitcast_convert_type3A_383 = tpu.bitcast %xor3A_382 : vector<16xi32> -> vector<16xf32>
          %get3A_384 = arith.constant 0 : i32
          %get3A_385 = arith.constant 0 : i32
          %get3A_386 = tpu.memref_slice %run_scoped3A[%rem3A_242, %get3A_384, %get3A_385] : memref<2x16x64xf32, #tpu.memory_space<vmem>> -> memref<1x16x64xf32, #tpu.memory_space<vmem>>
          %get3A_387 = tpu.memref_squeeze %get3A_386 : memref<1x16x64xf32, #tpu.memory_space<vmem>> -> memref<16x64xf32, #tpu.memory_space<vmem>>
          %get3A_388 = arith.index_cast %add3A_357 : i32 to index
          %get3A_389 = arith.constant 16 : index
          %get3A_390 = tpu.vector_load %get3A_387[%get3A_388, %get3A_389] {strides = array<i32>} : memref<16x64xf32, #tpu.memory_space<vmem>>, vector<16xf32>,
          %bitcast_convert_type3A_391 = tpu.bitcast %get3A_390 : vector<16xf32> -> vector<16xi32>
          %shift_right_arithmetic3A_392 = arith.constant 31 : i32
          %shift_right_arithmetic3A_393 = vector.broadcast %shift_right_arithmetic3A_392 : i32 to vector<16xi32>
          %shift_right_arithmetic3A_394 = arith.shrsi %bitcast_convert_type3A_391, %shift_right_arithmetic3A_393 : vector<16xi32>
          %and3A_395 = arith.constant 2147483647 : i32
          %and3A_396 = vector.broadcast %and3A_395 : i32 to vector<16xi32>
          %and3A_397 = arith.andi %shift_right_arithmetic3A_394, %and3A_396 : vector<16xi32>
          %xor3A_398 = arith.xori %bitcast_convert_type3A_391, %and3A_397 : vector<16xi32>
          %and3A_399 = arith.constant -64 : i32
          %and3A_400 = vector.broadcast %and3A_399 : i32 to vector<16xi32>
          %and3A_401 = arith.andi %xor3A_398, %and3A_400 : vector<16xi32>
          %sub3A_402 = arith.constant 47 : i32
          %sub3A_403 = vector.broadcast %sub3A_402 : i32 to vector<16xi32>
          %sub3A_404 = arith.subi %sub3A_403, %iota3A : vector<16xi32>
          %or3A_405 = arith.ori %and3A_401, %sub3A_404 : vector<16xi32>
          %shift_right_arithmetic3A_406 = arith.constant 31 : i32
          %shift_right_arithmetic3A_407 = vector.broadcast %shift_right_arithmetic3A_406 : i32 to vector<16xi32>
          %shift_right_arithmetic3A_408 = arith.shrsi %or3A_405, %shift_right_arithmetic3A_407 : vector<16xi32>
          %and3A_409 = arith.constant 2147483647 : i32
          %and3A_410 = vector.broadcast %and3A_409 : i32 to vector<16xi32>
          %and3A_411 = arith.andi %shift_right_arithmetic3A_408, %and3A_410 : vector<16xi32>
          %xor3A_412 = arith.xori %or3A_405, %and3A_411 : vector<16xi32>
          %bitcast_convert_type3A_413 = tpu.bitcast %xor3A_412 : vector<16xi32> -> vector<16xf32>
          %get3A_414 = arith.constant 0 : i32
          %get3A_415 = arith.constant 0 : i32
          %get3A_416 = tpu.memref_slice %run_scoped3A[%rem3A_242, %get3A_414, %get3A_415] : memref<2x16x64xf32, #tpu.memory_space<vmem>> -> memref<1x16x64xf32, #tpu.memory_space<vmem>>
          %get3A_417 = tpu.memref_squeeze %get3A_416 : memref<1x16x64xf32, #tpu.memory_space<vmem>> -> memref<16x64xf32, #tpu.memory_space<vmem>>
          %get3A_418 = arith.index_cast %add3A_357 : i32 to index
          %get3A_419 = arith.constant 32 : index
          %get3A_420 = tpu.vector_load %get3A_417[%get3A_418, %get3A_419] {strides = array<i32>} : memref<16x64xf32, #tpu.memory_space<vmem>>, vector<16xf32>,
          %bitcast_convert_type3A_421 = tpu.bitcast %get3A_420 : vector<16xf32> -> vector<16xi32>
          %shift_right_arithmetic3A_422 = arith.constant 31 : i32
          %shift_right_arithmetic3A_423 = vector.broadcast %shift_right_arithmetic3A_422 : i32 to vector<16xi32>
          %shift_right_arithmetic3A_424 = arith.shrsi %bitcast_convert_type3A_421, %shift_right_arithmetic3A_423 : vector<16xi32>
          %and3A_425 = arith.constant 2147483647 : i32
          %and3A_426 = vector.broadcast %and3A_425 : i32 to vector<16xi32>
          %and3A_427 = arith.andi %shift_right_arithmetic3A_424, %and3A_426 : vector<16xi32>
          %xor3A_428 = arith.xori %bitcast_convert_type3A_421, %and3A_427 : vector<16xi32>
          %and3A_429 = arith.constant -64 : i32
          %and3A_430 = vector.broadcast %and3A_429 : i32 to vector<16xi32>
          %and3A_431 = arith.andi %xor3A_428, %and3A_430 : vector<16xi32>
          %sub3A_432 = arith.constant 31 : i32
          %sub3A_433 = vector.broadcast %sub3A_432 : i32 to vector<16xi32>
          %sub3A_434 = arith.subi %sub3A_433, %iota3A : vector<16xi32>
          %or3A_435 = arith.ori %and3A_431, %sub3A_434 : vector<16xi32>
          %shift_right_arithmetic3A_436 = arith.constant 31 : i32
          %shift_right_arithmetic3A_437 = vector.broadcast %shift_right_arithmetic3A_436 : i32 to vector<16xi32>
          %shift_right_arithmetic3A_438 = arith.shrsi %or3A_435, %shift_right_arithmetic3A_437 : vector<16xi32>
          %and3A_439 = arith.constant 2147483647 : i32
          %and3A_440 = vector.broadcast %and3A_439 : i32 to vector<16xi32>
          %and3A_441 = arith.andi %shift_right_arithmetic3A_438, %and3A_440 : vector<16xi32>
          %xor3A_442 = arith.xori %or3A_435, %and3A_441 : vector<16xi32>
          %bitcast_convert_type3A_443 = tpu.bitcast %xor3A_442 : vector<16xi32> -> vector<16xf32>
          %get3A_444 = arith.constant 0 : i32
          %get3A_445 = arith.constant 0 : i32
          %get3A_446 = tpu.memref_slice %run_scoped3A[%rem3A_242, %get3A_444, %get3A_445] : memref<2x16x64xf32, #tpu.memory_space<vmem>> -> memref<1x16x64xf32, #tpu.memory_space<vmem>>
          %get3A_447 = tpu.memref_squeeze %get3A_446 : memref<1x16x64xf32, #tpu.memory_space<vmem>> -> memref<16x64xf32, #tpu.memory_space<vmem>>
          %get3A_448 = arith.index_cast %add3A_357 : i32 to index
          %get3A_449 = arith.constant 48 : index
          %get3A_450 = tpu.vector_load %get3A_447[%get3A_448, %get3A_449] {strides = array<i32>} : memref<16x64xf32, #tpu.memory_space<vmem>>, vector<16xf32>,
          %bitcast_convert_type3A_451 = tpu.bitcast %get3A_450 : vector<16xf32> -> vector<16xi32>
          %shift_right_arithmetic3A_452 = arith.constant 31 : i32
          %shift_right_arithmetic3A_453 = vector.broadcast %shift_right_arithmetic3A_452 : i32 to vector<16xi32>
          %shift_right_arithmetic3A_454 = arith.shrsi %bitcast_convert_type3A_451, %shift_right_arithmetic3A_453 : vector<16xi32>
          %and3A_455 = arith.constant 2147483647 : i32
          %and3A_456 = vector.broadcast %and3A_455 : i32 to vector<16xi32>
          %and3A_457 = arith.andi %shift_right_arithmetic3A_454, %and3A_456 : vector<16xi32>
          %xor3A_458 = arith.xori %bitcast_convert_type3A_451, %and3A_457 : vector<16xi32>
          %and3A_459 = arith.constant -64 : i32
          %and3A_460 = vector.broadcast %and3A_459 : i32 to vector<16xi32>
          %and3A_461 = arith.andi %xor3A_458, %and3A_460 : vector<16xi32>
          %sub3A_462 = arith.constant 15 : i32
          %sub3A_463 = vector.broadcast %sub3A_462 : i32 to vector<16xi32>
          %sub3A_464 = arith.subi %sub3A_463, %iota3A : vector<16xi32>
          %or3A_465 = arith.ori %and3A_461, %sub3A_464 : vector<16xi32>
          %shift_right_arithmetic3A_466 = arith.constant 31 : i32
          %shift_right_arithmetic3A_467 = vector.broadcast %shift_right_arithmetic3A_466 : i32 to vector<16xi32>
          %shift_right_arithmetic3A_468 = arith.shrsi %or3A_465, %shift_right_arithmetic3A_467 : vector<16xi32>
          %and3A_469 = arith.constant 2147483647 : i32
          %and3A_470 = vector.broadcast %and3A_469 : i32 to vector<16xi32>
          %and3A_471 = arith.andi %shift_right_arithmetic3A_468, %and3A_470 : vector<16xi32>
          %xor3A_472 = arith.xori %or3A_465, %and3A_471 : vector<16xi32>
          %bitcast_convert_type3A_473 = tpu.bitcast %xor3A_472 : vector<16xi32> -> vector<16xf32>
          %lt3A = arith.constant 8 : i32
          %lt3A_474 = vector.broadcast %lt3A : i32 to vector<16xi32>
          %lt3A_475 = arith.cmpi slt, %iota3A, %lt3A_474 : vector<16xi32>
          %masked_sort3A = arith.constant dense<true> : vector<16xi1>
          %masked_sort3A_476, %masked_sort3A_477, %masked_sort3A_478 = tpu.sort %bitcast_convert_type3A_383, %bitcast_convert_type3A_383 masked %masked_sort3A {descending = true} : (vector<16xf32>, vector<16xf32>, vector<16xi1>) -> (vector<16xi1>, vector<16xf32>, vector<16xf32>)
          %masked_sort3A_479 = arith.constant dense<true> : vector<16xi1>
          %masked_sort3A_480, %masked_sort3A_481, %masked_sort3A_482 = tpu.sort %bitcast_convert_type3A_413, %bitcast_convert_type3A_413 masked %masked_sort3A_479 {descending = true} : (vector<16xf32>, vector<16xf32>, vector<16xi1>) -> (vector<16xi1>, vector<16xf32>, vector<16xf32>)
          %masked_sort3A_483 = arith.constant dense<true> : vector<16xi1>
          %masked_sort3A_484, %masked_sort3A_485, %masked_sort3A_486 = tpu.sort %bitcast_convert_type3A_443, %bitcast_convert_type3A_443 masked %masked_sort3A_483 {descending = true} : (vector<16xf32>, vector<16xf32>, vector<16xi1>) -> (vector<16xi1>, vector<16xf32>, vector<16xf32>)
          %masked_sort3A_487 = arith.constant dense<true> : vector<16xi1>
          %masked_sort3A_488, %masked_sort3A_489, %masked_sort3A_490 = tpu.sort %bitcast_convert_type3A_473, %bitcast_convert_type3A_473 masked %masked_sort3A_487 {descending = true} : (vector<16xf32>, vector<16xf32>, vector<16xi1>) -> (vector<16xi1>, vector<16xf32>, vector<16xf32>)
          %rev3A = arith.constant 15 : i32
          %rev3A_491 = vector.broadcast %rev3A : i32 to vector<16xi32>
          %rev3A_492 = tpu.iota {dimensions = array<i32: 0>} : vector<16xi32>
          %rev3A_493 = arith.subi %rev3A_491, %rev3A_492 : vector<16xi32>
          %rev3A_494 = tpu.dynamic_gather %masked_sort3A_481[%rev3A_493] in [0] : vector<16xf32>, vector<16xi32> -> vector<16xf32>
          %select_n3A_495 = arith.select %lt3A_475, %masked_sort3A_477, %rev3A_494 : vector<16xi1>, vector<16xf32>
          %masked_sort3A_496 = arith.constant dense<true> : vector<16xi1>
          %masked_sort3A_497, %masked_sort3A_498, %masked_sort3A_499 = tpu.sort %select_n3A_495, %select_n3A_495 masked %masked_sort3A_496 {descending = true} : (vector<16xf32>, vector<16xf32>, vector<16xi1>) -> (vector<16xi1>, vector<16xf32>, vector<16xf32>)
          %rev3A_500 = arith.constant 15 : i32
          %rev3A_501 = vector.broadcast %rev3A_500 : i32 to vector<16xi32>
          %rev3A_502 = tpu.iota {dimensions = array<i32: 0>} : vector<16xi32>
          %rev3A_503 = arith.subi %rev3A_501, %rev3A_502 : vector<16xi32>
          %rev3A_504 = tpu.dynamic_gather %masked_sort3A_489[%rev3A_503] in [0] : vector<16xf32>, vector<16xi32> -> vector<16xf32>
          %select_n3A_505 = arith.select %lt3A_475, %masked_sort3A_485, %rev3A_504 : vector<16xi1>, vector<16xf32>
          %masked_sort3A_506 = arith.constant dense<true> : vector<16xi1>
          %masked_sort3A_507, %masked_sort3A_508, %masked_sort3A_509 = tpu.sort %select_n3A_505, %select_n3A_505 masked %masked_sort3A_506 {descending = true} : (vector<16xf32>, vector<16xf32>, vector<16xi1>) -> (vector<16xi1>, vector<16xf32>, vector<16xf32>)
          %rev3A_510 = arith.constant 15 : i32
          %rev3A_511 = vector.broadcast %rev3A_510 : i32 to vector<16xi32>
          %rev3A_512 = tpu.iota {dimensions = array<i32: 0>} : vector<16xi32>
          %rev3A_513 = arith.subi %rev3A_511, %rev3A_512 : vector<16xi32>
          %rev3A_514 = tpu.dynamic_gather %masked_sort3A_508[%rev3A_513] in [0] : vector<16xf32>, vector<16xi32> -> vector<16xf32>
          %select_n3A_515 = arith.select %lt3A_475, %masked_sort3A_498, %rev3A_514 : vector<16xi1>, vector<16xf32>
          %masked_sort3A_516 = arith.constant dense<true> : vector<16xi1>
          %masked_sort3A_517, %masked_sort3A_518, %masked_sort3A_519 = tpu.sort %select_n3A_515, %select_n3A_515 masked %masked_sort3A_516 {descending = true} : (vector<16xf32>, vector<16xf32>, vector<16xi1>) -> (vector<16xi1>, vector<16xf32>, vector<16xf32>)
          %iota3A_520 = tpu.iota {dimensions = array<i32: 0>} : vector<16xi32>
          %reduce_max3A = arith.constant true
          %reduce_max3A_521 = vector.broadcast %reduce_max3A : i1 to vector<16xi1>
          %reduce_max3A_522 = tpu.scan <max>, %masked_sort3A_518 masked %reduce_max3A_521 : vector<16xf32>, vector<16xi1> -> vector<16xf32>
          %reduce_max3A_523 = vector.extract %reduce_max3A_522[15] : f32 from vector<16xf32>
          %lt3A_524 = arith.constant 8 : i32
          %lt3A_525 = vector.broadcast %lt3A_524 : i32 to vector<16xi32>
          %lt3A_526 = arith.cmpi slt, %iota3A_520, %lt3A_525 : vector<16xi32>
          %jit3A = arith.constant 0x7F800000 : f32
          %broadcast_in_dim3A = vector.broadcast %jit3A : f32 to vector<16xf32>
          %select_n3A_527 = arith.select %lt3A_526, %masked_sort3A_518, %broadcast_in_dim3A : vector<16xi1>, vector<16xf32>
          %reduce_min3A = arith.constant true
          %reduce_min3A_528 = vector.broadcast %reduce_min3A : i1 to vector<16xi1>
          %reduce_min3A_529 = tpu.scan <min>, %select_n3A_527 masked %reduce_min3A_528 : vector<16xf32>, vector<16xi1> -> vector<16xf32>
          %reduce_min3A_530 = vector.extract %reduce_min3A_529[15] : f32 from vector<16xf32>
          %sub3A_531 = vector.broadcast %reduce_max3A_523 : f32 to vector<16xf32>
          %sub3A_532 = arith.subf %bitcast_convert_type3A_383, %sub3A_531 : vector<16xf32>
          %exp3A = math.exp %sub3A_532 : vector<16xf32>
          %ge3A_533 = vector.broadcast %reduce_min3A_530 : f32 to vector<16xf32>
          %ge3A_534 = arith.cmpf oge, %bitcast_convert_type3A_383, %ge3A_533 : vector<16xf32>
          %jit3A_535 = arith.constant 0.000000e+00 : f32
          %broadcast_in_dim3A_536 = vector.broadcast %jit3A_535 : f32 to vector<16xf32>
          %select_n3A_537 = arith.select %ge3A_534, %exp3A, %broadcast_in_dim3A_536 : vector<16xi1>, vector<16xf32>
          %sub3A_538 = vector.broadcast %reduce_max3A_523 : f32 to vector<16xf32>
          %sub3A_539 = arith.subf %bitcast_convert_type3A_413, %sub3A_538 : vector<16xf32>
          %exp3A_540 = math.exp %sub3A_539 : vector<16xf32>
          %ge3A_541 = vector.broadcast %reduce_min3A_530 : f32 to vector<16xf32>
          %ge3A_542 = arith.cmpf oge, %bitcast_convert_type3A_413, %ge3A_541 : vector<16xf32>
          %jit3A_543 = arith.constant 0.000000e+00 : f32
          %broadcast_in_dim3A_544 = vector.broadcast %jit3A_543 : f32 to vector<16xf32>
          %select_n3A_545 = arith.select %ge3A_542, %exp3A_540, %broadcast_in_dim3A_544 : vector<16xi1>, vector<16xf32>
          %sub3A_546 = vector.broadcast %reduce_max3A_523 : f32 to vector<16xf32>
          %sub3A_547 = arith.subf %bitcast_convert_type3A_443, %sub3A_546 : vector<16xf32>
          %exp3A_548 = math.exp %sub3A_547 : vector<16xf32>
          %ge3A_549 = vector.broadcast %reduce_min3A_530 : f32 to vector<16xf32>
          %ge3A_550 = arith.cmpf oge, %bitcast_convert_type3A_443, %ge3A_549 : vector<16xf32>
          %jit3A_551 = arith.constant 0.000000e+00 : f32
          %broadcast_in_dim3A_552 = vector.broadcast %jit3A_551 : f32 to vector<16xf32>
          %select_n3A_553 = arith.select %ge3A_550, %exp3A_548, %broadcast_in_dim3A_552 : vector<16xi1>, vector<16xf32>
          %sub3A_554 = vector.broadcast %reduce_max3A_523 : f32 to vector<16xf32>
          %sub3A_555 = arith.subf %bitcast_convert_type3A_473, %sub3A_554 : vector<16xf32>
          %exp3A_556 = math.exp %sub3A_555 : vector<16xf32>
          %ge3A_557 = vector.broadcast %reduce_min3A_530 : f32 to vector<16xf32>
          %ge3A_558 = arith.cmpf oge, %bitcast_convert_type3A_473, %ge3A_557 : vector<16xf32>
          %jit3A_559 = arith.constant 0.000000e+00 : f32
          %broadcast_in_dim3A_560 = vector.broadcast %jit3A_559 : f32 to vector<16xf32>
          %select_n3A_561 = arith.select %ge3A_558, %exp3A_556, %broadcast_in_dim3A_560 : vector<16xi1>, vector<16xf32>
          %add3A_562 = arith.addf %select_n3A_537, %select_n3A_545 : vector<16xf32>
          %add3A_563 = arith.addf %add3A_562, %select_n3A_553 : vector<16xf32>
          %add3A_564 = arith.addf %add3A_563, %select_n3A_561 : vector<16xf32>
          %reduce_sum3A = arith.constant true
          %reduce_sum3A_565 = vector.broadcast %reduce_sum3A : i1 to vector<16xi1>
          %reduce_sum3A_566 = tpu.scan <sum>, %add3A_564 masked %reduce_sum3A_565 : vector<16xf32>, vector<16xi1> -> vector<16xf32>
          %reduce_sum3A_567 = vector.extract %reduce_sum3A_566[15] : f32 from vector<16xf32>
          %broadcast_in_dim3A_568 = arith.constant 1.000000e+00 : f32
          %broadcast_in_dim3A_569 = vector.broadcast %broadcast_in_dim3A_568 : f32 to vector<16xf32>
          %mul3A_570 = vector.broadcast %reduce_sum3A_567 : f32 to vector<16xf32>
          %mul3A_571 = arith.mulf %broadcast_in_dim3A_569, %mul3A_570 : vector<16xf32>
          %div3A = arith.divf %broadcast_in_dim3A_569, %mul3A_571 : vector<16xf32>
          %mul3A_572 = arith.mulf %select_n3A_537, %div3A : vector<16xf32>
          %swap3A = arith.constant 0 : i32
          %swap3A_573 = arith.constant 0 : i32
          %swap3A_574 = tpu.memref_slice %run_scoped3A_8[%rem3A_244, %swap3A, %swap3A_573] : memref<2x16x64xf32, #tpu.memory_space<vmem>> -> memref<1x16x64xf32, #tpu.memory_space<vmem>>
          %swap3A_575 = tpu.memref_squeeze %swap3A_574 : memref<1x16x64xf32, #tpu.memory_space<vmem>> -> memref<16x64xf32, #tpu.memory_space<vmem>>
          %swap3A_576 = arith.index_cast %add3A_357 : i32 to index
          %swap3A_577 = arith.constant 0 : index
          %swap3A_578 = tpu.vector_load %swap3A_575[%swap3A_576, %swap3A_577] {strides = array<i32>} : memref<16x64xf32, #tpu.memory_space<vmem>>, vector<16xf32>,
          tpu.vector_store %swap3A_575[%swap3A_576, %swap3A_577], %mul3A_572 {strides = array<i32>} : memref<16x64xf32, #tpu.memory_space<vmem>>, vector<16xf32>,
          %mul3A_579 = arith.mulf %select_n3A_545, %div3A : vector<16xf32>
          %swap3A_580 = arith.constant 0 : i32
          %swap3A_581 = arith.constant 0 : i32
          %swap3A_582 = tpu.memref_slice %run_scoped3A_8[%rem3A_244, %swap3A_580, %swap3A_581] : memref<2x16x64xf32, #tpu.memory_space<vmem>> -> memref<1x16x64xf32, #tpu.memory_space<vmem>>
          %swap3A_583 = tpu.memref_squeeze %swap3A_582 : memref<1x16x64xf32, #tpu.memory_space<vmem>> -> memref<16x64xf32, #tpu.memory_space<vmem>>
          %swap3A_584 = arith.index_cast %add3A_357 : i32 to index
          %swap3A_585 = arith.constant 16 : index
          %swap3A_586 = tpu.vector_load %swap3A_583[%swap3A_584, %swap3A_585] {strides = array<i32>} : memref<16x64xf32, #tpu.memory_space<vmem>>, vector<16xf32>,
          tpu.vector_store %swap3A_583[%swap3A_584, %swap3A_585], %mul3A_579 {strides = array<i32>} : memref<16x64xf32, #tpu.memory_space<vmem>>, vector<16xf32>,
          %mul3A_587 = arith.mulf %select_n3A_553, %div3A : vector<16xf32>
          %swap3A_588 = arith.constant 0 : i32
          %swap3A_589 = arith.constant 0 : i32
          %swap3A_590 = tpu.memref_slice %run_scoped3A_8[%rem3A_244, %swap3A_588, %swap3A_589] : memref<2x16x64xf32, #tpu.memory_space<vmem>> -> memref<1x16x64xf32, #tpu.memory_space<vmem>>
          %swap3A_591 = tpu.memref_squeeze %swap3A_590 : memref<1x16x64xf32, #tpu.memory_space<vmem>> -> memref<16x64xf32, #tpu.memory_space<vmem>>
          %swap3A_592 = arith.index_cast %add3A_357 : i32 to index
          %swap3A_593 = arith.constant 32 : index
          %swap3A_594 = tpu.vector_load %swap3A_591[%swap3A_592, %swap3A_593] {strides = array<i32>} : memref<16x64xf32, #tpu.memory_space<vmem>>, vector<16xf32>,
          tpu.vector_store %swap3A_591[%swap3A_592, %swap3A_593], %mul3A_587 {strides = array<i32>} : memref<16x64xf32, #tpu.memory_space<vmem>>, vector<16xf32>,
          %mul3A_595 = arith.mulf %select_n3A_561, %div3A : vector<16xf32>
          %swap3A_596 = arith.constant 0 : i32
          %swap3A_597 = arith.constant 0 : i32
          %swap3A_598 = tpu.memref_slice %run_scoped3A_8[%rem3A_244, %swap3A_596, %swap3A_597] : memref<2x16x64xf32, #tpu.memory_space<vmem>> -> memref<1x16x64xf32, #tpu.memory_space<vmem>>
          %swap3A_599 = tpu.memref_squeeze %swap3A_598 : memref<1x16x64xf32, #tpu.memory_space<vmem>> -> memref<16x64xf32, #tpu.memory_space<vmem>>
          %swap3A_600 = arith.index_cast %add3A_357 : i32 to index
          %swap3A_601 = arith.constant 48 : index
          %swap3A_602 = tpu.vector_load %swap3A_599[%swap3A_600, %swap3A_601] {strides = array<i32>} : memref<16x64xf32, #tpu.memory_space<vmem>>, vector<16xf32>,
          tpu.vector_store %swap3A_599[%swap3A_600, %swap3A_601], %mul3A_595 {strides = array<i32>} : memref<16x64xf32, #tpu.memory_space<vmem>>, vector<16xf32>,
          %bitcast_convert_type3A_603 = tpu.bitcast %masked_sort3A_518 : vector<16xf32> -> vector<16xi32>
          %shift_right_arithmetic3A_604 = arith.constant 31 : i32
          %shift_right_arithmetic3A_605 = vector.broadcast %shift_right_arithmetic3A_604 : i32 to vector<16xi32>
          %shift_right_arithmetic3A_606 = arith.shrsi %bitcast_convert_type3A_603, %shift_right_arithmetic3A_605 : vector<16xi32>
          %and3A_607 = arith.constant 2147483647 : i32
          %and3A_608 = vector.broadcast %and3A_607 : i32 to vector<16xi32>
          %and3A_609 = arith.andi %shift_right_arithmetic3A_606, %and3A_608 : vector<16xi32>
          %xor3A_610 = arith.xori %bitcast_convert_type3A_603, %and3A_609 : vector<16xi32>
          %and3A_611 = arith.constant 63 : i32
          %and3A_612 = vector.broadcast %and3A_611 : i32 to vector<16xi32>
          %and3A_613 = arith.andi %xor3A_610, %and3A_612 : vector<16xi32>
          %sub3A_614 = arith.constant 63 : i32
          %sub3A_615 = vector.broadcast %sub3A_614 : i32 to vector<16xi32>
          %sub3A_616 = arith.subi %sub3A_615, %and3A_613 : vector<16xi32>
          %swap3A_617 = arith.constant 0 : i32
          %swap3A_618 = arith.constant 0 : i32
          %swap3A_619 = tpu.memref_slice %run_scoped3A_10[%rem3A_246, %swap3A_617, %swap3A_618] : memref<2x16x16xi32, #tpu.memory_space<vmem>> -> memref<1x16x16xi32, #tpu.memory_space<vmem>>
          %swap3A_620 = tpu.memref_squeeze %swap3A_619 : memref<1x16x16xi32, #tpu.memory_space<vmem>> -> memref<16x16xi32, #tpu.memory_space<vmem>>
          %swap3A_621 = arith.index_cast %add3A_357 : i32 to index
          %swap3A_622 = arith.constant 0 : index
          %swap3A_623 = tpu.vector_load %swap3A_620[%swap3A_621, %swap3A_622] {strides = array<i32>} : memref<16x16xi32, #tpu.memory_space<vmem>>, vector<16xi32>,
          tpu.vector_store %swap3A_620[%swap3A_621, %swap3A_622], %sub3A_616 {strides = array<i32>} : memref<16x16xi32, #tpu.memory_space<vmem>>, vector<16xi32>,
        }
        %scan3A_251 = arith.constant 16 : i32
        "tpu.trace_stop"() : () -> ()
        %ne3A_252 = arith.cmpi ne, %add3A_155, %add3A_173 : i32
        %or3A_253 = arith.constant false
        %or3A_254 = arith.ori %or3A_253, %ne3A_252 : i1
        %or3A_255 = arith.constant false
        %or3A_256 = arith.ori %or3A_254, %or3A_255 : i1
        %or3A_257 = arith.ori %or3A_256, %eq3A_154 : i1
        %convert_element_type3A_258 = arith.extui %or3A_257 : i1 to i32
        %cond3A_259 = arith.constant 0 : i32
        %cond3A_260 = arith.cmpi ne, %convert_element_type3A_258, %cond3A_259 : i32
        scf.if %cond3A_260 {
        } else {
        }
        %and3A_261 = arith.constant false
        %and3A_262 = arith.andi %or3A_257, %and3A_261 : i1
        %ne3A_263 = arith.cmpi ne, %add3A_155, %add3A_173 : i32
        %or3A_264 = arith.constant false
        %or3A_265 = arith.ori %or3A_264, %ne3A_263 : i1
        %or3A_266 = arith.constant false
        %or3A_267 = arith.ori %or3A_265, %or3A_266 : i1
        %or3A_268 = arith.ori %or3A_267, %eq3A_154 : i1
        %convert_element_type3A_269 = arith.extui %or3A_268 : i1 to i32
        %cond3A_270 = arith.constant 0 : i32
        %cond3A_271 = arith.cmpi ne, %convert_element_type3A_269, %cond3A_270 : i32
        scf.if %cond3A_271 {
          "tpu.trace_start"() <{level = 10 : i32, message = "ep_copy_out"}> : () -> ()
          %rem3A_353 = arith.constant 2 : i32
          %rem3A_354 = arith.remui %scan3A_146, %rem3A_353 : i32
          %mul3A_355 = arith.constant 16 : i32
          %mul3A_356 = arith.muli %mul3A_355, %add3A_155 : i32
          %dma_start3A_357 = arith.constant 0 : i32
          %dma_start3A_358 = arith.constant 0 : i32
          %dma_start3A_359 = tpu.memref_slice %run_scoped3A_8[%rem3A_354, %dma_start3A_357, %dma_start3A_358] : memref<2x16x64xf32, #tpu.memory_space<vmem>> -> memref<1x16x64xf32, #tpu.memory_space<vmem>>
          %dma_start3A_360 = tpu.memref_squeeze %dma_start3A_359 : memref<1x16x64xf32, #tpu.memory_space<vmem>> -> memref<16x64xf32, #tpu.memory_space<vmem>>
          %dma_start3A_361 = arith.constant 0 : i32
          %dma_start3A_362 = tpu.memref_slice %arg3[%mul3A_356, %dma_start3A_361] : memref<8192x64xf32, #tpu.memory_space<hbm>> -> memref<16x64xf32, #tpu.memory_space<hbm>>
          %dma_start3A_363 = tpu.memref_slice %run_scoped3A_9[%rem3A_354] : memref<2x!tpu.dma_semaphore, #tpu.memory_space<semaphore_mem>> -> memref<1x!tpu.dma_semaphore, #tpu.memory_space<semaphore_mem>>
          %dma_start3A_364 = tpu.memref_squeeze %dma_start3A_363 : memref<1x!tpu.dma_semaphore, #tpu.memory_space<semaphore_mem>> -> memref<!tpu.dma_semaphore, #tpu.memory_space<semaphore_mem>>
          %dma_start3A_365 = arith.constant 0 : i32
          %dma_start3A_366 = tpu.memref_slice %arg3[%mul3A_356, %dma_start3A_365] : memref<8192x64xf32, #tpu.memory_space<hbm>> -> memref<16x64xf32, #tpu.memory_space<hbm>>
          %dma_start3A_367 = arith.constant 0 : i32
          %dma_start3A_368 = arith.constant 0 : i32
          %dma_start3A_369 = tpu.memref_slice %run_scoped3A_8[%rem3A_354, %dma_start3A_367, %dma_start3A_368] : memref<2x16x64xf32, #tpu.memory_space<vmem>> -> memref<1x16x64xf32, #tpu.memory_space<vmem>>
          %dma_start3A_370 = tpu.memref_squeeze %dma_start3A_369 : memref<1x16x64xf32, #tpu.memory_space<vmem>> -> memref<16x64xf32, #tpu.memory_space<vmem>>
          tpu.enqueue_dma source(%dma_start3A_370 : memref<16x64xf32, #tpu.memory_space<vmem>>) target(%dma_start3A_366 : memref<16x64xf32, #tpu.memory_space<hbm>>) target_semaphore(%dma_start3A_364 : memref<!tpu.dma_semaphore, #tpu.memory_space<semaphore_mem>>)
          "tpu.trace_stop"() : () -> ()
        } else {
        }
        %and3A_272 = arith.constant true
        %and3A_273 = arith.andi %or3A_268, %and3A_272 : i1
        %add3A_274 = arith.constant 1 : i32
        %add3A_275 = arith.addi %scan3A_146, %add3A_274 : i32
        %select_n3A_276 = arith.select %and3A_273, %add3A_275, %scan3A_146 : i32
        %ne3A_277 = arith.cmpi ne, %add3A_155, %add3A_173 : i32
        %or3A_278 = arith.constant false
        %or3A_279 = arith.ori %or3A_278, %ne3A_277 : i1
        %or3A_280 = arith.constant false
        %or3A_281 = arith.ori %or3A_279, %or3A_280 : i1
        %or3A_282 = arith.ori %or3A_281, %eq3A_154 : i1
        %convert_element_type3A_283 = arith.extui %or3A_282 : i1 to i32
        %cond3A_284 = arith.constant 0 : i32
        %cond3A_285 = arith.cmpi ne, %convert_element_type3A_283, %cond3A_284 : i32
        scf.if %cond3A_285 {
          "tpu.trace_start"() <{level = 10 : i32, message = "ep_copy_out"}> : () -> ()
          %rem3A_353 = arith.constant 2 : i32
          %rem3A_354 = arith.remui %scan3A_148, %rem3A_353 : i32
          %mul3A_355 = arith.constant 16 : i32
          %mul3A_356 = arith.muli %mul3A_355, %add3A_155 : i32
          %dma_start3A_357 = arith.constant 0 : i32
          %dma_start3A_358 = arith.constant 0 : i32
          %dma_start3A_359 = tpu.memref_slice %run_scoped3A_10[%rem3A_354, %dma_start3A_357, %dma_start3A_358] : memref<2x16x16xi32, #tpu.memory_space<vmem>> -> memref<1x16x16xi32, #tpu.memory_space<vmem>>
          %dma_start3A_360 = tpu.memref_squeeze %dma_start3A_359 : memref<1x16x16xi32, #tpu.memory_space<vmem>> -> memref<16x16xi32, #tpu.memory_space<vmem>>
          %dma_start3A_361 = arith.constant 0 : i32
          %dma_start3A_362 = tpu.memref_slice %arg4[%mul3A_356, %dma_start3A_361] : memref<8192x16xi32, #tpu.memory_space<hbm>> -> memref<16x16xi32, #tpu.memory_space<hbm>>
          %dma_start3A_363 = tpu.memref_slice %run_scoped3A_11[%rem3A_354] : memref<2x!tpu.dma_semaphore, #tpu.memory_space<semaphore_mem>> -> memref<1x!tpu.dma_semaphore, #tpu.memory_space<semaphore_mem>>
          %dma_start3A_364 = tpu.memref_squeeze %dma_start3A_363 : memref<1x!tpu.dma_semaphore, #tpu.memory_space<semaphore_mem>> -> memref<!tpu.dma_semaphore, #tpu.memory_space<semaphore_mem>>
          %dma_start3A_365 = arith.constant 0 : i32
          %dma_start3A_366 = tpu.memref_slice %arg4[%mul3A_356, %dma_start3A_365] : memref<8192x16xi32, #tpu.memory_space<hbm>> -> memref<16x16xi32, #tpu.memory_space<hbm>>
          %dma_start3A_367 = arith.constant 0 : i32
          %dma_start3A_368 = arith.constant 0 : i32
          %dma_start3A_369 = tpu.memref_slice %run_scoped3A_10[%rem3A_354, %dma_start3A_367, %dma_start3A_368] : memref<2x16x16xi32, #tpu.memory_space<vmem>> -> memref<1x16x16xi32, #tpu.memory_space<vmem>>
          %dma_start3A_370 = tpu.memref_squeeze %dma_start3A_369 : memref<1x16x16xi32, #tpu.memory_space<vmem>> -> memref<16x16xi32, #tpu.memory_space<vmem>>
          tpu.enqueue_dma source(%dma_start3A_370 : memref<16x16xi32, #tpu.memory_space<vmem>>) target(%dma_start3A_366 : memref<16x16xi32, #tpu.memory_space<hbm>>) target_semaphore(%dma_start3A_364 : memref<!tpu.dma_semaphore, #tpu.memory_space<semaphore_mem>>)
          "tpu.trace_stop"() : () -> ()
        } else {
        }
        %and3A_286 = arith.constant true
        %and3A_287 = arith.andi %or3A_282, %and3A_286 : i1
        %add3A_288 = arith.constant 1 : i32
        %add3A_289 = arith.addi %scan3A_148, %add3A_288 : i32
        %select_n3A_290 = arith.select %and3A_287, %add3A_289, %scan3A_148 : i32
        %ne3A_291 = arith.cmpi ne, %add3A_155, %add3A_164 : i32
        %or3A_292 = arith.constant false
        %or3A_293 = arith.ori %or3A_292, %ne3A_291 : i1
        %or3A_294 = arith.constant false
        %or3A_295 = arith.ori %or3A_293, %or3A_294 : i1
        %not3A_296 = arith.constant true
        %not3A_297 = arith.xori %eq3A_152, %not3A_296 : i1
        %and3A_298 = arith.andi %or3A_295, %not3A_297 : i1
        %convert_element_type3A_299 = arith.extui %and3A_298 : i1 to i32
        %cond3A_300 = arith.constant 0 : i32
        %cond3A_301 = arith.cmpi ne, %convert_element_type3A_299, %cond3A_300 : i32
        scf.if %cond3A_301 {
        } else {
        }
        %and3A_302 = arith.constant false
        %and3A_303 = arith.andi %and3A_298, %and3A_302 : i1
        %ne3A_304 = arith.cmpi ne, %add3A_155, %add3A_164 : i32
        %or3A_305 = arith.constant false
        %or3A_306 = arith.ori %or3A_305, %ne3A_304 : i1
        %or3A_307 = arith.constant false
        %or3A_308 = arith.ori %or3A_306, %or3A_307 : i1
        %not3A_309 = arith.constant true
        %not3A_310 = arith.xori %eq3A_152, %not3A_309 : i1
        %and3A_311 = arith.andi %or3A_308, %not3A_310 : i1
        %convert_element_type3A_312 = arith.extui %and3A_311 : i1 to i32
        %cond3A_313 = arith.constant 0 : i32
        %cond3A_314 = arith.cmpi ne, %convert_element_type3A_312, %cond3A_313 : i32
        scf.if %cond3A_314 {
          "tpu.trace_start"() <{level = 10 : i32, message = "ep_wait_out"}> : () -> ()
          %rem3A_353 = arith.constant 2 : i32
          %rem3A_354 = arith.remui %scan3A_147, %rem3A_353 : i32
          %mul3A_355 = arith.constant 16 : i32
          %mul3A_356 = arith.muli %mul3A_355, %add3A_164 : i32
          %dma_wait3A_357 = arith.constant 0 : i32
          %dma_wait3A_358 = arith.constant 0 : i32
          %dma_wait3A_359 = tpu.memref_slice %run_scoped3A_8[%rem3A_354, %dma_wait3A_357, %dma_wait3A_358] : memref<2x16x64xf32, #tpu.memory_space<vmem>> -> memref<1x16x64xf32, #tpu.memory_space<vmem>>
          %dma_wait3A_360 = tpu.memref_squeeze %dma_wait3A_359 : memref<1x16x64xf32, #tpu.memory_space<vmem>> -> memref<16x64xf32, #tpu.memory_space<vmem>>
          %dma_wait3A_361 = arith.constant 0 : i32
          %dma_wait3A_362 = tpu.memref_slice %arg3[%mul3A_356, %dma_wait3A_361] : memref<8192x64xf32, #tpu.memory_space<hbm>> -> memref<16x64xf32, #tpu.memory_space<hbm>>
          %dma_wait3A_363 = tpu.memref_slice %run_scoped3A_9[%rem3A_354] : memref<2x!tpu.dma_semaphore, #tpu.memory_space<semaphore_mem>> -> memref<1x!tpu.dma_semaphore, #tpu.memory_space<semaphore_mem>>
          %dma_wait3A_364 = tpu.memref_squeeze %dma_wait3A_363 : memref<1x!tpu.dma_semaphore, #tpu.memory_space<semaphore_mem>> -> memref<!tpu.dma_semaphore, #tpu.memory_space<semaphore_mem>>
          %dma_wait3A_365 = arith.constant 0 : i32
          %dma_wait3A_366 = tpu.memref_slice %arg3[%mul3A_356, %dma_wait3A_365] : memref<8192x64xf32, #tpu.memory_space<hbm>> -> memref<16x64xf32, #tpu.memory_space<hbm>>
          %dma_wait3A_367 = arith.constant 0 : i32
          %dma_wait3A_368 = arith.constant 0 : i32
          %dma_wait3A_369 = tpu.memref_slice %run_scoped3A_8[%rem3A_354, %dma_wait3A_367, %dma_wait3A_368] : memref<2x16x64xf32, #tpu.memory_space<vmem>> -> memref<1x16x64xf32, #tpu.memory_space<vmem>>
          %dma_wait3A_370 = tpu.memref_squeeze %dma_wait3A_369 : memref<1x16x64xf32, #tpu.memory_space<vmem>> -> memref<16x64xf32, #tpu.memory_space<vmem>>
          tpu.wait_dma2 semaphore(%dma_wait3A_364 : memref<!tpu.dma_semaphore, #tpu.memory_space<semaphore_mem>>) src(%dma_wait3A_370 : memref<16x64xf32, #tpu.memory_space<vmem>>) dst(%dma_wait3A_366 : memref<16x64xf32, #tpu.memory_space<hbm>>)
          "tpu.trace_stop"() : () -> ()
        } else {
        }
        %and3A_315 = arith.constant true
        %and3A_316 = arith.andi %and3A_311, %and3A_315 : i1
        %add3A_317 = arith.constant 1 : i32
        %add3A_318 = arith.addi %scan3A_147, %add3A_317 : i32
        %select_n3A_319 = arith.select %and3A_316, %add3A_318, %scan3A_147 : i32
        %ne3A_320 = arith.cmpi ne, %add3A_155, %add3A_164 : i32
        %or3A_321 = arith.constant false
        %or3A_322 = arith.ori %or3A_321, %ne3A_320 : i1
        %or3A_323 = arith.constant false
        %or3A_324 = arith.ori %or3A_322, %or3A_323 : i1
        %not3A_325 = arith.constant true
        %not3A_326 = arith.xori %eq3A_152, %not3A_325 : i1
        %and3A_327 = arith.andi %or3A_324, %not3A_326 : i1
        %convert_element_type3A_328 = arith.extui %and3A_327 : i1 to i32
        %cond3A_329 = arith.constant 0 : i32
        %cond3A_330 = arith.cmpi ne, %convert_element_type3A_328, %cond3A_329 : i32
        scf.if %cond3A_330 {
          "tpu.trace_start"() <{level = 10 : i32, message = "ep_wait_out"}> : () -> ()
          %rem3A_353 = arith.constant 2 : i32
          %rem3A_354 = arith.remui %scan3A_149, %rem3A_353 : i32
          %mul3A_355 = arith.constant 16 : i32
          %mul3A_356 = arith.muli %mul3A_355, %add3A_164 : i32
          %dma_wait3A_357 = arith.constant 0 : i32
          %dma_wait3A_358 = arith.constant 0 : i32
          %dma_wait3A_359 = tpu.memref_slice %run_scoped3A_10[%rem3A_354, %dma_wait3A_357, %dma_wait3A_358] : memref<2x16x16xi32, #tpu.memory_space<vmem>> -> memref<1x16x16xi32, #tpu.memory_space<vmem>>
          %dma_wait3A_360 = tpu.memref_squeeze %dma_wait3A_359 : memref<1x16x16xi32, #tpu.memory_space<vmem>> -> memref<16x16xi32, #tpu.memory_space<vmem>>
          %dma_wait3A_361 = arith.constant 0 : i32
          %dma_wait3A_362 = tpu.memref_slice %arg4[%mul3A_356, %dma_wait3A_361] : memref<8192x16xi32, #tpu.memory_space<hbm>> -> memref<16x16xi32, #tpu.memory_space<hbm>>
          %dma_wait3A_363 = tpu.memref_slice %run_scoped3A_11[%rem3A_354] : memref<2x!tpu.dma_semaphore, #tpu.memory_space<semaphore_mem>> -> memref<1x!tpu.dma_semaphore, #tpu.memory_space<semaphore_mem>>
          %dma_wait3A_364 = tpu.memref_squeeze %dma_wait3A_363 : memref<1x!tpu.dma_semaphore, #tpu.memory_space<semaphore_mem>> -> memref<!tpu.dma_semaphore, #tpu.memory_space<semaphore_mem>>
          %dma_wait3A_365 = arith.constant 0 : i32
          %dma_wait3A_366 = tpu.memref_slice %arg4[%mul3A_356, %dma_wait3A_365] : memref<8192x16xi32, #tpu.memory_space<hbm>> -> memref<16x16xi32, #tpu.memory_space<hbm>>
          %dma_wait3A_367 = arith.constant 0 : i32
          %dma_wait3A_368 = arith.constant 0 : i32
          %dma_wait3A_369 = tpu.memref_slice %run_scoped3A_10[%rem3A_354, %dma_wait3A_367, %dma_wait3A_368] : memref<2x16x16xi32, #tpu.memory_space<vmem>> -> memref<1x16x16xi32, #tpu.memory_space<vmem>>
          %dma_wait3A_370 = tpu.memref_squeeze %dma_wait3A_369 : memref<1x16x16xi32, #tpu.memory_space<vmem>> -> memref<16x16xi32, #tpu.memory_space<vmem>>
          tpu.wait_dma2 semaphore(%dma_wait3A_364 : memref<!tpu.dma_semaphore, #tpu.memory_space<semaphore_mem>>) src(%dma_wait3A_370 : memref<16x16xi32, #tpu.memory_space<vmem>>) dst(%dma_wait3A_366 : memref<16x16xi32, #tpu.memory_space<hbm>>)
          "tpu.trace_stop"() : () -> ()
        } else {
        }
        %and3A_331 = arith.constant true
        %and3A_332 = arith.andi %and3A_327, %and3A_331 : i1
        %add3A_333 = arith.constant 1 : i32
        %add3A_334 = arith.addi %scan3A_149, %add3A_333 : i32
        %select_n3A_335 = arith.select %and3A_332, %add3A_334, %scan3A_149 : i32
        %ne3A_336 = arith.cmpi ne, %add3A_155, %add3A_173 : i32
        %or3A_337 = arith.constant false
        %or3A_338 = arith.ori %or3A_337, %ne3A_336 : i1
        %or3A_339 = arith.constant false
        %or3A_340 = arith.ori %or3A_338, %or3A_339 : i1
        %or3A_341 = arith.ori %or3A_340, %eq3A_154 : i1
        %add3A_342 = arith.constant 1 : i32
        %add3A_343 = arith.addi %scan3A_145, %add3A_342 : i32
        %select_n3A_344 = arith.select %or3A_341, %add3A_343, %scan3A_145 : i32
        %add3A_345 = arith.constant 1 : i32
        %add3A_346 = arith.addi %scan3A_150, %add3A_345 : i32
        %select_n3A_347 = arith.constant true
        %select_n3A_348 = arith.select %select_n3A_347, %add3A_346, %scan3A_150 : i32
        %eq3A_349 = arith.constant 16 : i32
        %eq3A_350 = arith.cmpi eq, %select_n3A_348, %eq3A_349 : i32
        %select_n3A_351 = arith.constant 0 : i32
        %select_n3A_352 = arith.select %eq3A_350, %select_n3A_351, %select_n3A_348 : i32
        scf.yield %select_n3A_193, %select_n3A_344, %select_n3A_276, %select_n3A_319, %select_n3A_290, %select_n3A_335, %select_n3A_352 : i32, i32, i32, i32, i32, i32, i32
      }
      %scan3A_72 = arith.constant 16 : i32
      %sub3A = arith.constant 1 : i32
      %sub3A_73 = arith.subi %scan3A_71#6, %sub3A : i32
      %select_n3A_74 = arith.constant true
      %select_n3A_75 = arith.select %select_n3A_74, %sub3A_73, %scan3A_71#6 : i32
      %eq3A_76 = arith.constant -1 : i32
      %eq3A_77 = arith.cmpi eq, %select_n3A_75, %eq3A_76 : i32
      %select_n3A_78 = arith.constant 15 : i32
      %select_n3A_79 = arith.select %eq3A_77, %select_n3A_78, %select_n3A_75 : i32
      %add3A_80 = arith.addi %select_n3A_79, %mul3A_6 : i32
      %sub3A_81 = arith.constant 1 : i32
      %sub3A_82 = arith.subi %select_n3A_79, %sub3A_81 : i32
      %select_n3A_83 = arith.constant true
      %select_n3A_84 = arith.select %select_n3A_83, %sub3A_82, %select_n3A_79 : i32
      %eq3A_85 = arith.constant -1 : i32
      %eq3A_86 = arith.cmpi eq, %select_n3A_84, %eq3A_85 : i32
      %select_n3A_87 = arith.constant 15 : i32
      %select_n3A_88 = arith.select %eq3A_86, %select_n3A_87, %select_n3A_84 : i32
      %add3A_89 = arith.addi %select_n3A_88, %mul3A_6 : i32
      %add3A_90 = arith.constant 1 : i32
      %add3A_91 = arith.addi %select_n3A_79, %add3A_90 : i32
      %select_n3A_92 = arith.constant true
      %select_n3A_93 = arith.select %select_n3A_92, %add3A_91, %select_n3A_79 : i32
      %eq3A_94 = arith.constant 16 : i32
      %eq3A_95 = arith.cmpi eq, %select_n3A_93, %eq3A_94 : i32
      %select_n3A_96 = arith.constant 0 : i32
      %select_n3A_97 = arith.select %eq3A_95, %select_n3A_96, %select_n3A_93 : i32
      %add3A_98 = arith.addi %select_n3A_97, %mul3A_6 : i32
      %add3A_99 = arith.constant 1 : i32
      %add3A_100 = arith.addi %select_n3A_97, %add3A_99 : i32
      %select_n3A_101 = arith.constant true
      %select_n3A_102 = arith.select %select_n3A_101, %add3A_100, %select_n3A_97 : i32
      %eq3A_103 = arith.constant 16 : i32
      %eq3A_104 = arith.cmpi eq, %select_n3A_102, %eq3A_103 : i32
      %select_n3A_105 = arith.constant 0 : i32
      %select_n3A_106 = arith.select %eq3A_104, %select_n3A_105, %select_n3A_102 : i32
      %add3A_107 = arith.addi %select_n3A_106, %mul3A_6 : i32
      "tpu.trace_start"() <{level = 10 : i32, message = "ep_finalize"}> : () -> ()
      %rem3A_108 = arith.constant 2 : i32
      %rem3A_109 = arith.remui %scan3A_71#3, %rem3A_108 : i32
      %mul3A_110 = arith.constant 16 : i32
      %mul3A_111 = arith.muli %mul3A_110, %add3A_80 : i32
      %dma_wait3A = arith.constant 0 : i32
      %dma_wait3A_112 = arith.constant 0 : i32
      %dma_wait3A_113 = tpu.memref_slice %run_scoped3A_8[%rem3A_109, %dma_wait3A, %dma_wait3A_112] : memref<2x16x64xf32, #tpu.memory_space<vmem>> -> memref<1x16x64xf32, #tpu.memory_space<vmem>>
      %dma_wait3A_114 = tpu.memref_squeeze %dma_wait3A_113 : memref<1x16x64xf32, #tpu.memory_space<vmem>> -> memref<16x64xf32, #tpu.memory_space<vmem>>
      %dma_wait3A_115 = arith.constant 0 : i32
      %dma_wait3A_116 = tpu.memref_slice %arg3[%mul3A_111, %dma_wait3A_115] : memref<8192x64xf32, #tpu.memory_space<hbm>> -> memref<16x64xf32, #tpu.memory_space<hbm>>
      %dma_wait3A_117 = tpu.memref_slice %run_scoped3A_9[%rem3A_109] : memref<2x!tpu.dma_semaphore, #tpu.memory_space<semaphore_mem>> -> memref<1x!tpu.dma_semaphore, #tpu.memory_space<semaphore_mem>>
      %dma_wait3A_118 = tpu.memref_squeeze %dma_wait3A_117 : memref<1x!tpu.dma_semaphore, #tpu.memory_space<semaphore_mem>> -> memref<!tpu.dma_semaphore, #tpu.memory_space<semaphore_mem>>
      %dma_wait3A_119 = arith.constant 0 : i32
      %dma_wait3A_120 = tpu.memref_slice %arg3[%mul3A_111, %dma_wait3A_119] : memref<8192x64xf32, #tpu.memory_space<hbm>> -> memref<16x64xf32, #tpu.memory_space<hbm>>
      %dma_wait3A_121 = arith.constant 0 : i32
      %dma_wait3A_122 = arith.constant 0 : i32
      %dma_wait3A_123 = tpu.memref_slice %run_scoped3A_8[%rem3A_109, %dma_wait3A_121, %dma_wait3A_122] : memref<2x16x64xf32, #tpu.memory_space<vmem>> -> memref<1x16x64xf32, #tpu.memory_space<vmem>>
      %dma_wait3A_124 = tpu.memref_squeeze %dma_wait3A_123 : memref<1x16x64xf32, #tpu.memory_space<vmem>> -> memref<16x64xf32, #tpu.memory_space<vmem>>
      tpu.wait_dma2 semaphore(%dma_wait3A_118 : memref<!tpu.dma_semaphore, #tpu.memory_space<semaphore_mem>>) src(%dma_wait3A_124 : memref<16x64xf32, #tpu.memory_space<vmem>>) dst(%dma_wait3A_120 : memref<16x64xf32, #tpu.memory_space<hbm>>)
      %rem3A_125 = arith.constant 2 : i32
      %rem3A_126 = arith.remui %scan3A_71#5, %rem3A_125 : i32
      %mul3A_127 = arith.constant 16 : i32
      %mul3A_128 = arith.muli %mul3A_127, %add3A_80 : i32
      %dma_wait3A_129 = arith.constant 0 : i32
      %dma_wait3A_130 = arith.constant 0 : i32
      %dma_wait3A_131 = tpu.memref_slice %run_scoped3A_10[%rem3A_126, %dma_wait3A_129, %dma_wait3A_130] : memref<2x16x16xi32, #tpu.memory_space<vmem>> -> memref<1x16x16xi32, #tpu.memory_space<vmem>>
      %dma_wait3A_132 = tpu.memref_squeeze %dma_wait3A_131 : memref<1x16x16xi32, #tpu.memory_space<vmem>> -> memref<16x16xi32, #tpu.memory_space<vmem>>
      %dma_wait3A_133 = arith.constant 0 : i32
      %dma_wait3A_134 = tpu.memref_slice %arg4[%mul3A_128, %dma_wait3A_133] : memref<8192x16xi32, #tpu.memory_space<hbm>> -> memref<16x16xi32, #tpu.memory_space<hbm>>
      %dma_wait3A_135 = tpu.memref_slice %run_scoped3A_11[%rem3A_126] : memref<2x!tpu.dma_semaphore, #tpu.memory_space<semaphore_mem>> -> memref<1x!tpu.dma_semaphore, #tpu.memory_space<semaphore_mem>>
      %dma_wait3A_136 = tpu.memref_squeeze %dma_wait3A_135 : memref<1x!tpu.dma_semaphore, #tpu.memory_space<semaphore_mem>> -> memref<!tpu.dma_semaphore, #tpu.memory_space<semaphore_mem>>
      %dma_wait3A_137 = arith.constant 0 : i32
      %dma_wait3A_138 = tpu.memref_slice %arg4[%mul3A_128, %dma_wait3A_137] : memref<8192x16xi32, #tpu.memory_space<hbm>> -> memref<16x16xi32, #tpu.memory_space<hbm>>
      %dma_wait3A_139 = arith.constant 0 : i32
      %dma_wait3A_140 = arith.constant 0 : i32
      %dma_wait3A_141 = tpu.memref_slice %run_scoped3A_10[%rem3A_126, %dma_wait3A_139, %dma_wait3A_140] : memref<2x16x16xi32, #tpu.memory_space<vmem>> -> memref<1x16x16xi32, #tpu.memory_space<vmem>>
      %dma_wait3A_142 = tpu.memref_squeeze %dma_wait3A_141 : memref<1x16x16xi32, #tpu.memory_space<vmem>> -> memref<16x16xi32, #tpu.memory_space<vmem>>
      tpu.wait_dma2 semaphore(%dma_wait3A_136 : memref<!tpu.dma_semaphore, #tpu.memory_space<semaphore_mem>>) src(%dma_wait3A_142 : memref<16x16xi32, #tpu.memory_space<vmem>>) dst(%dma_wait3A_138 : memref<16x16xi32, #tpu.memory_space<hbm>>)
      "tpu.trace_stop"() : () -> ()
      tpu.yield
    }) : () -> ()
    return
  }
}

#map = affine_map<(d0, d1) -> (0, 0)>
module attributes {stable_mosaic.version = 14 : i64} {
  func.func @k(%arg0: i32, %arg1: i32, %arg2: memref<8192x64xf32, #tpu.memory_space<hbm>>, %arg3: memref<8192x64xf32, #tpu.memory_space<hbm>>, %arg4: memref<8192x16xi32, #tpu.memory_space<hbm>>) attributes {dimension_semantics = [#tpu.dimension_semantics<core_parallel>, #tpu.dimension_semantics<subcore_parallel>], iteration_bounds = array<i64: 2, 16>, scalar_prefetch = 0 : i64, scratch_operands = 0 : i64, tpu.core_type = #tpu.core_type<sc_vector_subcore>, window_params = [{transform_indices = #map}, {transform_indices = #map}, {transform_indices = #map}]} {
    %mul3A = arith.constant 1 : i32
    %mul3A_0 = arith.muli %arg1, %mul3A : i32
    %add3A = arith.constant 0 : i32
    %add3A_1 = arith.addi %add3A, %mul3A_0 : i32
    %mul3A_2 = arith.constant 16 : i32
    %mul3A_3 = arith.muli %arg0, %mul3A_2 : i32
    %add3A_4 = arith.addi %add3A_1, %mul3A_3 : i32
    %mul3A_5 = arith.constant 16 : i32
    %mul3A_6 = arith.muli %add3A_4, %mul3A_5 : i32
    "tpu.region"() ({
      %run_scoped3A = memref.alloca() : memref<2x16x64xf32, #tpu.memory_space<vmem>>
      %run_scoped3A_7 = tpu.sem_alloc : memref<2x!tpu.dma_semaphore, #tpu.memory_space<semaphore_mem>>
      %run_scoped3A_8 = memref.alloca() : memref<2x16x64xf32, #tpu.memory_space<vmem>>
      %run_scoped3A_9 = tpu.sem_alloc : memref<2x!tpu.dma_semaphore, #tpu.memory_space<semaphore_mem>>
      %run_scoped3A_10 = memref.alloca() : memref<2x16x16xi32, #tpu.memory_space<vmem>>
      %run_scoped3A_11 = tpu.sem_alloc : memref<2x!tpu.dma_semaphore, #tpu.memory_space<semaphore_mem>>
      %add3A_12 = arith.constant 0 : i32
      %add3A_13 = arith.addi %add3A_12, %mul3A_6 : i32
      %select_n3A = arith.constant true
      %select_n3A_14 = arith.constant 0 : i32
      %select_n3A_15 = arith.constant -1 : i32
      %select_n3A_16 = arith.select %select_n3A, %select_n3A_15, %select_n3A_14 : i32
      %eq3A = arith.constant -1 : i32
      %eq3A_17 = arith.cmpi eq, %select_n3A_16, %eq3A : i32
      %select_n3A_18 = arith.constant 15 : i32
      %select_n3A_19 = arith.select %eq3A_17, %select_n3A_18, %select_n3A_16 : i32
      %add3A_20 = arith.addi %select_n3A_19, %mul3A_6 : i32
      %select_n3A_21 = arith.constant true
      %select_n3A_22 = arith.constant 0 : i32
      %select_n3A_23 = arith.constant 1 : i32
      %select_n3A_24 = arith.select %select_n3A_21, %select_n3A_23, %select_n3A_22 : i32
      %eq3A_25 = arith.constant 16 : i32
      %eq3A_26 = arith.cmpi eq, %select_n3A_24, %eq3A_25 : i32
      %select_n3A_27 = arith.constant 0 : i32
      %select_n3A_28 = arith.select %eq3A_26, %select_n3A_27, %select_n3A_24 : i32
      %add3A_29 = arith.addi %select_n3A_28, %mul3A_6 : i32
      %add3A_30 = arith.constant 1 : i32
      %add3A_31 = arith.addi %select_n3A_28, %add3A_30 : i32
      %select_n3A_32 = arith.constant true
      %select_n3A_33 = arith.select %select_n3A_32, %add3A_31, %select_n3A_28 : i32
      %eq3A_34 = arith.constant 16 : i32
      %eq3A_35 = arith.cmpi eq, %select_n3A_33, %eq3A_34 : i32
      %select_n3A_36 = arith.constant 0 : i32
      %select_n3A_37 = arith.select %eq3A_35, %select_n3A_36, %select_n3A_33 : i32
      %add3A_38 = arith.addi %select_n3A_37, %mul3A_6 : i32
      "tpu.trace_start"() <{level = 10 : i32, message = "ep_initialize_0"}> : () -> ()
      %rem3A = arith.constant 0 : i32
      %rem3A_39 = arith.constant 2 : i32
      %rem3A_40 = arith.remui %rem3A, %rem3A_39 : i32
      %mul3A_41 = arith.constant 16 : i32
      %mul3A_42 = arith.muli %mul3A_41, %add3A_13 : i32
      %dma_start3A = arith.constant 0 : i32
      %dma_start3A_43 = arith.constant 0 : i32
      %dma_start3A_44 = tpu.memref_slice %run_scoped3A[%rem3A_40, %dma_start3A, %dma_start3A_43] : memref<2x16x64xf32, #tpu.memory_space<vmem>> -> memref<1x16x64xf32, #tpu.memory_space<vmem>>
      %dma_start3A_45 = tpu.memref_squeeze %dma_start3A_44 : memref<1x16x64xf32, #tpu.memory_space<vmem>> -> memref<16x64xf32, #tpu.memory_space<vmem>>
      %dma_start3A_46 = arith.constant 0 : i32
      %dma_start3A_47 = tpu.memref_slice %arg2[%mul3A_42, %dma_start3A_46] : memref<8192x64xf32, #tpu.memory_space<hbm>> -> memref<16x64xf32, #tpu.memory_space<hbm>>
      %dma_start3A_48 = tpu.memref_slice %run_scoped3A_7[%rem3A_40] : memref<2x!tpu.dma_semaphore, #tpu.memory_space<semaphore_mem>> -> memref<1x!tpu.dma_semaphore, #tpu.memory_space<semaphore_mem>>
      %dma_start3A_49 = tpu.memref_squeeze %dma_start3A_48 : memref<1x!tpu.dma_semaphore, #tpu.memory_space<semaphore_mem>> -> memref<!tpu.dma_semaphore, #tpu.memory_space<semaphore_mem>>
      %dma_start3A_50 = arith.constant 0 : i32
      %dma_start3A_51 = arith.constant 0 : i32
      %dma_start3A_52 = tpu.memref_slice %run_scoped3A[%rem3A_40, %dma_start3A_50, %dma_start3A_51] : memref<2x16x64xf32, #tpu.memory_space<vmem>> -> memref<1x16x64xf32, #tpu.memory_space<vmem>>
      %dma_start3A_53 = tpu.memref_squeeze %dma_start3A_52 : memref<1x16x64xf32, #tpu.memory_space<vmem>> -> memref<16x64xf32, #tpu.memory_space<vmem>>
      %dma_start3A_54 = arith.constant 0 : i32
      %dma_start3A_55 = tpu.memref_slice %arg2[%mul3A_42, %dma_start3A_54] : memref<8192x64xf32, #tpu.memory_space<hbm>> -> memref<16x64xf32, #tpu.memory_space<hbm>>
      tpu.enqueue_dma source(%dma_start3A_55 : memref<16x64xf32, #tpu.memory_space<hbm>>) target(%dma_start3A_53 : memref<16x64xf32, #tpu.memory_space<vmem>>) target_semaphore(%dma_start3A_49 : memref<!tpu.dma_semaphore, #tpu.memory_space<semaphore_mem>>)
      %add3A_56 = arith.constant 0 : i32
      %add3A_57 = arith.constant 1 : i32
      %add3A_58 = arith.addi %add3A_56, %add3A_57 : i32
      %select_n3A_59 = arith.constant true
      %select_n3A_60 = arith.constant 0 : i32
      %select_n3A_61 = arith.select %select_n3A_59, %add3A_58, %select_n3A_60 : i32
      "tpu.trace_stop"() : () -> ()
      %scan3A = arith.constant 0 : i32
      %scan3A_62 = arith.constant 0 : i32
      %scan3A_63 = arith.constant 0 : i32
      %scan3A_64 = arith.constant 0 : i32
      %scan3A_65 = arith.constant 0 : i32
      %scan3A_66 = arith.constant 0 : i32
      %scan3A_67 = arith.constant 0 : i32
      %scan3A_68 = arith.constant 16 : i32
      %scan3A_69 = arith.addi %scan3A_67, %scan3A_68 : i32
      %scan3A_70 = arith.constant 1 : i32
      %scan3A_71:7 = scf.for %scan3A_143 = %scan3A_67 to %scan3A_69 step %scan3A_70 iter_args(%scan3A_144 = %select_n3A_61, %scan3A_145 = %scan3A, %scan3A_146 = %scan3A_62, %scan3A_147 = %scan3A_63, %scan3A_148 = %scan3A_64, %scan3A_149 = %scan3A_65, %scan3A_150 = %scan3A_66) -> (i32, i32, i32, i32, i32, i32, i32)  : i32 {
        %eq3A_151 = arith.constant 0 : i32
        %eq3A_152 = arith.cmpi eq, %scan3A_143, %eq3A_151 : i32
        %eq3A_153 = arith.constant 15 : i32
        %eq3A_154 = arith.cmpi eq, %scan3A_143, %eq3A_153 : i32
        %add3A_155 = arith.addi %scan3A_150, %mul3A_6 : i32
        %sub3A_156 = arith.constant 1 : i32
        %sub3A_157 = arith.subi %scan3A_150, %sub3A_156 : i32
        %select_n3A_158 = arith.constant true
        %select_n3A_159 = arith.select %select_n3A_158, %sub3A_157, %scan3A_150 : i32
        %eq3A_160 = arith.constant -1 : i32
        %eq3A_161 = arith.cmpi eq, %select_n3A_159, %eq3A_160 : i32
        %select_n3A_162 = arith.constant 15 : i32
        %select_n3A_163 = arith.select %eq3A_161, %select_n3A_162, %select_n3A_159 : i32
        %add3A_164 = arith.addi %select_n3A_163, %mul3A_6 : i32
        %add3A_165 = arith.constant 1 : i32
        %add3A_166 = arith.addi %scan3A_150, %add3A_165 : i32
        %select_n3A_167 = arith.constant true
        %select_n3A_168 = arith.select %select_n3A_167, %add3A_166, %scan3A_150 : i32
        %eq3A_169 = arith.constant 16 : i32
        %eq3A_170 = arith.cmpi eq, %select_n3A_168, %eq3A_169 : i32
        %select_n3A_171 = arith.constant 0 : i32
        %select_n3A_172 = arith.select %eq3A_170, %select_n3A_171, %select_n3A_168 : i32
        %add3A_173 = arith.addi %select_n3A_172, %mul3A_6 : i32
        %add3A_174 = arith.constant 1 : i32
        %add3A_175 = arith.addi %select_n3A_172, %add3A_174 : i32
        %select_n3A_176 = arith.constant true
        %select_n3A_177 = arith.select %select_n3A_176, %add3A_175, %select_n3A_172 : i32
        %eq3A_178 = arith.constant 16 : i32
        %eq3A_179 = arith.cmpi eq, %select_n3A_177, %eq3A_178 : i32
        %select_n3A_180 = arith.constant 0 : i32
        %select_n3A_181 = arith.select %eq3A_179, %select_n3A_180, %select_n3A_177 : i32
        %add3A_182 = arith.addi %select_n3A_181, %mul3A_6 : i32
        %ne3A = arith.cmpi ne, %add3A_155, %add3A_173 : i32
        %or3A = arith.constant false
        %or3A_183 = arith.ori %or3A, %ne3A : i1
        %or3A_184 = arith.constant false
        %or3A_185 = arith.ori %or3A_183, %or3A_184 : i1
        %ge3A = arith.constant 15 : i32
        %ge3A_186 = arith.cmpi sge, %scan3A_143, %ge3A : i32
        %not3A = arith.constant true
        %not3A_187 = arith.xori %ge3A_186, %not3A : i1
        %and3A = arith.andi %or3A_185, %not3A_187 : i1
        %convert_element_type3A = arith.extui %and3A : i1 to i32
        %cond3A = arith.constant 0 : i32
        %cond3A_188 = arith.cmpi ne, %convert_element_type3A, %cond3A : i32
        scf.if %cond3A_188 {
          "tpu.trace_start"() <{level = 10 : i32, message = "ep_copy_in"}> : () -> ()
          %rem3A_353 = arith.constant 2 : i32
          %rem3A_354 = arith.remui %scan3A_144, %rem3A_353 : i32
          %mul3A_355 = arith.constant 16 : i32
          %mul3A_356 = arith.muli %mul3A_355, %add3A_173 : i32
          %dma_start3A_357 = arith.constant 0 : i32
          %dma_start3A_358 = arith.constant 0 : i32
          %dma_start3A_359 = tpu.memref_slice %run_scoped3A[%rem3A_354, %dma_start3A_357, %dma_start3A_358] : memref<2x16x64xf32, #tpu.memory_space<vmem>> -> memref<1x16x64xf32, #tpu.memory_space<vmem>>
          %dma_start3A_360 = tpu.memref_squeeze %dma_start3A_359 : memref<1x16x64xf32, #tpu.memory_space<vmem>> -> memref<16x64xf32, #tpu.memory_space<vmem>>
          %dma_start3A_361 = arith.constant 0 : i32
          %dma_start3A_362 = tpu.memref_slice %arg2[%mul3A_356, %dma_start3A_361] : memref<8192x64xf32, #tpu.memory_space<hbm>> -> memref<16x64xf32, #tpu.memory_space<hbm>>
          %dma_start3A_363 = tpu.memref_slice %run_scoped3A_7[%rem3A_354] : memref<2x!tpu.dma_semaphore, #tpu.memory_space<semaphore_mem>> -> memref<1x!tpu.dma_semaphore, #tpu.memory_space<semaphore_mem>>
          %dma_start3A_364 = tpu.memref_squeeze %dma_start3A_363 : memref<1x!tpu.dma_semaphore, #tpu.memory_space<semaphore_mem>> -> memref<!tpu.dma_semaphore, #tpu.memory_space<semaphore_mem>>
          %dma_start3A_365 = arith.constant 0 : i32
          %dma_start3A_366 = arith.constant 0 : i32
          %dma_start3A_367 = tpu.memref_slice %run_scoped3A[%rem3A_354, %dma_start3A_365, %dma_start3A_366] : memref<2x16x64xf32, #tpu.memory_space<vmem>> -> memref<1x16x64xf32, #tpu.memory_space<vmem>>
          %dma_start3A_368 = tpu.memref_squeeze %dma_start3A_367 : memref<1x16x64xf32, #tpu.memory_space<vmem>> -> memref<16x64xf32, #tpu.memory_space<vmem>>
          %dma_start3A_369 = arith.constant 0 : i32
          %dma_start3A_370 = tpu.memref_slice %arg2[%mul3A_356, %dma_start3A_369] : memref<8192x64xf32, #tpu.memory_space<hbm>> -> memref<16x64xf32, #tpu.memory_space<hbm>>
          tpu.enqueue_dma source(%dma_start3A_370 : memref<16x64xf32, #tpu.memory_space<hbm>>) target(%dma_start3A_368 : memref<16x64xf32, #tpu.memory_space<vmem>>) target_semaphore(%dma_start3A_364 : memref<!tpu.dma_semaphore, #tpu.memory_space<semaphore_mem>>)
          "tpu.trace_stop"() : () -> ()
        } else {
        }
        %and3A_189 = arith.constant true
        %and3A_190 = arith.andi %and3A, %and3A_189 : i1
        %add3A_191 = arith.constant 1 : i32
        %add3A_192 = arith.addi %scan3A_144, %add3A_191 : i32
        %select_n3A_193 = arith.select %and3A_190, %add3A_192, %scan3A_144 : i32
        %ne3A_194 = arith.cmpi ne, %add3A_155, %add3A_173 : i32
        %or3A_195 = arith.constant false
        %or3A_196 = arith.ori %or3A_195, %ne3A_194 : i1
        %or3A_197 = arith.constant false
        %or3A_198 = arith.ori %or3A_196, %or3A_197 : i1
        %ge3A_199 = arith.constant 15 : i32
        %ge3A_200 = arith.cmpi sge, %scan3A_143, %ge3A_199 : i32
        %not3A_201 = arith.constant true
        %not3A_202 = arith.xori %ge3A_200, %not3A_201 : i1
        %and3A_203 = arith.andi %or3A_198, %not3A_202 : i1
        %ne3A_204 = arith.cmpi ne, %add3A_155, %add3A_173 : i32
        %or3A_205 = arith.constant false
        %or3A_206 = arith.ori %or3A_205, %ne3A_204 : i1
        %or3A_207 = arith.constant false
        %or3A_208 = arith.ori %or3A_206, %or3A_207 : i1
        %ge3A_209 = arith.constant 15 : i32
        %ge3A_210 = arith.cmpi sge, %scan3A_143, %ge3A_209 : i32
        %not3A_211 = arith.constant true
        %not3A_212 = arith.xori %ge3A_210, %not3A_211 : i1
        %and3A_213 = arith.andi %or3A_208, %not3A_212 : i1
        %ne3A_214 = arith.cmpi ne, %add3A_155, %add3A_164 : i32
        %or3A_215 = arith.constant false
        %or3A_216 = arith.ori %or3A_215, %ne3A_214 : i1
        %or3A_217 = arith.constant false
        %or3A_218 = arith.ori %or3A_216, %or3A_217 : i1
        %or3A_219 = arith.ori %or3A_218, %eq3A_152 : i1
        %convert_element_type3A_220 = arith.extui %or3A_219 : i1 to i32
        %cond3A_221 = arith.constant 0 : i32
        %cond3A_222 = arith.cmpi ne, %convert_element_type3A_220, %cond3A_221 : i32
        scf.if %cond3A_222 {
          "tpu.trace_start"() <{level = 10 : i32, message = "ep_wait_in"}> : () -> ()
          %mul3A_353 = arith.constant 16 : i32
          %mul3A_354 = arith.muli %mul3A_353, %add3A_155 : i32
          %rem3A_355 = arith.constant 2 : i32
          %rem3A_356 = arith.remui %scan3A_145, %rem3A_355 : i32
          %dma_wait3A_357 = arith.constant 0 : i32
          %dma_wait3A_358 = arith.constant 0 : i32
          %dma_wait3A_359 = tpu.memref_slice %run_scoped3A[%rem3A_356, %dma_wait3A_357, %dma_wait3A_358] : memref<2x16x64xf32, #tpu.memory_space<vmem>> -> memref<1x16x64xf32, #tpu.memory_space<vmem>>
          %dma_wait3A_360 = tpu.memref_squeeze %dma_wait3A_359 : memref<1x16x64xf32, #tpu.memory_space<vmem>> -> memref<16x64xf32, #tpu.memory_space<vmem>>
          %dma_wait3A_361 = arith.constant 0 : i32
          %dma_wait3A_362 = tpu.memref_slice %arg2[%mul3A_354, %dma_wait3A_361] : memref<8192x64xf32, #tpu.memory_space<hbm>> -> memref<16x64xf32, #tpu.memory_space<hbm>>
          %dma_wait3A_363 = tpu.memref_slice %run_scoped3A_7[%rem3A_356] : memref<2x!tpu.dma_semaphore, #tpu.memory_space<semaphore_mem>> -> memref<1x!tpu.dma_semaphore, #tpu.memory_space<semaphore_mem>>
          %dma_wait3A_364 = tpu.memref_squeeze %dma_wait3A_363 : memref<1x!tpu.dma_semaphore, #tpu.memory_space<semaphore_mem>> -> memref<!tpu.dma_semaphore, #tpu.memory_space<semaphore_mem>>
          %dma_wait3A_365 = arith.constant 0 : i32
          %dma_wait3A_366 = arith.constant 0 : i32
          %dma_wait3A_367 = tpu.memref_slice %run_scoped3A[%rem3A_356, %dma_wait3A_365, %dma_wait3A_366] : memref<2x16x64xf32, #tpu.memory_space<vmem>> -> memref<1x16x64xf32, #tpu.memory_space<vmem>>
          %dma_wait3A_368 = tpu.memref_squeeze %dma_wait3A_367 : memref<1x16x64xf32, #tpu.memory_space<vmem>> -> memref<16x64xf32, #tpu.memory_space<vmem>>
          %dma_wait3A_369 = arith.constant 0 : i32
          %dma_wait3A_370 = tpu.memref_slice %arg2[%mul3A_354, %dma_wait3A_369] : memref<8192x64xf32, #tpu.memory_space<hbm>> -> memref<16x64xf32, #tpu.memory_space<hbm>>
          tpu.wait_dma2 semaphore(%dma_wait3A_364 : memref<!tpu.dma_semaphore, #tpu.memory_space<semaphore_mem>>) src(%dma_wait3A_370 : memref<16x64xf32, #tpu.memory_space<hbm>>) dst(%dma_wait3A_368 : memref<16x64xf32, #tpu.memory_space<vmem>>)
          "tpu.trace_stop"() : () -> ()
        } else {
        }
        %ne3A_223 = arith.cmpi ne, %add3A_155, %add3A_164 : i32
        %or3A_224 = arith.constant false
        %or3A_225 = arith.ori %or3A_224, %ne3A_223 : i1
        %or3A_226 = arith.constant false
        %or3A_227 = arith.ori %or3A_225, %or3A_226 : i1
        %or3A_228 = arith.ori %or3A_227, %eq3A_152 : i1
        %convert_element_type3A_229 = arith.extui %or3A_228 : i1 to i32
        %cond3A_230 = arith.constant 0 : i32
        %cond3A_231 = arith.cmpi ne, %convert_element_type3A_229, %cond3A_230 : i32
        scf.if %cond3A_231 {
        } else {
        }
        %ne3A_232 = arith.cmpi ne, %add3A_155, %add3A_164 : i32
        %or3A_233 = arith.constant false
        %or3A_234 = arith.ori %or3A_233, %ne3A_232 : i1
        %or3A_235 = arith.constant false
        %or3A_236 = arith.ori %or3A_234, %or3A_235 : i1
        %or3A_237 = arith.ori %or3A_236, %eq3A_152 : i1
        %convert_element_type3A_238 = arith.extui %or3A_237 : i1 to i32
        %cond3A_239 = arith.constant 0 : i32
        %cond3A_240 = arith.cmpi ne, %convert_element_type3A_238, %cond3A_239 : i32
        scf.if %cond3A_240 {
        } else {
        }
        %rem3A_241 = arith.constant 2 : i32
        %rem3A_242 = arith.remui %scan3A_145, %rem3A_241 : i32
        %rem3A_243 = arith.constant 2 : i32
        %rem3A_244 = arith.remui %scan3A_146, %rem3A_243 : i32
        %rem3A_245 = arith.constant 2 : i32
        %rem3A_246 = arith.remui %scan3A_148, %rem3A_245 : i32
        "tpu.trace_start"() <{level = 10 : i32, message = "ep_run_kernel"}> : () -> ()
        %scan3A_247 = arith.constant 0 : i32
        %scan3A_248 = arith.constant 16 : i32
        %scan3A_249 = arith.addi %scan3A_247, %scan3A_248 : i32
        %scan3A_250 = arith.constant 1 : i32
        scf.for %scan3A_353 = %scan3A_247 to %scan3A_249 step %scan3A_250  : i32 {
          %mul3A_354 = arith.constant 1 : i32
          %mul3A_355 = arith.muli %scan3A_353, %mul3A_354 : i32
          %add3A_356 = arith.constant 0 : i32
          %add3A_357 = arith.addi %add3A_356, %mul3A_355 : i32
          %iota3A = tpu.iota {dimensions = array<i32: 0>} : vector<16xi32>
          %get3A = arith.constant 0 : i32
          %get3A_358 = arith.constant 0 : i32
          %get3A_359 = tpu.memref_slice %run_scoped3A[%rem3A_242, %get3A, %get3A_358] : memref<2x16x64xf32, #tpu.memory_space<vmem>> -> memref<1x16x64xf32, #tpu.memory_space<vmem>>
          %get3A_360 = tpu.memref_squeeze %get3A_359 : memref<1x16x64xf32, #tpu.memory_space<vmem>> -> memref<16x64xf32, #tpu.memory_space<vmem>>
          %get3A_361 = arith.index_cast %add3A_357 : i32 to index
          %get3A_362 = arith.constant 0 : index
          %get3A_363 = tpu.vector_load %get3A_360[%get3A_361, %get3A_362] {strides = array<i32>} : memref<16x64xf32, #tpu.memory_space<vmem>>, vector<16xf32>,
          %bitcast_convert_type3A = tpu.bitcast %get3A_363 : vector<16xf32> -> vector<16xi32>
          %shift_right_arithmetic3A = arith.constant 31 : i32
          %shift_right_arithmetic3A_364 = vector.broadcast %shift_right_arithmetic3A : i32 to vector<16xi32>
          %shift_right_arithmetic3A_365 = arith.shrsi %bitcast_convert_type3A, %shift_right_arithmetic3A_364 : vector<16xi32>
          %and3A_366 = arith.constant 2147483647 : i32
          %and3A_367 = vector.broadcast %and3A_366 : i32 to vector<16xi32>
          %and3A_368 = arith.andi %shift_right_arithmetic3A_365, %and3A_367 : vector<16xi32>
          %xor3A = arith.xori %bitcast_convert_type3A, %and3A_368 : vector<16xi32>
          %and3A_369 = arith.constant -64 : i32
          %and3A_370 = vector.broadcast %and3A_369 : i32 to vector<16xi32>
          %and3A_371 = arith.andi %xor3A, %and3A_370 : vector<16xi32>
          %sub3A_372 = arith.constant 63 : i32
          %sub3A_373 = vector.broadcast %sub3A_372 : i32 to vector<16xi32>
          %sub3A_374 = arith.subi %sub3A_373, %iota3A : vector<16xi32>
          %or3A_375 = arith.ori %and3A_371, %sub3A_374 : vector<16xi32>
          %shift_right_arithmetic3A_376 = arith.constant 31 : i32
          %shift_right_arithmetic3A_377 = vector.broadcast %shift_right_arithmetic3A_376 : i32 to vector<16xi32>
          %shift_right_arithmetic3A_378 = arith.shrsi %or3A_375, %shift_right_arithmetic3A_377 : vector<16xi32>
          %and3A_379 = arith.constant 2147483647 : i32
          %and3A_380 = vector.broadcast %and3A_379 : i32 to vector<16xi32>
          %and3A_381 = arith.andi %shift_right_arithmetic3A_378, %and3A_380 : vector<16xi32>
          %xor3A_382 = arith.xori %or3A_375, %and3A_381 : vector<16xi32>
          %bitcast_convert_type3A_383 = tpu.bitcast %xor3A_382 : vector<16xi32> -> vector<16xf32>
          %get3A_384 = arith.constant 0 : i32
          %get3A_385 = arith.constant 0 : i32
          %get3A_386 = tpu.memref_slice %run_scoped3A[%rem3A_242, %get3A_384, %get3A_385] : memref<2x16x64xf32, #tpu.memory_space<vmem>> -> memref<1x16x64xf32, #tpu.memory_space<vmem>>
          %get3A_387 = tpu.memref_squeeze %get3A_386 : memref<1x16x64xf32, #tpu.memory_space<vmem>> -> memref<16x64xf32, #tpu.memory_space<vmem>>
          %get3A_388 = arith.index_cast %add3A_357 : i32 to index
          %get3A_389 = arith.constant 16 : index
          %get3A_390 = tpu.vector_load %get3A_387[%get3A_388, %get3A_389] {strides = array<i32>} : memref<16x64xf32, #tpu.memory_space<vmem>>, vector<16xf32>,
          %bitcast_convert_type3A_391 = tpu.bitcast %get3A_390 : vector<16xf32> -> vector<16xi32>
          %shift_right_arithmetic3A_392 = arith.constant 31 : i32
          %shift_right_arithmetic3A_393 = vector.broadcast %shift_right_arithmetic3A_392 : i32 to vector<16xi32>
          %shift_right_arithmetic3A_394 = arith.shrsi %bitcast_convert_type3A_391, %shift_right_arithmetic3A_393 : vector<16xi32>
          %and3A_395 = arith.constant 2147483647 : i32
          %and3A_396 = vector.broadcast %and3A_395 : i32 to vector<16xi32>
          %and3A_397 = arith.andi %shift_right_arithmetic3A_394, %and3A_396 : vector<16xi32>
          %xor3A_398 = arith.xori %bitcast_convert_type3A_391, %and3A_397 : vector<16xi32>
          %and3A_399 = arith.constant -64 : i32
          %and3A_400 = vector.broadcast %and3A_399 : i32 to vector<16xi32>
          %and3A_401 = arith.andi %xor3A_398, %and3A_400 : vector<16xi32>
          %sub3A_402 = arith.constant 47 : i32
          %sub3A_403 = vector.broadcast %sub3A_402 : i32 to vector<16xi32>
          %sub3A_404 = arith.subi %sub3A_403, %iota3A : vector<16xi32>
          %or3A_405 = arith.ori %and3A_401, %sub3A_404 : vector<16xi32>
          %shift_right_arithmetic3A_406 = arith.constant 31 : i32
          %shift_right_arithmetic3A_407 = vector.broadcast %shift_right_arithmetic3A_406 : i32 to vector<16xi32>
          %shift_right_arithmetic3A_408 = arith.shrsi %or3A_405, %shift_right_arithmetic3A_407 : vector<16xi32>
          %and3A_409 = arith.constant 2147483647 : i32
          %and3A_410 = vector.broadcast %and3A_409 : i32 to vector<16xi32>
          %and3A_411 = arith.andi %shift_right_arithmetic3A_408, %and3A_410 : vector<16xi32>
          %xor3A_412 = arith.xori %or3A_405, %and3A_411 : vector<16xi32>
          %bitcast_convert_type3A_413 = tpu.bitcast %xor3A_412 : vector<16xi32> -> vector<16xf32>
          %get3A_414 = arith.constant 0 : i32
          %get3A_415 = arith.constant 0 : i32
          %get3A_416 = tpu.memref_slice %run_scoped3A[%rem3A_242, %get3A_414, %get3A_415] : memref<2x16x64xf32, #tpu.memory_space<vmem>> -> memref<1x16x64xf32, #tpu.memory_space<vmem>>
          %get3A_417 = tpu.memref_squeeze %get3A_416 : memref<1x16x64xf32, #tpu.memory_space<vmem>> -> memref<16x64xf32, #tpu.memory_space<vmem>>
          %get3A_418 = arith.index_cast %add3A_357 : i32 to index
          %get3A_419 = arith.constant 32 : index
          %get3A_420 = tpu.vector_load %get3A_417[%get3A_418, %get3A_419] {strides = array<i32>} : memref<16x64xf32, #tpu.memory_space<vmem>>, vector<16xf32>,
          %bitcast_convert_type3A_421 = tpu.bitcast %get3A_420 : vector<16xf32> -> vector<16xi32>
          %shift_right_arithmetic3A_422 = arith.constant 31 : i32
          %shift_right_arithmetic3A_423 = vector.broadcast %shift_right_arithmetic3A_422 : i32 to vector<16xi32>
          %shift_right_arithmetic3A_424 = arith.shrsi %bitcast_convert_type3A_421, %shift_right_arithmetic3A_423 : vector<16xi32>
          %and3A_425 = arith.constant 2147483647 : i32
          %and3A_426 = vector.broadcast %and3A_425 : i32 to vector<16xi32>
          %and3A_427 = arith.andi %shift_right_arithmetic3A_424, %and3A_426 : vector<16xi32>
          %xor3A_428 = arith.xori %bitcast_convert_type3A_421, %and3A_427 : vector<16xi32>
          %and3A_429 = arith.constant -64 : i32
          %and3A_430 = vector.broadcast %and3A_429 : i32 to vector<16xi32>
          %and3A_431 = arith.andi %xor3A_428, %and3A_430 : vector<16xi32>
          %sub3A_432 = arith.constant 31 : i32
          %sub3A_433 = vector.broadcast %sub3A_432 : i32 to vector<16xi32>
          %sub3A_434 = arith.subi %sub3A_433, %iota3A : vector<16xi32>
          %or3A_435 = arith.ori %and3A_431, %sub3A_434 : vector<16xi32>
          %shift_right_arithmetic3A_436 = arith.constant 31 : i32
          %shift_right_arithmetic3A_437 = vector.broadcast %shift_right_arithmetic3A_436 : i32 to vector<16xi32>
          %shift_right_arithmetic3A_438 = arith.shrsi %or3A_435, %shift_right_arithmetic3A_437 : vector<16xi32>
          %and3A_439 = arith.constant 2147483647 : i32
          %and3A_440 = vector.broadcast %and3A_439 : i32 to vector<16xi32>
          %and3A_441 = arith.andi %shift_right_arithmetic3A_438, %and3A_440 : vector<16xi32>
          %xor3A_442 = arith.xori %or3A_435, %and3A_441 : vector<16xi32>
          %bitcast_convert_type3A_443 = tpu.bitcast %xor3A_442 : vector<16xi32> -> vector<16xf32>
          %get3A_444 = arith.constant 0 : i32
          %get3A_445 = arith.constant 0 : i32
          %get3A_446 = tpu.memref_slice %run_scoped3A[%rem3A_242, %get3A_444, %get3A_445] : memref<2x16x64xf32, #tpu.memory_space<vmem>> -> memref<1x16x64xf32, #tpu.memory_space<vmem>>
          %get3A_447 = tpu.memref_squeeze %get3A_446 : memref<1x16x64xf32, #tpu.memory_space<vmem>> -> memref<16x64xf32, #tpu.memory_space<vmem>>
          %get3A_448 = arith.index_cast %add3A_357 : i32 to index
          %get3A_449 = arith.constant 48 : index
          %get3A_450 = tpu.vector_load %get3A_447[%get3A_448, %get3A_449] {strides = array<i32>} : memref<16x64xf32, #tpu.memory_space<vmem>>, vector<16xf32>,
          %bitcast_convert_type3A_451 = tpu.bitcast %get3A_450 : vector<16xf32> -> vector<16xi32>
          %shift_right_arithmetic3A_452 = arith.constant 31 : i32
          %shift_right_arithmetic3A_453 = vector.broadcast %shift_right_arithmetic3A_452 : i32 to vector<16xi32>
          %shift_right_arithmetic3A_454 = arith.shrsi %bitcast_convert_type3A_451, %shift_right_arithmetic3A_453 : vector<16xi32>
          %and3A_455 = arith.constant 2147483647 : i32
          %and3A_456 = vector.broadcast %and3A_455 : i32 to vector<16xi32>
          %and3A_457 = arith.andi %shift_right_arithmetic3A_454, %and3A_456 : vector<16xi32>
          %xor3A_458 = arith.xori %bitcast_convert_type3A_451, %and3A_457 : vector<16xi32>
          %and3A_459 = arith.constant -64 : i32
          %and3A_460 = vector.broadcast %and3A_459 : i32 to vector<16xi32>
          %and3A_461 = arith.andi %xor3A_458, %and3A_460 : vector<16xi32>
          %sub3A_462 = arith.constant 15 : i32
          %sub3A_463 = vector.broadcast %sub3A_462 : i32 to vector<16xi32>
          %sub3A_464 = arith.subi %sub3A_463, %iota3A : vector<16xi32>
          %or3A_465 = arith.ori %and3A_461, %sub3A_464 : vector<16xi32>
          %shift_right_arithmetic3A_466 = arith.constant 31 : i32
          %shift_right_arithmetic3A_467 = vector.broadcast %shift_right_arithmetic3A_466 : i32 to vector<16xi32>
          %shift_right_arithmetic3A_468 = arith.shrsi %or3A_465, %shift_right_arithmetic3A_467 : vector<16xi32>
          %and3A_469 = arith.constant 2147483647 : i32
          %and3A_470 = vector.broadcast %and3A_469 : i32 to vector<16xi32>
          %and3A_471 = arith.andi %shift_right_arithmetic3A_468, %and3A_470 : vector<16xi32>
          %xor3A_472 = arith.xori %or3A_465, %and3A_471 : vector<16xi32>
          %bitcast_convert_type3A_473 = tpu.bitcast %xor3A_472 : vector<16xi32> -> vector<16xf32>
          %lt3A = arith.constant 8 : i32
          %lt3A_474 = vector.broadcast %lt3A : i32 to vector<16xi32>
          %lt3A_475 = arith.cmpi slt, %iota3A, %lt3A_474 : vector<16xi32>
          %masked_sort3A = arith.constant dense<true> : vector<16xi1>
          %masked_sort3A_476, %masked_sort3A_477, %masked_sort3A_478 = tpu.sort %bitcast_convert_type3A_383, %bitcast_convert_type3A_383 masked %masked_sort3A {descending = true} : (vector<16xf32>, vector<16xf32>, vector<16xi1>) -> (vector<16xi1>, vector<16xf32>, vector<16xf32>)
          %masked_sort3A_479 = arith.constant dense<true> : vector<16xi1>
          %masked_sort3A_480, %masked_sort3A_481, %masked_sort3A_482 = tpu.sort %bitcast_convert_type3A_413, %bitcast_convert_type3A_413 masked %masked_sort3A_479 {descending = true} : (vector<16xf32>, vector<16xf32>, vector<16xi1>) -> (vector<16xi1>, vector<16xf32>, vector<16xf32>)
          %masked_sort3A_483 = arith.constant dense<true> : vector<16xi1>
          %masked_sort3A_484, %masked_sort3A_485, %masked_sort3A_486 = tpu.sort %bitcast_convert_type3A_443, %bitcast_convert_type3A_443 masked %masked_sort3A_483 {descending = true} : (vector<16xf32>, vector<16xf32>, vector<16xi1>) -> (vector<16xi1>, vector<16xf32>, vector<16xf32>)
          %masked_sort3A_487 = arith.constant dense<true> : vector<16xi1>
          %masked_sort3A_488, %masked_sort3A_489, %masked_sort3A_490 = tpu.sort %bitcast_convert_type3A_473, %bitcast_convert_type3A_473 masked %masked_sort3A_487 {descending = true} : (vector<16xf32>, vector<16xf32>, vector<16xi1>) -> (vector<16xi1>, vector<16xf32>, vector<16xf32>)
          %rev3A = arith.constant 15 : i32
          %rev3A_491 = vector.broadcast %rev3A : i32 to vector<16xi32>
          %rev3A_492 = tpu.iota {dimensions = array<i32: 0>} : vector<16xi32>
          %rev3A_493 = arith.subi %rev3A_491, %rev3A_492 : vector<16xi32>
          %rev3A_494 = tpu.dynamic_gather %masked_sort3A_481[%rev3A_493] in [0] : vector<16xf32>, vector<16xi32> -> vector<16xf32>
          %select_n3A_495 = arith.select %lt3A_475, %masked_sort3A_477, %rev3A_494 : vector<16xi1>, vector<16xf32>
          %masked_sort3A_496 = arith.constant dense<true> : vector<16xi1>
          %masked_sort3A_497, %masked_sort3A_498, %masked_sort3A_499 = tpu.sort %select_n3A_495, %select_n3A_495 masked %masked_sort3A_496 {descending = true} : (vector<16xf32>, vector<16xf32>, vector<16xi1>) -> (vector<16xi1>, vector<16xf32>, vector<16xf32>)
          %rev3A_500 = arith.constant 15 : i32
          %rev3A_501 = vector.broadcast %rev3A_500 : i32 to vector<16xi32>
          %rev3A_502 = tpu.iota {dimensions = array<i32: 0>} : vector<16xi32>
          %rev3A_503 = arith.subi %rev3A_501, %rev3A_502 : vector<16xi32>
          %rev3A_504 = tpu.dynamic_gather %masked_sort3A_489[%rev3A_503] in [0] : vector<16xf32>, vector<16xi32> -> vector<16xf32>
          %select_n3A_505 = arith.select %lt3A_475, %masked_sort3A_485, %rev3A_504 : vector<16xi1>, vector<16xf32>
          %masked_sort3A_506 = arith.constant dense<true> : vector<16xi1>
          %masked_sort3A_507, %masked_sort3A_508, %masked_sort3A_509 = tpu.sort %select_n3A_505, %select_n3A_505 masked %masked_sort3A_506 {descending = true} : (vector<16xf32>, vector<16xf32>, vector<16xi1>) -> (vector<16xi1>, vector<16xf32>, vector<16xf32>)
          %rev3A_510 = arith.constant 15 : i32
          %rev3A_511 = vector.broadcast %rev3A_510 : i32 to vector<16xi32>
          %rev3A_512 = tpu.iota {dimensions = array<i32: 0>} : vector<16xi32>
          %rev3A_513 = arith.subi %rev3A_511, %rev3A_512 : vector<16xi32>
          %rev3A_514 = tpu.dynamic_gather %masked_sort3A_508[%rev3A_513] in [0] : vector<16xf32>, vector<16xi32> -> vector<16xf32>
          %select_n3A_515 = arith.select %lt3A_475, %masked_sort3A_498, %rev3A_514 : vector<16xi1>, vector<16xf32>
          %masked_sort3A_516 = arith.constant dense<true> : vector<16xi1>
          %masked_sort3A_517, %masked_sort3A_518, %masked_sort3A_519 = tpu.sort %select_n3A_515, %select_n3A_515 masked %masked_sort3A_516 {descending = true} : (vector<16xf32>, vector<16xf32>, vector<16xi1>) -> (vector<16xi1>, vector<16xf32>, vector<16xf32>)
          %iota3A_520 = tpu.iota {dimensions = array<i32: 0>} : vector<16xi32>
          %reduce_max3A = arith.constant true
          %reduce_max3A_521 = vector.broadcast %reduce_max3A : i1 to vector<16xi1>
          %reduce_max3A_522 = tpu.scan <max>, %masked_sort3A_518 masked %reduce_max3A_521 : vector<16xf32>, vector<16xi1> -> vector<16xf32>
          %reduce_max3A_523 = vector.extract %reduce_max3A_522[15] : f32 from vector<16xf32>
          %lt3A_524 = arith.constant 8 : i32
          %lt3A_525 = vector.broadcast %lt3A_524 : i32 to vector<16xi32>
          %lt3A_526 = arith.cmpi slt, %iota3A_520, %lt3A_525 : vector<16xi32>
          %jit3A = arith.constant 0x7F800000 : f32
          %broadcast_in_dim3A = vector.broadcast %jit3A : f32 to vector<16xf32>
          %select_n3A_527 = arith.select %lt3A_526, %masked_sort3A_518, %broadcast_in_dim3A : vector<16xi1>, vector<16xf32>
          %reduce_min3A = arith.constant true
          %reduce_min3A_528 = vector.broadcast %reduce_min3A : i1 to vector<16xi1>
          %reduce_min3A_529 = tpu.scan <min>, %select_n3A_527 masked %reduce_min3A_528 : vector<16xf32>, vector<16xi1> -> vector<16xf32>
          %reduce_min3A_530 = vector.extract %reduce_min3A_529[15] : f32 from vector<16xf32>
          %sub3A_531 = vector.broadcast %reduce_max3A_523 : f32 to vector<16xf32>
          %sub3A_532 = arith.subf %bitcast_convert_type3A_383, %sub3A_531 : vector<16xf32>
          %exp3A = math.exp %sub3A_532 : vector<16xf32>
          %ge3A_533 = vector.broadcast %reduce_min3A_530 : f32 to vector<16xf32>
          %ge3A_534 = arith.cmpf oge, %bitcast_convert_type3A_383, %ge3A_533 : vector<16xf32>
          %jit3A_535 = arith.constant 0.000000e+00 : f32
          %broadcast_in_dim3A_536 = vector.broadcast %jit3A_535 : f32 to vector<16xf32>
          %select_n3A_537 = arith.select %ge3A_534, %exp3A, %broadcast_in_dim3A_536 : vector<16xi1>, vector<16xf32>
          %sub3A_538 = vector.broadcast %reduce_max3A_523 : f32 to vector<16xf32>
          %sub3A_539 = arith.subf %bitcast_convert_type3A_413, %sub3A_538 : vector<16xf32>
          %exp3A_540 = math.exp %sub3A_539 : vector<16xf32>
          %ge3A_541 = vector.broadcast %reduce_min3A_530 : f32 to vector<16xf32>
          %ge3A_542 = arith.cmpf oge, %bitcast_convert_type3A_413, %ge3A_541 : vector<16xf32>
          %jit3A_543 = arith.constant 0.000000e+00 : f32
          %broadcast_in_dim3A_544 = vector.broadcast %jit3A_543 : f32 to vector<16xf32>
          %select_n3A_545 = arith.select %ge3A_542, %exp3A_540, %broadcast_in_dim3A_544 : vector<16xi1>, vector<16xf32>
          %sub3A_546 = vector.broadcast %reduce_max3A_523 : f32 to vector<16xf32>
          %sub3A_547 = arith.subf %bitcast_convert_type3A_443, %sub3A_546 : vector<16xf32>
          %exp3A_548 = math.exp %sub3A_547 : vector<16xf32>
          %ge3A_549 = vector.broadcast %reduce_min3A_530 : f32 to vector<16xf32>
          %ge3A_550 = arith.cmpf oge, %bitcast_convert_type3A_443, %ge3A_549 : vector<16xf32>
          %jit3A_551 = arith.constant 0.000000e+00 : f32
          %broadcast_in_dim3A_552 = vector.broadcast %jit3A_551 : f32 to vector<16xf32>
          %select_n3A_553 = arith.select %ge3A_550, %exp3A_548, %broadcast_in_dim3A_552 : vector<16xi1>, vector<16xf32>
          %sub3A_554 = vector.broadcast %reduce_max3A_523 : f32 to vector<16xf32>
          %sub3A_555 = arith.subf %bitcast_convert_type3A_473, %sub3A_554 : vector<16xf32>
          %exp3A_556 = math.exp %sub3A_555 : vector<16xf32>
          %ge3A_557 = vector.broadcast %reduce_min3A_530 : f32 to vector<16xf32>
          %ge3A_558 = arith.cmpf oge, %bitcast_convert_type3A_473, %ge3A_557 : vector<16xf32>
          %jit3A_559 = arith.constant 0.000000e+00 : f32
          %broadcast_in_dim3A_560 = vector.broadcast %jit3A_559 : f32 to vector<16xf32>
          %select_n3A_561 = arith.select %ge3A_558, %exp3A_556, %broadcast_in_dim3A_560 : vector<16xi1>, vector<16xf32>
          %add3A_562 = arith.addf %select_n3A_537, %select_n3A_545 : vector<16xf32>
          %add3A_563 = arith.addf %add3A_562, %select_n3A_553 : vector<16xf32>
          %add3A_564 = arith.addf %add3A_563, %select_n3A_561 : vector<16xf32>
          %reduce_sum3A = arith.constant true
          %reduce_sum3A_565 = vector.broadcast %reduce_sum3A : i1 to vector<16xi1>
          %reduce_sum3A_566 = tpu.scan <sum>, %add3A_564 masked %reduce_sum3A_565 : vector<16xf32>, vector<16xi1> -> vector<16xf32>
          %reduce_sum3A_567 = vector.extract %reduce_sum3A_566[15] : f32 from vector<16xf32>
          %broadcast_in_dim3A_568 = arith.constant 1.000000e+00 : f32
          %broadcast_in_dim3A_569 = vector.broadcast %broadcast_in_dim3A_568 : f32 to vector<16xf32>
          %mul3A_570 = vector.broadcast %reduce_sum3A_567 : f32 to vector<16xf32>
          %mul3A_571 = arith.mulf %broadcast_in_dim3A_569, %mul3A_570 : vector<16xf32>
          %div3A = arith.divf %broadcast_in_dim3A_569, %mul3A_571 : vector<16xf32>
          %mul3A_572 = arith.mulf %select_n3A_537, %div3A : vector<16xf32>
          %swap3A = arith.constant 0 : i32
          %swap3A_573 = arith.constant 0 : i32
          %swap3A_574 = tpu.memref_slice %run_scoped3A_8[%rem3A_244, %swap3A, %swap3A_573] : memref<2x16x64xf32, #tpu.memory_space<vmem>> -> memref<1x16x64xf32, #tpu.memory_space<vmem>>
          %swap3A_575 = tpu.memref_squeeze %swap3A_574 : memref<1x16x64xf32, #tpu.memory_space<vmem>> -> memref<16x64xf32, #tpu.memory_space<vmem>>
          %swap3A_576 = arith.index_cast %add3A_357 : i32 to index
          %swap3A_577 = arith.constant 0 : index
          %swap3A_578 = tpu.vector_load %swap3A_575[%swap3A_576, %swap3A_577] {strides = array<i32>} : memref<16x64xf32, #tpu.memory_space<vmem>>, vector<16xf32>,
          tpu.vector_store %swap3A_575[%swap3A_576, %swap3A_577], %mul3A_572 {strides = array<i32>} : memref<16x64xf32, #tpu.memory_space<vmem>>, vector<16xf32>,
          %mul3A_579 = arith.mulf %select_n3A_545, %div3A : vector<16xf32>
          %swap3A_580 = arith.constant 0 : i32
          %swap3A_581 = arith.constant 0 : i32
          %swap3A_582 = tpu.memref_slice %run_scoped3A_8[%rem3A_244, %swap3A_580, %swap3A_581] : memref<2x16x64xf32, #tpu.memory_space<vmem>> -> memref<1x16x64xf32, #tpu.memory_space<vmem>>
          %swap3A_583 = tpu.memref_squeeze %swap3A_582 : memref<1x16x64xf32, #tpu.memory_space<vmem>> -> memref<16x64xf32, #tpu.memory_space<vmem>>
          %swap3A_584 = arith.index_cast %add3A_357 : i32 to index
          %swap3A_585 = arith.constant 16 : index
          %swap3A_586 = tpu.vector_load %swap3A_583[%swap3A_584, %swap3A_585] {strides = array<i32>} : memref<16x64xf32, #tpu.memory_space<vmem>>, vector<16xf32>,
          tpu.vector_store %swap3A_583[%swap3A_584, %swap3A_585], %mul3A_579 {strides = array<i32>} : memref<16x64xf32, #tpu.memory_space<vmem>>, vector<16xf32>,
          %mul3A_587 = arith.mulf %select_n3A_553, %div3A : vector<16xf32>
          %swap3A_588 = arith.constant 0 : i32
          %swap3A_589 = arith.constant 0 : i32
          %swap3A_590 = tpu.memref_slice %run_scoped3A_8[%rem3A_244, %swap3A_588, %swap3A_589] : memref<2x16x64xf32, #tpu.memory_space<vmem>> -> memref<1x16x64xf32, #tpu.memory_space<vmem>>
          %swap3A_591 = tpu.memref_squeeze %swap3A_590 : memref<1x16x64xf32, #tpu.memory_space<vmem>> -> memref<16x64xf32, #tpu.memory_space<vmem>>
          %swap3A_592 = arith.index_cast %add3A_357 : i32 to index
          %swap3A_593 = arith.constant 32 : index
          %swap3A_594 = tpu.vector_load %swap3A_591[%swap3A_592, %swap3A_593] {strides = array<i32>} : memref<16x64xf32, #tpu.memory_space<vmem>>, vector<16xf32>,
          tpu.vector_store %swap3A_591[%swap3A_592, %swap3A_593], %mul3A_587 {strides = array<i32>} : memref<16x64xf32, #tpu.memory_space<vmem>>, vector<16xf32>,
          %mul3A_595 = arith.mulf %select_n3A_561, %div3A : vector<16xf32>
          %swap3A_596 = arith.constant 0 : i32
          %swap3A_597 = arith.constant 0 : i32
          %swap3A_598 = tpu.memref_slice %run_scoped3A_8[%rem3A_244, %swap3A_596, %swap3A_597] : memref<2x16x64xf32, #tpu.memory_space<vmem>> -> memref<1x16x64xf32, #tpu.memory_space<vmem>>
          %swap3A_599 = tpu.memref_squeeze %swap3A_598 : memref<1x16x64xf32, #tpu.memory_space<vmem>> -> memref<16x64xf32, #tpu.memory_space<vmem>>
          %swap3A_600 = arith.index_cast %add3A_357 : i32 to index
          %swap3A_601 = arith.constant 48 : index
          %swap3A_602 = tpu.vector_load %swap3A_599[%swap3A_600, %swap3A_601] {strides = array<i32>} : memref<16x64xf32, #tpu.memory_space<vmem>>, vector<16xf32>,
          tpu.vector_store %swap3A_599[%swap3A_600, %swap3A_601], %mul3A_595 {strides = array<i32>} : memref<16x64xf32, #tpu.memory_space<vmem>>, vector<16xf32>,
          %bitcast_convert_type3A_603 = tpu.bitcast %masked_sort3A_518 : vector<16xf32> -> vector<16xi32>
          %shift_right_arithmetic3A_604 = arith.constant 31 : i32
          %shift_right_arithmetic3A_605 = vector.broadcast %shift_right_arithmetic3A_604 : i32 to vector<16xi32>
          %shift_right_arithmetic3A_606 = arith.shrsi %bitcast_convert_type3A_603, %shift_right_arithmetic3A_605 : vector<16xi32>
          %and3A_607 = arith.constant 2147483647 : i32
          %and3A_608 = vector.broadcast %and3A_607 : i32 to vector<16xi32>
          %and3A_609 = arith.andi %shift_right_arithmetic3A_606, %and3A_608 : vector<16xi32>
          %xor3A_610 = arith.xori %bitcast_convert_type3A_603, %and3A_609 : vector<16xi32>
          %and3A_611 = arith.constant 63 : i32
          %and3A_612 = vector.broadcast %and3A_611 : i32 to vector<16xi32>
          %and3A_613 = arith.andi %xor3A_610, %and3A_612 : vector<16xi32>
          %sub3A_614 = arith.constant 63 : i32
          %sub3A_615 = vector.broadcast %sub3A_614 : i32 to vector<16xi32>
          %sub3A_616 = arith.subi %sub3A_615, %and3A_613 : vector<16xi32>
          %swap3A_617 = arith.constant 0 : i32
          %swap3A_618 = arith.constant 0 : i32
          %swap3A_619 = tpu.memref_slice %run_scoped3A_10[%rem3A_246, %swap3A_617, %swap3A_618] : memref<2x16x16xi32, #tpu.memory_space<vmem>> -> memref<1x16x16xi32, #tpu.memory_space<vmem>>
          %swap3A_620 = tpu.memref_squeeze %swap3A_619 : memref<1x16x16xi32, #tpu.memory_space<vmem>> -> memref<16x16xi32, #tpu.memory_space<vmem>>
          %swap3A_621 = arith.index_cast %add3A_357 : i32 to index
          %swap3A_622 = arith.constant 0 : index
          %swap3A_623 = tpu.vector_load %swap3A_620[%swap3A_621, %swap3A_622] {strides = array<i32>} : memref<16x16xi32, #tpu.memory_space<vmem>>, vector<16xi32>,
          tpu.vector_store %swap3A_620[%swap3A_621, %swap3A_622], %sub3A_616 {strides = array<i32>} : memref<16x16xi32, #tpu.memory_space<vmem>>, vector<16xi32>,
        }
        %scan3A_251 = arith.constant 16 : i32
        "tpu.trace_stop"() : () -> ()
        %ne3A_252 = arith.cmpi ne, %add3A_155, %add3A_173 : i32
        %or3A_253 = arith.constant false
        %or3A_254 = arith.ori %or3A_253, %ne3A_252 : i1
        %or3A_255 = arith.constant false
        %or3A_256 = arith.ori %or3A_254, %or3A_255 : i1
        %or3A_257 = arith.ori %or3A_256, %eq3A_154 : i1
        %convert_element_type3A_258 = arith.extui %or3A_257 : i1 to i32
        %cond3A_259 = arith.constant 0 : i32
        %cond3A_260 = arith.cmpi ne, %convert_element_type3A_258, %cond3A_259 : i32
        scf.if %cond3A_260 {
        } else {
        }
        %and3A_261 = arith.constant false
        %and3A_262 = arith.andi %or3A_257, %and3A_261 : i1
        %ne3A_263 = arith.cmpi ne, %add3A_155, %add3A_173 : i32
        %or3A_264 = arith.constant false
        %or3A_265 = arith.ori %or3A_264, %ne3A_263 : i1
        %or3A_266 = arith.constant false
        %or3A_267 = arith.ori %or3A_265, %or3A_266 : i1
        %or3A_268 = arith.ori %or3A_267, %eq3A_154 : i1
        %convert_element_type3A_269 = arith.extui %or3A_268 : i1 to i32
        %cond3A_270 = arith.constant 0 : i32
        %cond3A_271 = arith.cmpi ne, %convert_element_type3A_269, %cond3A_270 : i32
        scf.if %cond3A_271 {
          "tpu.trace_start"() <{level = 10 : i32, message = "ep_copy_out"}> : () -> ()
          %rem3A_353 = arith.constant 2 : i32
          %rem3A_354 = arith.remui %scan3A_146, %rem3A_353 : i32
          %mul3A_355 = arith.constant 16 : i32
          %mul3A_356 = arith.muli %mul3A_355, %add3A_155 : i32
          %dma_start3A_357 = arith.constant 0 : i32
          %dma_start3A_358 = arith.constant 0 : i32
          %dma_start3A_359 = tpu.memref_slice %run_scoped3A_8[%rem3A_354, %dma_start3A_357, %dma_start3A_358] : memref<2x16x64xf32, #tpu.memory_space<vmem>> -> memref<1x16x64xf32, #tpu.memory_space<vmem>>
          %dma_start3A_360 = tpu.memref_squeeze %dma_start3A_359 : memref<1x16x64xf32, #tpu.memory_space<vmem>> -> memref<16x64xf32, #tpu.memory_space<vmem>>
          %dma_start3A_361 = arith.constant 0 : i32
          %dma_start3A_362 = tpu.memref_slice %arg3[%mul3A_356, %dma_start3A_361] : memref<8192x64xf32, #tpu.memory_space<hbm>> -> memref<16x64xf32, #tpu.memory_space<hbm>>
          %dma_start3A_363 = tpu.memref_slice %run_scoped3A_9[%rem3A_354] : memref<2x!tpu.dma_semaphore, #tpu.memory_space<semaphore_mem>> -> memref<1x!tpu.dma_semaphore, #tpu.memory_space<semaphore_mem>>
          %dma_start3A_364 = tpu.memref_squeeze %dma_start3A_363 : memref<1x!tpu.dma_semaphore, #tpu.memory_space<semaphore_mem>> -> memref<!tpu.dma_semaphore, #tpu.memory_space<semaphore_mem>>
          %dma_start3A_365 = arith.constant 0 : i32
          %dma_start3A_366 = tpu.memref_slice %arg3[%mul3A_356, %dma_start3A_365] : memref<8192x64xf32, #tpu.memory_space<hbm>> -> memref<16x64xf32, #tpu.memory_space<hbm>>
          %dma_start3A_367 = arith.constant 0 : i32
          %dma_start3A_368 = arith.constant 0 : i32
          %dma_start3A_369 = tpu.memref_slice %run_scoped3A_8[%rem3A_354, %dma_start3A_367, %dma_start3A_368] : memref<2x16x64xf32, #tpu.memory_space<vmem>> -> memref<1x16x64xf32, #tpu.memory_space<vmem>>
          %dma_start3A_370 = tpu.memref_squeeze %dma_start3A_369 : memref<1x16x64xf32, #tpu.memory_space<vmem>> -> memref<16x64xf32, #tpu.memory_space<vmem>>
          tpu.enqueue_dma source(%dma_start3A_370 : memref<16x64xf32, #tpu.memory_space<vmem>>) target(%dma_start3A_366 : memref<16x64xf32, #tpu.memory_space<hbm>>) target_semaphore(%dma_start3A_364 : memref<!tpu.dma_semaphore, #tpu.memory_space<semaphore_mem>>)
          "tpu.trace_stop"() : () -> ()
        } else {
        }
        %and3A_272 = arith.constant true
        %and3A_273 = arith.andi %or3A_268, %and3A_272 : i1
        %add3A_274 = arith.constant 1 : i32
        %add3A_275 = arith.addi %scan3A_146, %add3A_274 : i32
        %select_n3A_276 = arith.select %and3A_273, %add3A_275, %scan3A_146 : i32
        %ne3A_277 = arith.cmpi ne, %add3A_155, %add3A_173 : i32
        %or3A_278 = arith.constant false
        %or3A_279 = arith.ori %or3A_278, %ne3A_277 : i1
        %or3A_280 = arith.constant false
        %or3A_281 = arith.ori %or3A_279, %or3A_280 : i1
        %or3A_282 = arith.ori %or3A_281, %eq3A_154 : i1
        %convert_element_type3A_283 = arith.extui %or3A_282 : i1 to i32
        %cond3A_284 = arith.constant 0 : i32
        %cond3A_285 = arith.cmpi ne, %convert_element_type3A_283, %cond3A_284 : i32
        scf.if %cond3A_285 {
          "tpu.trace_start"() <{level = 10 : i32, message = "ep_copy_out"}> : () -> ()
          %rem3A_353 = arith.constant 2 : i32
          %rem3A_354 = arith.remui %scan3A_148, %rem3A_353 : i32
          %mul3A_355 = arith.constant 16 : i32
          %mul3A_356 = arith.muli %mul3A_355, %add3A_155 : i32
          %dma_start3A_357 = arith.constant 0 : i32
          %dma_start3A_358 = arith.constant 0 : i32
          %dma_start3A_359 = tpu.memref_slice %run_scoped3A_10[%rem3A_354, %dma_start3A_357, %dma_start3A_358] : memref<2x16x16xi32, #tpu.memory_space<vmem>> -> memref<1x16x16xi32, #tpu.memory_space<vmem>>
          %dma_start3A_360 = tpu.memref_squeeze %dma_start3A_359 : memref<1x16x16xi32, #tpu.memory_space<vmem>> -> memref<16x16xi32, #tpu.memory_space<vmem>>
          %dma_start3A_361 = arith.constant 0 : i32
          %dma_start3A_362 = tpu.memref_slice %arg4[%mul3A_356, %dma_start3A_361] : memref<8192x16xi32, #tpu.memory_space<hbm>> -> memref<16x16xi32, #tpu.memory_space<hbm>>
          %dma_start3A_363 = tpu.memref_slice %run_scoped3A_11[%rem3A_354] : memref<2x!tpu.dma_semaphore, #tpu.memory_space<semaphore_mem>> -> memref<1x!tpu.dma_semaphore, #tpu.memory_space<semaphore_mem>>
          %dma_start3A_364 = tpu.memref_squeeze %dma_start3A_363 : memref<1x!tpu.dma_semaphore, #tpu.memory_space<semaphore_mem>> -> memref<!tpu.dma_semaphore, #tpu.memory_space<semaphore_mem>>
          %dma_start3A_365 = arith.constant 0 : i32
          %dma_start3A_366 = tpu.memref_slice %arg4[%mul3A_356, %dma_start3A_365] : memref<8192x16xi32, #tpu.memory_space<hbm>> -> memref<16x16xi32, #tpu.memory_space<hbm>>
          %dma_start3A_367 = arith.constant 0 : i32
          %dma_start3A_368 = arith.constant 0 : i32
          %dma_start3A_369 = tpu.memref_slice %run_scoped3A_10[%rem3A_354, %dma_start3A_367, %dma_start3A_368] : memref<2x16x16xi32, #tpu.memory_space<vmem>> -> memref<1x16x16xi32, #tpu.memory_space<vmem>>
          %dma_start3A_370 = tpu.memref_squeeze %dma_start3A_369 : memref<1x16x16xi32, #tpu.memory_space<vmem>> -> memref<16x16xi32, #tpu.memory_space<vmem>>
          tpu.enqueue_dma source(%dma_start3A_370 : memref<16x16xi32, #tpu.memory_space<vmem>>) target(%dma_start3A_366 : memref<16x16xi32, #tpu.memory_space<hbm>>) target_semaphore(%dma_start3A_364 : memref<!tpu.dma_semaphore, #tpu.memory_space<semaphore_mem>>)
          "tpu.trace_stop"() : () -> ()
        } else {
        }
        %and3A_286 = arith.constant true
        %and3A_287 = arith.andi %or3A_282, %and3A_286 : i1
        %add3A_288 = arith.constant 1 : i32
        %add3A_289 = arith.addi %scan3A_148, %add3A_288 : i32
        %select_n3A_290 = arith.select %and3A_287, %add3A_289, %scan3A_148 : i32
        %ne3A_291 = arith.cmpi ne, %add3A_155, %add3A_164 : i32
        %or3A_292 = arith.constant false
        %or3A_293 = arith.ori %or3A_292, %ne3A_291 : i1
        %or3A_294 = arith.constant false
        %or3A_295 = arith.ori %or3A_293, %or3A_294 : i1
        %not3A_296 = arith.constant true
        %not3A_297 = arith.xori %eq3A_152, %not3A_296 : i1
        %and3A_298 = arith.andi %or3A_295, %not3A_297 : i1
        %convert_element_type3A_299 = arith.extui %and3A_298 : i1 to i32
        %cond3A_300 = arith.constant 0 : i32
        %cond3A_301 = arith.cmpi ne, %convert_element_type3A_299, %cond3A_300 : i32
        scf.if %cond3A_301 {
        } else {
        }
        %and3A_302 = arith.constant false
        %and3A_303 = arith.andi %and3A_298, %and3A_302 : i1
        %ne3A_304 = arith.cmpi ne, %add3A_155, %add3A_164 : i32
        %or3A_305 = arith.constant false
        %or3A_306 = arith.ori %or3A_305, %ne3A_304 : i1
        %or3A_307 = arith.constant false
        %or3A_308 = arith.ori %or3A_306, %or3A_307 : i1
        %not3A_309 = arith.constant true
        %not3A_310 = arith.xori %eq3A_152, %not3A_309 : i1
        %and3A_311 = arith.andi %or3A_308, %not3A_310 : i1
        %convert_element_type3A_312 = arith.extui %and3A_311 : i1 to i32
        %cond3A_313 = arith.constant 0 : i32
        %cond3A_314 = arith.cmpi ne, %convert_element_type3A_312, %cond3A_313 : i32
        scf.if %cond3A_314 {
          "tpu.trace_start"() <{level = 10 : i32, message = "ep_wait_out"}> : () -> ()
          %rem3A_353 = arith.constant 2 : i32
          %rem3A_354 = arith.remui %scan3A_147, %rem3A_353 : i32
          %mul3A_355 = arith.constant 16 : i32
          %mul3A_356 = arith.muli %mul3A_355, %add3A_164 : i32
          %dma_wait3A_357 = arith.constant 0 : i32
          %dma_wait3A_358 = arith.constant 0 : i32
          %dma_wait3A_359 = tpu.memref_slice %run_scoped3A_8[%rem3A_354, %dma_wait3A_357, %dma_wait3A_358] : memref<2x16x64xf32, #tpu.memory_space<vmem>> -> memref<1x16x64xf32, #tpu.memory_space<vmem>>
          %dma_wait3A_360 = tpu.memref_squeeze %dma_wait3A_359 : memref<1x16x64xf32, #tpu.memory_space<vmem>> -> memref<16x64xf32, #tpu.memory_space<vmem>>
          %dma_wait3A_361 = arith.constant 0 : i32
          %dma_wait3A_362 = tpu.memref_slice %arg3[%mul3A_356, %dma_wait3A_361] : memref<8192x64xf32, #tpu.memory_space<hbm>> -> memref<16x64xf32, #tpu.memory_space<hbm>>
          %dma_wait3A_363 = tpu.memref_slice %run_scoped3A_9[%rem3A_354] : memref<2x!tpu.dma_semaphore, #tpu.memory_space<semaphore_mem>> -> memref<1x!tpu.dma_semaphore, #tpu.memory_space<semaphore_mem>>
          %dma_wait3A_364 = tpu.memref_squeeze %dma_wait3A_363 : memref<1x!tpu.dma_semaphore, #tpu.memory_space<semaphore_mem>> -> memref<!tpu.dma_semaphore, #tpu.memory_space<semaphore_mem>>
          %dma_wait3A_365 = arith.constant 0 : i32
          %dma_wait3A_366 = tpu.memref_slice %arg3[%mul3A_356, %dma_wait3A_365] : memref<8192x64xf32, #tpu.memory_space<hbm>> -> memref<16x64xf32, #tpu.memory_space<hbm>>
          %dma_wait3A_367 = arith.constant 0 : i32
          %dma_wait3A_368 = arith.constant 0 : i32
          %dma_wait3A_369 = tpu.memref_slice %run_scoped3A_8[%rem3A_354, %dma_wait3A_367, %dma_wait3A_368] : memref<2x16x64xf32, #tpu.memory_space<vmem>> -> memref<1x16x64xf32, #tpu.memory_space<vmem>>
          %dma_wait3A_370 = tpu.memref_squeeze %dma_wait3A_369 : memref<1x16x64xf32, #tpu.memory_space<vmem>> -> memref<16x64xf32, #tpu.memory_space<vmem>>
          tpu.wait_dma2 semaphore(%dma_wait3A_364 : memref<!tpu.dma_semaphore, #tpu.memory_space<semaphore_mem>>) src(%dma_wait3A_370 : memref<16x64xf32, #tpu.memory_space<vmem>>) dst(%dma_wait3A_366 : memref<16x64xf32, #tpu.memory_space<hbm>>)
          "tpu.trace_stop"() : () -> ()
        } else {
        }
        %and3A_315 = arith.constant true
        %and3A_316 = arith.andi %and3A_311, %and3A_315 : i1
        %add3A_317 = arith.constant 1 : i32
        %add3A_318 = arith.addi %scan3A_147, %add3A_317 : i32
        %select_n3A_319 = arith.select %and3A_316, %add3A_318, %scan3A_147 : i32
        %ne3A_320 = arith.cmpi ne, %add3A_155, %add3A_164 : i32
        %or3A_321 = arith.constant false
        %or3A_322 = arith.ori %or3A_321, %ne3A_320 : i1
        %or3A_323 = arith.constant false
        %or3A_324 = arith.ori %or3A_322, %or3A_323 : i1
        %not3A_325 = arith.constant true
        %not3A_326 = arith.xori %eq3A_152, %not3A_325 : i1
        %and3A_327 = arith.andi %or3A_324, %not3A_326 : i1
        %convert_element_type3A_328 = arith.extui %and3A_327 : i1 to i32
        %cond3A_329 = arith.constant 0 : i32
        %cond3A_330 = arith.cmpi ne, %convert_element_type3A_328, %cond3A_329 : i32
        scf.if %cond3A_330 {
          "tpu.trace_start"() <{level = 10 : i32, message = "ep_wait_out"}> : () -> ()
          %rem3A_353 = arith.constant 2 : i32
          %rem3A_354 = arith.remui %scan3A_149, %rem3A_353 : i32
          %mul3A_355 = arith.constant 16 : i32
          %mul3A_356 = arith.muli %mul3A_355, %add3A_164 : i32
          %dma_wait3A_357 = arith.constant 0 : i32
          %dma_wait3A_358 = arith.constant 0 : i32
          %dma_wait3A_359 = tpu.memref_slice %run_scoped3A_10[%rem3A_354, %dma_wait3A_357, %dma_wait3A_358] : memref<2x16x16xi32, #tpu.memory_space<vmem>> -> memref<1x16x16xi32, #tpu.memory_space<vmem>>
          %dma_wait3A_360 = tpu.memref_squeeze %dma_wait3A_359 : memref<1x16x16xi32, #tpu.memory_space<vmem>> -> memref<16x16xi32, #tpu.memory_space<vmem>>
          %dma_wait3A_361 = arith.constant 0 : i32
          %dma_wait3A_362 = tpu.memref_slice %arg4[%mul3A_356, %dma_wait3A_361] : memref<8192x16xi32, #tpu.memory_space<hbm>> -> memref<16x16xi32, #tpu.memory_space<hbm>>
          %dma_wait3A_363 = tpu.memref_slice %run_scoped3A_11[%rem3A_354] : memref<2x!tpu.dma_semaphore, #tpu.memory_space<semaphore_mem>> -> memref<1x!tpu.dma_semaphore, #tpu.memory_space<semaphore_mem>>
          %dma_wait3A_364 = tpu.memref_squeeze %dma_wait3A_363 : memref<1x!tpu.dma_semaphore, #tpu.memory_space<semaphore_mem>> -> memref<!tpu.dma_semaphore, #tpu.memory_space<semaphore_mem>>
          %dma_wait3A_365 = arith.constant 0 : i32
          %dma_wait3A_366 = tpu.memref_slice %arg4[%mul3A_356, %dma_wait3A_365] : memref<8192x16xi32, #tpu.memory_space<hbm>> -> memref<16x16xi32, #tpu.memory_space<hbm>>
          %dma_wait3A_367 = arith.constant 0 : i32
          %dma_wait3A_368 = arith.constant 0 : i32
          %dma_wait3A_369 = tpu.memref_slice %run_scoped3A_10[%rem3A_354, %dma_wait3A_367, %dma_wait3A_368] : memref<2x16x16xi32, #tpu.memory_space<vmem>> -> memref<1x16x16xi32, #tpu.memory_space<vmem>>
          %dma_wait3A_370 = tpu.memref_squeeze %dma_wait3A_369 : memref<1x16x16xi32, #tpu.memory_space<vmem>> -> memref<16x16xi32, #tpu.memory_space<vmem>>
          tpu.wait_dma2 semaphore(%dma_wait3A_364 : memref<!tpu.dma_semaphore, #tpu.memory_space<semaphore_mem>>) src(%dma_wait3A_370 : memref<16x16xi32, #tpu.memory_space<vmem>>) dst(%dma_wait3A_366 : memref<16x16xi32, #tpu.memory_space<hbm>>)
          "tpu.trace_stop"() : () -> ()
        } else {
        }
        %and3A_331 = arith.constant true
        %and3A_332 = arith.andi %and3A_327, %and3A_331 : i1
        %add3A_333 = arith.constant 1 : i32
        %add3A_334 = arith.addi %scan3A_149, %add3A_333 : i32
        %select_n3A_335 = arith.select %and3A_332, %add3A_334, %scan3A_149 : i32
        %ne3A_336 = arith.cmpi ne, %add3A_155, %add3A_173 : i32
        %or3A_337 = arith.constant false
        %or3A_338 = arith.ori %or3A_337, %ne3A_336 : i1
        %or3A_339 = arith.constant false
        %or3A_340 = arith.ori %or3A_338, %or3A_339 : i1
        %or3A_341 = arith.ori %or3A_340, %eq3A_154 : i1
        %add3A_342 = arith.constant 1 : i32
        %add3A_343 = arith.addi %scan3A_145, %add3A_342 : i32
        %select_n3A_344 = arith.select %or3A_341, %add3A_343, %scan3A_145 : i32
        %add3A_345 = arith.constant 1 : i32
        %add3A_346 = arith.addi %scan3A_150, %add3A_345 : i32
        %select_n3A_347 = arith.constant true
        %select_n3A_348 = arith.select %select_n3A_347, %add3A_346, %scan3A_150 : i32
        %eq3A_349 = arith.constant 16 : i32
        %eq3A_350 = arith.cmpi eq, %select_n3A_348, %eq3A_349 : i32
        %select_n3A_351 = arith.constant 0 : i32
        %select_n3A_352 = arith.select %eq3A_350, %select_n3A_351, %select_n3A_348 : i32
        scf.yield %select_n3A_193, %select_n3A_344, %select_n3A_276, %select_n3A_319, %select_n3A_290, %select_n3A_335, %select_n3A_352 : i32, i32, i32, i32, i32, i32, i32
      }
      %scan3A_72 = arith.constant 16 : i32
      %sub3A = arith.constant 1 : i32
      %sub3A_73 = arith.subi %scan3A_71#6, %sub3A : i32
      %select_n3A_74 = arith.constant true
      %select_n3A_75 = arith.select %select_n3A_74, %sub3A_73, %scan3A_71#6 : i32
      %eq3A_76 = arith.constant -1 : i32
      %eq3A_77 = arith.cmpi eq, %select_n3A_75, %eq3A_76 : i32
      %select_n3A_78 = arith.constant 15 : i32
      %select_n3A_79 = arith.select %eq3A_77, %select_n3A_78, %select_n3A_75 : i32
      %add3A_80 = arith.addi %select_n3A_79, %mul3A_6 : i32
      %sub3A_81 = arith.constant 1 : i32
      %sub3A_82 = arith.subi %select_n3A_79, %sub3A_81 : i32
      %select_n3A_83 = arith.constant true
      %select_n3A_84 = arith.select %select_n3A_83, %sub3A_82, %select_n3A_79 : i32
      %eq3A_85 = arith.constant -1 : i32
      %eq3A_86 = arith.cmpi eq, %select_n3A_84, %eq3A_85 : i32
      %select_n3A_87 = arith.constant 15 : i32
      %select_n3A_88 = arith.select %eq3A_86, %select_n3A_87, %select_n3A_84 : i32
      %add3A_89 = arith.addi %select_n3A_88, %mul3A_6 : i32
      %add3A_90 = arith.constant 1 : i32
      %add3A_91 = arith.addi %select_n3A_79, %add3A_90 : i32
      %select_n3A_92 = arith.constant true
      %select_n3A_93 = arith.select %select_n3A_92, %add3A_91, %select_n3A_79 : i32
      %eq3A_94 = arith.constant 16 : i32
      %eq3A_95 = arith.cmpi eq, %select_n3A_93, %eq3A_94 : i32
      %select_n3A_96 = arith.constant 0 : i32
      %select_n3A_97 = arith.select %eq3A_95, %select_n3A_96, %select_n3A_93 : i32
      %add3A_98 = arith.addi %select_n3A_97, %mul3A_6 : i32
      %add3A_99 = arith.constant 1 : i32
      %add3A_100 = arith.addi %select_n3A_97, %add3A_99 : i32
      %select_n3A_101 = arith.constant true
      %select_n3A_102 = arith.select %select_n3A_101, %add3A_100, %select_n3A_97 : i32
      %eq3A_103 = arith.constant 16 : i32
      %eq3A_104 = arith.cmpi eq, %select_n3A_102, %eq3A_103 : i32
      %select_n3A_105 = arith.constant 0 : i32
      %select_n3A_106 = arith.select %eq3A_104, %select_n3A_105, %select_n3A_102 : i32
      %add3A_107 = arith.addi %select_n3A_106, %mul3A_6 : i32
      "tpu.trace_start"() <{level = 10 : i32, message = "ep_finalize"}> : () -> ()
      %rem3A_108 = arith.constant 2 : i32
      %rem3A_109 = arith.remui %scan3A_71#3, %rem3A_108 : i32
      %mul3A_110 = arith.constant 16 : i32
      %mul3A_111 = arith.muli %mul3A_110, %add3A_80 : i32
      %dma_wait3A = arith.constant 0 : i32
      %dma_wait3A_112 = arith.constant 0 : i32
      %dma_wait3A_113 = tpu.memref_slice %run_scoped3A_8[%rem3A_109, %dma_wait3A, %dma_wait3A_112] : memref<2x16x64xf32, #tpu.memory_space<vmem>> -> memref<1x16x64xf32, #tpu.memory_space<vmem>>
      %dma_wait3A_114 = tpu.memref_squeeze %dma_wait3A_113 : memref<1x16x64xf32, #tpu.memory_space<vmem>> -> memref<16x64xf32, #tpu.memory_space<vmem>>
      %dma_wait3A_115 = arith.constant 0 : i32
      %dma_wait3A_116 = tpu.memref_slice %arg3[%mul3A_111, %dma_wait3A_115] : memref<8192x64xf32, #tpu.memory_space<hbm>> -> memref<16x64xf32, #tpu.memory_space<hbm>>
      %dma_wait3A_117 = tpu.memref_slice %run_scoped3A_9[%rem3A_109] : memref<2x!tpu.dma_semaphore, #tpu.memory_space<semaphore_mem>> -> memref<1x!tpu.dma_semaphore, #tpu.memory_space<semaphore_mem>>
      %dma_wait3A_118 = tpu.memref_squeeze %dma_wait3A_117 : memref<1x!tpu.dma_semaphore, #tpu.memory_space<semaphore_mem>> -> memref<!tpu.dma_semaphore, #tpu.memory_space<semaphore_mem>>
      %dma_wait3A_119 = arith.constant 0 : i32
      %dma_wait3A_120 = tpu.memref_slice %arg3[%mul3A_111, %dma_wait3A_119] : memref<8192x64xf32, #tpu.memory_space<hbm>> -> memref<16x64xf32, #tpu.memory_space<hbm>>
      %dma_wait3A_121 = arith.constant 0 : i32
      %dma_wait3A_122 = arith.constant 0 : i32
      %dma_wait3A_123 = tpu.memref_slice %run_scoped3A_8[%rem3A_109, %dma_wait3A_121, %dma_wait3A_122] : memref<2x16x64xf32, #tpu.memory_space<vmem>> -> memref<1x16x64xf32, #tpu.memory_space<vmem>>
      %dma_wait3A_124 = tpu.memref_squeeze %dma_wait3A_123 : memref<1x16x64xf32, #tpu.memory_space<vmem>> -> memref<16x64xf32, #tpu.memory_space<vmem>>
      tpu.wait_dma2 semaphore(%dma_wait3A_118 : memref<!tpu.dma_semaphore, #tpu.memory_space<semaphore_mem>>) src(%dma_wait3A_124 : memref<16x64xf32, #tpu.memory_space<vmem>>) dst(%dma_wait3A_120 : memref<16x64xf32, #tpu.memory_space<hbm>>)
      %rem3A_125 = arith.constant 2 : i32
      %rem3A_126 = arith.remui %scan3A_71#5, %rem3A_125 : i32
      %mul3A_127 = arith.constant 16 : i32
      %mul3A_128 = arith.muli %mul3A_127, %add3A_80 : i32
      %dma_wait3A_129 = arith.constant 0 : i32
      %dma_wait3A_130 = arith.constant 0 : i32
      %dma_wait3A_131 = tpu.memref_slice %run_scoped3A_10[%rem3A_126, %dma_wait3A_129, %dma_wait3A_130] : memref<2x16x16xi32, #tpu.memory_space<vmem>> -> memref<1x16x16xi32, #tpu.memory_space<vmem>>
      %dma_wait3A_132 = tpu.memref_squeeze %dma_wait3A_131 : memref<1x16x16xi32, #tpu.memory_space<vmem>> -> memref<16x16xi32, #tpu.memory_space<vmem>>
      %dma_wait3A_133 = arith.constant 0 : i32
      %dma_wait3A_134 = tpu.memref_slice %arg4[%mul3A_128, %dma_wait3A_133] : memref<8192x16xi32, #tpu.memory_space<hbm>> -> memref<16x16xi32, #tpu.memory_space<hbm>>
      %dma_wait3A_135 = tpu.memref_slice %run_scoped3A_11[%rem3A_126] : memref<2x!tpu.dma_semaphore, #tpu.memory_space<semaphore_mem>> -> memref<1x!tpu.dma_semaphore, #tpu.memory_space<semaphore_mem>>
      %dma_wait3A_136 = tpu.memref_squeeze %dma_wait3A_135 : memref<1x!tpu.dma_semaphore, #tpu.memory_space<semaphore_mem>> -> memref<!tpu.dma_semaphore, #tpu.memory_space<semaphore_mem>>
      %dma_wait3A_137 = arith.constant 0 : i32
      %dma_wait3A_138 = tpu.memref_slice %arg4[%mul3A_128, %dma_wait3A_137] : memref<8192x16xi32, #tpu.memory_space<hbm>> -> memref<16x16xi32, #tpu.memory_space<hbm>>
      %dma_wait3A_139 = arith.constant 0 : i32
      %dma_wait3A_140 = arith.constant 0 : i32
      %dma_wait3A_141 = tpu.memref_slice %run_scoped3A_10[%rem3A_126, %dma_wait3A_139, %dma_wait3A_140] : memref<2x16x16xi32, #tpu.memory_space<vmem>> -> memref<1x16x16xi32, #tpu.memory_space<vmem>>
      %dma_wait3A_142 = tpu.memref_squeeze %dma_wait3A_141 : memref<1x16x16xi32, #tpu.memory_space<vmem>> -> memref<16x16xi32, #tpu.memory_space<vmem>>
      tpu.wait_dma2 semaphore(%dma_wait3A_136 : memref<!tpu.dma_semaphore, #tpu.memory_space<semaphore_mem>>) src(%dma_wait3A_142 : memref<16x16xi32, #tpu.memory_space<vmem>>) dst(%dma_wait3A_138 : memref<16x16xi32, #tpu.memory_space<hbm>>)
      "tpu.trace_stop"() : () -> ()
      tpu.yield
    }) : () -> ()
    return
  }
}

#map = affine_map<(d0, d1) -> (0, 0)>
module attributes {stable_mosaic.version = 14 : i64} {
  func.func @k(%arg0: i32, %arg1: i32, %arg2: memref<8192x64xf32, #tpu.memory_space<hbm>>, %arg3: memref<8192x64xf32, #tpu.memory_space<hbm>>, %arg4: memref<8192x16xi32, #tpu.memory_space<hbm>>) attributes {dimension_semantics = [#tpu.dimension_semantics<core_parallel>, #tpu.dimension_semantics<subcore_parallel>], iteration_bounds = array<i64: 2, 16>, scalar_prefetch = 0 : i64, scratch_operands = 0 : i64, tpu.core_type = #tpu.core_type<sc_vector_subcore>, window_params = [{transform_indices = #map}, {transform_indices = #map}, {transform_indices = #map}]} {
    %mul3A = arith.constant 1 : i32
    %mul3A_0 = arith.muli %arg1, %mul3A : i32
    %add3A = arith.constant 0 : i32
    %add3A_1 = arith.addi %add3A, %mul3A_0 : i32
    %mul3A_2 = arith.constant 16 : i32
    %mul3A_3 = arith.muli %arg0, %mul3A_2 : i32
    %add3A_4 = arith.addi %add3A_1, %mul3A_3 : i32
    %mul3A_5 = arith.constant 16 : i32
    %mul3A_6 = arith.muli %add3A_4, %mul3A_5 : i32
    "tpu.region"() ({
      %run_scoped3A = memref.alloca() : memref<2x16x64xf32, #tpu.memory_space<vmem>>
      %run_scoped3A_7 = tpu.sem_alloc : memref<2x!tpu.dma_semaphore, #tpu.memory_space<semaphore_mem>>
      %run_scoped3A_8 = memref.alloca() : memref<2x16x64xf32, #tpu.memory_space<vmem>>
      %run_scoped3A_9 = tpu.sem_alloc : memref<2x!tpu.dma_semaphore, #tpu.memory_space<semaphore_mem>>
      %run_scoped3A_10 = memref.alloca() : memref<2x16x16xi32, #tpu.memory_space<vmem>>
      %run_scoped3A_11 = tpu.sem_alloc : memref<2x!tpu.dma_semaphore, #tpu.memory_space<semaphore_mem>>
      %add3A_12 = arith.constant 0 : i32
      %add3A_13 = arith.addi %add3A_12, %mul3A_6 : i32
      %select_n3A = arith.constant true
      %select_n3A_14 = arith.constant 0 : i32
      %select_n3A_15 = arith.constant -1 : i32
      %select_n3A_16 = arith.select %select_n3A, %select_n3A_15, %select_n3A_14 : i32
      %eq3A = arith.constant -1 : i32
      %eq3A_17 = arith.cmpi eq, %select_n3A_16, %eq3A : i32
      %select_n3A_18 = arith.constant 15 : i32
      %select_n3A_19 = arith.select %eq3A_17, %select_n3A_18, %select_n3A_16 : i32
      %add3A_20 = arith.addi %select_n3A_19, %mul3A_6 : i32
      %select_n3A_21 = arith.constant true
      %select_n3A_22 = arith.constant 0 : i32
      %select_n3A_23 = arith.constant 1 : i32
      %select_n3A_24 = arith.select %select_n3A_21, %select_n3A_23, %select_n3A_22 : i32
      %eq3A_25 = arith.constant 16 : i32
      %eq3A_26 = arith.cmpi eq, %select_n3A_24, %eq3A_25 : i32
      %select_n3A_27 = arith.constant 0 : i32
      %select_n3A_28 = arith.select %eq3A_26, %select_n3A_27, %select_n3A_24 : i32
      %add3A_29 = arith.addi %select_n3A_28, %mul3A_6 : i32
      %add3A_30 = arith.constant 1 : i32
      %add3A_31 = arith.addi %select_n3A_28, %add3A_30 : i32
      %select_n3A_32 = arith.constant true
      %select_n3A_33 = arith.select %select_n3A_32, %add3A_31, %select_n3A_28 : i32
      %eq3A_34 = arith.constant 16 : i32
      %eq3A_35 = arith.cmpi eq, %select_n3A_33, %eq3A_34 : i32
      %select_n3A_36 = arith.constant 0 : i32
      %select_n3A_37 = arith.select %eq3A_35, %select_n3A_36, %select_n3A_33 : i32
      %add3A_38 = arith.addi %select_n3A_37, %mul3A_6 : i32
      "tpu.trace_start"() <{level = 10 : i32, message = "ep_initialize_0"}> : () -> ()
      %rem3A = arith.constant 0 : i32
      %rem3A_39 = arith.constant 2 : i32
      %rem3A_40 = arith.remui %rem3A, %rem3A_39 : i32
      %mul3A_41 = arith.constant 16 : i32
      %mul3A_42 = arith.muli %mul3A_41, %add3A_13 : i32
      %dma_start3A = arith.constant 0 : i32
      %dma_start3A_43 = arith.constant 0 : i32
      %dma_start3A_44 = tpu.memref_slice %run_scoped3A[%rem3A_40, %dma_start3A, %dma_start3A_43] : memref<2x16x64xf32, #tpu.memory_space<vmem>> -> memref<1x16x64xf32, #tpu.memory_space<vmem>>
      %dma_start3A_45 = tpu.memref_squeeze %dma_start3A_44 : memref<1x16x64xf32, #tpu.memory_space<vmem>> -> memref<16x64xf32, #tpu.memory_space<vmem>>
      %dma_start3A_46 = arith.constant 0 : i32
      %dma_start3A_47 = tpu.memref_slice %arg2[%mul3A_42, %dma_start3A_46] : memref<8192x64xf32, #tpu.memory_space<hbm>> -> memref<16x64xf32, #tpu.memory_space<hbm>>
      %dma_start3A_48 = tpu.memref_slice %run_scoped3A_7[%rem3A_40] : memref<2x!tpu.dma_semaphore, #tpu.memory_space<semaphore_mem>> -> memref<1x!tpu.dma_semaphore, #tpu.memory_space<semaphore_mem>>
      %dma_start3A_49 = tpu.memref_squeeze %dma_start3A_48 : memref<1x!tpu.dma_semaphore, #tpu.memory_space<semaphore_mem>> -> memref<!tpu.dma_semaphore, #tpu.memory_space<semaphore_mem>>
      %dma_start3A_50 = arith.constant 0 : i32
      %dma_start3A_51 = arith.constant 0 : i32
      %dma_start3A_52 = tpu.memref_slice %run_scoped3A[%rem3A_40, %dma_start3A_50, %dma_start3A_51] : memref<2x16x64xf32, #tpu.memory_space<vmem>> -> memref<1x16x64xf32, #tpu.memory_space<vmem>>
      %dma_start3A_53 = tpu.memref_squeeze %dma_start3A_52 : memref<1x16x64xf32, #tpu.memory_space<vmem>> -> memref<16x64xf32, #tpu.memory_space<vmem>>
      %dma_start3A_54 = arith.constant 0 : i32
      %dma_start3A_55 = tpu.memref_slice %arg2[%mul3A_42, %dma_start3A_54] : memref<8192x64xf32, #tpu.memory_space<hbm>> -> memref<16x64xf32, #tpu.memory_space<hbm>>
      tpu.enqueue_dma source(%dma_start3A_55 : memref<16x64xf32, #tpu.memory_space<hbm>>) target(%dma_start3A_53 : memref<16x64xf32, #tpu.memory_space<vmem>>) target_semaphore(%dma_start3A_49 : memref<!tpu.dma_semaphore, #tpu.memory_space<semaphore_mem>>)
      %add3A_56 = arith.constant 0 : i32
      %add3A_57 = arith.constant 1 : i32
      %add3A_58 = arith.addi %add3A_56, %add3A_57 : i32
      %select_n3A_59 = arith.constant true
      %select_n3A_60 = arith.constant 0 : i32
      %select_n3A_61 = arith.select %select_n3A_59, %add3A_58, %select_n3A_60 : i32
      "tpu.trace_stop"() : () -> ()
      %scan3A = arith.constant 0 : i32
      %scan3A_62 = arith.constant 0 : i32
      %scan3A_63 = arith.constant 0 : i32
      %scan3A_64 = arith.constant 0 : i32
      %scan3A_65 = arith.constant 0 : i32
      %scan3A_66 = arith.constant 0 : i32
      %scan3A_67 = arith.constant 0 : i32
      %scan3A_68 = arith.constant 16 : i32
      %scan3A_69 = arith.addi %scan3A_67, %scan3A_68 : i32
      %scan3A_70 = arith.constant 1 : i32
      %scan3A_71:7 = scf.for %scan3A_143 = %scan3A_67 to %scan3A_69 step %scan3A_70 iter_args(%scan3A_144 = %select_n3A_61, %scan3A_145 = %scan3A, %scan3A_146 = %scan3A_62, %scan3A_147 = %scan3A_63, %scan3A_148 = %scan3A_64, %scan3A_149 = %scan3A_65, %scan3A_150 = %scan3A_66) -> (i32, i32, i32, i32, i32, i32, i32)  : i32 {
        %eq3A_151 = arith.constant 0 : i32
        %eq3A_152 = arith.cmpi eq, %scan3A_143, %eq3A_151 : i32
        %eq3A_153 = arith.constant 15 : i32
        %eq3A_154 = arith.cmpi eq, %scan3A_143, %eq3A_153 : i32
        %add3A_155 = arith.addi %scan3A_150, %mul3A_6 : i32
        %sub3A_156 = arith.constant 1 : i32
        %sub3A_157 = arith.subi %scan3A_150, %sub3A_156 : i32
        %select_n3A_158 = arith.constant true
        %select_n3A_159 = arith.select %select_n3A_158, %sub3A_157, %scan3A_150 : i32
        %eq3A_160 = arith.constant -1 : i32
        %eq3A_161 = arith.cmpi eq, %select_n3A_159, %eq3A_160 : i32
        %select_n3A_162 = arith.constant 15 : i32
        %select_n3A_163 = arith.select %eq3A_161, %select_n3A_162, %select_n3A_159 : i32
        %add3A_164 = arith.addi %select_n3A_163, %mul3A_6 : i32
        %add3A_165 = arith.constant 1 : i32
        %add3A_166 = arith.addi %scan3A_150, %add3A_165 : i32
        %select_n3A_167 = arith.constant true
        %select_n3A_168 = arith.select %select_n3A_167, %add3A_166, %scan3A_150 : i32
        %eq3A_169 = arith.constant 16 : i32
        %eq3A_170 = arith.cmpi eq, %select_n3A_168, %eq3A_169 : i32
        %select_n3A_171 = arith.constant 0 : i32
        %select_n3A_172 = arith.select %eq3A_170, %select_n3A_171, %select_n3A_168 : i32
        %add3A_173 = arith.addi %select_n3A_172, %mul3A_6 : i32
        %add3A_174 = arith.constant 1 : i32
        %add3A_175 = arith.addi %select_n3A_172, %add3A_174 : i32
        %select_n3A_176 = arith.constant true
        %select_n3A_177 = arith.select %select_n3A_176, %add3A_175, %select_n3A_172 : i32
        %eq3A_178 = arith.constant 16 : i32
        %eq3A_179 = arith.cmpi eq, %select_n3A_177, %eq3A_178 : i32
        %select_n3A_180 = arith.constant 0 : i32
        %select_n3A_181 = arith.select %eq3A_179, %select_n3A_180, %select_n3A_177 : i32
        %add3A_182 = arith.addi %select_n3A_181, %mul3A_6 : i32
        %ne3A = arith.cmpi ne, %add3A_155, %add3A_173 : i32
        %or3A = arith.constant false
        %or3A_183 = arith.ori %or3A, %ne3A : i1
        %or3A_184 = arith.constant false
        %or3A_185 = arith.ori %or3A_183, %or3A_184 : i1
        %ge3A = arith.constant 15 : i32
        %ge3A_186 = arith.cmpi sge, %scan3A_143, %ge3A : i32
        %not3A = arith.constant true
        %not3A_187 = arith.xori %ge3A_186, %not3A : i1
        %and3A = arith.andi %or3A_185, %not3A_187 : i1
        %convert_element_type3A = arith.extui %and3A : i1 to i32
        %cond3A = arith.constant 0 : i32
        %cond3A_188 = arith.cmpi ne, %convert_element_type3A, %cond3A : i32
        scf.if %cond3A_188 {
          "tpu.trace_start"() <{level = 10 : i32, message = "ep_copy_in"}> : () -> ()
          %rem3A_353 = arith.constant 2 : i32
          %rem3A_354 = arith.remui %scan3A_144, %rem3A_353 : i32
          %mul3A_355 = arith.constant 16 : i32
          %mul3A_356 = arith.muli %mul3A_355, %add3A_173 : i32
          %dma_start3A_357 = arith.constant 0 : i32
          %dma_start3A_358 = arith.constant 0 : i32
          %dma_start3A_359 = tpu.memref_slice %run_scoped3A[%rem3A_354, %dma_start3A_357, %dma_start3A_358] : memref<2x16x64xf32, #tpu.memory_space<vmem>> -> memref<1x16x64xf32, #tpu.memory_space<vmem>>
          %dma_start3A_360 = tpu.memref_squeeze %dma_start3A_359 : memref<1x16x64xf32, #tpu.memory_space<vmem>> -> memref<16x64xf32, #tpu.memory_space<vmem>>
          %dma_start3A_361 = arith.constant 0 : i32
          %dma_start3A_362 = tpu.memref_slice %arg2[%mul3A_356, %dma_start3A_361] : memref<8192x64xf32, #tpu.memory_space<hbm>> -> memref<16x64xf32, #tpu.memory_space<hbm>>
          %dma_start3A_363 = tpu.memref_slice %run_scoped3A_7[%rem3A_354] : memref<2x!tpu.dma_semaphore, #tpu.memory_space<semaphore_mem>> -> memref<1x!tpu.dma_semaphore, #tpu.memory_space<semaphore_mem>>
          %dma_start3A_364 = tpu.memref_squeeze %dma_start3A_363 : memref<1x!tpu.dma_semaphore, #tpu.memory_space<semaphore_mem>> -> memref<!tpu.dma_semaphore, #tpu.memory_space<semaphore_mem>>
          %dma_start3A_365 = arith.constant 0 : i32
          %dma_start3A_366 = arith.constant 0 : i32
          %dma_start3A_367 = tpu.memref_slice %run_scoped3A[%rem3A_354, %dma_start3A_365, %dma_start3A_366] : memref<2x16x64xf32, #tpu.memory_space<vmem>> -> memref<1x16x64xf32, #tpu.memory_space<vmem>>
          %dma_start3A_368 = tpu.memref_squeeze %dma_start3A_367 : memref<1x16x64xf32, #tpu.memory_space<vmem>> -> memref<16x64xf32, #tpu.memory_space<vmem>>
          %dma_start3A_369 = arith.constant 0 : i32
          %dma_start3A_370 = tpu.memref_slice %arg2[%mul3A_356, %dma_start3A_369] : memref<8192x64xf32, #tpu.memory_space<hbm>> -> memref<16x64xf32, #tpu.memory_space<hbm>>
          tpu.enqueue_dma source(%dma_start3A_370 : memref<16x64xf32, #tpu.memory_space<hbm>>) target(%dma_start3A_368 : memref<16x64xf32, #tpu.memory_space<vmem>>) target_semaphore(%dma_start3A_364 : memref<!tpu.dma_semaphore, #tpu.memory_space<semaphore_mem>>)
          "tpu.trace_stop"() : () -> ()
        } else {
        }
        %and3A_189 = arith.constant true
        %and3A_190 = arith.andi %and3A, %and3A_189 : i1
        %add3A_191 = arith.constant 1 : i32
        %add3A_192 = arith.addi %scan3A_144, %add3A_191 : i32
        %select_n3A_193 = arith.select %and3A_190, %add3A_192, %scan3A_144 : i32
        %ne3A_194 = arith.cmpi ne, %add3A_155, %add3A_173 : i32
        %or3A_195 = arith.constant false
        %or3A_196 = arith.ori %or3A_195, %ne3A_194 : i1
        %or3A_197 = arith.constant false
        %or3A_198 = arith.ori %or3A_196, %or3A_197 : i1
        %ge3A_199 = arith.constant 15 : i32
        %ge3A_200 = arith.cmpi sge, %scan3A_143, %ge3A_199 : i32
        %not3A_201 = arith.constant true
        %not3A_202 = arith.xori %ge3A_200, %not3A_201 : i1
        %and3A_203 = arith.andi %or3A_198, %not3A_202 : i1
        %ne3A_204 = arith.cmpi ne, %add3A_155, %add3A_173 : i32
        %or3A_205 = arith.constant false
        %or3A_206 = arith.ori %or3A_205, %ne3A_204 : i1
        %or3A_207 = arith.constant false
        %or3A_208 = arith.ori %or3A_206, %or3A_207 : i1
        %ge3A_209 = arith.constant 15 : i32
        %ge3A_210 = arith.cmpi sge, %scan3A_143, %ge3A_209 : i32
        %not3A_211 = arith.constant true
        %not3A_212 = arith.xori %ge3A_210, %not3A_211 : i1
        %and3A_213 = arith.andi %or3A_208, %not3A_212 : i1
        %ne3A_214 = arith.cmpi ne, %add3A_155, %add3A_164 : i32
        %or3A_215 = arith.constant false
        %or3A_216 = arith.ori %or3A_215, %ne3A_214 : i1
        %or3A_217 = arith.constant false
        %or3A_218 = arith.ori %or3A_216, %or3A_217 : i1
        %or3A_219 = arith.ori %or3A_218, %eq3A_152 : i1
        %convert_element_type3A_220 = arith.extui %or3A_219 : i1 to i32
        %cond3A_221 = arith.constant 0 : i32
        %cond3A_222 = arith.cmpi ne, %convert_element_type3A_220, %cond3A_221 : i32
        scf.if %cond3A_222 {
          "tpu.trace_start"() <{level = 10 : i32, message = "ep_wait_in"}> : () -> ()
          %mul3A_353 = arith.constant 16 : i32
          %mul3A_354 = arith.muli %mul3A_353, %add3A_155 : i32
          %rem3A_355 = arith.constant 2 : i32
          %rem3A_356 = arith.remui %scan3A_145, %rem3A_355 : i32
          %dma_wait3A_357 = arith.constant 0 : i32
          %dma_wait3A_358 = arith.constant 0 : i32
          %dma_wait3A_359 = tpu.memref_slice %run_scoped3A[%rem3A_356, %dma_wait3A_357, %dma_wait3A_358] : memref<2x16x64xf32, #tpu.memory_space<vmem>> -> memref<1x16x64xf32, #tpu.memory_space<vmem>>
          %dma_wait3A_360 = tpu.memref_squeeze %dma_wait3A_359 : memref<1x16x64xf32, #tpu.memory_space<vmem>> -> memref<16x64xf32, #tpu.memory_space<vmem>>
          %dma_wait3A_361 = arith.constant 0 : i32
          %dma_wait3A_362 = tpu.memref_slice %arg2[%mul3A_354, %dma_wait3A_361] : memref<8192x64xf32, #tpu.memory_space<hbm>> -> memref<16x64xf32, #tpu.memory_space<hbm>>
          %dma_wait3A_363 = tpu.memref_slice %run_scoped3A_7[%rem3A_356] : memref<2x!tpu.dma_semaphore, #tpu.memory_space<semaphore_mem>> -> memref<1x!tpu.dma_semaphore, #tpu.memory_space<semaphore_mem>>
          %dma_wait3A_364 = tpu.memref_squeeze %dma_wait3A_363 : memref<1x!tpu.dma_semaphore, #tpu.memory_space<semaphore_mem>> -> memref<!tpu.dma_semaphore, #tpu.memory_space<semaphore_mem>>
          %dma_wait3A_365 = arith.constant 0 : i32
          %dma_wait3A_366 = arith.constant 0 : i32
          %dma_wait3A_367 = tpu.memref_slice %run_scoped3A[%rem3A_356, %dma_wait3A_365, %dma_wait3A_366] : memref<2x16x64xf32, #tpu.memory_space<vmem>> -> memref<1x16x64xf32, #tpu.memory_space<vmem>>
          %dma_wait3A_368 = tpu.memref_squeeze %dma_wait3A_367 : memref<1x16x64xf32, #tpu.memory_space<vmem>> -> memref<16x64xf32, #tpu.memory_space<vmem>>
          %dma_wait3A_369 = arith.constant 0 : i32
          %dma_wait3A_370 = tpu.memref_slice %arg2[%mul3A_354, %dma_wait3A_369] : memref<8192x64xf32, #tpu.memory_space<hbm>> -> memref<16x64xf32, #tpu.memory_space<hbm>>
          tpu.wait_dma2 semaphore(%dma_wait3A_364 : memref<!tpu.dma_semaphore, #tpu.memory_space<semaphore_mem>>) src(%dma_wait3A_370 : memref<16x64xf32, #tpu.memory_space<hbm>>) dst(%dma_wait3A_368 : memref<16x64xf32, #tpu.memory_space<vmem>>)
          "tpu.trace_stop"() : () -> ()
        } else {
        }
        %ne3A_223 = arith.cmpi ne, %add3A_155, %add3A_164 : i32
        %or3A_224 = arith.constant false
        %or3A_225 = arith.ori %or3A_224, %ne3A_223 : i1
        %or3A_226 = arith.constant false
        %or3A_227 = arith.ori %or3A_225, %or3A_226 : i1
        %or3A_228 = arith.ori %or3A_227, %eq3A_152 : i1
        %convert_element_type3A_229 = arith.extui %or3A_228 : i1 to i32
        %cond3A_230 = arith.constant 0 : i32
        %cond3A_231 = arith.cmpi ne, %convert_element_type3A_229, %cond3A_230 : i32
        scf.if %cond3A_231 {
        } else {
        }
        %ne3A_232 = arith.cmpi ne, %add3A_155, %add3A_164 : i32
        %or3A_233 = arith.constant false
        %or3A_234 = arith.ori %or3A_233, %ne3A_232 : i1
        %or3A_235 = arith.constant false
        %or3A_236 = arith.ori %or3A_234, %or3A_235 : i1
        %or3A_237 = arith.ori %or3A_236, %eq3A_152 : i1
        %convert_element_type3A_238 = arith.extui %or3A_237 : i1 to i32
        %cond3A_239 = arith.constant 0 : i32
        %cond3A_240 = arith.cmpi ne, %convert_element_type3A_238, %cond3A_239 : i32
        scf.if %cond3A_240 {
        } else {
        }
        %rem3A_241 = arith.constant 2 : i32
        %rem3A_242 = arith.remui %scan3A_145, %rem3A_241 : i32
        %rem3A_243 = arith.constant 2 : i32
        %rem3A_244 = arith.remui %scan3A_146, %rem3A_243 : i32
        %rem3A_245 = arith.constant 2 : i32
        %rem3A_246 = arith.remui %scan3A_148, %rem3A_245 : i32
        "tpu.trace_start"() <{level = 10 : i32, message = "ep_run_kernel"}> : () -> ()
        %scan3A_247 = arith.constant 0 : i32
        %scan3A_248 = arith.constant 16 : i32
        %scan3A_249 = arith.addi %scan3A_247, %scan3A_248 : i32
        %scan3A_250 = arith.constant 1 : i32
        scf.for %scan3A_353 = %scan3A_247 to %scan3A_249 step %scan3A_250  : i32 {
          %mul3A_354 = arith.constant 1 : i32
          %mul3A_355 = arith.muli %scan3A_353, %mul3A_354 : i32
          %add3A_356 = arith.constant 0 : i32
          %add3A_357 = arith.addi %add3A_356, %mul3A_355 : i32
          %iota3A = tpu.iota {dimensions = array<i32: 0>} : vector<16xi32>
          %get3A = arith.constant 0 : i32
          %get3A_358 = arith.constant 0 : i32
          %get3A_359 = tpu.memref_slice %run_scoped3A[%rem3A_242, %get3A, %get3A_358] : memref<2x16x64xf32, #tpu.memory_space<vmem>> -> memref<1x16x64xf32, #tpu.memory_space<vmem>>
          %get3A_360 = tpu.memref_squeeze %get3A_359 : memref<1x16x64xf32, #tpu.memory_space<vmem>> -> memref<16x64xf32, #tpu.memory_space<vmem>>
          %get3A_361 = arith.index_cast %add3A_357 : i32 to index
          %get3A_362 = arith.constant 0 : index
          %get3A_363 = tpu.vector_load %get3A_360[%get3A_361, %get3A_362] {strides = array<i32>} : memref<16x64xf32, #tpu.memory_space<vmem>>, vector<16xf32>,
          %bitcast_convert_type3A = tpu.bitcast %get3A_363 : vector<16xf32> -> vector<16xi32>
          %shift_right_arithmetic3A = arith.constant 31 : i32
          %shift_right_arithmetic3A_364 = vector.broadcast %shift_right_arithmetic3A : i32 to vector<16xi32>
          %shift_right_arithmetic3A_365 = arith.shrsi %bitcast_convert_type3A, %shift_right_arithmetic3A_364 : vector<16xi32>
          %and3A_366 = arith.constant 2147483647 : i32
          %and3A_367 = vector.broadcast %and3A_366 : i32 to vector<16xi32>
          %and3A_368 = arith.andi %shift_right_arithmetic3A_365, %and3A_367 : vector<16xi32>
          %xor3A = arith.xori %bitcast_convert_type3A, %and3A_368 : vector<16xi32>
          %and3A_369 = arith.constant -64 : i32
          %and3A_370 = vector.broadcast %and3A_369 : i32 to vector<16xi32>
          %and3A_371 = arith.andi %xor3A, %and3A_370 : vector<16xi32>
          %sub3A_372 = arith.constant 63 : i32
          %sub3A_373 = vector.broadcast %sub3A_372 : i32 to vector<16xi32>
          %sub3A_374 = arith.subi %sub3A_373, %iota3A : vector<16xi32>
          %or3A_375 = arith.ori %and3A_371, %sub3A_374 : vector<16xi32>
          %shift_right_arithmetic3A_376 = arith.constant 31 : i32
          %shift_right_arithmetic3A_377 = vector.broadcast %shift_right_arithmetic3A_376 : i32 to vector<16xi32>
          %shift_right_arithmetic3A_378 = arith.shrsi %or3A_375, %shift_right_arithmetic3A_377 : vector<16xi32>
          %and3A_379 = arith.constant 2147483647 : i32
          %and3A_380 = vector.broadcast %and3A_379 : i32 to vector<16xi32>
          %and3A_381 = arith.andi %shift_right_arithmetic3A_378, %and3A_380 : vector<16xi32>
          %xor3A_382 = arith.xori %or3A_375, %and3A_381 : vector<16xi32>
          %bitcast_convert_type3A_383 = tpu.bitcast %xor3A_382 : vector<16xi32> -> vector<16xf32>
          %get3A_384 = arith.constant 0 : i32
          %get3A_385 = arith.constant 0 : i32
          %get3A_386 = tpu.memref_slice %run_scoped3A[%rem3A_242, %get3A_384, %get3A_385] : memref<2x16x64xf32, #tpu.memory_space<vmem>> -> memref<1x16x64xf32, #tpu.memory_space<vmem>>
          %get3A_387 = tpu.memref_squeeze %get3A_386 : memref<1x16x64xf32, #tpu.memory_space<vmem>> -> memref<16x64xf32, #tpu.memory_space<vmem>>
          %get3A_388 = arith.index_cast %add3A_357 : i32 to index
          %get3A_389 = arith.constant 16 : index
          %get3A_390 = tpu.vector_load %get3A_387[%get3A_388, %get3A_389] {strides = array<i32>} : memref<16x64xf32, #tpu.memory_space<vmem>>, vector<16xf32>,
          %bitcast_convert_type3A_391 = tpu.bitcast %get3A_390 : vector<16xf32> -> vector<16xi32>
          %shift_right_arithmetic3A_392 = arith.constant 31 : i32
          %shift_right_arithmetic3A_393 = vector.broadcast %shift_right_arithmetic3A_392 : i32 to vector<16xi32>
          %shift_right_arithmetic3A_394 = arith.shrsi %bitcast_convert_type3A_391, %shift_right_arithmetic3A_393 : vector<16xi32>
          %and3A_395 = arith.constant 2147483647 : i32
          %and3A_396 = vector.broadcast %and3A_395 : i32 to vector<16xi32>
          %and3A_397 = arith.andi %shift_right_arithmetic3A_394, %and3A_396 : vector<16xi32>
          %xor3A_398 = arith.xori %bitcast_convert_type3A_391, %and3A_397 : vector<16xi32>
          %and3A_399 = arith.constant -64 : i32
          %and3A_400 = vector.broadcast %and3A_399 : i32 to vector<16xi32>
          %and3A_401 = arith.andi %xor3A_398, %and3A_400 : vector<16xi32>
          %sub3A_402 = arith.constant 47 : i32
          %sub3A_403 = vector.broadcast %sub3A_402 : i32 to vector<16xi32>
          %sub3A_404 = arith.subi %sub3A_403, %iota3A : vector<16xi32>
          %or3A_405 = arith.ori %and3A_401, %sub3A_404 : vector<16xi32>
          %shift_right_arithmetic3A_406 = arith.constant 31 : i32
          %shift_right_arithmetic3A_407 = vector.broadcast %shift_right_arithmetic3A_406 : i32 to vector<16xi32>
          %shift_right_arithmetic3A_408 = arith.shrsi %or3A_405, %shift_right_arithmetic3A_407 : vector<16xi32>
          %and3A_409 = arith.constant 2147483647 : i32
          %and3A_410 = vector.broadcast %and3A_409 : i32 to vector<16xi32>
          %and3A_411 = arith.andi %shift_right_arithmetic3A_408, %and3A_410 : vector<16xi32>
          %xor3A_412 = arith.xori %or3A_405, %and3A_411 : vector<16xi32>
          %bitcast_convert_type3A_413 = tpu.bitcast %xor3A_412 : vector<16xi32> -> vector<16xf32>
          %get3A_414 = arith.constant 0 : i32
          %get3A_415 = arith.constant 0 : i32
          %get3A_416 = tpu.memref_slice %run_scoped3A[%rem3A_242, %get3A_414, %get3A_415] : memref<2x16x64xf32, #tpu.memory_space<vmem>> -> memref<1x16x64xf32, #tpu.memory_space<vmem>>
          %get3A_417 = tpu.memref_squeeze %get3A_416 : memref<1x16x64xf32, #tpu.memory_space<vmem>> -> memref<16x64xf32, #tpu.memory_space<vmem>>
          %get3A_418 = arith.index_cast %add3A_357 : i32 to index
          %get3A_419 = arith.constant 32 : index
          %get3A_420 = tpu.vector_load %get3A_417[%get3A_418, %get3A_419] {strides = array<i32>} : memref<16x64xf32, #tpu.memory_space<vmem>>, vector<16xf32>,
          %bitcast_convert_type3A_421 = tpu.bitcast %get3A_420 : vector<16xf32> -> vector<16xi32>
          %shift_right_arithmetic3A_422 = arith.constant 31 : i32
          %shift_right_arithmetic3A_423 = vector.broadcast %shift_right_arithmetic3A_422 : i32 to vector<16xi32>
          %shift_right_arithmetic3A_424 = arith.shrsi %bitcast_convert_type3A_421, %shift_right_arithmetic3A_423 : vector<16xi32>
          %and3A_425 = arith.constant 2147483647 : i32
          %and3A_426 = vector.broadcast %and3A_425 : i32 to vector<16xi32>
          %and3A_427 = arith.andi %shift_right_arithmetic3A_424, %and3A_426 : vector<16xi32>
          %xor3A_428 = arith.xori %bitcast_convert_type3A_421, %and3A_427 : vector<16xi32>
          %and3A_429 = arith.constant -64 : i32
          %and3A_430 = vector.broadcast %and3A_429 : i32 to vector<16xi32>
          %and3A_431 = arith.andi %xor3A_428, %and3A_430 : vector<16xi32>
          %sub3A_432 = arith.constant 31 : i32
          %sub3A_433 = vector.broadcast %sub3A_432 : i32 to vector<16xi32>
          %sub3A_434 = arith.subi %sub3A_433, %iota3A : vector<16xi32>
          %or3A_435 = arith.ori %and3A_431, %sub3A_434 : vector<16xi32>
          %shift_right_arithmetic3A_436 = arith.constant 31 : i32
          %shift_right_arithmetic3A_437 = vector.broadcast %shift_right_arithmetic3A_436 : i32 to vector<16xi32>
          %shift_right_arithmetic3A_438 = arith.shrsi %or3A_435, %shift_right_arithmetic3A_437 : vector<16xi32>
          %and3A_439 = arith.constant 2147483647 : i32
          %and3A_440 = vector.broadcast %and3A_439 : i32 to vector<16xi32>
          %and3A_441 = arith.andi %shift_right_arithmetic3A_438, %and3A_440 : vector<16xi32>
          %xor3A_442 = arith.xori %or3A_435, %and3A_441 : vector<16xi32>
          %bitcast_convert_type3A_443 = tpu.bitcast %xor3A_442 : vector<16xi32> -> vector<16xf32>
          %get3A_444 = arith.constant 0 : i32
          %get3A_445 = arith.constant 0 : i32
          %get3A_446 = tpu.memref_slice %run_scoped3A[%rem3A_242, %get3A_444, %get3A_445] : memref<2x16x64xf32, #tpu.memory_space<vmem>> -> memref<1x16x64xf32, #tpu.memory_space<vmem>>
          %get3A_447 = tpu.memref_squeeze %get3A_446 : memref<1x16x64xf32, #tpu.memory_space<vmem>> -> memref<16x64xf32, #tpu.memory_space<vmem>>
          %get3A_448 = arith.index_cast %add3A_357 : i32 to index
          %get3A_449 = arith.constant 48 : index
          %get3A_450 = tpu.vector_load %get3A_447[%get3A_448, %get3A_449] {strides = array<i32>} : memref<16x64xf32, #tpu.memory_space<vmem>>, vector<16xf32>,
          %bitcast_convert_type3A_451 = tpu.bitcast %get3A_450 : vector<16xf32> -> vector<16xi32>
          %shift_right_arithmetic3A_452 = arith.constant 31 : i32
          %shift_right_arithmetic3A_453 = vector.broadcast %shift_right_arithmetic3A_452 : i32 to vector<16xi32>
          %shift_right_arithmetic3A_454 = arith.shrsi %bitcast_convert_type3A_451, %shift_right_arithmetic3A_453 : vector<16xi32>
          %and3A_455 = arith.constant 2147483647 : i32
          %and3A_456 = vector.broadcast %and3A_455 : i32 to vector<16xi32>
          %and3A_457 = arith.andi %shift_right_arithmetic3A_454, %and3A_456 : vector<16xi32>
          %xor3A_458 = arith.xori %bitcast_convert_type3A_451, %and3A_457 : vector<16xi32>
          %and3A_459 = arith.constant -64 : i32
          %and3A_460 = vector.broadcast %and3A_459 : i32 to vector<16xi32>
          %and3A_461 = arith.andi %xor3A_458, %and3A_460 : vector<16xi32>
          %sub3A_462 = arith.constant 15 : i32
          %sub3A_463 = vector.broadcast %sub3A_462 : i32 to vector<16xi32>
          %sub3A_464 = arith.subi %sub3A_463, %iota3A : vector<16xi32>
          %or3A_465 = arith.ori %and3A_461, %sub3A_464 : vector<16xi32>
          %shift_right_arithmetic3A_466 = arith.constant 31 : i32
          %shift_right_arithmetic3A_467 = vector.broadcast %shift_right_arithmetic3A_466 : i32 to vector<16xi32>
          %shift_right_arithmetic3A_468 = arith.shrsi %or3A_465, %shift_right_arithmetic3A_467 : vector<16xi32>
          %and3A_469 = arith.constant 2147483647 : i32
          %and3A_470 = vector.broadcast %and3A_469 : i32 to vector<16xi32>
          %and3A_471 = arith.andi %shift_right_arithmetic3A_468, %and3A_470 : vector<16xi32>
          %xor3A_472 = arith.xori %or3A_465, %and3A_471 : vector<16xi32>
          %bitcast_convert_type3A_473 = tpu.bitcast %xor3A_472 : vector<16xi32> -> vector<16xf32>
          %lt3A = arith.constant 8 : i32
          %lt3A_474 = vector.broadcast %lt3A : i32 to vector<16xi32>
          %lt3A_475 = arith.cmpi slt, %iota3A, %lt3A_474 : vector<16xi32>
          %masked_sort3A = arith.constant dense<true> : vector<16xi1>
          %masked_sort3A_476, %masked_sort3A_477, %masked_sort3A_478 = tpu.sort %bitcast_convert_type3A_383, %bitcast_convert_type3A_383 masked %masked_sort3A {descending = true} : (vector<16xf32>, vector<16xf32>, vector<16xi1>) -> (vector<16xi1>, vector<16xf32>, vector<16xf32>)
          %masked_sort3A_479 = arith.constant dense<true> : vector<16xi1>
          %masked_sort3A_480, %masked_sort3A_481, %masked_sort3A_482 = tpu.sort %bitcast_convert_type3A_413, %bitcast_convert_type3A_413 masked %masked_sort3A_479 {descending = true} : (vector<16xf32>, vector<16xf32>, vector<16xi1>) -> (vector<16xi1>, vector<16xf32>, vector<16xf32>)
          %masked_sort3A_483 = arith.constant dense<true> : vector<16xi1>
          %masked_sort3A_484, %masked_sort3A_485, %masked_sort3A_486 = tpu.sort %bitcast_convert_type3A_443, %bitcast_convert_type3A_443 masked %masked_sort3A_483 {descending = true} : (vector<16xf32>, vector<16xf32>, vector<16xi1>) -> (vector<16xi1>, vector<16xf32>, vector<16xf32>)
          %masked_sort3A_487 = arith.constant dense<true> : vector<16xi1>
          %masked_sort3A_488, %masked_sort3A_489, %masked_sort3A_490 = tpu.sort %bitcast_convert_type3A_473, %bitcast_convert_type3A_473 masked %masked_sort3A_487 {descending = true} : (vector<16xf32>, vector<16xf32>, vector<16xi1>) -> (vector<16xi1>, vector<16xf32>, vector<16xf32>)
          %rev3A = arith.constant 15 : i32
          %rev3A_491 = vector.broadcast %rev3A : i32 to vector<16xi32>
          %rev3A_492 = tpu.iota {dimensions = array<i32: 0>} : vector<16xi32>
          %rev3A_493 = arith.subi %rev3A_491, %rev3A_492 : vector<16xi32>
          %rev3A_494 = tpu.dynamic_gather %masked_sort3A_481[%rev3A_493] in [0] : vector<16xf32>, vector<16xi32> -> vector<16xf32>
          %select_n3A_495 = arith.select %lt3A_475, %masked_sort3A_477, %rev3A_494 : vector<16xi1>, vector<16xf32>
          %masked_sort3A_496 = arith.constant dense<true> : vector<16xi1>
          %masked_sort3A_497, %masked_sort3A_498, %masked_sort3A_499 = tpu.sort %select_n3A_495, %select_n3A_495 masked %masked_sort3A_496 {descending = true} : (vector<16xf32>, vector<16xf32>, vector<16xi1>) -> (vector<16xi1>, vector<16xf32>, vector<16xf32>)
          %rev3A_500 = arith.constant 15 : i32
          %rev3A_501 = vector.broadcast %rev3A_500 : i32 to vector<16xi32>
          %rev3A_502 = tpu.iota {dimensions = array<i32: 0>} : vector<16xi32>
          %rev3A_503 = arith.subi %rev3A_501, %rev3A_502 : vector<16xi32>
          %rev3A_504 = tpu.dynamic_gather %masked_sort3A_489[%rev3A_503] in [0] : vector<16xf32>, vector<16xi32> -> vector<16xf32>
          %select_n3A_505 = arith.select %lt3A_475, %masked_sort3A_485, %rev3A_504 : vector<16xi1>, vector<16xf32>
          %masked_sort3A_506 = arith.constant dense<true> : vector<16xi1>
          %masked_sort3A_507, %masked_sort3A_508, %masked_sort3A_509 = tpu.sort %select_n3A_505, %select_n3A_505 masked %masked_sort3A_506 {descending = true} : (vector<16xf32>, vector<16xf32>, vector<16xi1>) -> (vector<16xi1>, vector<16xf32>, vector<16xf32>)
          %rev3A_510 = arith.constant 15 : i32
          %rev3A_511 = vector.broadcast %rev3A_510 : i32 to vector<16xi32>
          %rev3A_512 = tpu.iota {dimensions = array<i32: 0>} : vector<16xi32>
          %rev3A_513 = arith.subi %rev3A_511, %rev3A_512 : vector<16xi32>
          %rev3A_514 = tpu.dynamic_gather %masked_sort3A_508[%rev3A_513] in [0] : vector<16xf32>, vector<16xi32> -> vector<16xf32>
          %select_n3A_515 = arith.select %lt3A_475, %masked_sort3A_498, %rev3A_514 : vector<16xi1>, vector<16xf32>
          %masked_sort3A_516 = arith.constant dense<true> : vector<16xi1>
          %masked_sort3A_517, %masked_sort3A_518, %masked_sort3A_519 = tpu.sort %select_n3A_515, %select_n3A_515 masked %masked_sort3A_516 {descending = true} : (vector<16xf32>, vector<16xf32>, vector<16xi1>) -> (vector<16xi1>, vector<16xf32>, vector<16xf32>)
          %iota3A_520 = tpu.iota {dimensions = array<i32: 0>} : vector<16xi32>
          %reduce_max3A = arith.constant true
          %reduce_max3A_521 = vector.broadcast %reduce_max3A : i1 to vector<16xi1>
          %reduce_max3A_522 = tpu.scan <max>, %masked_sort3A_518 masked %reduce_max3A_521 : vector<16xf32>, vector<16xi1> -> vector<16xf32>
          %reduce_max3A_523 = vector.extract %reduce_max3A_522[15] : f32 from vector<16xf32>
          %lt3A_524 = arith.constant 8 : i32
          %lt3A_525 = vector.broadcast %lt3A_524 : i32 to vector<16xi32>
          %lt3A_526 = arith.cmpi slt, %iota3A_520, %lt3A_525 : vector<16xi32>
          %jit3A = arith.constant 0x7F800000 : f32
          %broadcast_in_dim3A = vector.broadcast %jit3A : f32 to vector<16xf32>
          %select_n3A_527 = arith.select %lt3A_526, %masked_sort3A_518, %broadcast_in_dim3A : vector<16xi1>, vector<16xf32>
          %reduce_min3A = arith.constant true
          %reduce_min3A_528 = vector.broadcast %reduce_min3A : i1 to vector<16xi1>
          %reduce_min3A_529 = tpu.scan <min>, %select_n3A_527 masked %reduce_min3A_528 : vector<16xf32>, vector<16xi1> -> vector<16xf32>
          %reduce_min3A_530 = vector.extract %reduce_min3A_529[15] : f32 from vector<16xf32>
          %sub3A_531 = vector.broadcast %reduce_max3A_523 : f32 to vector<16xf32>
          %sub3A_532 = arith.subf %bitcast_convert_type3A_383, %sub3A_531 : vector<16xf32>
          %exp3A = math.exp %sub3A_532 : vector<16xf32>
          %ge3A_533 = vector.broadcast %reduce_min3A_530 : f32 to vector<16xf32>
          %ge3A_534 = arith.cmpf oge, %bitcast_convert_type3A_383, %ge3A_533 : vector<16xf32>
          %jit3A_535 = arith.constant 0.000000e+00 : f32
          %broadcast_in_dim3A_536 = vector.broadcast %jit3A_535 : f32 to vector<16xf32>
          %select_n3A_537 = arith.select %ge3A_534, %exp3A, %broadcast_in_dim3A_536 : vector<16xi1>, vector<16xf32>
          %sub3A_538 = vector.broadcast %reduce_max3A_523 : f32 to vector<16xf32>
          %sub3A_539 = arith.subf %bitcast_convert_type3A_413, %sub3A_538 : vector<16xf32>
          %exp3A_540 = math.exp %sub3A_539 : vector<16xf32>
          %ge3A_541 = vector.broadcast %reduce_min3A_530 : f32 to vector<16xf32>
          %ge3A_542 = arith.cmpf oge, %bitcast_convert_type3A_413, %ge3A_541 : vector<16xf32>
          %jit3A_543 = arith.constant 0.000000e+00 : f32
          %broadcast_in_dim3A_544 = vector.broadcast %jit3A_543 : f32 to vector<16xf32>
          %select_n3A_545 = arith.select %ge3A_542, %exp3A_540, %broadcast_in_dim3A_544 : vector<16xi1>, vector<16xf32>
          %sub3A_546 = vector.broadcast %reduce_max3A_523 : f32 to vector<16xf32>
          %sub3A_547 = arith.subf %bitcast_convert_type3A_443, %sub3A_546 : vector<16xf32>
          %exp3A_548 = math.exp %sub3A_547 : vector<16xf32>
          %ge3A_549 = vector.broadcast %reduce_min3A_530 : f32 to vector<16xf32>
          %ge3A_550 = arith.cmpf oge, %bitcast_convert_type3A_443, %ge3A_549 : vector<16xf32>
          %jit3A_551 = arith.constant 0.000000e+00 : f32
          %broadcast_in_dim3A_552 = vector.broadcast %jit3A_551 : f32 to vector<16xf32>
          %select_n3A_553 = arith.select %ge3A_550, %exp3A_548, %broadcast_in_dim3A_552 : vector<16xi1>, vector<16xf32>
          %sub3A_554 = vector.broadcast %reduce_max3A_523 : f32 to vector<16xf32>
          %sub3A_555 = arith.subf %bitcast_convert_type3A_473, %sub3A_554 : vector<16xf32>
          %exp3A_556 = math.exp %sub3A_555 : vector<16xf32>
          %ge3A_557 = vector.broadcast %reduce_min3A_530 : f32 to vector<16xf32>
          %ge3A_558 = arith.cmpf oge, %bitcast_convert_type3A_473, %ge3A_557 : vector<16xf32>
          %jit3A_559 = arith.constant 0.000000e+00 : f32
          %broadcast_in_dim3A_560 = vector.broadcast %jit3A_559 : f32 to vector<16xf32>
          %select_n3A_561 = arith.select %ge3A_558, %exp3A_556, %broadcast_in_dim3A_560 : vector<16xi1>, vector<16xf32>
          %add3A_562 = arith.addf %select_n3A_537, %select_n3A_545 : vector<16xf32>
          %add3A_563 = arith.addf %add3A_562, %select_n3A_553 : vector<16xf32>
          %add3A_564 = arith.addf %add3A_563, %select_n3A_561 : vector<16xf32>
          %reduce_sum3A = arith.constant true
          %reduce_sum3A_565 = vector.broadcast %reduce_sum3A : i1 to vector<16xi1>
          %reduce_sum3A_566 = tpu.scan <sum>, %add3A_564 masked %reduce_sum3A_565 : vector<16xf32>, vector<16xi1> -> vector<16xf32>
          %reduce_sum3A_567 = vector.extract %reduce_sum3A_566[15] : f32 from vector<16xf32>
          %broadcast_in_dim3A_568 = arith.constant 1.000000e+00 : f32
          %broadcast_in_dim3A_569 = vector.broadcast %broadcast_in_dim3A_568 : f32 to vector<16xf32>
          %mul3A_570 = vector.broadcast %reduce_sum3A_567 : f32 to vector<16xf32>
          %mul3A_571 = arith.mulf %broadcast_in_dim3A_569, %mul3A_570 : vector<16xf32>
          %div3A = arith.divf %broadcast_in_dim3A_569, %mul3A_571 : vector<16xf32>
          %mul3A_572 = arith.mulf %select_n3A_537, %div3A : vector<16xf32>
          %swap3A = arith.constant 0 : i32
          %swap3A_573 = arith.constant 0 : i32
          %swap3A_574 = tpu.memref_slice %run_scoped3A_8[%rem3A_244, %swap3A, %swap3A_573] : memref<2x16x64xf32, #tpu.memory_space<vmem>> -> memref<1x16x64xf32, #tpu.memory_space<vmem>>
          %swap3A_575 = tpu.memref_squeeze %swap3A_574 : memref<1x16x64xf32, #tpu.memory_space<vmem>> -> memref<16x64xf32, #tpu.memory_space<vmem>>
          %swap3A_576 = arith.index_cast %add3A_357 : i32 to index
          %swap3A_577 = arith.constant 0 : index
          %swap3A_578 = tpu.vector_load %swap3A_575[%swap3A_576, %swap3A_577] {strides = array<i32>} : memref<16x64xf32, #tpu.memory_space<vmem>>, vector<16xf32>,
          tpu.vector_store %swap3A_575[%swap3A_576, %swap3A_577], %mul3A_572 {strides = array<i32>} : memref<16x64xf32, #tpu.memory_space<vmem>>, vector<16xf32>,
          %mul3A_579 = arith.mulf %select_n3A_545, %div3A : vector<16xf32>
          %swap3A_580 = arith.constant 0 : i32
          %swap3A_581 = arith.constant 0 : i32
          %swap3A_582 = tpu.memref_slice %run_scoped3A_8[%rem3A_244, %swap3A_580, %swap3A_581] : memref<2x16x64xf32, #tpu.memory_space<vmem>> -> memref<1x16x64xf32, #tpu.memory_space<vmem>>
          %swap3A_583 = tpu.memref_squeeze %swap3A_582 : memref<1x16x64xf32, #tpu.memory_space<vmem>> -> memref<16x64xf32, #tpu.memory_space<vmem>>
          %swap3A_584 = arith.index_cast %add3A_357 : i32 to index
          %swap3A_585 = arith.constant 16 : index
          %swap3A_586 = tpu.vector_load %swap3A_583[%swap3A_584, %swap3A_585] {strides = array<i32>} : memref<16x64xf32, #tpu.memory_space<vmem>>, vector<16xf32>,
          tpu.vector_store %swap3A_583[%swap3A_584, %swap3A_585], %mul3A_579 {strides = array<i32>} : memref<16x64xf32, #tpu.memory_space<vmem>>, vector<16xf32>,
          %mul3A_587 = arith.mulf %select_n3A_553, %div3A : vector<16xf32>
          %swap3A_588 = arith.constant 0 : i32
          %swap3A_589 = arith.constant 0 : i32
          %swap3A_590 = tpu.memref_slice %run_scoped3A_8[%rem3A_244, %swap3A_588, %swap3A_589] : memref<2x16x64xf32, #tpu.memory_space<vmem>> -> memref<1x16x64xf32, #tpu.memory_space<vmem>>
          %swap3A_591 = tpu.memref_squeeze %swap3A_590 : memref<1x16x64xf32, #tpu.memory_space<vmem>> -> memref<16x64xf32, #tpu.memory_space<vmem>>
          %swap3A_592 = arith.index_cast %add3A_357 : i32 to index
          %swap3A_593 = arith.constant 32 : index
          %swap3A_594 = tpu.vector_load %swap3A_591[%swap3A_592, %swap3A_593] {strides = array<i32>} : memref<16x64xf32, #tpu.memory_space<vmem>>, vector<16xf32>,
          tpu.vector_store %swap3A_591[%swap3A_592, %swap3A_593], %mul3A_587 {strides = array<i32>} : memref<16x64xf32, #tpu.memory_space<vmem>>, vector<16xf32>,
          %mul3A_595 = arith.mulf %select_n3A_561, %div3A : vector<16xf32>
          %swap3A_596 = arith.constant 0 : i32
          %swap3A_597 = arith.constant 0 : i32
          %swap3A_598 = tpu.memref_slice %run_scoped3A_8[%rem3A_244, %swap3A_596, %swap3A_597] : memref<2x16x64xf32, #tpu.memory_space<vmem>> -> memref<1x16x64xf32, #tpu.memory_space<vmem>>
          %swap3A_599 = tpu.memref_squeeze %swap3A_598 : memref<1x16x64xf32, #tpu.memory_space<vmem>> -> memref<16x64xf32, #tpu.memory_space<vmem>>
          %swap3A_600 = arith.index_cast %add3A_357 : i32 to index
          %swap3A_601 = arith.constant 48 : index
          %swap3A_602 = tpu.vector_load %swap3A_599[%swap3A_600, %swap3A_601] {strides = array<i32>} : memref<16x64xf32, #tpu.memory_space<vmem>>, vector<16xf32>,
          tpu.vector_store %swap3A_599[%swap3A_600, %swap3A_601], %mul3A_595 {strides = array<i32>} : memref<16x64xf32, #tpu.memory_space<vmem>>, vector<16xf32>,
          %bitcast_convert_type3A_603 = tpu.bitcast %masked_sort3A_518 : vector<16xf32> -> vector<16xi32>
          %shift_right_arithmetic3A_604 = arith.constant 31 : i32
          %shift_right_arithmetic3A_605 = vector.broadcast %shift_right_arithmetic3A_604 : i32 to vector<16xi32>
          %shift_right_arithmetic3A_606 = arith.shrsi %bitcast_convert_type3A_603, %shift_right_arithmetic3A_605 : vector<16xi32>
          %and3A_607 = arith.constant 2147483647 : i32
          %and3A_608 = vector.broadcast %and3A_607 : i32 to vector<16xi32>
          %and3A_609 = arith.andi %shift_right_arithmetic3A_606, %and3A_608 : vector<16xi32>
          %xor3A_610 = arith.xori %bitcast_convert_type3A_603, %and3A_609 : vector<16xi32>
          %and3A_611 = arith.constant 63 : i32
          %and3A_612 = vector.broadcast %and3A_611 : i32 to vector<16xi32>
          %and3A_613 = arith.andi %xor3A_610, %and3A_612 : vector<16xi32>
          %sub3A_614 = arith.constant 63 : i32
          %sub3A_615 = vector.broadcast %sub3A_614 : i32 to vector<16xi32>
          %sub3A_616 = arith.subi %sub3A_615, %and3A_613 : vector<16xi32>
          %swap3A_617 = arith.constant 0 : i32
          %swap3A_618 = arith.constant 0 : i32
          %swap3A_619 = tpu.memref_slice %run_scoped3A_10[%rem3A_246, %swap3A_617, %swap3A_618] : memref<2x16x16xi32, #tpu.memory_space<vmem>> -> memref<1x16x16xi32, #tpu.memory_space<vmem>>
          %swap3A_620 = tpu.memref_squeeze %swap3A_619 : memref<1x16x16xi32, #tpu.memory_space<vmem>> -> memref<16x16xi32, #tpu.memory_space<vmem>>
          %swap3A_621 = arith.index_cast %add3A_357 : i32 to index
          %swap3A_622 = arith.constant 0 : index
          %swap3A_623 = tpu.vector_load %swap3A_620[%swap3A_621, %swap3A_622] {strides = array<i32>} : memref<16x16xi32, #tpu.memory_space<vmem>>, vector<16xi32>,
          tpu.vector_store %swap3A_620[%swap3A_621, %swap3A_622], %sub3A_616 {strides = array<i32>} : memref<16x16xi32, #tpu.memory_space<vmem>>, vector<16xi32>,
        }
        %scan3A_251 = arith.constant 16 : i32
        "tpu.trace_stop"() : () -> ()
        %ne3A_252 = arith.cmpi ne, %add3A_155, %add3A_173 : i32
        %or3A_253 = arith.constant false
        %or3A_254 = arith.ori %or3A_253, %ne3A_252 : i1
        %or3A_255 = arith.constant false
        %or3A_256 = arith.ori %or3A_254, %or3A_255 : i1
        %or3A_257 = arith.ori %or3A_256, %eq3A_154 : i1
        %convert_element_type3A_258 = arith.extui %or3A_257 : i1 to i32
        %cond3A_259 = arith.constant 0 : i32
        %cond3A_260 = arith.cmpi ne, %convert_element_type3A_258, %cond3A_259 : i32
        scf.if %cond3A_260 {
        } else {
        }
        %and3A_261 = arith.constant false
        %and3A_262 = arith.andi %or3A_257, %and3A_261 : i1
        %ne3A_263 = arith.cmpi ne, %add3A_155, %add3A_173 : i32
        %or3A_264 = arith.constant false
        %or3A_265 = arith.ori %or3A_264, %ne3A_263 : i1
        %or3A_266 = arith.constant false
        %or3A_267 = arith.ori %or3A_265, %or3A_266 : i1
        %or3A_268 = arith.ori %or3A_267, %eq3A_154 : i1
        %convert_element_type3A_269 = arith.extui %or3A_268 : i1 to i32
        %cond3A_270 = arith.constant 0 : i32
        %cond3A_271 = arith.cmpi ne, %convert_element_type3A_269, %cond3A_270 : i32
        scf.if %cond3A_271 {
          "tpu.trace_start"() <{level = 10 : i32, message = "ep_copy_out"}> : () -> ()
          %rem3A_353 = arith.constant 2 : i32
          %rem3A_354 = arith.remui %scan3A_146, %rem3A_353 : i32
          %mul3A_355 = arith.constant 16 : i32
          %mul3A_356 = arith.muli %mul3A_355, %add3A_155 : i32
          %dma_start3A_357 = arith.constant 0 : i32
          %dma_start3A_358 = arith.constant 0 : i32
          %dma_start3A_359 = tpu.memref_slice %run_scoped3A_8[%rem3A_354, %dma_start3A_357, %dma_start3A_358] : memref<2x16x64xf32, #tpu.memory_space<vmem>> -> memref<1x16x64xf32, #tpu.memory_space<vmem>>
          %dma_start3A_360 = tpu.memref_squeeze %dma_start3A_359 : memref<1x16x64xf32, #tpu.memory_space<vmem>> -> memref<16x64xf32, #tpu.memory_space<vmem>>
          %dma_start3A_361 = arith.constant 0 : i32
          %dma_start3A_362 = tpu.memref_slice %arg3[%mul3A_356, %dma_start3A_361] : memref<8192x64xf32, #tpu.memory_space<hbm>> -> memref<16x64xf32, #tpu.memory_space<hbm>>
          %dma_start3A_363 = tpu.memref_slice %run_scoped3A_9[%rem3A_354] : memref<2x!tpu.dma_semaphore, #tpu.memory_space<semaphore_mem>> -> memref<1x!tpu.dma_semaphore, #tpu.memory_space<semaphore_mem>>
          %dma_start3A_364 = tpu.memref_squeeze %dma_start3A_363 : memref<1x!tpu.dma_semaphore, #tpu.memory_space<semaphore_mem>> -> memref<!tpu.dma_semaphore, #tpu.memory_space<semaphore_mem>>
          %dma_start3A_365 = arith.constant 0 : i32
          %dma_start3A_366 = tpu.memref_slice %arg3[%mul3A_356, %dma_start3A_365] : memref<8192x64xf32, #tpu.memory_space<hbm>> -> memref<16x64xf32, #tpu.memory_space<hbm>>
          %dma_start3A_367 = arith.constant 0 : i32
          %dma_start3A_368 = arith.constant 0 : i32
          %dma_start3A_369 = tpu.memref_slice %run_scoped3A_8[%rem3A_354, %dma_start3A_367, %dma_start3A_368] : memref<2x16x64xf32, #tpu.memory_space<vmem>> -> memref<1x16x64xf32, #tpu.memory_space<vmem>>
          %dma_start3A_370 = tpu.memref_squeeze %dma_start3A_369 : memref<1x16x64xf32, #tpu.memory_space<vmem>> -> memref<16x64xf32, #tpu.memory_space<vmem>>
          tpu.enqueue_dma source(%dma_start3A_370 : memref<16x64xf32, #tpu.memory_space<vmem>>) target(%dma_start3A_366 : memref<16x64xf32, #tpu.memory_space<hbm>>) target_semaphore(%dma_start3A_364 : memref<!tpu.dma_semaphore, #tpu.memory_space<semaphore_mem>>)
          "tpu.trace_stop"() : () -> ()
        } else {
        }
        %and3A_272 = arith.constant true
        %and3A_273 = arith.andi %or3A_268, %and3A_272 : i1
        %add3A_274 = arith.constant 1 : i32
        %add3A_275 = arith.addi %scan3A_146, %add3A_274 : i32
        %select_n3A_276 = arith.select %and3A_273, %add3A_275, %scan3A_146 : i32
        %ne3A_277 = arith.cmpi ne, %add3A_155, %add3A_173 : i32
        %or3A_278 = arith.constant false
        %or3A_279 = arith.ori %or3A_278, %ne3A_277 : i1
        %or3A_280 = arith.constant false
        %or3A_281 = arith.ori %or3A_279, %or3A_280 : i1
        %or3A_282 = arith.ori %or3A_281, %eq3A_154 : i1
        %convert_element_type3A_283 = arith.extui %or3A_282 : i1 to i32
        %cond3A_284 = arith.constant 0 : i32
        %cond3A_285 = arith.cmpi ne, %convert_element_type3A_283, %cond3A_284 : i32
        scf.if %cond3A_285 {
          "tpu.trace_start"() <{level = 10 : i32, message = "ep_copy_out"}> : () -> ()
          %rem3A_353 = arith.constant 2 : i32
          %rem3A_354 = arith.remui %scan3A_148, %rem3A_353 : i32
          %mul3A_355 = arith.constant 16 : i32
          %mul3A_356 = arith.muli %mul3A_355, %add3A_155 : i32
          %dma_start3A_357 = arith.constant 0 : i32
          %dma_start3A_358 = arith.constant 0 : i32
          %dma_start3A_359 = tpu.memref_slice %run_scoped3A_10[%rem3A_354, %dma_start3A_357, %dma_start3A_358] : memref<2x16x16xi32, #tpu.memory_space<vmem>> -> memref<1x16x16xi32, #tpu.memory_space<vmem>>
          %dma_start3A_360 = tpu.memref_squeeze %dma_start3A_359 : memref<1x16x16xi32, #tpu.memory_space<vmem>> -> memref<16x16xi32, #tpu.memory_space<vmem>>
          %dma_start3A_361 = arith.constant 0 : i32
          %dma_start3A_362 = tpu.memref_slice %arg4[%mul3A_356, %dma_start3A_361] : memref<8192x16xi32, #tpu.memory_space<hbm>> -> memref<16x16xi32, #tpu.memory_space<hbm>>
          %dma_start3A_363 = tpu.memref_slice %run_scoped3A_11[%rem3A_354] : memref<2x!tpu.dma_semaphore, #tpu.memory_space<semaphore_mem>> -> memref<1x!tpu.dma_semaphore, #tpu.memory_space<semaphore_mem>>
          %dma_start3A_364 = tpu.memref_squeeze %dma_start3A_363 : memref<1x!tpu.dma_semaphore, #tpu.memory_space<semaphore_mem>> -> memref<!tpu.dma_semaphore, #tpu.memory_space<semaphore_mem>>
          %dma_start3A_365 = arith.constant 0 : i32
          %dma_start3A_366 = tpu.memref_slice %arg4[%mul3A_356, %dma_start3A_365] : memref<8192x16xi32, #tpu.memory_space<hbm>> -> memref<16x16xi32, #tpu.memory_space<hbm>>
          %dma_start3A_367 = arith.constant 0 : i32
          %dma_start3A_368 = arith.constant 0 : i32
          %dma_start3A_369 = tpu.memref_slice %run_scoped3A_10[%rem3A_354, %dma_start3A_367, %dma_start3A_368] : memref<2x16x16xi32, #tpu.memory_space<vmem>> -> memref<1x16x16xi32, #tpu.memory_space<vmem>>
          %dma_start3A_370 = tpu.memref_squeeze %dma_start3A_369 : memref<1x16x16xi32, #tpu.memory_space<vmem>> -> memref<16x16xi32, #tpu.memory_space<vmem>>
          tpu.enqueue_dma source(%dma_start3A_370 : memref<16x16xi32, #tpu.memory_space<vmem>>) target(%dma_start3A_366 : memref<16x16xi32, #tpu.memory_space<hbm>>) target_semaphore(%dma_start3A_364 : memref<!tpu.dma_semaphore, #tpu.memory_space<semaphore_mem>>)
          "tpu.trace_stop"() : () -> ()
        } else {
        }
        %and3A_286 = arith.constant true
        %and3A_287 = arith.andi %or3A_282, %and3A_286 : i1
        %add3A_288 = arith.constant 1 : i32
        %add3A_289 = arith.addi %scan3A_148, %add3A_288 : i32
        %select_n3A_290 = arith.select %and3A_287, %add3A_289, %scan3A_148 : i32
        %ne3A_291 = arith.cmpi ne, %add3A_155, %add3A_164 : i32
        %or3A_292 = arith.constant false
        %or3A_293 = arith.ori %or3A_292, %ne3A_291 : i1
        %or3A_294 = arith.constant false
        %or3A_295 = arith.ori %or3A_293, %or3A_294 : i1
        %not3A_296 = arith.constant true
        %not3A_297 = arith.xori %eq3A_152, %not3A_296 : i1
        %and3A_298 = arith.andi %or3A_295, %not3A_297 : i1
        %convert_element_type3A_299 = arith.extui %and3A_298 : i1 to i32
        %cond3A_300 = arith.constant 0 : i32
        %cond3A_301 = arith.cmpi ne, %convert_element_type3A_299, %cond3A_300 : i32
        scf.if %cond3A_301 {
        } else {
        }
        %and3A_302 = arith.constant false
        %and3A_303 = arith.andi %and3A_298, %and3A_302 : i1
        %ne3A_304 = arith.cmpi ne, %add3A_155, %add3A_164 : i32
        %or3A_305 = arith.constant false
        %or3A_306 = arith.ori %or3A_305, %ne3A_304 : i1
        %or3A_307 = arith.constant false
        %or3A_308 = arith.ori %or3A_306, %or3A_307 : i1
        %not3A_309 = arith.constant true
        %not3A_310 = arith.xori %eq3A_152, %not3A_309 : i1
        %and3A_311 = arith.andi %or3A_308, %not3A_310 : i1
        %convert_element_type3A_312 = arith.extui %and3A_311 : i1 to i32
        %cond3A_313 = arith.constant 0 : i32
        %cond3A_314 = arith.cmpi ne, %convert_element_type3A_312, %cond3A_313 : i32
        scf.if %cond3A_314 {
          "tpu.trace_start"() <{level = 10 : i32, message = "ep_wait_out"}> : () -> ()
          %rem3A_353 = arith.constant 2 : i32
          %rem3A_354 = arith.remui %scan3A_147, %rem3A_353 : i32
          %mul3A_355 = arith.constant 16 : i32
          %mul3A_356 = arith.muli %mul3A_355, %add3A_164 : i32
          %dma_wait3A_357 = arith.constant 0 : i32
          %dma_wait3A_358 = arith.constant 0 : i32
          %dma_wait3A_359 = tpu.memref_slice %run_scoped3A_8[%rem3A_354, %dma_wait3A_357, %dma_wait3A_358] : memref<2x16x64xf32, #tpu.memory_space<vmem>> -> memref<1x16x64xf32, #tpu.memory_space<vmem>>
          %dma_wait3A_360 = tpu.memref_squeeze %dma_wait3A_359 : memref<1x16x64xf32, #tpu.memory_space<vmem>> -> memref<16x64xf32, #tpu.memory_space<vmem>>
          %dma_wait3A_361 = arith.constant 0 : i32
          %dma_wait3A_362 = tpu.memref_slice %arg3[%mul3A_356, %dma_wait3A_361] : memref<8192x64xf32, #tpu.memory_space<hbm>> -> memref<16x64xf32, #tpu.memory_space<hbm>>
          %dma_wait3A_363 = tpu.memref_slice %run_scoped3A_9[%rem3A_354] : memref<2x!tpu.dma_semaphore, #tpu.memory_space<semaphore_mem>> -> memref<1x!tpu.dma_semaphore, #tpu.memory_space<semaphore_mem>>
          %dma_wait3A_364 = tpu.memref_squeeze %dma_wait3A_363 : memref<1x!tpu.dma_semaphore, #tpu.memory_space<semaphore_mem>> -> memref<!tpu.dma_semaphore, #tpu.memory_space<semaphore_mem>>
          %dma_wait3A_365 = arith.constant 0 : i32
          %dma_wait3A_366 = tpu.memref_slice %arg3[%mul3A_356, %dma_wait3A_365] : memref<8192x64xf32, #tpu.memory_space<hbm>> -> memref<16x64xf32, #tpu.memory_space<hbm>>
          %dma_wait3A_367 = arith.constant 0 : i32
          %dma_wait3A_368 = arith.constant 0 : i32
          %dma_wait3A_369 = tpu.memref_slice %run_scoped3A_8[%rem3A_354, %dma_wait3A_367, %dma_wait3A_368] : memref<2x16x64xf32, #tpu.memory_space<vmem>> -> memref<1x16x64xf32, #tpu.memory_space<vmem>>
          %dma_wait3A_370 = tpu.memref_squeeze %dma_wait3A_369 : memref<1x16x64xf32, #tpu.memory_space<vmem>> -> memref<16x64xf32, #tpu.memory_space<vmem>>
          tpu.wait_dma2 semaphore(%dma_wait3A_364 : memref<!tpu.dma_semaphore, #tpu.memory_space<semaphore_mem>>) src(%dma_wait3A_370 : memref<16x64xf32, #tpu.memory_space<vmem>>) dst(%dma_wait3A_366 : memref<16x64xf32, #tpu.memory_space<hbm>>)
          "tpu.trace_stop"() : () -> ()
        } else {
        }
        %and3A_315 = arith.constant true
        %and3A_316 = arith.andi %and3A_311, %and3A_315 : i1
        %add3A_317 = arith.constant 1 : i32
        %add3A_318 = arith.addi %scan3A_147, %add3A_317 : i32
        %select_n3A_319 = arith.select %and3A_316, %add3A_318, %scan3A_147 : i32
        %ne3A_320 = arith.cmpi ne, %add3A_155, %add3A_164 : i32
        %or3A_321 = arith.constant false
        %or3A_322 = arith.ori %or3A_321, %ne3A_320 : i1
        %or3A_323 = arith.constant false
        %or3A_324 = arith.ori %or3A_322, %or3A_323 : i1
        %not3A_325 = arith.constant true
        %not3A_326 = arith.xori %eq3A_152, %not3A_325 : i1
        %and3A_327 = arith.andi %or3A_324, %not3A_326 : i1
        %convert_element_type3A_328 = arith.extui %and3A_327 : i1 to i32
        %cond3A_329 = arith.constant 0 : i32
        %cond3A_330 = arith.cmpi ne, %convert_element_type3A_328, %cond3A_329 : i32
        scf.if %cond3A_330 {
          "tpu.trace_start"() <{level = 10 : i32, message = "ep_wait_out"}> : () -> ()
          %rem3A_353 = arith.constant 2 : i32
          %rem3A_354 = arith.remui %scan3A_149, %rem3A_353 : i32
          %mul3A_355 = arith.constant 16 : i32
          %mul3A_356 = arith.muli %mul3A_355, %add3A_164 : i32
          %dma_wait3A_357 = arith.constant 0 : i32
          %dma_wait3A_358 = arith.constant 0 : i32
          %dma_wait3A_359 = tpu.memref_slice %run_scoped3A_10[%rem3A_354, %dma_wait3A_357, %dma_wait3A_358] : memref<2x16x16xi32, #tpu.memory_space<vmem>> -> memref<1x16x16xi32, #tpu.memory_space<vmem>>
          %dma_wait3A_360 = tpu.memref_squeeze %dma_wait3A_359 : memref<1x16x16xi32, #tpu.memory_space<vmem>> -> memref<16x16xi32, #tpu.memory_space<vmem>>
          %dma_wait3A_361 = arith.constant 0 : i32
          %dma_wait3A_362 = tpu.memref_slice %arg4[%mul3A_356, %dma_wait3A_361] : memref<8192x16xi32, #tpu.memory_space<hbm>> -> memref<16x16xi32, #tpu.memory_space<hbm>>
          %dma_wait3A_363 = tpu.memref_slice %run_scoped3A_11[%rem3A_354] : memref<2x!tpu.dma_semaphore, #tpu.memory_space<semaphore_mem>> -> memref<1x!tpu.dma_semaphore, #tpu.memory_space<semaphore_mem>>
          %dma_wait3A_364 = tpu.memref_squeeze %dma_wait3A_363 : memref<1x!tpu.dma_semaphore, #tpu.memory_space<semaphore_mem>> -> memref<!tpu.dma_semaphore, #tpu.memory_space<semaphore_mem>>
          %dma_wait3A_365 = arith.constant 0 : i32
          %dma_wait3A_366 = tpu.memref_slice %arg4[%mul3A_356, %dma_wait3A_365] : memref<8192x16xi32, #tpu.memory_space<hbm>> -> memref<16x16xi32, #tpu.memory_space<hbm>>
          %dma_wait3A_367 = arith.constant 0 : i32
          %dma_wait3A_368 = arith.constant 0 : i32
          %dma_wait3A_369 = tpu.memref_slice %run_scoped3A_10[%rem3A_354, %dma_wait3A_367, %dma_wait3A_368] : memref<2x16x16xi32, #tpu.memory_space<vmem>> -> memref<1x16x16xi32, #tpu.memory_space<vmem>>
          %dma_wait3A_370 = tpu.memref_squeeze %dma_wait3A_369 : memref<1x16x16xi32, #tpu.memory_space<vmem>> -> memref<16x16xi32, #tpu.memory_space<vmem>>
          tpu.wait_dma2 semaphore(%dma_wait3A_364 : memref<!tpu.dma_semaphore, #tpu.memory_space<semaphore_mem>>) src(%dma_wait3A_370 : memref<16x16xi32, #tpu.memory_space<vmem>>) dst(%dma_wait3A_366 : memref<16x16xi32, #tpu.memory_space<hbm>>)
          "tpu.trace_stop"() : () -> ()
        } else {
        }
        %and3A_331 = arith.constant true
        %and3A_332 = arith.andi %and3A_327, %and3A_331 : i1
        %add3A_333 = arith.constant 1 : i32
        %add3A_334 = arith.addi %scan3A_149, %add3A_333 : i32
        %select_n3A_335 = arith.select %and3A_332, %add3A_334, %scan3A_149 : i32
        %ne3A_336 = arith.cmpi ne, %add3A_155, %add3A_173 : i32
        %or3A_337 = arith.constant false
        %or3A_338 = arith.ori %or3A_337, %ne3A_336 : i1
        %or3A_339 = arith.constant false
        %or3A_340 = arith.ori %or3A_338, %or3A_339 : i1
        %or3A_341 = arith.ori %or3A_340, %eq3A_154 : i1
        %add3A_342 = arith.constant 1 : i32
        %add3A_343 = arith.addi %scan3A_145, %add3A_342 : i32
        %select_n3A_344 = arith.select %or3A_341, %add3A_343, %scan3A_145 : i32
        %add3A_345 = arith.constant 1 : i32
        %add3A_346 = arith.addi %scan3A_150, %add3A_345 : i32
        %select_n3A_347 = arith.constant true
        %select_n3A_348 = arith.select %select_n3A_347, %add3A_346, %scan3A_150 : i32
        %eq3A_349 = arith.constant 16 : i32
        %eq3A_350 = arith.cmpi eq, %select_n3A_348, %eq3A_349 : i32
        %select_n3A_351 = arith.constant 0 : i32
        %select_n3A_352 = arith.select %eq3A_350, %select_n3A_351, %select_n3A_348 : i32
        scf.yield %select_n3A_193, %select_n3A_344, %select_n3A_276, %select_n3A_319, %select_n3A_290, %select_n3A_335, %select_n3A_352 : i32, i32, i32, i32, i32, i32, i32
      }
      %scan3A_72 = arith.constant 16 : i32
      %sub3A = arith.constant 1 : i32
      %sub3A_73 = arith.subi %scan3A_71#6, %sub3A : i32
      %select_n3A_74 = arith.constant true
      %select_n3A_75 = arith.select %select_n3A_74, %sub3A_73, %scan3A_71#6 : i32
      %eq3A_76 = arith.constant -1 : i32
      %eq3A_77 = arith.cmpi eq, %select_n3A_75, %eq3A_76 : i32
      %select_n3A_78 = arith.constant 15 : i32
      %select_n3A_79 = arith.select %eq3A_77, %select_n3A_78, %select_n3A_75 : i32
      %add3A_80 = arith.addi %select_n3A_79, %mul3A_6 : i32
      %sub3A_81 = arith.constant 1 : i32
      %sub3A_82 = arith.subi %select_n3A_79, %sub3A_81 : i32
      %select_n3A_83 = arith.constant true
      %select_n3A_84 = arith.select %select_n3A_83, %sub3A_82, %select_n3A_79 : i32
      %eq3A_85 = arith.constant -1 : i32
      %eq3A_86 = arith.cmpi eq, %select_n3A_84, %eq3A_85 : i32
      %select_n3A_87 = arith.constant 15 : i32
      %select_n3A_88 = arith.select %eq3A_86, %select_n3A_87, %select_n3A_84 : i32
      %add3A_89 = arith.addi %select_n3A_88, %mul3A_6 : i32
      %add3A_90 = arith.constant 1 : i32
      %add3A_91 = arith.addi %select_n3A_79, %add3A_90 : i32
      %select_n3A_92 = arith.constant true
      %select_n3A_93 = arith.select %select_n3A_92, %add3A_91, %select_n3A_79 : i32
      %eq3A_94 = arith.constant 16 : i32
      %eq3A_95 = arith.cmpi eq, %select_n3A_93, %eq3A_94 : i32
      %select_n3A_96 = arith.constant 0 : i32
      %select_n3A_97 = arith.select %eq3A_95, %select_n3A_96, %select_n3A_93 : i32
      %add3A_98 = arith.addi %select_n3A_97, %mul3A_6 : i32
      %add3A_99 = arith.constant 1 : i32
      %add3A_100 = arith.addi %select_n3A_97, %add3A_99 : i32
      %select_n3A_101 = arith.constant true
      %select_n3A_102 = arith.select %select_n3A_101, %add3A_100, %select_n3A_97 : i32
      %eq3A_103 = arith.constant 16 : i32
      %eq3A_104 = arith.cmpi eq, %select_n3A_102, %eq3A_103 : i32
      %select_n3A_105 = arith.constant 0 : i32
      %select_n3A_106 = arith.select %eq3A_104, %select_n3A_105, %select_n3A_102 : i32
      %add3A_107 = arith.addi %select_n3A_106, %mul3A_6 : i32
      "tpu.trace_start"() <{level = 10 : i32, message = "ep_finalize"}> : () -> ()
      %rem3A_108 = arith.constant 2 : i32
      %rem3A_109 = arith.remui %scan3A_71#3, %rem3A_108 : i32
      %mul3A_110 = arith.constant 16 : i32
      %mul3A_111 = arith.muli %mul3A_110, %add3A_80 : i32
      %dma_wait3A = arith.constant 0 : i32
      %dma_wait3A_112 = arith.constant 0 : i32
      %dma_wait3A_113 = tpu.memref_slice %run_scoped3A_8[%rem3A_109, %dma_wait3A, %dma_wait3A_112] : memref<2x16x64xf32, #tpu.memory_space<vmem>> -> memref<1x16x64xf32, #tpu.memory_space<vmem>>
      %dma_wait3A_114 = tpu.memref_squeeze %dma_wait3A_113 : memref<1x16x64xf32, #tpu.memory_space<vmem>> -> memref<16x64xf32, #tpu.memory_space<vmem>>
      %dma_wait3A_115 = arith.constant 0 : i32
      %dma_wait3A_116 = tpu.memref_slice %arg3[%mul3A_111, %dma_wait3A_115] : memref<8192x64xf32, #tpu.memory_space<hbm>> -> memref<16x64xf32, #tpu.memory_space<hbm>>
      %dma_wait3A_117 = tpu.memref_slice %run_scoped3A_9[%rem3A_109] : memref<2x!tpu.dma_semaphore, #tpu.memory_space<semaphore_mem>> -> memref<1x!tpu.dma_semaphore, #tpu.memory_space<semaphore_mem>>
      %dma_wait3A_118 = tpu.memref_squeeze %dma_wait3A_117 : memref<1x!tpu.dma_semaphore, #tpu.memory_space<semaphore_mem>> -> memref<!tpu.dma_semaphore, #tpu.memory_space<semaphore_mem>>
      %dma_wait3A_119 = arith.constant 0 : i32
      %dma_wait3A_120 = tpu.memref_slice %arg3[%mul3A_111, %dma_wait3A_119] : memref<8192x64xf32, #tpu.memory_space<hbm>> -> memref<16x64xf32, #tpu.memory_space<hbm>>
      %dma_wait3A_121 = arith.constant 0 : i32
      %dma_wait3A_122 = arith.constant 0 : i32
      %dma_wait3A_123 = tpu.memref_slice %run_scoped3A_8[%rem3A_109, %dma_wait3A_121, %dma_wait3A_122] : memref<2x16x64xf32, #tpu.memory_space<vmem>> -> memref<1x16x64xf32, #tpu.memory_space<vmem>>
      %dma_wait3A_124 = tpu.memref_squeeze %dma_wait3A_123 : memref<1x16x64xf32, #tpu.memory_space<vmem>> -> memref<16x64xf32, #tpu.memory_space<vmem>>
      tpu.wait_dma2 semaphore(%dma_wait3A_118 : memref<!tpu.dma_semaphore, #tpu.memory_space<semaphore_mem>>) src(%dma_wait3A_124 : memref<16x64xf32, #tpu.memory_space<vmem>>) dst(%dma_wait3A_120 : memref<16x64xf32, #tpu.memory_space<hbm>>)
      %rem3A_125 = arith.constant 2 : i32
      %rem3A_126 = arith.remui %scan3A_71#5, %rem3A_125 : i32
      %mul3A_127 = arith.constant 16 : i32
      %mul3A_128 = arith.muli %mul3A_127, %add3A_80 : i32
      %dma_wait3A_129 = arith.constant 0 : i32
      %dma_wait3A_130 = arith.constant 0 : i32
      %dma_wait3A_131 = tpu.memref_slice %run_scoped3A_10[%rem3A_126, %dma_wait3A_129, %dma_wait3A_130] : memref<2x16x16xi32, #tpu.memory_space<vmem>> -> memref<1x16x16xi32, #tpu.memory_space<vmem>>
      %dma_wait3A_132 = tpu.memref_squeeze %dma_wait3A_131 : memref<1x16x16xi32, #tpu.memory_space<vmem>> -> memref<16x16xi32, #tpu.memory_space<vmem>>
      %dma_wait3A_133 = arith.constant 0 : i32
      %dma_wait3A_134 = tpu.memref_slice %arg4[%mul3A_128, %dma_wait3A_133] : memref<8192x16xi32, #tpu.memory_space<hbm>> -> memref<16x16xi32, #tpu.memory_space<hbm>>
      %dma_wait3A_135 = tpu.memref_slice %run_scoped3A_11[%rem3A_126] : memref<2x!tpu.dma_semaphore, #tpu.memory_space<semaphore_mem>> -> memref<1x!tpu.dma_semaphore, #tpu.memory_space<semaphore_mem>>
      %dma_wait3A_136 = tpu.memref_squeeze %dma_wait3A_135 : memref<1x!tpu.dma_semaphore, #tpu.memory_space<semaphore_mem>> -> memref<!tpu.dma_semaphore, #tpu.memory_space<semaphore_mem>>
      %dma_wait3A_137 = arith.constant 0 : i32
      %dma_wait3A_138 = tpu.memref_slice %arg4[%mul3A_128, %dma_wait3A_137] : memref<8192x16xi32, #tpu.memory_space<hbm>> -> memref<16x16xi32, #tpu.memory_space<hbm>>
      %dma_wait3A_139 = arith.constant 0 : i32
      %dma_wait3A_140 = arith.constant 0 : i32
      %dma_wait3A_141 = tpu.memref_slice %run_scoped3A_10[%rem3A_126, %dma_wait3A_139, %dma_wait3A_140] : memref<2x16x16xi32, #tpu.memory_space<vmem>> -> memref<1x16x16xi32, #tpu.memory_space<vmem>>
      %dma_wait3A_142 = tpu.memref_squeeze %dma_wait3A_141 : memref<1x16x16xi32, #tpu.memory_space<vmem>> -> memref<16x16xi32, #tpu.memory_space<vmem>>
      tpu.wait_dma2 semaphore(%dma_wait3A_136 : memref<!tpu.dma_semaphore, #tpu.memory_space<semaphore_mem>>) src(%dma_wait3A_142 : memref<16x16xi32, #tpu.memory_space<vmem>>) dst(%dma_wait3A_138 : memref<16x16xi32, #tpu.memory_space<hbm>>)
      "tpu.trace_stop"() : () -> ()
      tpu.yield
    }) : () -> ()
    return
  }
}

module attributes {stable_mosaic.version = 14 : i64} {
  func.func @_lambda_(%arg0: i32, %arg1: memref<1024x4096xf32, #tpu.memory_space<vmem>>, %arg2: memref<4096x64xf32, #tpu.memory_space<vmem>>, %arg3: memref<1x64xf32, #tpu.memory_space<vmem>>, %arg4: memref<1024x64xf32, #tpu.memory_space<vmem>>, %arg5: memref<1x1xf32, #tpu.memory_space<smem>>) attributes {dimension_semantics = [#tpu.dimension_semantics<arbitrary>], iteration_bounds = array<i64: 8>, scalar_prefetch = 0 : i64, scratch_operands = 0 : i64, tpu.core_type = #tpu.core_type<tc>, window_params = [{transform_indices = @transform_0, window_bounds = array<i64: 1024, 4096>}, {pipeline_mode = #tpu.pipeline_mode<synchronous>, transform_indices = @transform_1, window_bounds = array<i64: 4096, 64>}, {pipeline_mode = #tpu.pipeline_mode<synchronous>, transform_indices = @transform_2, window_bounds = array<i64: 1, 64>}, {transform_indices = @transform_3, window_bounds = array<i64: 1024, 64>}, {transform_indices = @transform_4, window_bounds = array<i64: 1, 1>}]} {
    %get3A = arith.constant 0 : index
    %get3A_0 = arith.constant 0 : index
    %get3A_1 = vector.load %arg1[%get3A, %get3A_0] : memref<1024x4096xf32, #tpu.memory_space<vmem>>, vector<1024x4096xf32>
    %get3A_2 = arith.constant 0 : index
    %get3A_3 = arith.constant 0 : index
    %get3A_4 = vector.load %arg2[%get3A_2, %get3A_3] : memref<4096x64xf32, #tpu.memory_space<vmem>>, vector<4096x64xf32>
    %dot_general3A = arith.constant dense<0.000000e+00> : vector<1024x64xf32>
    %dot_general3A_5 = tpu.matmul %get3A_1, %get3A_4, %dot_general3A {dimension_numbers = #tpu.dot_dimension_numbers<[1], [0], [0], [1], [0, 0, 1, 1], [], []>, transpose_lhs_hint = false} : vector<1024x4096xf32>, vector<4096x64xf32>, vector<1024x64xf32> -> vector<1024x64xf32>
    %get3A_6 = arith.constant 0 : index
    %get3A_7 = arith.constant 0 : index
    %get3A_8 = vector.load %arg3[%get3A_6, %get3A_7] : memref<1x64xf32, #tpu.memory_space<vmem>>, vector<1x64xf32>
    %add3A = vector.broadcast %get3A_8 : vector<1x64xf32> to vector<1024x64xf32>
    %add3A_9 = arith.addf %dot_general3A_5, %add3A : vector<1024x64xf32>
    %swap3A = arith.constant 0 : index
    %swap3A_10 = arith.constant 0 : index
    %swap3A_11 = vector.load %arg4[%swap3A, %swap3A_10] : memref<1024x64xf32, #tpu.memory_space<vmem>>, vector<1024x64xf32>
    tpu.vector_store %arg4[%swap3A, %swap3A_10], %add3A_9 {strides = array<i32>} : memref<1024x64xf32, #tpu.memory_space<vmem>>, vector<1024x64xf32>,
    %eq3A = arith.constant 0 : i32
    %eq3A_12 = arith.cmpi eq, %arg0, %eq3A : i32
    %convert_element_type3A = arith.extui %eq3A_12 : i1 to i32
    %cond3A = arith.constant 0 : i32
    %cond3A_13 = arith.cmpi ne, %convert_element_type3A, %cond3A : i32
    scf.if %cond3A_13 {
      %swap3A_27 = arith.constant 0.000000e+00 : f32
      %swap3A_28 = arith.constant 0 : index
      %swap3A_29 = arith.constant 0 : index
      %swap3A_30 = memref.load %arg5[%swap3A_28, %swap3A_29] : memref<1x1xf32, #tpu.memory_space<smem>>
      memref.store %swap3A_27, %arg5[%swap3A_28, %swap3A_29] : memref<1x1xf32, #tpu.memory_space<smem>>
    } else {
    }
    %reduce_max3A = arith.constant dense<0xFF800000> : vector<1024xf32>
    %reduce_max3A_14 = vector.multi_reduction <maximumf>, %add3A_9, %reduce_max3A [1] : vector<1024x64xf32> to vector<1024xf32>
    %broadcast_in_dim3A = vector.shape_cast %reduce_max3A_14 : vector<1024xf32> to vector<1024x1xf32>
    %get3A_15 = arith.constant 0 : index
    %get3A_16 = arith.constant 0 : index
    %get3A_17 = memref.load %arg5[%get3A_15, %get3A_16] : memref<1x1xf32, #tpu.memory_space<smem>>
    %reduce_sum3A = vector.shape_cast %broadcast_in_dim3A : vector<1024x1xf32> to vector<1x1024x1xf32>
    %reduce_sum3A_18 = arith.constant dense<0.000000e+00> : vector<1xf32>
    %reduce_sum3A_19 = vector.multi_reduction <add>, %reduce_sum3A, %reduce_sum3A_18 [1, 2] : vector<1x1024x1xf32> to vector<1xf32>
    %reduce_sum3A_20 = vector.shape_cast %reduce_sum3A_19 : vector<1xf32> to vector<1x1x1xf32>
    %reduce_sum3A_21 = vector.extract %reduce_sum3A_20[0, 0, 0] : f32 from vector<1x1x1xf32>
    %mul3A = arith.constant 3.05175781E-5 : f32
    %mul3A_22 = arith.mulf %reduce_sum3A_21, %mul3A : f32
    %add3A_23 = arith.addf %get3A_17, %mul3A_22 : f32
    %swap3A_24 = arith.constant 0 : index
    %swap3A_25 = arith.constant 0 : index
    %swap3A_26 = memref.load %arg5[%swap3A_24, %swap3A_25] : memref<1x1xf32, #tpu.memory_space<smem>>
    memref.store %add3A_23, %arg5[%swap3A_24, %swap3A_25] : memref<1x1xf32, #tpu.memory_space<smem>>
    return
  }
  func.func @transform_0(%arg0: i32) -> (i32, i32) {
    %add3A = arith.constant 16 : i32
    %add3A_0 = arith.addi %add3A, %arg0 : i32
    %c0_i32 = arith.constant 0 : i32
    %c0_i32_1 = arith.constant 0 : i32
    return %add3A_0, %c0_i32 : i32, i32
  }
  func.func @transform_1(%arg0: i32) -> (i32, i32) {
    %c0_i32 = arith.constant 0 : i32
    %c0_i32_0 = arith.constant 0 : i32
    %c0_i32_1 = arith.constant 0 : i32
    return %c0_i32, %c0_i32_0 : i32, i32
  }
  func.func @transform_2(%arg0: i32) -> (i32, i32) {
    %c0_i32 = arith.constant 0 : i32
    %c0_i32_0 = arith.constant 0 : i32
    %c0_i32_1 = arith.constant 0 : i32
    return %c0_i32, %c0_i32_0 : i32, i32
  }
  func.func @transform_3(%arg0: i32) -> (i32, i32) {
    %c0_i32 = arith.constant 0 : i32
    %c0_i32_0 = arith.constant 0 : i32
    return %arg0, %c0_i32 : i32, i32
  }
  func.func @transform_4(%arg0: i32) -> (i32, i32) {
    %c0_i32 = arith.constant 0 : i32
    %c0_i32_0 = arith.constant 0 : i32
    %c0_i32_1 = arith.constant 0 : i32
    return %c0_i32, %c0_i32_0 : i32, i32
  }
}

module attributes {stable_mosaic.version = 14 : i64} {
  func.func @_lambda_(%arg0: i32, %arg1: memref<1024x4096xf32, #tpu.memory_space<vmem>>, %arg2: memref<4096x64xf32, #tpu.memory_space<vmem>>, %arg3: memref<1x64xf32, #tpu.memory_space<vmem>>, %arg4: memref<1024x64xf32, #tpu.memory_space<vmem>>, %arg5: memref<1x1xf32, #tpu.memory_space<smem>>) attributes {dimension_semantics = [#tpu.dimension_semantics<arbitrary>], iteration_bounds = array<i64: 8>, scalar_prefetch = 0 : i64, scratch_operands = 0 : i64, tpu.core_type = #tpu.core_type<tc>, window_params = [{transform_indices = @transform_0, window_bounds = array<i64: 1024, 4096>}, {pipeline_mode = #tpu.pipeline_mode<synchronous>, transform_indices = @transform_1, window_bounds = array<i64: 4096, 64>}, {pipeline_mode = #tpu.pipeline_mode<synchronous>, transform_indices = @transform_2, window_bounds = array<i64: 1, 64>}, {transform_indices = @transform_3, window_bounds = array<i64: 1024, 64>}, {transform_indices = @transform_4, window_bounds = array<i64: 1, 1>}]} {
    %get3A = arith.constant 0 : index
    %get3A_0 = arith.constant 0 : index
    %get3A_1 = vector.load %arg1[%get3A, %get3A_0] : memref<1024x4096xf32, #tpu.memory_space<vmem>>, vector<1024x4096xf32>
    %get3A_2 = arith.constant 0 : index
    %get3A_3 = arith.constant 0 : index
    %get3A_4 = vector.load %arg2[%get3A_2, %get3A_3] : memref<4096x64xf32, #tpu.memory_space<vmem>>, vector<4096x64xf32>
    %dot_general3A = arith.constant dense<0.000000e+00> : vector<1024x64xf32>
    %dot_general3A_5 = tpu.matmul %get3A_1, %get3A_4, %dot_general3A {dimension_numbers = #tpu.dot_dimension_numbers<[1], [0], [0], [1], [0, 0, 1, 1], [], []>, transpose_lhs_hint = false} : vector<1024x4096xf32>, vector<4096x64xf32>, vector<1024x64xf32> -> vector<1024x64xf32>
    %get3A_6 = arith.constant 0 : index
    %get3A_7 = arith.constant 0 : index
    %get3A_8 = vector.load %arg3[%get3A_6, %get3A_7] : memref<1x64xf32, #tpu.memory_space<vmem>>, vector<1x64xf32>
    %add3A = vector.broadcast %get3A_8 : vector<1x64xf32> to vector<1024x64xf32>
    %add3A_9 = arith.addf %dot_general3A_5, %add3A : vector<1024x64xf32>
    %swap3A = arith.constant 0 : index
    %swap3A_10 = arith.constant 0 : index
    %swap3A_11 = vector.load %arg4[%swap3A, %swap3A_10] : memref<1024x64xf32, #tpu.memory_space<vmem>>, vector<1024x64xf32>
    tpu.vector_store %arg4[%swap3A, %swap3A_10], %add3A_9 {strides = array<i32>} : memref<1024x64xf32, #tpu.memory_space<vmem>>, vector<1024x64xf32>,
    %eq3A = arith.constant 0 : i32
    %eq3A_12 = arith.cmpi eq, %arg0, %eq3A : i32
    %convert_element_type3A = arith.extui %eq3A_12 : i1 to i32
    %cond3A = arith.constant 0 : i32
    %cond3A_13 = arith.cmpi ne, %convert_element_type3A, %cond3A : i32
    scf.if %cond3A_13 {
      %swap3A_27 = arith.constant 0.000000e+00 : f32
      %swap3A_28 = arith.constant 0 : index
      %swap3A_29 = arith.constant 0 : index
      %swap3A_30 = memref.load %arg5[%swap3A_28, %swap3A_29] : memref<1x1xf32, #tpu.memory_space<smem>>
      memref.store %swap3A_27, %arg5[%swap3A_28, %swap3A_29] : memref<1x1xf32, #tpu.memory_space<smem>>
    } else {
    }
    %reduce_max3A = arith.constant dense<0xFF800000> : vector<1024xf32>
    %reduce_max3A_14 = vector.multi_reduction <maximumf>, %add3A_9, %reduce_max3A [1] : vector<1024x64xf32> to vector<1024xf32>
    %broadcast_in_dim3A = vector.shape_cast %reduce_max3A_14 : vector<1024xf32> to vector<1024x1xf32>
    %get3A_15 = arith.constant 0 : index
    %get3A_16 = arith.constant 0 : index
    %get3A_17 = memref.load %arg5[%get3A_15, %get3A_16] : memref<1x1xf32, #tpu.memory_space<smem>>
    %reduce_sum3A = vector.shape_cast %broadcast_in_dim3A : vector<1024x1xf32> to vector<1x1024x1xf32>
    %reduce_sum3A_18 = arith.constant dense<0.000000e+00> : vector<1xf32>
    %reduce_sum3A_19 = vector.multi_reduction <add>, %reduce_sum3A, %reduce_sum3A_18 [1, 2] : vector<1x1024x1xf32> to vector<1xf32>
    %reduce_sum3A_20 = vector.shape_cast %reduce_sum3A_19 : vector<1xf32> to vector<1x1x1xf32>
    %reduce_sum3A_21 = vector.extract %reduce_sum3A_20[0, 0, 0] : f32 from vector<1x1x1xf32>
    %mul3A = arith.constant 3.05175781E-5 : f32
    %mul3A_22 = arith.mulf %reduce_sum3A_21, %mul3A : f32
    %add3A_23 = arith.addf %get3A_17, %mul3A_22 : f32
    %swap3A_24 = arith.constant 0 : index
    %swap3A_25 = arith.constant 0 : index
    %swap3A_26 = memref.load %arg5[%swap3A_24, %swap3A_25] : memref<1x1xf32, #tpu.memory_space<smem>>
    memref.store %add3A_23, %arg5[%swap3A_24, %swap3A_25] : memref<1x1xf32, #tpu.memory_space<smem>>
    return
  }
  func.func @transform_0(%arg0: i32) -> (i32, i32) {
    %add3A = arith.constant 0 : i32
    %add3A_0 = arith.addi %add3A, %arg0 : i32
    %c0_i32 = arith.constant 0 : i32
    %c0_i32_1 = arith.constant 0 : i32
    return %add3A_0, %c0_i32 : i32, i32
  }
  func.func @transform_1(%arg0: i32) -> (i32, i32) {
    %c0_i32 = arith.constant 0 : i32
    %c0_i32_0 = arith.constant 0 : i32
    %c0_i32_1 = arith.constant 0 : i32
    return %c0_i32, %c0_i32_0 : i32, i32
  }
  func.func @transform_2(%arg0: i32) -> (i32, i32) {
    %c0_i32 = arith.constant 0 : i32
    %c0_i32_0 = arith.constant 0 : i32
    %c0_i32_1 = arith.constant 0 : i32
    return %c0_i32, %c0_i32_0 : i32, i32
  }
  func.func @transform_3(%arg0: i32) -> (i32, i32) {
    %c0_i32 = arith.constant 0 : i32
    %c0_i32_0 = arith.constant 0 : i32
    return %arg0, %c0_i32 : i32, i32
  }
  func.func @transform_4(%arg0: i32) -> (i32, i32) {
    %c0_i32 = arith.constant 0 : i32
    %c0_i32_0 = arith.constant 0 : i32
    %c0_i32_1 = arith.constant 0 : i32
    return %c0_i32, %c0_i32_0 : i32, i32
  }
}

module attributes {stable_mosaic.version = 14 : i64} {
  func.func @_lambda_(%arg0: i32, %arg1: memref<1024x4096xf32, #tpu.memory_space<vmem>>, %arg2: memref<4096x64xf32, #tpu.memory_space<vmem>>, %arg3: memref<1x64xf32, #tpu.memory_space<vmem>>, %arg4: memref<1024x64xf32, #tpu.memory_space<vmem>>, %arg5: memref<1x1xf32, #tpu.memory_space<smem>>) attributes {dimension_semantics = [#tpu.dimension_semantics<arbitrary>], iteration_bounds = array<i64: 8>, scalar_prefetch = 0 : i64, scratch_operands = 0 : i64, tpu.core_type = #tpu.core_type<tc>, window_params = [{transform_indices = @transform_0, window_bounds = array<i64: 1024, 4096>}, {pipeline_mode = #tpu.pipeline_mode<synchronous>, transform_indices = @transform_1, window_bounds = array<i64: 4096, 64>}, {pipeline_mode = #tpu.pipeline_mode<synchronous>, transform_indices = @transform_2, window_bounds = array<i64: 1, 64>}, {transform_indices = @transform_3, window_bounds = array<i64: 1024, 64>}, {transform_indices = @transform_4, window_bounds = array<i64: 1, 1>}]} {
    %get3A = arith.constant 0 : index
    %get3A_0 = arith.constant 0 : index
    %get3A_1 = vector.load %arg1[%get3A, %get3A_0] : memref<1024x4096xf32, #tpu.memory_space<vmem>>, vector<1024x4096xf32>
    %get3A_2 = arith.constant 0 : index
    %get3A_3 = arith.constant 0 : index
    %get3A_4 = vector.load %arg2[%get3A_2, %get3A_3] : memref<4096x64xf32, #tpu.memory_space<vmem>>, vector<4096x64xf32>
    %dot_general3A = arith.constant dense<0.000000e+00> : vector<1024x64xf32>
    %dot_general3A_5 = tpu.matmul %get3A_1, %get3A_4, %dot_general3A {dimension_numbers = #tpu.dot_dimension_numbers<[1], [0], [0], [1], [0, 0, 1, 1], [], []>, transpose_lhs_hint = false} : vector<1024x4096xf32>, vector<4096x64xf32>, vector<1024x64xf32> -> vector<1024x64xf32>
    %get3A_6 = arith.constant 0 : index
    %get3A_7 = arith.constant 0 : index
    %get3A_8 = vector.load %arg3[%get3A_6, %get3A_7] : memref<1x64xf32, #tpu.memory_space<vmem>>, vector<1x64xf32>
    %add3A = vector.broadcast %get3A_8 : vector<1x64xf32> to vector<1024x64xf32>
    %add3A_9 = arith.addf %dot_general3A_5, %add3A : vector<1024x64xf32>
    %swap3A = arith.constant 0 : index
    %swap3A_10 = arith.constant 0 : index
    %swap3A_11 = vector.load %arg4[%swap3A, %swap3A_10] : memref<1024x64xf32, #tpu.memory_space<vmem>>, vector<1024x64xf32>
    tpu.vector_store %arg4[%swap3A, %swap3A_10], %add3A_9 {strides = array<i32>} : memref<1024x64xf32, #tpu.memory_space<vmem>>, vector<1024x64xf32>,
    %eq3A = arith.constant 0 : i32
    %eq3A_12 = arith.cmpi eq, %arg0, %eq3A : i32
    %convert_element_type3A = arith.extui %eq3A_12 : i1 to i32
    %cond3A = arith.constant 0 : i32
    %cond3A_13 = arith.cmpi ne, %convert_element_type3A, %cond3A : i32
    scf.if %cond3A_13 {
      %swap3A_27 = arith.constant 0.000000e+00 : f32
      %swap3A_28 = arith.constant 0 : index
      %swap3A_29 = arith.constant 0 : index
      %swap3A_30 = memref.load %arg5[%swap3A_28, %swap3A_29] : memref<1x1xf32, #tpu.memory_space<smem>>
      memref.store %swap3A_27, %arg5[%swap3A_28, %swap3A_29] : memref<1x1xf32, #tpu.memory_space<smem>>
    } else {
    }
    %reduce_max3A = arith.constant dense<0xFF800000> : vector<1024xf32>
    %reduce_max3A_14 = vector.multi_reduction <maximumf>, %add3A_9, %reduce_max3A [1] : vector<1024x64xf32> to vector<1024xf32>
    %broadcast_in_dim3A = vector.shape_cast %reduce_max3A_14 : vector<1024xf32> to vector<1024x1xf32>
    %get3A_15 = arith.constant 0 : index
    %get3A_16 = arith.constant 0 : index
    %get3A_17 = memref.load %arg5[%get3A_15, %get3A_16] : memref<1x1xf32, #tpu.memory_space<smem>>
    %reduce_sum3A = vector.shape_cast %broadcast_in_dim3A : vector<1024x1xf32> to vector<1x1024x1xf32>
    %reduce_sum3A_18 = arith.constant dense<0.000000e+00> : vector<1xf32>
    %reduce_sum3A_19 = vector.multi_reduction <add>, %reduce_sum3A, %reduce_sum3A_18 [1, 2] : vector<1x1024x1xf32> to vector<1xf32>
    %reduce_sum3A_20 = vector.shape_cast %reduce_sum3A_19 : vector<1xf32> to vector<1x1x1xf32>
    %reduce_sum3A_21 = vector.extract %reduce_sum3A_20[0, 0, 0] : f32 from vector<1x1x1xf32>
    %mul3A = arith.constant 3.05175781E-5 : f32
    %mul3A_22 = arith.mulf %reduce_sum3A_21, %mul3A : f32
    %add3A_23 = arith.addf %get3A_17, %mul3A_22 : f32
    %swap3A_24 = arith.constant 0 : index
    %swap3A_25 = arith.constant 0 : index
    %swap3A_26 = memref.load %arg5[%swap3A_24, %swap3A_25] : memref<1x1xf32, #tpu.memory_space<smem>>
    memref.store %add3A_23, %arg5[%swap3A_24, %swap3A_25] : memref<1x1xf32, #tpu.memory_space<smem>>
    return
  }
  func.func @transform_0(%arg0: i32) -> (i32, i32) {
    %add3A = arith.constant 8 : i32
    %add3A_0 = arith.addi %add3A, %arg0 : i32
    %c0_i32 = arith.constant 0 : i32
    %c0_i32_1 = arith.constant 0 : i32
    return %add3A_0, %c0_i32 : i32, i32
  }
  func.func @transform_1(%arg0: i32) -> (i32, i32) {
    %c0_i32 = arith.constant 0 : i32
    %c0_i32_0 = arith.constant 0 : i32
    %c0_i32_1 = arith.constant 0 : i32
    return %c0_i32, %c0_i32_0 : i32, i32
  }
  func.func @transform_2(%arg0: i32) -> (i32, i32) {
    %c0_i32 = arith.constant 0 : i32
    %c0_i32_0 = arith.constant 0 : i32
    %c0_i32_1 = arith.constant 0 : i32
    return %c0_i32, %c0_i32_0 : i32, i32
  }
  func.func @transform_3(%arg0: i32) -> (i32, i32) {
    %c0_i32 = arith.constant 0 : i32
    %c0_i32_0 = arith.constant 0 : i32
    return %arg0, %c0_i32 : i32, i32
  }
  func.func @transform_4(%arg0: i32) -> (i32, i32) {
    %c0_i32 = arith.constant 0 : i32
    %c0_i32_0 = arith.constant 0 : i32
    %c0_i32_1 = arith.constant 0 : i32
    return %c0_i32, %c0_i32_0 : i32, i32
  }
}

module attributes {stable_mosaic.version = 14 : i64} {
  func.func @_lambda_(%arg0: i32, %arg1: memref<1024x4096xf32, #tpu.memory_space<vmem>>, %arg2: memref<4096x64xf32, #tpu.memory_space<vmem>>, %arg3: memref<1x64xf32, #tpu.memory_space<vmem>>, %arg4: memref<1024x64xf32, #tpu.memory_space<vmem>>, %arg5: memref<1x1xf32, #tpu.memory_space<smem>>) attributes {dimension_semantics = [#tpu.dimension_semantics<arbitrary>], iteration_bounds = array<i64: 8>, scalar_prefetch = 0 : i64, scratch_operands = 0 : i64, tpu.core_type = #tpu.core_type<tc>, window_params = [{transform_indices = @transform_0, window_bounds = array<i64: 1024, 4096>}, {pipeline_mode = #tpu.pipeline_mode<synchronous>, transform_indices = @transform_1, window_bounds = array<i64: 4096, 64>}, {pipeline_mode = #tpu.pipeline_mode<synchronous>, transform_indices = @transform_2, window_bounds = array<i64: 1, 64>}, {transform_indices = @transform_3, window_bounds = array<i64: 1024, 64>}, {transform_indices = @transform_4, window_bounds = array<i64: 1, 1>}]} {
    %get3A = arith.constant 0 : index
    %get3A_0 = arith.constant 0 : index
    %get3A_1 = vector.load %arg1[%get3A, %get3A_0] : memref<1024x4096xf32, #tpu.memory_space<vmem>>, vector<1024x4096xf32>
    %get3A_2 = arith.constant 0 : index
    %get3A_3 = arith.constant 0 : index
    %get3A_4 = vector.load %arg2[%get3A_2, %get3A_3] : memref<4096x64xf32, #tpu.memory_space<vmem>>, vector<4096x64xf32>
    %dot_general3A = arith.constant dense<0.000000e+00> : vector<1024x64xf32>
    %dot_general3A_5 = tpu.matmul %get3A_1, %get3A_4, %dot_general3A {dimension_numbers = #tpu.dot_dimension_numbers<[1], [0], [0], [1], [0, 0, 1, 1], [], []>, transpose_lhs_hint = false} : vector<1024x4096xf32>, vector<4096x64xf32>, vector<1024x64xf32> -> vector<1024x64xf32>
    %get3A_6 = arith.constant 0 : index
    %get3A_7 = arith.constant 0 : index
    %get3A_8 = vector.load %arg3[%get3A_6, %get3A_7] : memref<1x64xf32, #tpu.memory_space<vmem>>, vector<1x64xf32>
    %add3A = vector.broadcast %get3A_8 : vector<1x64xf32> to vector<1024x64xf32>
    %add3A_9 = arith.addf %dot_general3A_5, %add3A : vector<1024x64xf32>
    %swap3A = arith.constant 0 : index
    %swap3A_10 = arith.constant 0 : index
    %swap3A_11 = vector.load %arg4[%swap3A, %swap3A_10] : memref<1024x64xf32, #tpu.memory_space<vmem>>, vector<1024x64xf32>
    tpu.vector_store %arg4[%swap3A, %swap3A_10], %add3A_9 {strides = array<i32>} : memref<1024x64xf32, #tpu.memory_space<vmem>>, vector<1024x64xf32>,
    %eq3A = arith.constant 0 : i32
    %eq3A_12 = arith.cmpi eq, %arg0, %eq3A : i32
    %convert_element_type3A = arith.extui %eq3A_12 : i1 to i32
    %cond3A = arith.constant 0 : i32
    %cond3A_13 = arith.cmpi ne, %convert_element_type3A, %cond3A : i32
    scf.if %cond3A_13 {
      %swap3A_27 = arith.constant 0.000000e+00 : f32
      %swap3A_28 = arith.constant 0 : index
      %swap3A_29 = arith.constant 0 : index
      %swap3A_30 = memref.load %arg5[%swap3A_28, %swap3A_29] : memref<1x1xf32, #tpu.memory_space<smem>>
      memref.store %swap3A_27, %arg5[%swap3A_28, %swap3A_29] : memref<1x1xf32, #tpu.memory_space<smem>>
    } else {
    }
    %reduce_max3A = arith.constant dense<0xFF800000> : vector<1024xf32>
    %reduce_max3A_14 = vector.multi_reduction <maximumf>, %add3A_9, %reduce_max3A [1] : vector<1024x64xf32> to vector<1024xf32>
    %broadcast_in_dim3A = vector.shape_cast %reduce_max3A_14 : vector<1024xf32> to vector<1024x1xf32>
    %get3A_15 = arith.constant 0 : index
    %get3A_16 = arith.constant 0 : index
    %get3A_17 = memref.load %arg5[%get3A_15, %get3A_16] : memref<1x1xf32, #tpu.memory_space<smem>>
    %reduce_sum3A = vector.shape_cast %broadcast_in_dim3A : vector<1024x1xf32> to vector<1x1024x1xf32>
    %reduce_sum3A_18 = arith.constant dense<0.000000e+00> : vector<1xf32>
    %reduce_sum3A_19 = vector.multi_reduction <add>, %reduce_sum3A, %reduce_sum3A_18 [1, 2] : vector<1x1024x1xf32> to vector<1xf32>
    %reduce_sum3A_20 = vector.shape_cast %reduce_sum3A_19 : vector<1xf32> to vector<1x1x1xf32>
    %reduce_sum3A_21 = vector.extract %reduce_sum3A_20[0, 0, 0] : f32 from vector<1x1x1xf32>
    %mul3A = arith.constant 3.05175781E-5 : f32
    %mul3A_22 = arith.mulf %reduce_sum3A_21, %mul3A : f32
    %add3A_23 = arith.addf %get3A_17, %mul3A_22 : f32
    %swap3A_24 = arith.constant 0 : index
    %swap3A_25 = arith.constant 0 : index
    %swap3A_26 = memref.load %arg5[%swap3A_24, %swap3A_25] : memref<1x1xf32, #tpu.memory_space<smem>>
    memref.store %add3A_23, %arg5[%swap3A_24, %swap3A_25] : memref<1x1xf32, #tpu.memory_space<smem>>
    return
  }
  func.func @transform_0(%arg0: i32) -> (i32, i32) {
    %add3A = arith.constant 24 : i32
    %add3A_0 = arith.addi %add3A, %arg0 : i32
    %c0_i32 = arith.constant 0 : i32
    %c0_i32_1 = arith.constant 0 : i32
    return %add3A_0, %c0_i32 : i32, i32
  }
  func.func @transform_1(%arg0: i32) -> (i32, i32) {
    %c0_i32 = arith.constant 0 : i32
    %c0_i32_0 = arith.constant 0 : i32
    %c0_i32_1 = arith.constant 0 : i32
    return %c0_i32, %c0_i32_0 : i32, i32
  }
  func.func @transform_2(%arg0: i32) -> (i32, i32) {
    %c0_i32 = arith.constant 0 : i32
    %c0_i32_0 = arith.constant 0 : i32
    %c0_i32_1 = arith.constant 0 : i32
    return %c0_i32, %c0_i32_0 : i32, i32
  }
  func.func @transform_3(%arg0: i32) -> (i32, i32) {
    %c0_i32 = arith.constant 0 : i32
    %c0_i32_0 = arith.constant 0 : i32
    return %arg0, %c0_i32 : i32, i32
  }
  func.func @transform_4(%arg0: i32) -> (i32, i32) {
    %c0_i32 = arith.constant 0 : i32
    %c0_i32_0 = arith.constant 0 : i32
    %c0_i32_1 = arith.constant 0 : i32
    return %c0_i32, %c0_i32_0 : i32, i32
  }
}

</mosaic_0001>

<sc_bundles>
// kernel: kernel.10.cloned.1.call-start
scs
__scs_entry_jumppad:
0x0: {  	(pc) =	sbr.rel $0x88, $3  }
0x1: {  	(tag) =	ssettag $0x0;
	lr =	simm.s32 $0x1  }
0x2: {  	[smem:$0x3F9E] =	sst lr;
	_ =	strace $0xD0000000  }
0x3: {  	_ = 	snop  }
0x4: {  	_ = 	snop  }
0x5: {  	_ = 	snop  }
0x6: {  	_ = 	snop  }
0x7: {  	_ = 	snop  }
__scs_overlays_trampoline_lowered:
0x8: {  	[smem:$0x3FAD] =	sst s0  }
0x9: {  	[smem:$0x3FAE] =	sst s1  }
0xa: {  	[smem:$0x3FAF] =	sst s2  }
0xb: {  	[smem:$0x3FB0] =	sst s3  }
0xc: {  	[smem:$0x3FB1] =	sst s4  }
0xd: {  	[smem:$0x3FB2] =	sst s5  }
0xe: {  	[smem:$0x3FB3] =	sst s6  }
0xf: {  	[smem:$0x3FB4] =	sst s7  }
0x10: {  	[smem:$0x3FB5] =	sst s8  }
0x11: {  	[smem:$0x3FB6] =	sst s9;
	s0 =	simm.s32 @!p0 $0x0  }
0x12: {  	s1 =	sld [smem:$0x3F9C];
	s0 =	simm.s32 @p0 $0x1  }
0x13: {  	[smem:$0x3FB7] =	sst s0;
	s0 =	simm.s32 @!p1 $0x0  }
0x14: {  	s2 =	sld [smem:$0x3F9B];
	s0 =	simm.s32 @p1 $0x1  }
0x15: {  	[smem:$0x3FB8] =	sst s0;
	s0 =	simm.s32 @!p2 $0x0  }
0x16: {  	s3 =	sld [smem:$0x3FDB];
	s0 =	simm.s32 @p2 $0x1  }
0x17: {  	s4 =	simm.s32 $0x1BF5;
	[smem:$0x3FBA] =	sst s0  }
0x18: {  	s0 =	sld [smem:$0x3F9D];
	_ =	swait.ge [sflag:s4], $0x0  }
0x19: {  	s7 =	sld [smem:$0x3F9E]  }
0x1a: {  	s8 =	sadd.s32 $0xFFFFE003, lr  }
0x1b: {  	s9 =	sadd.s32 $0xFFFFFEF7, lr;
	s5 =	simm.s32 $0xFFFFFFFF;
	p2 =	slt.u32 s8, $0xFFFFF086  }
0x1c: {  	p1 =	slt.u32 s9, $0xF7A;
	s5 =	simm.s32 @!p2 $0x0  }
0x1d: {  	s5 =	simm.s32 @p1 $0x1;
	p0 =	seq.s32 s7, s2  }
0x1e: {  	s7 =	smul.u32 @!p0 $0xF7A, s2;
	p2 =	seq.s32 @!p0 s5, $0x0  }
0x1f: {  	s9 =	smul.u32 $0xF7A, s1;
	s8 =	simm.s32 @!p0 $0x1BF5;
	p2 =	por !p2, p0  }
0x20: {  	[sflag:s8] =	ssyncset.s32 @!p0 $0xFFFFF086;
	s6 =	sadd.s32 @!p0 s3, s7;
	s7 =	simm.s32 @!p0 $0x108  }
0x21: {  	s3 =	sadd.s32 s3, s9;
	s6 =	sadd.s32 @!p0 $0x88, s6;
	s7 =	simm.s32 @p2 $0x1082  }
0x22: {  	[simem:s7], [sflag:s8] =	dma.local @!p0 [hbm:s6], $0xF7A  }
0x23: {  	s9 =	sor.u32 $0xD0000000, s2;
	s6 =	simm.s32 $0x108;
	_ =	swait.ge @!p0 [sflag:s8], $0x0  }
0x24: {  	s3 =	sadd.s32 $0x88, s3;
	s6 =	simm.s32 @!p1 $0x1082;
	[sflag:s4] =	ssyncset.s32 $0xFFFFF086  }
0x25: {  	[simem:s6], [sflag:s4] =	dma.local [hbm:s3], $0xF7A  }
0x26: {  	[smem:$0x3F9E] =	sst s1;
	(tag) =	ssettag s2;
	_ =	strace s9  }
0x27: {  	s1 =	sld [smem:$0x3FAE]  }
0x28: {  	s2 =	sld [smem:$0x3FAF]  }
0x29: {  	s4 =	sld [smem:$0x3FB1]  }
0x2a: {  	p0 =	seq.s32 s5, $0x0;
	s5 =	sld [smem:$0x3FB2]  }
0x2b: {  	s6 =	sld [smem:$0x3FB3]  }
0x2c: {  	s7 =	sld [smem:$0x3FB4]  }
0x2d: {  	s3 =	simm.s32 $0x108;
	s8 =	sld [smem:$0x3FB5]  }
0x2e: {  	s3 =	simm.s32 @!p0 $0x1082;
	s9 =	sld [smem:$0x3FB6]  }
0x2f: {  	lr =	sadd.s32 s0, s3;
	s0 =	sld [smem:$0x3FAD]  }
0x30: {  	s3 =	sld [smem:$0x3FB0]  }
0x31: {  	[smem:$0x3FB9] =	sst s10  }
0x32: {  	s10 =	sld [smem:$0x3FB7];
	_ =	sdelay $0x3  }
0x33: {  	p0 =	seq.s32 s10, $0x1;
	s10 =	sld [smem:$0x3FB9];
	_ =	sdelay $0x3  }
0x34: {  	[smem:$0x3FB9] =	sst s10  }
0x35: {  	s10 =	sld [smem:$0x3FB8];
	_ =	sdelay $0x3  }
0x36: {  	p1 =	seq.s32 s10, $0x1;
	s10 =	sld [smem:$0x3FB9];
	_ =	sdelay $0x3  }
0x37: {  	[smem:$0x3FB9] =	sst s10  }
0x38: {  	s10 =	sld [smem:$0x3FBA]  }
0x39: {  	_ = 	snop;
	(pc) =	sbr.ind lr, $3  }
0x3a: {  	_ = 	snop  }
0x3b: {  	_ = 	snop  }
0x3c: {  	p2 =	seq.s32 s10, $0x1;
	s10 =	sld [smem:$0x3FB9]  }
0x3d: {  	_ =	shalt  }
0x3e: {  	_ =	shalt  }
0x3f: {  	_ =	shalt  }
0x40: {  	_ =	shalt  }
0x41: {  	_ =	shalt  }
0x42: {  	_ =	shalt  }
0x43: {  	_ =	shalt  }
0x44: {  	_ =	shalt  }
0x45: {  	_ =	shalt  }
0x46: {  	_ =	shalt  }
0x47: {  	_ =	shalt  }
0x48: {  	_ =	shalt  }
0x49: {  	_ =	shalt  }
0x4a: {  	_ =	shalt  }
0x4b: {  	_ =	shalt  }
0x4c: {  	_ =	shalt  }
0x4d: {  	_ =	shalt  }
0x4e: {  	_ =	shalt  }
0x4f: {  	_ =	shalt  }
0x50: {  	_ =	shalt  }
0x51: {  	_ =	shalt  }
0x52: {  	_ =	shalt  }
0x53: {  	_ =	shalt  }
0x54: {  	_ =	shalt  }
0x55: {  	_ =	shalt  }
0x56: {  	_ =	shalt  }
0x57: {  	_ =	shalt  }
0x58: {  	_ =	shalt  }
0x59: {  	_ =	shalt  }
0x5a: {  	_ =	shalt  }
0x5b: {  	_ =	shalt  }
0x5c: {  	_ =	shalt  }
0x5d: {  	_ =	shalt  }
0x5e: {  	_ =	shalt  }
0x5f: {  	_ =	shalt  }
0x60: {  	_ =	shalt  }
0x61: {  	_ =	shalt  }
0x62: {  	_ =	shalt  }
0x63: {  	_ =	shalt  }
0x64: {  	_ =	shalt  }
0x65: {  	_ =	shalt  }
0x66: {  	_ =	shalt  }
0x67: {  	_ =	shalt  }
0x68: {  	_ =	shalt  }
0x69: {  	_ =	shalt  }
0x6a: {  	_ =	shalt  }
0x6b: {  	_ =	shalt  }
0x6c: {  	_ =	shalt  }
0x6d: {  	_ =	shalt  }
0x6e: {  	_ =	shalt  }
0x6f: {  	_ =	shalt  }
0x70: {  	_ =	shalt  }
0x71: {  	_ =	shalt  }
0x72: {  	_ =	shalt  }
0x73: {  	_ =	shalt  }
0x74: {  	_ =	shalt  }
0x75: {  	_ =	shalt  }
0x76: {  	_ =	shalt  }
0x77: {  	_ =	shalt  }
0x78: {  	_ =	shalt  }
0x79: {  	_ =	shalt  }
0x7a: {  	_ =	shalt  }
0x7b: {  	_ =	shalt  }
0x7c: {  	_ =	shalt  }
0x7d: {  	_ =	shalt  }
0x7e: {  	_ =	shalt  }
0x7f: {  	_ =	shalt  }
0x80: {  	_ =	shalt  }
0x81: {  	_ =	shalt  }
0x82: {  	_ =	shalt  }
0x83: {  	_ =	shalt  }
0x84: {  	_ =	shalt  }
0x85: {  	_ =	shalt  }
0x86: {  	_ =	shalt  }
0x87: {  	_ =	shalt  }
.Lfunc_end0:
.L_simem_size_0:
called_computation_lowered:
.L_overlay_start_0:
0x88: {  	s2 =	sld [smem:$0x3FD9]  }
0x89: {  	s3 =	sld [smem:$0x3FFE];
	_ =	sdelay $0x1  }
0x8a: {  	s1 =	srdreg.scid  }
0x8b: {  	s0 =	sand.u32 $0x1, s1  }
0x8c: {  	s16 =	sshll.u32 s0, $0xA;
	s2 =	sadd.s32 s3, s2  }
0x8d: {  	s2 =	sadd.s32 s2, s16  }
0x8e: {  	[smem:$0x3FC5] =	sst s2  }
0x8f: {  	_ = 	snop  }
0x90: {  	(tm) =	ssettm $0x1  }
0x91: {  	s17 =	sld [smem:$0x3FFB];
	_ =	sdelay $0x3  }
0x92: {  	_ =	strace s17  }
0x93: {  	s2 =	sld [smem:$0x3FFC];
	_ =	sdelay $0x3  }
0x94: {  	_ =	strace s2  }
0x95: {  	s2 =	sld [smem:$0x3FFD];
	_ =	sdelay $0x3  }
0x96: {  	_ =	strace s2  }
0x97: {  	_ =	strace $0x8FFFFFFF  }
0x98: {  	s18 =	sld [smem:$0x3FDB];
	_ =	sdelay $0x1  }
0x99: {  	s19 =	simm.s32 $_scs_section_size  }
0x9a: {  	s4 =	simm.s32 $_size__tile_overlayer_lowered;
	s5 =	simm.s32 $_tile_overlayer_lowered  }
0x9b: {  	s22 =	simm.s32 $0x1BFF;
	s21 =	sshll.u32 s5, $0x1;
	s2 =	sadd.s32 s19, s18  }
0x9c: {  	s6 =	simm.s32 $0x0;
	s20 =	sshll.u32 s4, $0x1;
	s4 =	sadd.s32 s21, s2  }
0x9d: {  	[timem:s6], [sflag:s22] =	dma.local [hbm:s4], s20  }
0x9e: {  	_ =	swait.ge [sflag:s22], s20  }
0x9f: {  	s3 =	ssub.s32 $0x0, s20;
	[sflag:s22] =	ssyncset.done $0x0  }
0xa0: {  	[sflag:s22] =	ssyncadd.s32 s3;
	_ =	sdelay $0x1  }
0xa1: {  	s23 =	simm.s32 $0x1B8B  }
0xa2: {  	_ =	swait.ge [sflag:s23], $0x1  }
0xa3: {  	[sflag:s23] =	ssyncset.done $0x0  }
0xa4: {  	s25 =	simm.s32 $0x1B8E;
	s24 =	sld [smem:$0x3FFE];
	[sflag:s23] =	ssyncadd.s32 $0xFFFFFFFF  }
0xa5: {  	s26 =	simm.s32 $execute0_lowered;
	[smem:$0x3FD2] =	sst s25  }
0xa6: {  	s4 =	sshll.u32 s26, $0x1;
	_ =	strace $0x80000046;
	[dreg:$0x1] =	wrdreg $0xFFFFFFFF  }
0xa7: {  	s28 =	simm.s32 $_size_execute0_lowered;
	s2 =	sadd.s32 s2, s4;
	[dreg:$0x0] =	wrdreg $0x0  }
0xa8: {  	s4 =	sshll.u32 s28, $0x1;
	[dreg:$0x2] =	wrdreg s2  }
0xa9: {  	[dreg:$0x3] =	wrdreg s4  }
0xaa: {  	[dreg:$0x4] =	wrdreg $0xC0  }
0xab: {  	_ =	task [dreg:s6], $0x5FFFF  }
0xac: {  	[dreg:$0x1] =	wrdreg $0xFFFFFFFF  }
0xad: {  	[dreg:$0x0] =	wrdreg $0x60  }
0xae: {  	[dreg:$0x2] =	wrdreg s24  }
0xaf: {  	[dreg:$0x3] =	wrdreg $0x9  }
0xb0: {  	_ =	task.clear_ibuf [dreg:s6], $0x4FFFF;
	_ =	strace $0x90000046  }
0xb1: {  	s29 =	simm.s32 $0x9;
	_ =	strace $0x80000051  }
0xb2: {  	_ =	swait.ge [sflag:s29], $0x1  }
0xb3: {  	[sflag:s29] =	ssyncadd.s32 $0xFFFFFFFF  }
0xb4: {  	_ =	strace $0x90000051  }
0xb5: {  	_ =	sfence  }
0xb6: {  	s30 =	sld [smem:$0x0];
	_ =	sdelay $0x2  }
0xb7: {  	s31 =	sshll.u32 s1, $0xD;
	s1 =	sshrl.u32 s1, $0x2  }
0xb8: {  	s3 =	sand.u32 $0x4000, s31;
	s1 =	sadd.s32 s1, s30  }
0xb9: {  	s0 =	sor.u32 s3, s0;
	s1 =	sshll.u32 s1, $0x11  }
0xba: {  	s0 =	sor.u32 s1, s0  }
0xbb: {  	s0 =	sadd.s32 $0x8F2B, s0  }
0xbc: {  	[sflag:s0] =	ssyncadd.remote.s32 $0x1  }
0xbd: {  	_ =	sfence.sel $0xFFFF  }
0xbe: {  	[dreg:$0x0] =	wrdreg $0xFFFFFFFF;
	(pc) =	sbr.abs _section_cstart, $3  }
0xbf: {  	[dreg:$0x1] =	wrdreg $0xFFFFFFFF  }
0xc0: {  	_ =	task.clear_ibuf [dreg:s6], $0x2FFFF;
	_ =	strace $0x9FFFFFFF  }
0xc1: {  	(tm) =	ssettm $0x7FFFFFFF  }
tec
execute0_lowered:
.L_overlay_start_1:
0x0: {  	(tag) =	ssettag $0x1  }
0x1: {  	s5 =	rddreg [dreg:$0x0]  }
0x2: {  	s0 =	rddreg [dreg:$0x1];
	s1 =	simm.s32 $0x0  }
0x3: {  	s2 =	srdreg.scid;
	[smem:$0x7FF] =	sst s1;
	s3 =	sadd.s32 $0x3A00, s5  }
0x4: {  	v0 =	vlaneseq.u32;
	s4 =	sadd.s32 $0x43A00, s5;
	s6 =	sand.u32 $0x1, s2;
	s2 =	stileid.u32  }
0x5: {  	v4 =	vmul.u32 $0xFFFFFFFF, v0;
	s5 =	sadd.s32 $0x23A00, s5;
	s7 =	ssub.s32 $0x2, s6;
	s6 =	sshll.u32 s6, $0x4  }
0x6: {  	_ =	strace $0x80000047;
	s8 =	sshrl.u32 s7, $0x1;
	s9 =	sor.u32 s2, s6  }
0x7: {  	vm0 =	vmmov $0xff;
	v0 =	vimm.s32 $0x0;
	v1 =	vadd.s32 $0x3F, v4;
	s8 =	ssub.s32 s7, s8;
	s6 =	sshll.u32 s9, $0x4;
	s31 =	sshll.u32 s9, $0xC  }
0x8: {  	v2 =	vadd.s32 $0x2F, v4;
	v3 =	vadd.s32 $0x1F, v4;
	v4 =	vadd.s32 $0xF, v4;
	s9 =	simm.s32 $0x0;
	s7 =	sadd.s32 s3, s31;
	s8 =	smax.u32 s8, $0x1  }
.LBB2_1:
0x9: {  	_ =	strace $0x80000048  }
0xa: {  	s11 =	simm.s32 $0x0;
	s10 =	simm.s32 $0x0;
	s12 =	simm.s32 $0x0  }
0xb: {  	s23 =	simm.s32 $0x0;
	s13 =	simm.s32 $0x0;
	s14 =	simm.s32 $0x0  }
0xc: {  	[tilespmem:s1], [sflag:$0x1] =	stream.linear.gather [hbm4b:s7+s1], $0x800, $0x200038;
	[tilespmem:$0x3000] =	vst v63  }
0xd: {  	s15 =	simm.s32 $0x1;
	s16 =	simm.s32 $0x0;
	_ =	strace $0x90000048  }
.LBB2_2:
0xe: {  	s17 =	smov.u32 s11;
	s11 =	sadd.s32 $0x1, s11  }
0xf: {  	p0 =	seq.s32 s11, $0x10  }
0x10: {  	s11 =	simm.s32 @p0 $0x0  }
0x11: {  	p1 =	sne.s32 s16, $0xF;
	p0 =	sne.s32 s17, s11  }
0x12: {  	p0 =	por !p1, !p0  }
0x13: {  	p0 =	por !p0, !p0  }
0x14: {  	s18 =	sadd.s32 @p0 s6, s11  }
0x15: {  	s29 =	sand.u32 $0x1, s14;
	_ =	strace @p0 $0x80000049;
	s18 =	sshll.u32 @p0 s18, $0x8  }
0x16: {  	s19 =	sand.u32 @p0 $0x1, s15;
	s21 =	simm.s32 @p0 $0x0;
	s18 =	sand.u32 @p0 $0x1FFFFF00, s18  }
0x17: {  	s20 =	sshll.u32 @p0 s19, $0xB;
	s19 =	sadd.s32 @p0 $0x1, s19;
	s18 =	sadd.s32 @p0 s3, s18  }
0x18: {  	[tilespmem:s20], [sflag:s19] =	stream.linear.gather @p0 [hbm4b:s18+s21], $0x800, $0x200038;
	[tilespmem:$0x3000] =	vst v63  }
0x19: {  	s30 =	sshll.u32 s29, $0xB;
	_ =	strace @p0 $0x90000049  }
0x1a: {  	s18 =	sadd.s32 $0x1, s29;
	s19 =	sor.u32 $0x20, s30;
	_ =	strace $0x8000004A  }
0x1b: {  	v5 =	vmov s19;
	_ =	swait.ge [sflag:s18], $0x800  }
0x1c: {  	[sflag:s18] =	ssyncset.done $0x0  }
0x1d: {  	[sflag:s18] =	ssyncadd.s32 $0xFFFFF800  }
0x1e: {  	_ =	strace $0x9000004A  }
0x1f: {  	s18 =	simm.s32 $0x0;
	_ =	strace $0x8000004B  }
0x20: {  	v6 =	vld.idx.msk [tilespmem:v5+s18+$0xFFFFFFF0 ss:$0x1], $0xffff  }
0x21: {  	v8 =	vld.idx.msk [tilespmem:v5+s18+$0x0 ss:$0x1], $0xffff  }
0x22: {  	v7 =	vld.idx.msk [tilespmem:v5+s18+$0x10 ss:$0x1], $0xffff;
	_ =	sdelay $0x1  }
0x23: {  	v9 =	vld.idx.msk [tilespmem:v5+s18+$0xFFFFFFE0 ss:$0x1], $0xffff  }
0x24: {  	vm1 =	vlt.s32 v6, $0x0;
	v6 =	vand.u32 $0xFFFFFFC0, v6  }
0x25: {  	v12 =	vand.u32 $0xFFFFFFC0, v8;
	vm2 =	vlt.s32 v8, $0x0;
	v10 =	vsel vm1, $0x7FFFFFC0, v0  }
0x26: {  	v11 =	vsel vm1, $0x7FFFFFFF, v0;
	vm1 =	vlt.s32 v7, $0x0;
	v7 =	vand.u32 $0xFFFFFFC0, v7  }
0x27: {  	v6 =	vxor.u32 v6, v10;
	v10 =	vsel vm1, $0x7FFFFFC0, v0;
	v8 =	vsel vm1, $0x7FFFFFFF, v0  }
0x28: {  	vm1 =	vlt.s32 v9, $0x0;
	v6 =	vor.u32 v2, v6;
	v7 =	vxor.u32 v7, v10  }
0x29: {  	v10 =	vsel vm2, $0x7FFFFFC0, v0;
	v7 =	vor.u32 v4, v7;
	v6 =	vxor.u32 v11, v6  }
0x2a: {  	v7 =	vxor.u32 v8, v7;
	v8 =	vand.u32 $0xFFFFFFC0, v9;
	v9 =	vxor.u32 v12, v10  }
0x2b: {  	v10 =	vsel vm2, $0x7FFFFFFF, v0;
	v12 =	vsel vm1, $0x7FFFFFC0, v0;
	(xrf1) =	vsort.dscd.msk.f32 $0xffff, v7, v7;
	v9 =	vor.u32 v3, v9  }
0x2c: {  	v8 =	vxor.u32 v8, v12;
	v11 =	vxor.u32 v10, v9;
	(xrf1) =	vsort.dscd.msk.f32 $0xffff, v6, v6  }
0x2d: {  	v9 =	vsel vm1, $0x7FFFFFFF, v0;
	v8 =	vor.u32 v1, v8;
	(xrf1) =	vsort.dscd.msk.f32 $0xffff, v11, v11  }
0x2e: {  	v8 =	vxor.u32 v9, v8  }
0x2f: {  	(xrf1) =	vsort.dscd.msk.f32 $0xffff, v8, v8;
	_ =	sdelay $0x9  }
0x30: {  	v9, _, _ =	vpop (xrf1)  }
0x31: {  	v9 =	vperm.xlane v9, v4;
	v10, _, _ =	vpop (xrf1)  }
0x32: {  	v12, _, _ =	vpop (xrf1)  }
0x33: {  	v10 =	vperm.xlane v10, v4;
	v9 =	vsel vm0, v12, v9  }
0x34: {  	v12, _, _ =	vpop (xrf1);
	(xrf1) =	vsort.dscd.msk.f32 $0xffff, v9, v9  }
0x35: {  	v9 =	vsel vm0, v12, v10  }
0x36: {  	(xrf1) =	vsort.dscd.msk.f32 $0xffff, v9, v9;
	_ =	sdelay $0xb  }
0x37: {  	v9, _, _ =	vpop (xrf1)  }
0x38: {  	v9 =	vperm.xlane v9, v4  }
0x39: {  	v10, _, _ =	vpop (xrf1)  }
0x3a: {  	v9 =	vsel vm0, v10, v9  }
0x3b: {  	(xrf1) =	vsort.dscd.msk.f32 $0xffff, v9, v9;
	_ =	sdelay $0xd  }
0x3c: {  	v13, _, _ =	vpop (xrf1)  }
0x3d: {  	(xrf0) =	vmax.scan.msk.f32 $0xffff, v13;
	_ =	sdelay $0x5  }
0x3e: {  	v9, _, _ =	vpop (xrf0)  }
0x3f: {  	v9 =	vbroadcast v9, $0xF;
	_ =	sdelay $0x1  }
0x40: {  	v10 =	vsub.f32 v8, v9  }
0x41: {  	v12 =	vsub.f32 v6, v9  }
0x42: {  	v10 =	vmul.f32 $1.442695020e+00, v10  }
0x43: {  	v14 =	vsub.f32 v11, v9;
	v12 =	vmul.f32 $1.442695020e+00, v12  }
0x44: {  	v15 =	vnsel vm0, $0x7F800000, v13;
	(erf) = vpow2.f32 v10  }
0x45: {  	(xrf0) =	vmin.scan.msk.f32 $0xffff, v15;
	v9 =	vsub.f32 v7, v9;
	v10 =	vmul.f32 $1.442695020e+00, v14;
	(erf) = vpow2.f32 v12;
	_ =	sdelay $0x1  }
0x46: {  	v9 =	vmul.f32 $1.442695020e+00, v9;
	(erf) = vpow2.f32 v10;
	_ =	sdelay $0x1  }
0x47: {  	(erf) = vpow2.f32 v9;
	_ =	sdelay $0x1  }
0x48: {  	v9, _, _ =	vpop (xrf0)  }
0x49: {  	v12 =	vbroadcast v9, $0xF  }
0x4a: {  	v9 =	vpop (erf)  }
0x4b: {  	vm1 =	vle.f32 v12, v8;
	vm2 =	vle.f32 v12, v6;
	v6 =	vpop (erf)  }
0x4c: {  	v9 =	vnsel vm1, $0x0, v9;
	v10 =	vnsel vm2, $0x0, v6  }
0x4d: {  	vm1 =	vle.f32 v12, v11;
	v6 =	vpop (erf);
	v8 =	vadd.f32 v10, v9  }
0x4e: {  	v11 =	vnsel vm1, $0x0, v6  }
0x4f: {  	vm1 =	vle.f32 v12, v7;
	v6 =	vpop (erf);
	v7 =	vadd.f32 v8, v11  }
0x50: {  	v12 =	vnsel vm1, $0x0, v6  }
0x51: {  	v6 =	vadd.f32 v7, v12;
	_ =	sdelay $0x1  }
0x52: {  	(xrf2) =	vadd.scan.msk.f32 $0xffff, v6;
	_ =	sdelay $0x8  }
0x53: {  	s20 =	sand.u32 $0x1, s12  }
0x54: {  	s21 =	sand.u32 $0x1, s13;
	s31 =	sshll.u32 s20, $0xB;
	v6, _, _ =	vpop (xrf2)  }
0x55: {  	s25 =	sshll.u32 s21, $0xB;
	s22 =	sor.u32 $0x2000, s31;
	v8 =	vand.u32 $0x3F, v13;
	v14 =	vbroadcast v6, $0xF  }
0x56: {  	s19 =	smov.u32 s23;
	s24 =	sor.u32 $0x1020, s25;
	vm1 =	vlt.s32 v13, $0x0;
	v13 =	vxor.u32 $0x3F, v8;
	v7 =	vmov s22  }
0x57: {  	s23 =	sor.u32 $0x1000, s25;
	s25 =	simm.s32 $0x200;
	v8 =	vsel vm1, v8, v13;
	v6 =	vmov s24;
	s24 =	sadd.s32 s6, s17;
	(erf) = vrcp.f32 v14  }
.LBB2_3:
0x58: {  	_ =	sdelay $0x2  }
0x59: {  	p1 =	sne.s32 s25, $0x1E00;
	s26 =	smov.u32 s25;
	s25 =	sadd.s32 $0x200, s25  }
0x5a: {  	_ =	sdelay $0x1  }
0x5b: {  	s26 =	sshra.s32 s26, $0x2;
	_ =	sdelay $0x1  }
0x5c: {  	v13 =	vpop (erf)  }
0x5d: {  	v9 =	vmul.f32 v13, v9;
	v10 =	vmul.f32 v13, v10;
	_ =	sdelay $0x1  }
0x5e: {  	[tilespmem:v6+s18+$0xFFFFFFE0 ss:$0x1] =	vst.idx.msk $0xffff, v9;
	v9 =	vmul.f32 v13, v11  }
0x5f: {  	[tilespmem:v6+s18+$0xFFFFFFF0 ss:$0x1] =	vst.idx.msk $0xffff, v10;
	v10 =	vmul.f32 v13, v12  }
0x60: {  	[tilespmem:v6+s18+$0x0 ss:$0x1] =	vst.idx.msk $0xffff, v9  }
0x61: {  	[tilespmem:v6+s18+$0x10 ss:$0x1] =	vst.idx.msk $0xffff, v10  }
0x62: {  	[tilespmem:v7+s18+$0x0 ss:$0x1] =	vst.idx.msk $0xffff, v8;
	s18 =	smov.u32 s26  }
0x63: {  	v8 =	vld.idx.msk [tilespmem:v5+s18+$0xFFFFFFF0 ss:$0x1], $0xffff  }
0x64: {  	v9 =	vld.idx.msk [tilespmem:v5+s18+$0x10 ss:$0x1], $0xffff;
	_ =	sdelay $0x1  }
0x65: {  	v10 =	vld.idx.msk [tilespmem:v5+s18+$0x0 ss:$0x1], $0xffff;
	_ =	sdelay $0x1  }
0x66: {  	v11 =	vld.idx.msk [tilespmem:v5+s18+$0xFFFFFFE0 ss:$0x1], $0xffff  }
0x67: {  	vm1 =	vlt.s32 v8, $0x0;
	v8 =	vand.u32 $0xFFFFFFC0, v8  }
0x68: {  	v12 =	vsel vm1, $0x7FFFFFC0, v0;
	v13 =	vsel vm1, $0x7FFFFFFF, v0;
	vm1 =	vlt.s32 v9, $0x0  }
0x69: {  	v9 =	vand.u32 $0xFFFFFFC0, v9;
	v8 =	vxor.u32 v8, v12;
	v12 =	vsel vm1, $0x7FFFFFC0, v0  }
0x6a: {  	v8 =	vor.u32 v2, v8;
	v14 =	vand.u32 $0xFFFFFFC0, v10;
	v9 =	vxor.u32 v9, v12  }
0x6b: {  	vm2 =	vlt.s32 v10, $0x0;
	v10 =	vsel vm1, $0x7FFFFFFF, v0;
	v9 =	vor.u32 v4, v9  }
0x6c: {  	v12 =	vsel vm2, $0x7FFFFFC0, v0;
	vm1 =	vlt.s32 v11, $0x0;
	v9 =	vxor.u32 v10, v9  }
0x6d: {  	v10 =	vand.u32 $0xFFFFFFC0, v11;
	v11 =	vxor.u32 v14, v12;
	v12 =	vsel vm2, $0x7FFFFFFF, v0;
	(xrf1) =	vsort.dscd.msk.f32 $0xffff, v9, v9  }
0x6e: {  	v13 =	vxor.u32 v13, v8;
	v14 =	vsel vm1, $0x7FFFFFC0, v0;
	v8 =	vor.u32 v3, v11  }
0x6f: {  	v11 =	vsel vm1, $0x7FFFFFFF, v0;
	v10 =	vxor.u32 v10, v14;
	v12 =	vxor.u32 v12, v8;
	(xrf1) =	vsort.dscd.msk.f32 $0xffff, v13, v13  }
0x70: {  	v8 =	vor.u32 v1, v10;
	(xrf1) =	vsort.dscd.msk.f32 $0xffff, v12, v12  }
0x71: {  	v10 =	vxor.u32 v11, v8  }
0x72: {  	(xrf1) =	vsort.dscd.msk.f32 $0xffff, v10, v10;
	_ =	sdelay $0x8  }
0x73: {  	v8, _, _ =	vpop (xrf1);
	_ =	sdelay $0x1  }
0x74: {  	v8 =	vperm.xlane v8, v4;
	v11, _, _ =	vpop (xrf1)  }
0x75: {  	v14, _, _ =	vpop (xrf1)  }
0x76: {  	v11 =	vperm.xlane v11, v4;
	v8 =	vsel vm0, v14, v8  }
0x77: {  	v14, _, _ =	vpop (xrf1);
	(xrf1) =	vsort.dscd.msk.f32 $0xffff, v8, v8  }
0x78: {  	v8 =	vsel vm0, v14, v11  }
0x79: {  	(xrf1) =	vsort.dscd.msk.f32 $0xffff, v8, v8;
	_ =	sdelay $0xb  }
0x7a: {  	v8, _, _ =	vpop (xrf1)  }
0x7b: {  	v8 =	vperm.xlane v8, v4  }
0x7c: {  	v11, _, _ =	vpop (xrf1)  }
0x7d: {  	v8 =	vsel vm0, v11, v8  }
0x7e: {  	(xrf1) =	vsort.dscd.msk.f32 $0xffff, v8, v8;
	_ =	sdelay $0xd  }
0x7f: {  	v8, _, _ =	vpop (xrf1)  }
0x80: {  	v11 =	vnsel vm0, $0x7F800000, v8;
	v14 =	vand.u32 $0x3F, v8;
	(xrf0) =	vmax.scan.msk.f32 $0xffff, v8  }
0x81: {  	vm1 =	vlt.s32 v8, $0x0;
	v8 =	vxor.u32 $0x3F, v14;
	(xrf0) =	vmin.scan.msk.f32 $0xffff, v11  }
0x82: {  	v8 =	vsel vm1, v14, v8;
	_ =	sdelay $0x3  }
0x83: {  	v11, _, _ =	vpop (xrf0)  }
0x84: {  	v11 =	vbroadcast v11, $0xF;
	v14, _, _ =	vpop (xrf0)  }
0x85: {  	v14 =	vbroadcast v14, $0xF  }
0x86: {  	v15 =	vsub.f32 v10, v11;
	v16 =	vsub.f32 v13, v11  }
0x87: {  	vm1 =	vle.f32 v14, v10;
	v10 =	vsub.f32 v12, v11;
	v11 =	vsub.f32 v9, v11  }
0x88: {  	vm2 =	vle.f32 v14, v13;
	v15 =	vmul.f32 $1.442695020e+00, v15;
	v16 =	vmul.f32 $1.442695020e+00, v16  }
0x89: {  	vm3 =	vle.f32 v14, v12;
	v10 =	vmul.f32 $1.442695020e+00, v10;
	v11 =	vmul.f32 $1.442695020e+00, v11  }
0x8a: {  	vm4 =	vle.f32 v14, v9;
	(erf) = vpow2.f32 v15  }
0x8b: {  	(erf) = vpow2.f32 v16  }
0x8c: {  	(erf) = vpow2.f32 v10  }
0x8d: {  	(erf) = vpow2.f32 v11;
	_ =	sdelay $0x5  }
0x8e: {  	v9 =	vpop (erf)  }
0x8f: {  	v10 =	vpop (erf)  }
0x90: {  	v9 =	vnsel vm1, $0x0, v9;
	v10 =	vnsel vm2, $0x0, v10;
	v11 =	vpop (erf)  }
0x91: {  	v12 =	vadd.f32 v10, v9;
	v13 =	vpop (erf)  }
0x92: {  	v11 =	vnsel vm3, $0x0, v11  }
0x93: {  	v14 =	vadd.f32 v12, v11  }
0x94: {  	v12 =	vnsel vm4, $0x0, v13  }
0x95: {  	v13 =	vadd.f32 v14, v12;
	_ =	sdelay $0x1  }
0x96: {  	(xrf2) =	vadd.scan.msk.f32 $0xffff, v13;
	_ =	sdelay $0x8  }
.Ltmp0:
0x97: {  	(pc) =	sbr.rel @p1 .LBB2_3-.Ltmp0, $3  }
0x98: {  	v13, _, _ =	vpop (xrf2)  }
0x99: {  	v13 =	vbroadcast v13, $0xF;
	_ =	sdelay $0x1  }
0x9a: {  	(erf) = vrcp.f32 v13  }
0x9b: {  	_ =	sdelay $0x7  }
0x9c: {  	v5 =	vpop (erf)  }
0x9d: {  	v9 =	vmul.f32 v5, v9  }
0x9e: {  	v10 =	vmul.f32 v5, v10  }
0x9f: {  	v63 =	vmul.f32 v5, v11;
	[tilespmem:v6+s18+$0xFFFFFFE0 ss:$0x1] =	vst.idx.msk $0xffff, v9  }
0xa0: {  	p1 =	seq.s32 s16, $0xF;
	v5 =	vmul.f32 v5, v12;
	[tilespmem:v6+s18+$0xFFFFFFF0 ss:$0x1] =	vst.idx.msk $0xffff, v10  }
0xa1: {  	p2 =	seq.s32 @!p1 s17, s11;
	[tilespmem:v6+s18+$0x0 ss:$0x1] =	vst.idx.msk $0xffff, v63  }
0xa2: {  	s17 =	simm.s32 $0x0;
	p1 =	por p1, !p2;
	[tilespmem:v6+s18+$0x10 ss:$0x1] =	vst.idx.msk $0xffff, v5  }
0xa3: {  	s17 =	sshll.u32 @p1 s24, $0x8;
	[tilespmem:v7+s18+$0x0 ss:$0x1] =	vst.idx.msk $0xffff, v8  }
0xa4: {  	s17 =	sand.u32 @p1 $0x1FFFFF00, s17;
	_ =	strace $0x9000004B  }
0xa5: {  	s18 =	sadd.s32 @p1 $0x3, s21;
	s21 =	sadd.s32 @p1 s4, s17;
	_ =	strace @p1 $0x8000004C  }
0xa6: {  	[hbm4b:s21+s1] =	stream.linear.scatter @p1 [tilespmem:s23], [sflag:s18], $0x800, $0x200038;
	[tilespmem:$0x3000] =	vst v63  }
0xa7: {  	s13 =	sadd.s32 @p1 $0x1, s13;
	_ =	strace @p1 $0x9000004C  }
0xa8: {  	s17 =	sadd.s32 @p1 s5, s17;
	s18 =	sadd.s32 @p1 $0x5, s20;
	_ =	strace @p1 $0x8000004D  }
0xa9: {  	[hbm4b:s17+s1] =	stream.linear.scatter @p1 [tilespmem:s22], [sflag:s18], $0x800, $0x200038;
	[tilespmem:$0x3000] =	vst v63  }
0xaa: {  	s17 =	simm.s32 @p1 $0x1;
	_ =	strace @p1 $0x9000004D;
	p1 =	seq.s32 s16, $0x0  }
0xab: {  	s18 =	sand.u32 @!p1 $0x1, s19  }
0xac: {  	_ =	strace @!p1 $0x8000004E;
	s18 =	sadd.s32 @!p1 $0x3, s18  }
0xad: {  	_ =	swait.ge @!p1 [sflag:s18], $0x800  }
0xae: {  	s20 =	simm.s32 $0x1;
	[sflag:s18] =	ssyncset.done @!p1 $0x0  }
0xaf: {  	s20 =	simm.s32 @!p0 $0x0;
	[sflag:s18] =	ssyncadd.s32 @!p1 $0xFFFFF800  }
0xb0: {  	s16 =	sadd.s32 $0x1, s16;
	s18 =	sand.u32 @!p1 $0x1, s10;
	_ =	strace @!p1 $0x9000004E  }
0xb1: {  	p0 =	sne.s32 s16, $0x10;
	s18 =	sadd.s32 @!p1 $0x5, s18;
	_ =	strace @!p1 $0x8000004F  }
.Ltmp1:
0xb2: {  	_ =	swait.ge @!p1 [sflag:s18], $0x800;
	(pc) =	sbr.rel @p0 .LBB2_2-.Ltmp1, $4  }
0xb3: {  	s15 =	sadd.s32 s20, s15;
	[sflag:s18] =	ssyncset.done @!p1 $0x0  }
0xb4: {  	s12 =	sadd.s32 s12, s17;
	[sflag:s18] =	ssyncadd.s32 @!p1 $0xFFFFF800;
	s18 =	simm.s32 @!p1 $0x1  }
0xb5: {  	s14 =	sadd.s32 s14, s17;
	s23 =	sadd.s32 @!p1 $0x1, s19;
	s18 =	simm.s32 @p1 $0x0  }
0xb6: {  	s23 =	smov.u32 @p1 s19;
	_ =	strace @!p1 $0x9000004F;
	s10 =	sadd.s32 s10, s18  }
0xb7: {  	s11 =	sand.u32 $0x1, s23  }
0xb8: {  	_ =	strace $0x80000050;
	s11 =	sadd.s32 $0x3, s11  }
0xb9: {  	s9 =	sadd.s32 $0x1, s9;
	_ =	swait.ge [sflag:s11], $0x800  }
0xba: {  	s10 =	sand.u32 $0x1, s10;
	p0 =	sne.s32 s9, s8;
	[sflag:s11] =	ssyncset.done $0x0  }
.Ltmp2:
0xbb: {  	s10 =	sadd.s32 $0x5, s10;
	[sflag:s11] =	ssyncadd.s32 $0xFFFFF800;
	(pc) =	sbr.rel @p0 .LBB2_1-.Ltmp2, $4  }
0xbc: {  	_ =	swait.ge [sflag:s10], $0x800  }
0xbd: {  	[sflag:s10] =	ssyncset.done $0x0  }
0xbe: {  	[sflag:s10] =	ssyncadd.s32 $0xFFFFF800  }
0xbf: {  	_ =	strace $0x90000050  }
0xc0: {  	_ =	sfence.sel $0x180000  }
0xc1: {  	[bflag:$0x0] =	sbarrier.arrive $0xFFFF  }
0xc2: {  	p0 =	sne.s32 s2, $0x0;
	_ =	strace $0x90000047  }
0xc3: {  	s0 =	sadd.s32 @!p0 $0x100000, s0;
	[bflag:$0x2] =	sbarrier.arrive $0xFFFF  }
0xc4: {  	[sflag:s0] =	ssyncadd.tile.s32 @!p0 $0x1;
	_ =	shalt  }
.Lfunc_end2:
_tile_overlayer_lowered:
.L_overlay_start_2:
0xc5: {  	(tag) =	ssettag $0x2  }
0xc6: {  	s0 =	rddreg [dreg:$0x0];
	s2 =	stileid.u32  }
0xc7: {  	s1 =	rddreg [dreg:$0x1];
	p0 =	sne.s32 s2, $0x0  }
0xc8: {  	s3 =	rddreg [dreg:$0x2];
	[bflag:$0x3] =	sbarrier.arrive $0xFFFF;
	s2 =	simm.s32 @!p0 $0x1C01  }
0xc9: {  	[timem:s3], [sflag:s2] =	dma.local @!p0 [hbm:s0], s1  }
0xca: {  	s0 =	simm.s32 @!p0 $0x1  }
0xcb: {  	_ =	swait.ge @!p0 [sflag:s0], s1  }
0xcc: {  	s1 =	ssub.s32 @!p0 $0x0, s1;
	[sflag:s0] =	ssyncset.done @!p0 $0x0  }
0xcd: {  	[sflag:s0] =	ssyncadd.s32 @!p0 s1  }
0xce: {  	[bflag:$0x3] =	sbarrier.arrive $0xFFFF  }
0xcf: {  	_ =	shalt  }

// kernel: kernel.13.cloned.1.call-start
scs
__scs_entry_jumppad:
0x0: {  	(pc) =	sbr.rel $0x88, $3  }
0x1: {  	(tag) =	ssettag $0x0;
	lr =	simm.s32 $0x1  }
0x2: {  	[smem:$0x3F9E] =	sst lr;
	_ =	strace $0xD0000000  }
0x3: {  	_ = 	snop  }
0x4: {  	_ = 	snop  }
0x5: {  	_ = 	snop  }
0x6: {  	_ = 	snop  }
0x7: {  	_ = 	snop  }
__scs_overlays_trampoline_lowered:
0x8: {  	[smem:$0x3FAD] =	sst s0  }
0x9: {  	[smem:$0x3FAE] =	sst s1  }
0xa: {  	[smem:$0x3FAF] =	sst s2  }
0xb: {  	[smem:$0x3FB0] =	sst s3  }
0xc: {  	[smem:$0x3FB1] =	sst s4  }
0xd: {  	[smem:$0x3FB2] =	sst s5  }
0xe: {  	[smem:$0x3FB3] =	sst s6  }
0xf: {  	[smem:$0x3FB4] =	sst s7  }
0x10: {  	[smem:$0x3FB5] =	sst s8  }
0x11: {  	[smem:$0x3FB6] =	sst s9;
	s0 =	simm.s32 @!p0 $0x0  }
0x12: {  	s1 =	sld [smem:$0x3F9C];
	s0 =	simm.s32 @p0 $0x1  }
0x13: {  	[smem:$0x3FB7] =	sst s0;
	s0 =	simm.s32 @!p1 $0x0  }
0x14: {  	s2 =	sld [smem:$0x3F9B];
	s0 =	simm.s32 @p1 $0x1  }
0x15: {  	[smem:$0x3FB8] =	sst s0;
	s0 =	simm.s32 @!p2 $0x0  }
0x16: {  	s3 =	sld [smem:$0x3FDB];
	s0 =	simm.s32 @p2 $0x1  }
0x17: {  	s4 =	simm.s32 $0x1BF5;
	[smem:$0x3FBA] =	sst s0  }
0x18: {  	s0 =	sld [smem:$0x3F9D];
	_ =	swait.ge [sflag:s4], $0x0  }
0x19: {  	s7 =	sld [smem:$0x3F9E]  }
0x1a: {  	s8 =	sadd.s32 $0xFFFFE003, lr  }
0x1b: {  	s9 =	sadd.s32 $0xFFFFFEF7, lr;
	s5 =	simm.s32 $0xFFFFFFFF;
	p2 =	slt.u32 s8, $0xFFFFF086  }
0x1c: {  	p1 =	slt.u32 s9, $0xF7A;
	s5 =	simm.s32 @!p2 $0x0  }
0x1d: {  	s5 =	simm.s32 @p1 $0x1;
	p0 =	seq.s32 s7, s2  }
0x1e: {  	s7 =	smul.u32 @!p0 $0xF7A, s2;
	p2 =	seq.s32 @!p0 s5, $0x0  }
0x1f: {  	s9 =	smul.u32 $0xF7A, s1;
	s8 =	simm.s32 @!p0 $0x1BF5;
	p2 =	por !p2, p0  }
0x20: {  	[sflag:s8] =	ssyncset.s32 @!p0 $0xFFFFF086;
	s6 =	sadd.s32 @!p0 s3, s7;
	s7 =	simm.s32 @!p0 $0x108  }
0x21: {  	s3 =	sadd.s32 s3, s9;
	s6 =	sadd.s32 @!p0 $0x88, s6;
	s7 =	simm.s32 @p2 $0x1082  }
0x22: {  	[simem:s7], [sflag:s8] =	dma.local @!p0 [hbm:s6], $0xF7A  }
0x23: {  	s9 =	sor.u32 $0xD0000000, s2;
	s6 =	simm.s32 $0x108;
	_ =	swait.ge @!p0 [sflag:s8], $0x0  }
0x24: {  	s3 =	sadd.s32 $0x88, s3;
	s6 =	simm.s32 @!p1 $0x1082;
	[sflag:s4] =	ssyncset.s32 $0xFFFFF086  }
0x25: {  	[simem:s6], [sflag:s4] =	dma.local [hbm:s3], $0xF7A  }
0x26: {  	[smem:$0x3F9E] =	sst s1;
	(tag) =	ssettag s2;
	_ =	strace s9  }
0x27: {  	s1 =	sld [smem:$0x3FAE]  }
0x28: {  	s2 =	sld [smem:$0x3FAF]  }
0x29: {  	s4 =	sld [smem:$0x3FB1]  }
0x2a: {  	p0 =	seq.s32 s5, $0x0;
	s5 =	sld [smem:$0x3FB2]  }
0x2b: {  	s6 =	sld [smem:$0x3FB3]  }
0x2c: {  	s7 =	sld [smem:$0x3FB4]  }
0x2d: {  	s3 =	simm.s32 $0x108;
	s8 =	sld [smem:$0x3FB5]  }
0x2e: {  	s3 =	simm.s32 @!p0 $0x1082;
	s9 =	sld [smem:$0x3FB6]  }
0x2f: {  	lr =	sadd.s32 s0, s3;
	s0 =	sld [smem:$0x3FAD]  }
0x30: {  	s3 =	sld [smem:$0x3FB0]  }
0x31: {  	[smem:$0x3FB9] =	sst s10  }
0x32: {  	s10 =	sld [smem:$0x3FB7];
	_ =	sdelay $0x3  }
0x33: {  	p0 =	seq.s32 s10, $0x1;
	s10 =	sld [smem:$0x3FB9];
	_ =	sdelay $0x3  }
0x34: {  	[smem:$0x3FB9] =	sst s10  }
0x35: {  	s10 =	sld [smem:$0x3FB8];
	_ =	sdelay $0x3  }
0x36: {  	p1 =	seq.s32 s10, $0x1;
	s10 =	sld [smem:$0x3FB9];
	_ =	sdelay $0x3  }
0x37: {  	[smem:$0x3FB9] =	sst s10  }
0x38: {  	s10 =	sld [smem:$0x3FBA]  }
0x39: {  	_ = 	snop;
	(pc) =	sbr.ind lr, $3  }
0x3a: {  	_ = 	snop  }
0x3b: {  	_ = 	snop  }
0x3c: {  	p2 =	seq.s32 s10, $0x1;
	s10 =	sld [smem:$0x3FB9]  }
0x3d: {  	_ =	shalt  }
0x3e: {  	_ =	shalt  }
0x3f: {  	_ =	shalt  }
0x40: {  	_ =	shalt  }
0x41: {  	_ =	shalt  }
0x42: {  	_ =	shalt  }
0x43: {  	_ =	shalt  }
0x44: {  	_ =	shalt  }
0x45: {  	_ =	shalt  }
0x46: {  	_ =	shalt  }
0x47: {  	_ =	shalt  }
0x48: {  	_ =	shalt  }
0x49: {  	_ =	shalt  }
0x4a: {  	_ =	shalt  }
0x4b: {  	_ =	shalt  }
0x4c: {  	_ =	shalt  }
0x4d: {  	_ =	shalt  }
0x4e: {  	_ =	shalt  }
0x4f: {  	_ =	shalt  }
0x50: {  	_ =	shalt  }
0x51: {  	_ =	shalt  }
0x52: {  	_ =	shalt  }
0x53: {  	_ =	shalt  }
0x54: {  	_ =	shalt  }
0x55: {  	_ =	shalt  }
0x56: {  	_ =	shalt  }
0x57: {  	_ =	shalt  }
0x58: {  	_ =	shalt  }
0x59: {  	_ =	shalt  }
0x5a: {  	_ =	shalt  }
0x5b: {  	_ =	shalt  }
0x5c: {  	_ =	shalt  }
0x5d: {  	_ =	shalt  }
0x5e: {  	_ =	shalt  }
0x5f: {  	_ =	shalt  }
0x60: {  	_ =	shalt  }
0x61: {  	_ =	shalt  }
0x62: {  	_ =	shalt  }
0x63: {  	_ =	shalt  }
0x64: {  	_ =	shalt  }
0x65: {  	_ =	shalt  }
0x66: {  	_ =	shalt  }
0x67: {  	_ =	shalt  }
0x68: {  	_ =	shalt  }
0x69: {  	_ =	shalt  }
0x6a: {  	_ =	shalt  }
0x6b: {  	_ =	shalt  }
0x6c: {  	_ =	shalt  }
0x6d: {  	_ =	shalt  }
0x6e: {  	_ =	shalt  }
0x6f: {  	_ =	shalt  }
0x70: {  	_ =	shalt  }
0x71: {  	_ =	shalt  }
0x72: {  	_ =	shalt  }
0x73: {  	_ =	shalt  }
0x74: {  	_ =	shalt  }
0x75: {  	_ =	shalt  }
0x76: {  	_ =	shalt  }
0x77: {  	_ =	shalt  }
0x78: {  	_ =	shalt  }
0x79: {  	_ =	shalt  }
0x7a: {  	_ =	shalt  }
0x7b: {  	_ =	shalt  }
0x7c: {  	_ =	shalt  }
0x7d: {  	_ =	shalt  }
0x7e: {  	_ =	shalt  }
0x7f: {  	_ =	shalt  }
0x80: {  	_ =	shalt  }
0x81: {  	_ =	shalt  }
0x82: {  	_ =	shalt  }
0x83: {  	_ =	shalt  }
0x84: {  	_ =	shalt  }
0x85: {  	_ =	shalt  }
0x86: {  	_ =	shalt  }
0x87: {  	_ =	shalt  }
.Lfunc_end0:
.L_simem_size_0:
called_computation.1_lowered:
.L_overlay_start_0:
0x88: {  	s2 =	sld [smem:$0x3FD9]  }
0x89: {  	s3 =	sld [smem:$0x3FFE];
	_ =	sdelay $0x1  }
0x8a: {  	s1 =	srdreg.scid  }
0x8b: {  	s0 =	sand.u32 $0x1, s1  }
0x8c: {  	s17 =	sshll.u32 s0, $0xA;
	s2 =	sadd.s32 s3, s2  }
0x8d: {  	s2 =	sadd.s32 s2, s17  }
0x8e: {  	[smem:$0x3FC5] =	sst s2  }
0x8f: {  	_ = 	snop  }
0x90: {  	(tm) =	ssettm $0x1  }
0x91: {  	s18 =	sld [smem:$0x3FFB];
	_ =	sdelay $0x3  }
0x92: {  	_ =	strace s18  }
0x93: {  	s2 =	sld [smem:$0x3FFC];
	_ =	sdelay $0x3  }
0x94: {  	_ =	strace s2  }
0x95: {  	s2 =	sld [smem:$0x3FFD];
	_ =	sdelay $0x3  }
0x96: {  	_ =	strace s2  }
0x97: {  	_ =	strace $0x8FFFFFFF  }
0x98: {  	s19 =	sld [smem:$0x3FDB];
	_ =	sdelay $0x1  }
0x99: {  	s20 =	simm.s32 $_scs_section_size  }
0x9a: {  	s4 =	simm.s32 $_size__tile_overlayer_lowered;
	s5 =	simm.s32 $_tile_overlayer_lowered  }
0x9b: {  	s6 =	simm.s32 $0x1BFF;
	s21 =	sshll.u32 s5, $0x1;
	s3 =	sadd.s32 s20, s19  }
0x9c: {  	s22 =	simm.s32 $0x0;
	s4 =	sshll.u32 s4, $0x1;
	s5 =	sadd.s32 s21, s3  }
0x9d: {  	[timem:s22], [sflag:s6] =	dma.local [hbm:s5], s4  }
0x9e: {  	_ =	swait.ge [sflag:s6], s4  }
0x9f: {  	s4 =	ssub.s32 $0x0, s4;
	[sflag:s6] =	ssyncset.done $0x0  }
0xa0: {  	[sflag:s6] =	ssyncadd.s32 s4;
	_ =	sdelay $0x1  }
0xa1: {  	s23 =	simm.s32 $0x1B8B  }
0xa2: {  	_ =	swait.ge [sflag:s23], $0x1  }
0xa3: {  	[sflag:s23] =	ssyncset.done $0x0  }
0xa4: {  	[sflag:s23] =	ssyncadd.s32 $0xFFFFFFFF  }
0xa5: {  	s4 =	sld [smem:$0x0]  }
0xa6: {  	s5 =	sand.u32 $0xFFFFFFFE, s1  }
0xa7: {  	p0 =	sne.s32 s1, s5  }
0xa8: {  	s5 =	sshll.u32 @p0 s5, $0xE  }
0xa9: {  	s5 =	sadd.s32 @p0 $0x11B8D, s5;
	s6 =	sshll.u32 @p0 s4, $0x11  }
0xaa: {  	s5 =	sor.u32 @p0 s6, s5  }
0xab: {  	[sflag:s5] =	ssyncadd.remote.s32 @p0 $0x1;
	_ =	sdelay $0x1  }
0xac: {  	s5 =	simm.s32 @p0 $0x1B8D  }
0xad: {  	_ =	swait.eq @p0 [sflag:s5], $0x1  }
0xae: {  	[sflag:s5] =	ssyncadd.s32 @p0 $0xFFFFFFFF  }
0xaf: {  	s6 =	sshll.u32 @!p0 s1, $0xE  }
0xb0: {  	s6 =	sor.u32 @!p0 $0x4000, s6;
	s5 =	simm.s32 @!p0 $0x1B8D  }
0xb1: {  	s4 =	sshll.u32 @!p0 s4, $0x11;
	s6 =	sadd.s32 @!p0 $0x11B8D, s6;
	_ =	swait.eq @!p0 [sflag:s5], $0x1  }
0xb2: {  	s4 =	sor.u32 @!p0 s4, s6;
	[sflag:s5] =	ssyncadd.s32 @!p0 $0xFFFFFFFF  }
0xb3: {  	s25 =	simm.s32 $0x1B8E;
	s24 =	sld [smem:$0x3FFE];
	[sflag:s4] =	ssyncadd.remote.s32 @!p0 $0x1  }
0xb4: {  	s26 =	simm.s32 $execute0_lowered;
	[smem:$0x3FD2] =	sst s25  }
0xb5: {  	s5 =	sshll.u32 s26, $0x1;
	_ =	strace $0x80000052;
	[dreg:$0x1] =	wrdreg $0xFFFFFFFF  }
0xb6: {  	s28 =	simm.s32 $_size_execute0_lowered;
	s3 =	sadd.s32 s3, s5;
	[dreg:$0x0] =	wrdreg $0x0  }
0xb7: {  	s5 =	sshll.u32 s28, $0x1;
	[dreg:$0x2] =	wrdreg s3  }
0xb8: {  	[dreg:$0x3] =	wrdreg s5  }
0xb9: {  	[dreg:$0x4] =	wrdreg $0xC0  }
0xba: {  	_ =	task [dreg:s22], $0x5FFFF  }
0xbb: {  	[dreg:$0x1] =	wrdreg $0xFFFFFFFF  }
0xbc: {  	[dreg:$0x0] =	wrdreg $0x60  }
0xbd: {  	[dreg:$0x2] =	wrdreg s24  }
0xbe: {  	[dreg:$0x3] =	wrdreg $0xA  }
0xbf: {  	_ =	task.clear_ibuf [dreg:s22], $0x4FFFF;
	_ =	strace $0x90000052  }
0xc0: {  	s29 =	simm.s32 $0xA;
	_ =	strace $0x8000005D  }
0xc1: {  	_ =	swait.ge [sflag:s29], $0x1  }
0xc2: {  	[sflag:s29] =	ssyncadd.s32 $0xFFFFFFFF  }
0xc3: {  	_ =	strace $0x9000005D  }
0xc4: {  	_ =	sfence  }
0xc5: {  	s30 =	sld [smem:$0x0];
	_ =	sdelay $0x2  }
0xc6: {  	s31 =	sshll.u32 s1, $0xD;
	s1 =	sshrl.u32 s1, $0x2  }
0xc7: {  	s4 =	sand.u32 $0x4000, s31;
	s1 =	sadd.s32 s1, s30  }
0xc8: {  	s0 =	sor.u32 s4, s0;
	s1 =	sshll.u32 s1, $0x11  }
0xc9: {  	s0 =	sor.u32 s1, s0  }
0xca: {  	s0 =	sadd.s32 $0x8F2B, s0  }
0xcb: {  	[sflag:s0] =	ssyncadd.remote.s32 $0x1  }
0xcc: {  	_ =	sfence.sel $0xFFFF  }
0xcd: {  	[dreg:$0x0] =	wrdreg $0xFFFFFFFF;
	(pc) =	sbr.abs _section_cstart, $3  }
0xce: {  	[dreg:$0x1] =	wrdreg $0xFFFFFFFF  }
0xcf: {  	_ =	task.clear_ibuf [dreg:s22], $0x2FFFF;
	_ =	strace $0x9FFFFFFF  }
0xd0: {  	(tm) =	ssettm $0x7FFFFFFF  }
0xd1: {  	_ =	shalt  }
tec
execute0_lowered:
.L_overlay_start_1:
0x0: {  	(tag) =	ssettag $0x1  }
0x1: {  	s5 =	rddreg [dreg:$0x0]  }
0x2: {  	s0 =	rddreg [dreg:$0x1];
	s1 =	simm.s32 $0x0  }
0x3: {  	s2 =	srdreg.scid;
	[smem:$0x7FF] =	sst s1;
	s3 =	sadd.s32 $0x63C00, s5  }
0x4: {  	v0 =	vlaneseq.u32;
	s4 =	sadd.s32 $0xA3C00, s5;
	s6 =	sand.u32 $0x1, s2;
	s2 =	stileid.u32  }
0x5: {  	v4 =	vmul.u32 $0xFFFFFFFF, v0;
	s5 =	sadd.s32 $0x83C00, s5;
	s7 =	ssub.s32 $0x2, s6;
	s6 =	sshll.u32 s6, $0x4  }
0x6: {  	_ =	strace $0x80000053;
	s8 =	sshrl.u32 s7, $0x1;
	s9 =	sor.u32 s2, s6  }
0x7: {  	vm0 =	vmmov $0xff;
	v0 =	vimm.s32 $0x0;
	v1 =	vadd.s32 $0x3F, v4;
	s8 =	ssub.s32 s7, s8;
	s6 =	sshll.u32 s9, $0x4;
	s31 =	sshll.u32 s9, $0xC  }
0x8: {  	v2 =	vadd.s32 $0x2F, v4;
	v3 =	vadd.s32 $0x1F, v4;
	v4 =	vadd.s32 $0xF, v4;
	s9 =	simm.s32 $0x0;
	s7 =	sadd.s32 s3, s31;
	s8 =	smax.u32 s8, $0x1  }
.LBB2_1:
0x9: {  	_ =	strace $0x80000054  }
0xa: {  	s11 =	simm.s32 $0x0;
	s10 =	simm.s32 $0x0;
	s12 =	simm.s32 $0x0  }
0xb: {  	s23 =	simm.s32 $0x0;
	s13 =	simm.s32 $0x0;
	s14 =	simm.s32 $0x0  }
0xc: {  	[tilespmem:s1], [sflag:$0x1] =	stream.linear.gather [hbm4b:s7+s1], $0x800, $0x200038;
	[tilespmem:$0x3000] =	vst v63  }
0xd: {  	s15 =	simm.s32 $0x1;
	s16 =	simm.s32 $0x0;
	_ =	strace $0x90000054  }
.LBB2_2:
0xe: {  	s17 =	smov.u32 s11;
	s11 =	sadd.s32 $0x1, s11  }
0xf: {  	p0 =	seq.s32 s11, $0x10  }
0x10: {  	s11 =	simm.s32 @p0 $0x0  }
0x11: {  	p1 =	sne.s32 s16, $0xF;
	p0 =	sne.s32 s17, s11  }
0x12: {  	p0 =	por !p1, !p0  }
0x13: {  	p0 =	por !p0, !p0  }
0x14: {  	s18 =	sadd.s32 @p0 s6, s11  }
0x15: {  	s29 =	sand.u32 $0x1, s14;
	_ =	strace @p0 $0x80000055;
	s18 =	sshll.u32 @p0 s18, $0x8  }
0x16: {  	s19 =	sand.u32 @p0 $0x1, s15;
	s21 =	simm.s32 @p0 $0x0;
	s18 =	sand.u32 @p0 $0x1FFFFF00, s18  }
0x17: {  	s20 =	sshll.u32 @p0 s19, $0xB;
	s19 =	sadd.s32 @p0 $0x1, s19;
	s18 =	sadd.s32 @p0 s3, s18  }
0x18: {  	[tilespmem:s20], [sflag:s19] =	stream.linear.gather @p0 [hbm4b:s18+s21], $0x800, $0x200038;
	[tilespmem:$0x3000] =	vst v63  }
0x19: {  	s30 =	sshll.u32 s29, $0xB;
	_ =	strace @p0 $0x90000055  }
0x1a: {  	s18 =	sadd.s32 $0x1, s29;
	s19 =	sor.u32 $0x20, s30;
	_ =	strace $0x80000056  }
0x1b: {  	v5 =	vmov s19;
	_ =	swait.ge [sflag:s18], $0x800  }
0x1c: {  	[sflag:s18] =	ssyncset.done $0x0  }
0x1d: {  	[sflag:s18] =	ssyncadd.s32 $0xFFFFF800  }
0x1e: {  	_ =	strace $0x90000056  }
0x1f: {  	s18 =	simm.s32 $0x0;
	_ =	strace $0x80000057  }
0x20: {  	v6 =	vld.idx.msk [tilespmem:v5+s18+$0xFFFFFFF0 ss:$0x1], $0xffff  }
0x21: {  	v8 =	vld.idx.msk [tilespmem:v5+s18+$0x0 ss:$0x1], $0xffff  }
0x22: {  	v7 =	vld.idx.msk [tilespmem:v5+s18+$0x10 ss:$0x1], $0xffff;
	_ =	sdelay $0x1  }
0x23: {  	v9 =	vld.idx.msk [tilespmem:v5+s18+$0xFFFFFFE0 ss:$0x1], $0xffff  }
0x24: {  	vm1 =	vlt.s32 v6, $0x0;
	v6 =	vand.u32 $0xFFFFFFC0, v6  }
0x25: {  	v12 =	vand.u32 $0xFFFFFFC0, v8;
	vm2 =	vlt.s32 v8, $0x0;
	v10 =	vsel vm1, $0x7FFFFFC0, v0  }
0x26: {  	v11 =	vsel vm1, $0x7FFFFFFF, v0;
	vm1 =	vlt.s32 v7, $0x0;
	v7 =	vand.u32 $0xFFFFFFC0, v7  }
0x27: {  	v6 =	vxor.u32 v6, v10;
	v10 =	vsel vm1, $0x7FFFFFC0, v0;
	v8 =	vsel vm1, $0x7FFFFFFF, v0  }
0x28: {  	vm1 =	vlt.s32 v9, $0x0;
	v6 =	vor.u32 v2, v6;
	v7 =	vxor.u32 v7, v10  }
0x29: {  	v10 =	vsel vm2, $0x7FFFFFC0, v0;
	v7 =	vor.u32 v4, v7;
	v6 =	vxor.u32 v11, v6  }
0x2a: {  	v7 =	vxor.u32 v8, v7;
	v8 =	vand.u32 $0xFFFFFFC0, v9;
	v9 =	vxor.u32 v12, v10  }
0x2b: {  	v10 =	vsel vm2, $0x7FFFFFFF, v0;
	v12 =	vsel vm1, $0x7FFFFFC0, v0;
	(xrf1) =	vsort.dscd.msk.f32 $0xffff, v7, v7;
	v9 =	vor.u32 v3, v9  }
0x2c: {  	v8 =	vxor.u32 v8, v12;
	v11 =	vxor.u32 v10, v9;
	(xrf1) =	vsort.dscd.msk.f32 $0xffff, v6, v6  }
0x2d: {  	v9 =	vsel vm1, $0x7FFFFFFF, v0;
	v8 =	vor.u32 v1, v8;
	(xrf1) =	vsort.dscd.msk.f32 $0xffff, v11, v11  }
0x2e: {  	v8 =	vxor.u32 v9, v8  }
0x2f: {  	(xrf1) =	vsort.dscd.msk.f32 $0xffff, v8, v8;
	_ =	sdelay $0x9  }
0x30: {  	v9, _, _ =	vpop (xrf1)  }
0x31: {  	v9 =	vperm.xlane v9, v4;
	v10, _, _ =	vpop (xrf1)  }
0x32: {  	v12, _, _ =	vpop (xrf1)  }
0x33: {  	v10 =	vperm.xlane v10, v4;
	v9 =	vsel vm0, v12, v9  }
0x34: {  	v12, _, _ =	vpop (xrf1);
	(xrf1) =	vsort.dscd.msk.f32 $0xffff, v9, v9  }
0x35: {  	v9 =	vsel vm0, v12, v10  }
0x36: {  	(xrf1) =	vsort.dscd.msk.f32 $0xffff, v9, v9;
	_ =	sdelay $0xb  }
0x37: {  	v9, _, _ =	vpop (xrf1)  }
0x38: {  	v9 =	vperm.xlane v9, v4  }
0x39: {  	v10, _, _ =	vpop (xrf1)  }
0x3a: {  	v9 =	vsel vm0, v10, v9  }
0x3b: {  	(xrf1) =	vsort.dscd.msk.f32 $0xffff, v9, v9;
	_ =	sdelay $0xd  }
0x3c: {  	v13, _, _ =	vpop (xrf1)  }
0x3d: {  	(xrf0) =	vmax.scan.msk.f32 $0xffff, v13;
	_ =	sdelay $0x5  }
0x3e: {  	v9, _, _ =	vpop (xrf0)  }
0x3f: {  	v9 =	vbroadcast v9, $0xF;
	_ =	sdelay $0x1  }
0x40: {  	v10 =	vsub.f32 v8, v9  }
0x41: {  	v12 =	vsub.f32 v6, v9  }
0x42: {  	v10 =	vmul.f32 $1.442695020e+00, v10  }
0x43: {  	v14 =	vsub.f32 v11, v9;
	v12 =	vmul.f32 $1.442695020e+00, v12  }
0x44: {  	v15 =	vnsel vm0, $0x7F800000, v13;
	(erf) = vpow2.f32 v10  }
0x45: {  	(xrf0) =	vmin.scan.msk.f32 $0xffff, v15;
	v9 =	vsub.f32 v7, v9;
	v10 =	vmul.f32 $1.442695020e+00, v14;
	(erf) = vpow2.f32 v12;
	_ =	sdelay $0x1  }
0x46: {  	v9 =	vmul.f32 $1.442695020e+00, v9;
	(erf) = vpow2.f32 v10;
	_ =	sdelay $0x1  }
0x47: {  	(erf) = vpow2.f32 v9;
	_ =	sdelay $0x1  }
0x48: {  	v9, _, _ =	vpop (xrf0)  }
0x49: {  	v12 =	vbroadcast v9, $0xF  }
0x4a: {  	v9 =	vpop (erf)  }
0x4b: {  	vm1 =	vle.f32 v12, v8;
	vm2 =	vle.f32 v12, v6;
	v6 =	vpop (erf)  }
0x4c: {  	v9 =	vnsel vm1, $0x0, v9;
	v10 =	vnsel vm2, $0x0, v6  }
0x4d: {  	vm1 =	vle.f32 v12, v11;
	v6 =	vpop (erf);
	v8 =	vadd.f32 v10, v9  }
0x4e: {  	v11 =	vnsel vm1, $0x0, v6  }
0x4f: {  	vm1 =	vle.f32 v12, v7;
	v6 =	vpop (erf);
	v7 =	vadd.f32 v8, v11  }
0x50: {  	v12 =	vnsel vm1, $0x0, v6  }
0x51: {  	v6 =	vadd.f32 v7, v12;
	_ =	sdelay $0x1  }
0x52: {  	(xrf2) =	vadd.scan.msk.f32 $0xffff, v6;
	_ =	sdelay $0x8  }
0x53: {  	s20 =	sand.u32 $0x1, s12  }
0x54: {  	s21 =	sand.u32 $0x1, s13;
	s31 =	sshll.u32 s20, $0xB;
	v6, _, _ =	vpop (xrf2)  }
0x55: {  	s25 =	sshll.u32 s21, $0xB;
	s22 =	sor.u32 $0x2000, s31;
	v8 =	vand.u32 $0x3F, v13;
	v14 =	vbroadcast v6, $0xF  }
0x56: {  	s19 =	smov.u32 s23;
	s24 =	sor.u32 $0x1020, s25;
	vm1 =	vlt.s32 v13, $0x0;
	v13 =	vxor.u32 $0x3F, v8;
	v7 =	vmov s22  }
0x57: {  	s23 =	sor.u32 $0x1000, s25;
	s25 =	simm.s32 $0x200;
	v8 =	vsel vm1, v8, v13;
	v6 =	vmov s24;
	s24 =	sadd.s32 s6, s17;
	(erf) = vrcp.f32 v14  }
.LBB2_3:
0x58: {  	_ =	sdelay $0x2  }
0x59: {  	p1 =	sne.s32 s25, $0x1E00;
	s26 =	smov.u32 s25;
	s25 =	sadd.s32 $0x200, s25  }
0x5a: {  	_ =	sdelay $0x1  }
0x5b: {  	s26 =	sshra.s32 s26, $0x2;
	_ =	sdelay $0x1  }
0x5c: {  	v13 =	vpop (erf)  }
0x5d: {  	v9 =	vmul.f32 v13, v9;
	v10 =	vmul.f32 v13, v10;
	_ =	sdelay $0x1  }
0x5e: {  	[tilespmem:v6+s18+$0xFFFFFFE0 ss:$0x1] =	vst.idx.msk $0xffff, v9;
	v9 =	vmul.f32 v13, v11  }
0x5f: {  	[tilespmem:v6+s18+$0xFFFFFFF0 ss:$0x1] =	vst.idx.msk $0xffff, v10;
	v10 =	vmul.f32 v13, v12  }
0x60: {  	[tilespmem:v6+s18+$0x0 ss:$0x1] =	vst.idx.msk $0xffff, v9  }
0x61: {  	[tilespmem:v6+s18+$0x10 ss:$0x1] =	vst.idx.msk $0xffff, v10  }
0x62: {  	[tilespmem:v7+s18+$0x0 ss:$0x1] =	vst.idx.msk $0xffff, v8;
	s18 =	smov.u32 s26  }
0x63: {  	v8 =	vld.idx.msk [tilespmem:v5+s18+$0xFFFFFFF0 ss:$0x1], $0xffff  }
0x64: {  	v9 =	vld.idx.msk [tilespmem:v5+s18+$0x10 ss:$0x1], $0xffff;
	_ =	sdelay $0x1  }
0x65: {  	v10 =	vld.idx.msk [tilespmem:v5+s18+$0x0 ss:$0x1], $0xffff;
	_ =	sdelay $0x1  }
0x66: {  	v11 =	vld.idx.msk [tilespmem:v5+s18+$0xFFFFFFE0 ss:$0x1], $0xffff  }
0x67: {  	vm1 =	vlt.s32 v8, $0x0;
	v8 =	vand.u32 $0xFFFFFFC0, v8  }
0x68: {  	v12 =	vsel vm1, $0x7FFFFFC0, v0;
	v13 =	vsel vm1, $0x7FFFFFFF, v0;
	vm1 =	vlt.s32 v9, $0x0  }
0x69: {  	v9 =	vand.u32 $0xFFFFFFC0, v9;
	v8 =	vxor.u32 v8, v12;
	v12 =	vsel vm1, $0x7FFFFFC0, v0  }
0x6a: {  	v8 =	vor.u32 v2, v8;
	v14 =	vand.u32 $0xFFFFFFC0, v10;
	v9 =	vxor.u32 v9, v12  }
0x6b: {  	vm2 =	vlt.s32 v10, $0x0;
	v10 =	vsel vm1, $0x7FFFFFFF, v0;
	v9 =	vor.u32 v4, v9  }
0x6c: {  	v12 =	vsel vm2, $0x7FFFFFC0, v0;
	vm1 =	vlt.s32 v11, $0x0;
	v9 =	vxor.u32 v10, v9  }
0x6d: {  	v10 =	vand.u32 $0xFFFFFFC0, v11;
	v11 =	vxor.u32 v14, v12;
	v12 =	vsel vm2, $0x7FFFFFFF, v0;
	(xrf1) =	vsort.dscd.msk.f32 $0xffff, v9, v9  }
0x6e: {  	v13 =	vxor.u32 v13, v8;
	v14 =	vsel vm1, $0x7FFFFFC0, v0;
	v8 =	vor.u32 v3, v11  }
0x6f: {  	v11 =	vsel vm1, $0x7FFFFFFF, v0;
	v10 =	vxor.u32 v10, v14;
	v12 =	vxor.u32 v12, v8;
	(xrf1) =	vsort.dscd.msk.f32 $0xffff, v13, v13  }
0x70: {  	v8 =	vor.u32 v1, v10;
	(xrf1) =	vsort.dscd.msk.f32 $0xffff, v12, v12  }
0x71: {  	v10 =	vxor.u32 v11, v8  }
0x72: {  	(xrf1) =	vsort.dscd.msk.f32 $0xffff, v10, v10;
	_ =	sdelay $0x8  }
0x73: {  	v8, _, _ =	vpop (xrf1);
	_ =	sdelay $0x1  }
0x74: {  	v8 =	vperm.xlane v8, v4;
	v11, _, _ =	vpop (xrf1)  }
0x75: {  	v14, _, _ =	vpop (xrf1)  }
0x76: {  	v11 =	vperm.xlane v11, v4;
	v8 =	vsel vm0, v14, v8  }
0x77: {  	v14, _, _ =	vpop (xrf1);
	(xrf1) =	vsort.dscd.msk.f32 $0xffff, v8, v8  }
0x78: {  	v8 =	vsel vm0, v14, v11  }
0x79: {  	(xrf1) =	vsort.dscd.msk.f32 $0xffff, v8, v8;
	_ =	sdelay $0xb  }
0x7a: {  	v8, _, _ =	vpop (xrf1)  }
0x7b: {  	v8 =	vperm.xlane v8, v4  }
0x7c: {  	v11, _, _ =	vpop (xrf1)  }
0x7d: {  	v8 =	vsel vm0, v11, v8  }
0x7e: {  	(xrf1) =	vsort.dscd.msk.f32 $0xffff, v8, v8;
	_ =	sdelay $0xd  }
0x7f: {  	v8, _, _ =	vpop (xrf1)  }
0x80: {  	v11 =	vnsel vm0, $0x7F800000, v8;
	v14 =	vand.u32 $0x3F, v8;
	(xrf0) =	vmax.scan.msk.f32 $0xffff, v8  }
0x81: {  	vm1 =	vlt.s32 v8, $0x0;
	v8 =	vxor.u32 $0x3F, v14;
	(xrf0) =	vmin.scan.msk.f32 $0xffff, v11  }
0x82: {  	v8 =	vsel vm1, v14, v8;
	_ =	sdelay $0x3  }
0x83: {  	v11, _, _ =	vpop (xrf0)  }
0x84: {  	v11 =	vbroadcast v11, $0xF;
	v14, _, _ =	vpop (xrf0)  }
0x85: {  	v14 =	vbroadcast v14, $0xF  }
0x86: {  	v15 =	vsub.f32 v10, v11;
	v16 =	vsub.f32 v13, v11  }
0x87: {  	vm1 =	vle.f32 v14, v10;
	v10 =	vsub.f32 v12, v11;
	v11 =	vsub.f32 v9, v11  }
0x88: {  	vm2 =	vle.f32 v14, v13;
	v15 =	vmul.f32 $1.442695020e+00, v15;
	v16 =	vmul.f32 $1.442695020e+00, v16  }
0x89: {  	vm3 =	vle.f32 v14, v12;
	v10 =	vmul.f32 $1.442695020e+00, v10;
	v11 =	vmul.f32 $1.442695020e+00, v11  }
0x8a: {  	vm4 =	vle.f32 v14, v9;
	(erf) = vpow2.f32 v15  }
0x8b: {  	(erf) = vpow2.f32 v16  }
0x8c: {  	(erf) = vpow2.f32 v10  }
0x8d: {  	(erf) = vpow2.f32 v11;
	_ =	sdelay $0x5  }
0x8e: {  	v9 =	vpop (erf)  }
0x8f: {  	v10 =	vpop (erf)  }
0x90: {  	v9 =	vnsel vm1, $0x0, v9;
	v10 =	vnsel vm2, $0x0, v10;
	v11 =	vpop (erf)  }
0x91: {  	v12 =	vadd.f32 v10, v9;
	v13 =	vpop (erf)  }
0x92: {  	v11 =	vnsel vm3, $0x0, v11  }
0x93: {  	v14 =	vadd.f32 v12, v11  }
0x94: {  	v12 =	vnsel vm4, $0x0, v13  }
0x95: {  	v13 =	vadd.f32 v14, v12;
	_ =	sdelay $0x1  }
0x96: {  	(xrf2) =	vadd.scan.msk.f32 $0xffff, v13;
	_ =	sdelay $0x8  }
.Ltmp0:
0x97: {  	(pc) =	sbr.rel @p1 .LBB2_3-.Ltmp0, $3  }
0x98: {  	v13, _, _ =	vpop (xrf2)  }
0x99: {  	v13 =	vbroadcast v13, $0xF;
	_ =	sdelay $0x1  }
0x9a: {  	(erf) = vrcp.f32 v13  }
0x9b: {  	_ =	sdelay $0x7  }
0x9c: {  	v5 =	vpop (erf)  }
0x9d: {  	v9 =	vmul.f32 v5, v9  }
0x9e: {  	v10 =	vmul.f32 v5, v10  }
0x9f: {  	v63 =	vmul.f32 v5, v11;
	[tilespmem:v6+s18+$0xFFFFFFE0 ss:$0x1] =	vst.idx.msk $0xffff, v9  }
0xa0: {  	p1 =	seq.s32 s16, $0xF;
	v5 =	vmul.f32 v5, v12;
	[tilespmem:v6+s18+$0xFFFFFFF0 ss:$0x1] =	vst.idx.msk $0xffff, v10  }
0xa1: {  	p2 =	seq.s32 @!p1 s17, s11;
	[tilespmem:v6+s18+$0x0 ss:$0x1] =	vst.idx.msk $0xffff, v63  }
0xa2: {  	s17 =	simm.s32 $0x0;
	p1 =	por p1, !p2;
	[tilespmem:v6+s18+$0x10 ss:$0x1] =	vst.idx.msk $0xffff, v5  }
0xa3: {  	s17 =	sshll.u32 @p1 s24, $0x8;
	[tilespmem:v7+s18+$0x0 ss:$0x1] =	vst.idx.msk $0xffff, v8  }
0xa4: {  	s17 =	sand.u32 @p1 $0x1FFFFF00, s17;
	_ =	strace $0x90000057  }
0xa5: {  	s18 =	sadd.s32 @p1 $0x3, s21;
	s21 =	sadd.s32 @p1 s4, s17;
	_ =	strace @p1 $0x80000058  }
0xa6: {  	[hbm4b:s21+s1] =	stream.linear.scatter @p1 [tilespmem:s23], [sflag:s18], $0x800, $0x200038;
	[tilespmem:$0x3000] =	vst v63  }
0xa7: {  	s13 =	sadd.s32 @p1 $0x1, s13;
	_ =	strace @p1 $0x90000058  }
0xa8: {  	s17 =	sadd.s32 @p1 s5, s17;
	s18 =	sadd.s32 @p1 $0x5, s20;
	_ =	strace @p1 $0x80000059  }
0xa9: {  	[hbm4b:s17+s1] =	stream.linear.scatter @p1 [tilespmem:s22], [sflag:s18], $0x800, $0x200038;
	[tilespmem:$0x3000] =	vst v63  }
0xaa: {  	s17 =	simm.s32 @p1 $0x1;
	_ =	strace @p1 $0x90000059;
	p1 =	seq.s32 s16, $0x0  }
0xab: {  	s18 =	sand.u32 @!p1 $0x1, s19  }
0xac: {  	_ =	strace @!p1 $0x8000005A;
	s18 =	sadd.s32 @!p1 $0x3, s18  }
0xad: {  	_ =	swait.ge @!p1 [sflag:s18], $0x800  }
0xae: {  	s20 =	simm.s32 $0x1;
	[sflag:s18] =	ssyncset.done @!p1 $0x0  }
0xaf: {  	s20 =	simm.s32 @!p0 $0x0;
	[sflag:s18] =	ssyncadd.s32 @!p1 $0xFFFFF800  }
0xb0: {  	s16 =	sadd.s32 $0x1, s16;
	s18 =	sand.u32 @!p1 $0x1, s10;
	_ =	strace @!p1 $0x9000005A  }
0xb1: {  	p0 =	sne.s32 s16, $0x10;
	s18 =	sadd.s32 @!p1 $0x5, s18;
	_ =	strace @!p1 $0x8000005B  }
.Ltmp1:
0xb2: {  	_ =	swait.ge @!p1 [sflag:s18], $0x800;
	(pc) =	sbr.rel @p0 .LBB2_2-.Ltmp1, $4  }
0xb3: {  	s15 =	sadd.s32 s20, s15;
	[sflag:s18] =	ssyncset.done @!p1 $0x0  }
0xb4: {  	s12 =	sadd.s32 s12, s17;
	[sflag:s18] =	ssyncadd.s32 @!p1 $0xFFFFF800;
	s18 =	simm.s32 @!p1 $0x1  }
0xb5: {  	s14 =	sadd.s32 s14, s17;
	s23 =	sadd.s32 @!p1 $0x1, s19;
	s18 =	simm.s32 @p1 $0x0  }
0xb6: {  	s23 =	smov.u32 @p1 s19;
	_ =	strace @!p1 $0x9000005B;
	s10 =	sadd.s32 s10, s18  }
0xb7: {  	s11 =	sand.u32 $0x1, s23  }
0xb8: {  	_ =	strace $0x8000005C;
	s11 =	sadd.s32 $0x3, s11  }
0xb9: {  	s9 =	sadd.s32 $0x1, s9;
	_ =	swait.ge [sflag:s11], $0x800  }
0xba: {  	s10 =	sand.u32 $0x1, s10;
	p0 =	sne.s32 s9, s8;
	[sflag:s11] =	ssyncset.done $0x0  }
.Ltmp2:
0xbb: {  	s10 =	sadd.s32 $0x5, s10;
	[sflag:s11] =	ssyncadd.s32 $0xFFFFF800;
	(pc) =	sbr.rel @p0 .LBB2_1-.Ltmp2, $4  }
0xbc: {  	_ =	swait.ge [sflag:s10], $0x800  }
0xbd: {  	[sflag:s10] =	ssyncset.done $0x0  }
0xbe: {  	[sflag:s10] =	ssyncadd.s32 $0xFFFFF800  }
0xbf: {  	_ =	strace $0x9000005C  }
0xc0: {  	_ =	sfence.sel $0x180000  }
0xc1: {  	[bflag:$0x0] =	sbarrier.arrive $0xFFFF  }
0xc2: {  	p0 =	sne.s32 s2, $0x0;
	_ =	strace $0x90000053  }
0xc3: {  	s0 =	sadd.s32 @!p0 $0x100000, s0;
	[bflag:$0x2] =	sbarrier.arrive $0xFFFF  }
0xc4: {  	[sflag:s0] =	ssyncadd.tile.s32 @!p0 $0x1;
	_ =	shalt  }
.Lfunc_end2:
_tile_overlayer_lowered:
.L_overlay_start_2:
0xc5: {  	(tag) =	ssettag $0x2  }
0xc6: {  	s0 =	rddreg [dreg:$0x0];
	s2 =	stileid.u32  }
0xc7: {  	s1 =	rddreg [dreg:$0x1];
	p0 =	sne.s32 s2, $0x0  }
0xc8: {  	s3 =	rddreg [dreg:$0x2];
	[bflag:$0x3] =	sbarrier.arrive $0xFFFF;
	s2 =	simm.s32 @!p0 $0x1C01  }
0xc9: {  	[timem:s3], [sflag:s2] =	dma.local @!p0 [hbm:s0], s1  }
0xca: {  	s0 =	simm.s32 @!p0 $0x1  }
0xcb: {  	_ =	swait.ge @!p0 [sflag:s0], s1  }
0xcc: {  	s1 =	ssub.s32 @!p0 $0x0, s1;
	[sflag:s0] =	ssyncset.done @!p0 $0x0  }
0xcd: {  	[sflag:s0] =	ssyncadd.s32 @!p0 s1  }
0xce: {  	[bflag:$0x3] =	sbarrier.arrive $0xFFFF  }
0xcf: {  	_ =	shalt  }

// kernel: kernel.16.cloned.1.call-start
scs
__scs_entry_jumppad:
0x0: {  	(pc) =	sbr.rel $0x88, $3  }
0x1: {  	(tag) =	ssettag $0x0;
	lr =	simm.s32 $0x1  }
0x2: {  	[smem:$0x3F9E] =	sst lr;
	_ =	strace $0xD0000000  }
0x3: {  	_ = 	snop  }
0x4: {  	_ = 	snop  }
0x5: {  	_ = 	snop  }
0x6: {  	_ = 	snop  }
0x7: {  	_ = 	snop  }
__scs_overlays_trampoline_lowered:
0x8: {  	[smem:$0x3FAD] =	sst s0  }
0x9: {  	[smem:$0x3FAE] =	sst s1  }
0xa: {  	[smem:$0x3FAF] =	sst s2  }
0xb: {  	[smem:$0x3FB0] =	sst s3  }
0xc: {  	[smem:$0x3FB1] =	sst s4  }
0xd: {  	[smem:$0x3FB2] =	sst s5  }
0xe: {  	[smem:$0x3FB3] =	sst s6  }
0xf: {  	[smem:$0x3FB4] =	sst s7  }
0x10: {  	[smem:$0x3FB5] =	sst s8  }
0x11: {  	[smem:$0x3FB6] =	sst s9;
	s0 =	simm.s32 @!p0 $0x0  }
0x12: {  	s1 =	sld [smem:$0x3F9C];
	s0 =	simm.s32 @p0 $0x1  }
0x13: {  	[smem:$0x3FB7] =	sst s0;
	s0 =	simm.s32 @!p1 $0x0  }
0x14: {  	s2 =	sld [smem:$0x3F9B];
	s0 =	simm.s32 @p1 $0x1  }
0x15: {  	[smem:$0x3FB8] =	sst s0;
	s0 =	simm.s32 @!p2 $0x0  }
0x16: {  	s3 =	sld [smem:$0x3FDB];
	s0 =	simm.s32 @p2 $0x1  }
0x17: {  	s4 =	simm.s32 $0x1BF5;
	[smem:$0x3FBA] =	sst s0  }
0x18: {  	s0 =	sld [smem:$0x3F9D];
	_ =	swait.ge [sflag:s4], $0x0  }
0x19: {  	s7 =	sld [smem:$0x3F9E]  }
0x1a: {  	s8 =	sadd.s32 $0xFFFFE003, lr  }
0x1b: {  	s9 =	sadd.s32 $0xFFFFFEF7, lr;
	s5 =	simm.s32 $0xFFFFFFFF;
	p2 =	slt.u32 s8, $0xFFFFF086  }
0x1c: {  	p1 =	slt.u32 s9, $0xF7A;
	s5 =	simm.s32 @!p2 $0x0  }
0x1d: {  	s5 =	simm.s32 @p1 $0x1;
	p0 =	seq.s32 s7, s2  }
0x1e: {  	s7 =	smul.u32 @!p0 $0xF7A, s2;
	p2 =	seq.s32 @!p0 s5, $0x0  }
0x1f: {  	s9 =	smul.u32 $0xF7A, s1;
	s8 =	simm.s32 @!p0 $0x1BF5;
	p2 =	por !p2, p0  }
0x20: {  	[sflag:s8] =	ssyncset.s32 @!p0 $0xFFFFF086;
	s6 =	sadd.s32 @!p0 s3, s7;
	s7 =	simm.s32 @!p0 $0x108  }
0x21: {  	s3 =	sadd.s32 s3, s9;
	s6 =	sadd.s32 @!p0 $0x88, s6;
	s7 =	simm.s32 @p2 $0x1082  }
0x22: {  	[simem:s7], [sflag:s8] =	dma.local @!p0 [hbm:s6], $0xF7A  }
0x23: {  	s9 =	sor.u32 $0xD0000000, s2;
	s6 =	simm.s32 $0x108;
	_ =	swait.ge @!p0 [sflag:s8], $0x0  }
0x24: {  	s3 =	sadd.s32 $0x88, s3;
	s6 =	simm.s32 @!p1 $0x1082;
	[sflag:s4] =	ssyncset.s32 $0xFFFFF086  }
0x25: {  	[simem:s6], [sflag:s4] =	dma.local [hbm:s3], $0xF7A  }
0x26: {  	[smem:$0x3F9E] =	sst s1;
	(tag) =	ssettag s2;
	_ =	strace s9  }
0x27: {  	s1 =	sld [smem:$0x3FAE]  }
0x28: {  	s2 =	sld [smem:$0x3FAF]  }
0x29: {  	s4 =	sld [smem:$0x3FB1]  }
0x2a: {  	p0 =	seq.s32 s5, $0x0;
	s5 =	sld [smem:$0x3FB2]  }
0x2b: {  	s6 =	sld [smem:$0x3FB3]  }
0x2c: {  	s7 =	sld [smem:$0x3FB4]  }
0x2d: {  	s3 =	simm.s32 $0x108;
	s8 =	sld [smem:$0x3FB5]  }
0x2e: {  	s3 =	simm.s32 @!p0 $0x1082;
	s9 =	sld [smem:$0x3FB6]  }
0x2f: {  	lr =	sadd.s32 s0, s3;
	s0 =	sld [smem:$0x3FAD]  }
0x30: {  	s3 =	sld [smem:$0x3FB0]  }
0x31: {  	[smem:$0x3FB9] =	sst s10  }
0x32: {  	s10 =	sld [smem:$0x3FB7];
	_ =	sdelay $0x3  }
0x33: {  	p0 =	seq.s32 s10, $0x1;
	s10 =	sld [smem:$0x3FB9];
	_ =	sdelay $0x3  }
0x34: {  	[smem:$0x3FB9] =	sst s10  }
0x35: {  	s10 =	sld [smem:$0x3FB8];
	_ =	sdelay $0x3  }
0x36: {  	p1 =	seq.s32 s10, $0x1;
	s10 =	sld [smem:$0x3FB9];
	_ =	sdelay $0x3  }
0x37: {  	[smem:$0x3FB9] =	sst s10  }
0x38: {  	s10 =	sld [smem:$0x3FBA]  }
0x39: {  	_ = 	snop;
	(pc) =	sbr.ind lr, $3  }
0x3a: {  	_ = 	snop  }
0x3b: {  	_ = 	snop  }
0x3c: {  	p2 =	seq.s32 s10, $0x1;
	s10 =	sld [smem:$0x3FB9]  }
0x3d: {  	_ =	shalt  }
0x3e: {  	_ =	shalt  }
0x3f: {  	_ =	shalt  }
0x40: {  	_ =	shalt  }
0x41: {  	_ =	shalt  }
0x42: {  	_ =	shalt  }
0x43: {  	_ =	shalt  }
0x44: {  	_ =	shalt  }
0x45: {  	_ =	shalt  }
0x46: {  	_ =	shalt  }
0x47: {  	_ =	shalt  }
0x48: {  	_ =	shalt  }
0x49: {  	_ =	shalt  }
0x4a: {  	_ =	shalt  }
0x4b: {  	_ =	shalt  }
0x4c: {  	_ =	shalt  }
0x4d: {  	_ =	shalt  }
0x4e: {  	_ =	shalt  }
0x4f: {  	_ =	shalt  }
0x50: {  	_ =	shalt  }
0x51: {  	_ =	shalt  }
0x52: {  	_ =	shalt  }
0x53: {  	_ =	shalt  }
0x54: {  	_ =	shalt  }
0x55: {  	_ =	shalt  }
0x56: {  	_ =	shalt  }
0x57: {  	_ =	shalt  }
0x58: {  	_ =	shalt  }
0x59: {  	_ =	shalt  }
0x5a: {  	_ =	shalt  }
0x5b: {  	_ =	shalt  }
0x5c: {  	_ =	shalt  }
0x5d: {  	_ =	shalt  }
0x5e: {  	_ =	shalt  }
0x5f: {  	_ =	shalt  }
0x60: {  	_ =	shalt  }
0x61: {  	_ =	shalt  }
0x62: {  	_ =	shalt  }
0x63: {  	_ =	shalt  }
0x64: {  	_ =	shalt  }
0x65: {  	_ =	shalt  }
0x66: {  	_ =	shalt  }
0x67: {  	_ =	shalt  }
0x68: {  	_ =	shalt  }
0x69: {  	_ =	shalt  }
0x6a: {  	_ =	shalt  }
0x6b: {  	_ =	shalt  }
0x6c: {  	_ =	shalt  }
0x6d: {  	_ =	shalt  }
0x6e: {  	_ =	shalt  }
0x6f: {  	_ =	shalt  }
0x70: {  	_ =	shalt  }
0x71: {  	_ =	shalt  }
0x72: {  	_ =	shalt  }
0x73: {  	_ =	shalt  }
0x74: {  	_ =	shalt  }
0x75: {  	_ =	shalt  }
0x76: {  	_ =	shalt  }
0x77: {  	_ =	shalt  }
0x78: {  	_ =	shalt  }
0x79: {  	_ =	shalt  }
0x7a: {  	_ =	shalt  }
0x7b: {  	_ =	shalt  }
0x7c: {  	_ =	shalt  }
0x7d: {  	_ =	shalt  }
0x7e: {  	_ =	shalt  }
0x7f: {  	_ =	shalt  }
0x80: {  	_ =	shalt  }
0x81: {  	_ =	shalt  }
0x82: {  	_ =	shalt  }
0x83: {  	_ =	shalt  }
0x84: {  	_ =	shalt  }
0x85: {  	_ =	shalt  }
0x86: {  	_ =	shalt  }
0x87: {  	_ =	shalt  }
.Lfunc_end0:
.L_simem_size_0:
called_computation.2_lowered:
.L_overlay_start_0:
0x88: {  	s2 =	sld [smem:$0x3FD9]  }
0x89: {  	s3 =	sld [smem:$0x3FFE];
	_ =	sdelay $0x1  }
0x8a: {  	s1 =	srdreg.scid  }
0x8b: {  	s0 =	sand.u32 $0x1, s1  }
0x8c: {  	s17 =	sshll.u32 s0, $0xA;
	s2 =	sadd.s32 s3, s2  }
0x8d: {  	s2 =	sadd.s32 s2, s17  }
0x8e: {  	[smem:$0x3FC5] =	sst s2  }
0x8f: {  	_ = 	snop  }
0x90: {  	(tm) =	ssettm $0x1  }
0x91: {  	s18 =	sld [smem:$0x3FFB];
	_ =	sdelay $0x3  }
0x92: {  	_ =	strace s18  }
0x93: {  	s2 =	sld [smem:$0x3FFC];
	_ =	sdelay $0x3  }
0x94: {  	_ =	strace s2  }
0x95: {  	s2 =	sld [smem:$0x3FFD];
	_ =	sdelay $0x3  }
0x96: {  	_ =	strace s2  }
0x97: {  	_ =	strace $0x8FFFFFFF  }
0x98: {  	s19 =	sld [smem:$0x3FDB];
	_ =	sdelay $0x1  }
0x99: {  	s20 =	simm.s32 $_scs_section_size  }
0x9a: {  	s4 =	simm.s32 $_size__tile_overlayer_lowered;
	s5 =	simm.s32 $_tile_overlayer_lowered  }
0x9b: {  	s6 =	simm.s32 $0x1BFF;
	s21 =	sshll.u32 s5, $0x1;
	s3 =	sadd.s32 s20, s19  }
0x9c: {  	s22 =	simm.s32 $0x0;
	s4 =	sshll.u32 s4, $0x1;
	s5 =	sadd.s32 s21, s3  }
0x9d: {  	[timem:s22], [sflag:s6] =	dma.local [hbm:s5], s4  }
0x9e: {  	_ =	swait.ge [sflag:s6], s4  }
0x9f: {  	s4 =	ssub.s32 $0x0, s4;
	[sflag:s6] =	ssyncset.done $0x0  }
0xa0: {  	[sflag:s6] =	ssyncadd.s32 s4;
	_ =	sdelay $0x1  }
0xa1: {  	s23 =	simm.s32 $0x1B8B  }
0xa2: {  	_ =	swait.ge [sflag:s23], $0x1  }
0xa3: {  	[sflag:s23] =	ssyncset.done $0x0  }
0xa4: {  	[sflag:s23] =	ssyncadd.s32 $0xFFFFFFFF  }
0xa5: {  	s4 =	sld [smem:$0x0]  }
0xa6: {  	s5 =	sand.u32 $0xFFFFFFFE, s1  }
0xa7: {  	p0 =	sne.s32 s1, s5  }
0xa8: {  	s5 =	sshll.u32 @p0 s5, $0xE  }
0xa9: {  	s5 =	sadd.s32 @p0 $0x11B8D, s5;
	s6 =	sshll.u32 @p0 s4, $0x11  }
0xaa: {  	s5 =	sor.u32 @p0 s6, s5  }
0xab: {  	[sflag:s5] =	ssyncadd.remote.s32 @p0 $0x1;
	_ =	sdelay $0x1  }
0xac: {  	s5 =	simm.s32 @p0 $0x1B8D  }
0xad: {  	_ =	swait.eq @p0 [sflag:s5], $0x1  }
0xae: {  	[sflag:s5] =	ssyncadd.s32 @p0 $0xFFFFFFFF  }
0xaf: {  	s6 =	sshll.u32 @!p0 s1, $0xE  }
0xb0: {  	s6 =	sor.u32 @!p0 $0x4000, s6;
	s5 =	simm.s32 @!p0 $0x1B8D  }
0xb1: {  	s4 =	sshll.u32 @!p0 s4, $0x11;
	s6 =	sadd.s32 @!p0 $0x11B8D, s6;
	_ =	swait.eq @!p0 [sflag:s5], $0x1  }
0xb2: {  	s4 =	sor.u32 @!p0 s4, s6;
	[sflag:s5] =	ssyncadd.s32 @!p0 $0xFFFFFFFF  }
0xb3: {  	s25 =	simm.s32 $0x1B8E;
	s24 =	sld [smem:$0x3FFE];
	[sflag:s4] =	ssyncadd.remote.s32 @!p0 $0x1  }
0xb4: {  	s26 =	simm.s32 $execute0_lowered;
	[smem:$0x3FD2] =	sst s25  }
0xb5: {  	s5 =	sshll.u32 s26, $0x1;
	_ =	strace $0x8000005E;
	[dreg:$0x1] =	wrdreg $0xFFFFFFFF  }
0xb6: {  	s28 =	simm.s32 $_size_execute0_lowered;
	s3 =	sadd.s32 s3, s5;
	[dreg:$0x0] =	wrdreg $0x0  }
0xb7: {  	s5 =	sshll.u32 s28, $0x1;
	[dreg:$0x2] =	wrdreg s3  }
0xb8: {  	[dreg:$0x3] =	wrdreg s5  }
0xb9: {  	[dreg:$0x4] =	wrdreg $0xC0  }
0xba: {  	_ =	task [dreg:s22], $0x5FFFF  }
0xbb: {  	[dreg:$0x1] =	wrdreg $0xFFFFFFFF  }
0xbc: {  	[dreg:$0x0] =	wrdreg $0x60  }
0xbd: {  	[dreg:$0x2] =	wrdreg s24  }
0xbe: {  	[dreg:$0x3] =	wrdreg $0xB  }
0xbf: {  	_ =	task.clear_ibuf [dreg:s22], $0x4FFFF;
	_ =	strace $0x9000005E  }
0xc0: {  	s29 =	simm.s32 $0xB;
	_ =	strace $0x80000069  }
0xc1: {  	_ =	swait.ge [sflag:s29], $0x1  }
0xc2: {  	[sflag:s29] =	ssyncadd.s32 $0xFFFFFFFF  }
0xc3: {  	_ =	strace $0x90000069  }
0xc4: {  	_ =	sfence  }
0xc5: {  	s30 =	sld [smem:$0x0];
	_ =	sdelay $0x2  }
0xc6: {  	s31 =	sshll.u32 s1, $0xD;
	s1 =	sshrl.u32 s1, $0x2  }
0xc7: {  	s4 =	sand.u32 $0x4000, s31;
	s1 =	sadd.s32 s1, s30  }
0xc8: {  	s0 =	sor.u32 s4, s0;
	s1 =	sshll.u32 s1, $0x11  }
0xc9: {  	s0 =	sor.u32 s1, s0  }
0xca: {  	s0 =	sadd.s32 $0x8F2B, s0  }
0xcb: {  	[sflag:s0] =	ssyncadd.remote.s32 $0x1  }
0xcc: {  	_ =	sfence.sel $0xFFFF  }
0xcd: {  	[dreg:$0x0] =	wrdreg $0xFFFFFFFF;
	(pc) =	sbr.abs _section_cstart, $3  }
0xce: {  	[dreg:$0x1] =	wrdreg $0xFFFFFFFF  }
0xcf: {  	_ =	task.clear_ibuf [dreg:s22], $0x2FFFF;
	_ =	strace $0x9FFFFFFF  }
0xd0: {  	(tm) =	ssettm $0x7FFFFFFF  }
0xd1: {  	_ =	shalt  }
tec
execute0_lowered:
.L_overlay_start_1:
0x0: {  	(tag) =	ssettag $0x1  }
0x1: {  	s5 =	rddreg [dreg:$0x0]  }
0x2: {  	s0 =	rddreg [dreg:$0x1];
	s1 =	simm.s32 $0x0  }
0x3: {  	s2 =	srdreg.scid;
	[smem:$0x7FF] =	sst s1;
	s3 =	sadd.s32 $0xC3C00, s5  }
0x4: {  	v0 =	vlaneseq.u32;
	s4 =	sadd.s32 $0x103C00, s5;
	s6 =	sand.u32 $0x1, s2;
	s2 =	stileid.u32  }
0x5: {  	v4 =	vmul.u32 $0xFFFFFFFF, v0;
	s5 =	sadd.s32 $0xE3C00, s5;
	s7 =	ssub.s32 $0x2, s6;
	s6 =	sshll.u32 s6, $0x4  }
0x6: {  	_ =	strace $0x8000005F;
	s8 =	sshrl.u32 s7, $0x1;
	s9 =	sor.u32 s2, s6  }
0x7: {  	vm0 =	vmmov $0xff;
	v0 =	vimm.s32 $0x0;
	v1 =	vadd.s32 $0x3F, v4;
	s8 =	ssub.s32 s7, s8;
	s6 =	sshll.u32 s9, $0x4;
	s31 =	sshll.u32 s9, $0xC  }
0x8: {  	v2 =	vadd.s32 $0x2F, v4;
	v3 =	vadd.s32 $0x1F, v4;
	v4 =	vadd.s32 $0xF, v4;
	s9 =	simm.s32 $0x0;
	s7 =	sadd.s32 s3, s31;
	s8 =	smax.u32 s8, $0x1  }
.LBB2_1:
0x9: {  	_ =	strace $0x80000060  }
0xa: {  	s11 =	simm.s32 $0x0;
	s10 =	simm.s32 $0x0;
	s12 =	simm.s32 $0x0  }
0xb: {  	s23 =	simm.s32 $0x0;
	s13 =	simm.s32 $0x0;
	s14 =	simm.s32 $0x0  }
0xc: {  	[tilespmem:s1], [sflag:$0x1] =	stream.linear.gather [hbm4b:s7+s1], $0x800, $0x200038;
	[tilespmem:$0x3000] =	vst v63  }
0xd: {  	s15 =	simm.s32 $0x1;
	s16 =	simm.s32 $0x0;
	_ =	strace $0x90000060  }
.LBB2_2:
0xe: {  	s17 =	smov.u32 s11;
	s11 =	sadd.s32 $0x1, s11  }
0xf: {  	p0 =	seq.s32 s11, $0x10  }
0x10: {  	s11 =	simm.s32 @p0 $0x0  }
0x11: {  	p1 =	sne.s32 s16, $0xF;
	p0 =	sne.s32 s17, s11  }
0x12: {  	p0 =	por !p1, !p0  }
0x13: {  	p0 =	por !p0, !p0  }
0x14: {  	s18 =	sadd.s32 @p0 s6, s11  }
0x15: {  	s29 =	sand.u32 $0x1, s14;
	_ =	strace @p0 $0x80000061;
	s18 =	sshll.u32 @p0 s18, $0x8  }
0x16: {  	s19 =	sand.u32 @p0 $0x1, s15;
	s21 =	simm.s32 @p0 $0x0;
	s18 =	sand.u32 @p0 $0x1FFFFF00, s18  }
0x17: {  	s20 =	sshll.u32 @p0 s19, $0xB;
	s19 =	sadd.s32 @p0 $0x1, s19;
	s18 =	sadd.s32 @p0 s3, s18  }
0x18: {  	[tilespmem:s20], [sflag:s19] =	stream.linear.gather @p0 [hbm4b:s18+s21], $0x800, $0x200038;
	[tilespmem:$0x3000] =	vst v63  }
0x19: {  	s30 =	sshll.u32 s29, $0xB;
	_ =	strace @p0 $0x90000061  }
0x1a: {  	s18 =	sadd.s32 $0x1, s29;
	s19 =	sor.u32 $0x20, s30;
	_ =	strace $0x80000062  }
0x1b: {  	v5 =	vmov s19;
	_ =	swait.ge [sflag:s18], $0x800  }
0x1c: {  	[sflag:s18] =	ssyncset.done $0x0  }
0x1d: {  	[sflag:s18] =	ssyncadd.s32 $0xFFFFF800  }
0x1e: {  	_ =	strace $0x90000062  }
0x1f: {  	s18 =	simm.s32 $0x0;
	_ =	strace $0x80000063  }
0x20: {  	v6 =	vld.idx.msk [tilespmem:v5+s18+$0xFFFFFFF0 ss:$0x1], $0xffff  }
0x21: {  	v8 =	vld.idx.msk [tilespmem:v5+s18+$0x0 ss:$0x1], $0xffff  }
0x22: {  	v7 =	vld.idx.msk [tilespmem:v5+s18+$0x10 ss:$0x1], $0xffff;
	_ =	sdelay $0x1  }
0x23: {  	v9 =	vld.idx.msk [tilespmem:v5+s18+$0xFFFFFFE0 ss:$0x1], $0xffff  }
0x24: {  	vm1 =	vlt.s32 v6, $0x0;
	v6 =	vand.u32 $0xFFFFFFC0, v6  }
0x25: {  	v12 =	vand.u32 $0xFFFFFFC0, v8;
	vm2 =	vlt.s32 v8, $0x0;
	v10 =	vsel vm1, $0x7FFFFFC0, v0  }
0x26: {  	v11 =	vsel vm1, $0x7FFFFFFF, v0;
	vm1 =	vlt.s32 v7, $0x0;
	v7 =	vand.u32 $0xFFFFFFC0, v7  }
0x27: {  	v6 =	vxor.u32 v6, v10;
	v10 =	vsel vm1, $0x7FFFFFC0, v0;
	v8 =	vsel vm1, $0x7FFFFFFF, v0  }
0x28: {  	vm1 =	vlt.s32 v9, $0x0;
	v6 =	vor.u32 v2, v6;
	v7 =	vxor.u32 v7, v10  }
0x29: {  	v10 =	vsel vm2, $0x7FFFFFC0, v0;
	v7 =	vor.u32 v4, v7;
	v6 =	vxor.u32 v11, v6  }
0x2a: {  	v7 =	vxor.u32 v8, v7;
	v8 =	vand.u32 $0xFFFFFFC0, v9;
	v9 =	vxor.u32 v12, v10  }
0x2b: {  	v10 =	vsel vm2, $0x7FFFFFFF, v0;
	v12 =	vsel vm1, $0x7FFFFFC0, v0;
	(xrf1) =	vsort.dscd.msk.f32 $0xffff, v7, v7;
	v9 =	vor.u32 v3, v9  }
0x2c: {  	v8 =	vxor.u32 v8, v12;
	v11 =	vxor.u32 v10, v9;
	(xrf1) =	vsort.dscd.msk.f32 $0xffff, v6, v6  }
0x2d: {  	v9 =	vsel vm1, $0x7FFFFFFF, v0;
	v8 =	vor.u32 v1, v8;
	(xrf1) =	vsort.dscd.msk.f32 $0xffff, v11, v11  }
0x2e: {  	v8 =	vxor.u32 v9, v8  }
0x2f: {  	(xrf1) =	vsort.dscd.msk.f32 $0xffff, v8, v8;
	_ =	sdelay $0x9  }
0x30: {  	v9, _, _ =	vpop (xrf1)  }
0x31: {  	v9 =	vperm.xlane v9, v4;
	v10, _, _ =	vpop (xrf1)  }
0x32: {  	v12, _, _ =	vpop (xrf1)  }
0x33: {  	v10 =	vperm.xlane v10, v4;
	v9 =	vsel vm0, v12, v9  }
0x34: {  	v12, _, _ =	vpop (xrf1);
	(xrf1) =	vsort.dscd.msk.f32 $0xffff, v9, v9  }
0x35: {  	v9 =	vsel vm0, v12, v10  }
0x36: {  	(xrf1) =	vsort.dscd.msk.f32 $0xffff, v9, v9;
	_ =	sdelay $0xb  }
0x37: {  	v9, _, _ =	vpop (xrf1)  }
0x38: {  	v9 =	vperm.xlane v9, v4  }
0x39: {  	v10, _, _ =	vpop (xrf1)  }
0x3a: {  	v9 =	vsel vm0, v10, v9  }
0x3b: {  	(xrf1) =	vsort.dscd.msk.f32 $0xffff, v9, v9;
	_ =	sdelay $0xd  }
0x3c: {  	v13, _, _ =	vpop (xrf1)  }
0x3d: {  	(xrf0) =	vmax.scan.msk.f32 $0xffff, v13;
	_ =	sdelay $0x5  }
0x3e: {  	v9, _, _ =	vpop (xrf0)  }
0x3f: {  	v9 =	vbroadcast v9, $0xF;
	_ =	sdelay $0x1  }
0x40: {  	v10 =	vsub.f32 v8, v9  }
0x41: {  	v12 =	vsub.f32 v6, v9  }
0x42: {  	v10 =	vmul.f32 $1.442695020e+00, v10  }
0x43: {  	v14 =	vsub.f32 v11, v9;
	v12 =	vmul.f32 $1.442695020e+00, v12  }
0x44: {  	v15 =	vnsel vm0, $0x7F800000, v13;
	(erf) = vpow2.f32 v10  }
0x45: {  	(xrf0) =	vmin.scan.msk.f32 $0xffff, v15;
	v9 =	vsub.f32 v7, v9;
	v10 =	vmul.f32 $1.442695020e+00, v14;
	(erf) = vpow2.f32 v12;
	_ =	sdelay $0x1  }
0x46: {  	v9 =	vmul.f32 $1.442695020e+00, v9;
	(erf) = vpow2.f32 v10;
	_ =	sdelay $0x1  }
0x47: {  	(erf) = vpow2.f32 v9;
	_ =	sdelay $0x1  }
0x48: {  	v9, _, _ =	vpop (xrf0)  }
0x49: {  	v12 =	vbroadcast v9, $0xF  }
0x4a: {  	v9 =	vpop (erf)  }
0x4b: {  	vm1 =	vle.f32 v12, v8;
	vm2 =	vle.f32 v12, v6;
	v6 =	vpop (erf)  }
0x4c: {  	v9 =	vnsel vm1, $0x0, v9;
	v10 =	vnsel vm2, $0x0, v6  }
0x4d: {  	vm1 =	vle.f32 v12, v11;
	v6 =	vpop (erf);
	v8 =	vadd.f32 v10, v9  }
0x4e: {  	v11 =	vnsel vm1, $0x0, v6  }
0x4f: {  	vm1 =	vle.f32 v12, v7;
	v6 =	vpop (erf);
	v7 =	vadd.f32 v8, v11  }
0x50: {  	v12 =	vnsel vm1, $0x0, v6  }
0x51: {  	v6 =	vadd.f32 v7, v12;
	_ =	sdelay $0x1  }
0x52: {  	(xrf2) =	vadd.scan.msk.f32 $0xffff, v6;
	_ =	sdelay $0x8  }
0x53: {  	s20 =	sand.u32 $0x1, s12  }
0x54: {  	s21 =	sand.u32 $0x1, s13;
	s31 =	sshll.u32 s20, $0xB;
	v6, _, _ =	vpop (xrf2)  }
0x55: {  	s25 =	sshll.u32 s21, $0xB;
	s22 =	sor.u32 $0x2000, s31;
	v8 =	vand.u32 $0x3F, v13;
	v14 =	vbroadcast v6, $0xF  }
0x56: {  	s19 =	smov.u32 s23;
	s24 =	sor.u32 $0x1020, s25;
	vm1 =	vlt.s32 v13, $0x0;
	v13 =	vxor.u32 $0x3F, v8;
	v7 =	vmov s22  }
0x57: {  	s23 =	sor.u32 $0x1000, s25;
	s25 =	simm.s32 $0x200;
	v8 =	vsel vm1, v8, v13;
	v6 =	vmov s24;
	s24 =	sadd.s32 s6, s17;
	(erf) = vrcp.f32 v14  }
.LBB2_3:
0x58: {  	_ =	sdelay $0x2  }
0x59: {  	p1 =	sne.s32 s25, $0x1E00;
	s26 =	smov.u32 s25;
	s25 =	sadd.s32 $0x200, s25  }
0x5a: {  	_ =	sdelay $0x1  }
0x5b: {  	s26 =	sshra.s32 s26, $0x2;
	_ =	sdelay $0x1  }
0x5c: {  	v13 =	vpop (erf)  }
0x5d: {  	v9 =	vmul.f32 v13, v9;
	v10 =	vmul.f32 v13, v10;
	_ =	sdelay $0x1  }
0x5e: {  	[tilespmem:v6+s18+$0xFFFFFFE0 ss:$0x1] =	vst.idx.msk $0xffff, v9;
	v9 =	vmul.f32 v13, v11  }
0x5f: {  	[tilespmem:v6+s18+$0xFFFFFFF0 ss:$0x1] =	vst.idx.msk $0xffff, v10;
	v10 =	vmul.f32 v13, v12  }
0x60: {  	[tilespmem:v6+s18+$0x0 ss:$0x1] =	vst.idx.msk $0xffff, v9  }
0x61: {  	[tilespmem:v6+s18+$0x10 ss:$0x1] =	vst.idx.msk $0xffff, v10  }
0x62: {  	[tilespmem:v7+s18+$0x0 ss:$0x1] =	vst.idx.msk $0xffff, v8;
	s18 =	smov.u32 s26  }
0x63: {  	v8 =	vld.idx.msk [tilespmem:v5+s18+$0xFFFFFFF0 ss:$0x1], $0xffff  }
0x64: {  	v9 =	vld.idx.msk [tilespmem:v5+s18+$0x10 ss:$0x1], $0xffff;
	_ =	sdelay $0x1  }
0x65: {  	v10 =	vld.idx.msk [tilespmem:v5+s18+$0x0 ss:$0x1], $0xffff;
	_ =	sdelay $0x1  }
0x66: {  	v11 =	vld.idx.msk [tilespmem:v5+s18+$0xFFFFFFE0 ss:$0x1], $0xffff  }
0x67: {  	vm1 =	vlt.s32 v8, $0x0;
	v8 =	vand.u32 $0xFFFFFFC0, v8  }
0x68: {  	v12 =	vsel vm1, $0x7FFFFFC0, v0;
	v13 =	vsel vm1, $0x7FFFFFFF, v0;
	vm1 =	vlt.s32 v9, $0x0  }
0x69: {  	v9 =	vand.u32 $0xFFFFFFC0, v9;
	v8 =	vxor.u32 v8, v12;
	v12 =	vsel vm1, $0x7FFFFFC0, v0  }
0x6a: {  	v8 =	vor.u32 v2, v8;
	v14 =	vand.u32 $0xFFFFFFC0, v10;
	v9 =	vxor.u32 v9, v12  }
0x6b: {  	vm2 =	vlt.s32 v10, $0x0;
	v10 =	vsel vm1, $0x7FFFFFFF, v0;
	v9 =	vor.u32 v4, v9  }
0x6c: {  	v12 =	vsel vm2, $0x7FFFFFC0, v0;
	vm1 =	vlt.s32 v11, $0x0;
	v9 =	vxor.u32 v10, v9  }
0x6d: {  	v10 =	vand.u32 $0xFFFFFFC0, v11;
	v11 =	vxor.u32 v14, v12;
	v12 =	vsel vm2, $0x7FFFFFFF, v0;
	(xrf1) =	vsort.dscd.msk.f32 $0xffff, v9, v9  }
0x6e: {  	v13 =	vxor.u32 v13, v8;
	v14 =	vsel vm1, $0x7FFFFFC0, v0;
	v8 =	vor.u32 v3, v11  }
0x6f: {  	v11 =	vsel vm1, $0x7FFFFFFF, v0;
	v10 =	vxor.u32 v10, v14;
	v12 =	vxor.u32 v12, v8;
	(xrf1) =	vsort.dscd.msk.f32 $0xffff, v13, v13  }
0x70: {  	v8 =	vor.u32 v1, v10;
	(xrf1) =	vsort.dscd.msk.f32 $0xffff, v12, v12  }
0x71: {  	v10 =	vxor.u32 v11, v8  }
0x72: {  	(xrf1) =	vsort.dscd.msk.f32 $0xffff, v10, v10;
	_ =	sdelay $0x8  }
0x73: {  	v8, _, _ =	vpop (xrf1);
	_ =	sdelay $0x1  }
0x74: {  	v8 =	vperm.xlane v8, v4;
	v11, _, _ =	vpop (xrf1)  }
0x75: {  	v14, _, _ =	vpop (xrf1)  }
0x76: {  	v11 =	vperm.xlane v11, v4;
	v8 =	vsel vm0, v14, v8  }
0x77: {  	v14, _, _ =	vpop (xrf1);
	(xrf1) =	vsort.dscd.msk.f32 $0xffff, v8, v8  }
0x78: {  	v8 =	vsel vm0, v14, v11  }
0x79: {  	(xrf1) =	vsort.dscd.msk.f32 $0xffff, v8, v8;
	_ =	sdelay $0xb  }
0x7a: {  	v8, _, _ =	vpop (xrf1)  }
0x7b: {  	v8 =	vperm.xlane v8, v4  }
0x7c: {  	v11, _, _ =	vpop (xrf1)  }
0x7d: {  	v8 =	vsel vm0, v11, v8  }
0x7e: {  	(xrf1) =	vsort.dscd.msk.f32 $0xffff, v8, v8;
	_ =	sdelay $0xd  }
0x7f: {  	v8, _, _ =	vpop (xrf1)  }
0x80: {  	v11 =	vnsel vm0, $0x7F800000, v8;
	v14 =	vand.u32 $0x3F, v8;
	(xrf0) =	vmax.scan.msk.f32 $0xffff, v8  }
0x81: {  	vm1 =	vlt.s32 v8, $0x0;
	v8 =	vxor.u32 $0x3F, v14;
	(xrf0) =	vmin.scan.msk.f32 $0xffff, v11  }
0x82: {  	v8 =	vsel vm1, v14, v8;
	_ =	sdelay $0x3  }
0x83: {  	v11, _, _ =	vpop (xrf0)  }
0x84: {  	v11 =	vbroadcast v11, $0xF;
	v14, _, _ =	vpop (xrf0)  }
0x85: {  	v14 =	vbroadcast v14, $0xF  }
0x86: {  	v15 =	vsub.f32 v10, v11;
	v16 =	vsub.f32 v13, v11  }
0x87: {  	vm1 =	vle.f32 v14, v10;
	v10 =	vsub.f32 v12, v11;
	v11 =	vsub.f32 v9, v11  }
0x88: {  	vm2 =	vle.f32 v14, v13;
	v15 =	vmul.f32 $1.442695020e+00, v15;
	v16 =	vmul.f32 $1.442695020e+00, v16  }
0x89: {  	vm3 =	vle.f32 v14, v12;
	v10 =	vmul.f32 $1.442695020e+00, v10;
	v11 =	vmul.f32 $1.442695020e+00, v11  }
0x8a: {  	vm4 =	vle.f32 v14, v9;
	(erf) = vpow2.f32 v15  }
0x8b: {  	(erf) = vpow2.f32 v16  }
0x8c: {  	(erf) = vpow2.f32 v10  }
0x8d: {  	(erf) = vpow2.f32 v11;
	_ =	sdelay $0x5  }
0x8e: {  	v9 =	vpop (erf)  }
0x8f: {  	v10 =	vpop (erf)  }
0x90: {  	v9 =	vnsel vm1, $0x0, v9;
	v10 =	vnsel vm2, $0x0, v10;
	v11 =	vpop (erf)  }
0x91: {  	v12 =	vadd.f32 v10, v9;
	v13 =	vpop (erf)  }
0x92: {  	v11 =	vnsel vm3, $0x0, v11  }
0x93: {  	v14 =	vadd.f32 v12, v11  }
0x94: {  	v12 =	vnsel vm4, $0x0, v13  }
0x95: {  	v13 =	vadd.f32 v14, v12;
	_ =	sdelay $0x1  }
0x96: {  	(xrf2) =	vadd.scan.msk.f32 $0xffff, v13;
	_ =	sdelay $0x8  }
.Ltmp0:
0x97: {  	(pc) =	sbr.rel @p1 .LBB2_3-.Ltmp0, $3  }
0x98: {  	v13, _, _ =	vpop (xrf2)  }
0x99: {  	v13 =	vbroadcast v13, $0xF;
	_ =	sdelay $0x1  }
0x9a: {  	(erf) = vrcp.f32 v13  }
0x9b: {  	_ =	sdelay $0x7  }
0x9c: {  	v5 =	vpop (erf)  }
0x9d: {  	v9 =	vmul.f32 v5, v9  }
0x9e: {  	v10 =	vmul.f32 v5, v10  }
0x9f: {  	v63 =	vmul.f32 v5, v11;
	[tilespmem:v6+s18+$0xFFFFFFE0 ss:$0x1] =	vst.idx.msk $0xffff, v9  }
0xa0: {  	p1 =	seq.s32 s16, $0xF;
	v5 =	vmul.f32 v5, v12;
	[tilespmem:v6+s18+$0xFFFFFFF0 ss:$0x1] =	vst.idx.msk $0xffff, v10  }
0xa1: {  	p2 =	seq.s32 @!p1 s17, s11;
	[tilespmem:v6+s18+$0x0 ss:$0x1] =	vst.idx.msk $0xffff, v63  }
0xa2: {  	s17 =	simm.s32 $0x0;
	p1 =	por p1, !p2;
	[tilespmem:v6+s18+$0x10 ss:$0x1] =	vst.idx.msk $0xffff, v5  }
0xa3: {  	s17 =	sshll.u32 @p1 s24, $0x8;
	[tilespmem:v7+s18+$0x0 ss:$0x1] =	vst.idx.msk $0xffff, v8  }
0xa4: {  	s17 =	sand.u32 @p1 $0x1FFFFF00, s17;
	_ =	strace $0x90000063  }
0xa5: {  	s18 =	sadd.s32 @p1 $0x3, s21;
	s21 =	sadd.s32 @p1 s4, s17;
	_ =	strace @p1 $0x80000064  }
0xa6: {  	[hbm4b:s21+s1] =	stream.linear.scatter @p1 [tilespmem:s23], [sflag:s18], $0x800, $0x200038;
	[tilespmem:$0x3000] =	vst v63  }
0xa7: {  	s13 =	sadd.s32 @p1 $0x1, s13;
	_ =	strace @p1 $0x90000064  }
0xa8: {  	s17 =	sadd.s32 @p1 s5, s17;
	s18 =	sadd.s32 @p1 $0x5, s20;
	_ =	strace @p1 $0x80000065  }
0xa9: {  	[hbm4b:s17+s1] =	stream.linear.scatter @p1 [tilespmem:s22], [sflag:s18], $0x800, $0x200038;
	[tilespmem:$0x3000] =	vst v63  }
0xaa: {  	s17 =	simm.s32 @p1 $0x1;
	_ =	strace @p1 $0x90000065;
	p1 =	seq.s32 s16, $0x0  }
0xab: {  	s18 =	sand.u32 @!p1 $0x1, s19  }
0xac: {  	_ =	strace @!p1 $0x80000066;
	s18 =	sadd.s32 @!p1 $0x3, s18  }
0xad: {  	_ =	swait.ge @!p1 [sflag:s18], $0x800  }
0xae: {  	s20 =	simm.s32 $0x1;
	[sflag:s18] =	ssyncset.done @!p1 $0x0  }
0xaf: {  	s20 =	simm.s32 @!p0 $0x0;
	[sflag:s18] =	ssyncadd.s32 @!p1 $0xFFFFF800  }
0xb0: {  	s16 =	sadd.s32 $0x1, s16;
	s18 =	sand.u32 @!p1 $0x1, s10;
	_ =	strace @!p1 $0x90000066  }
0xb1: {  	p0 =	sne.s32 s16, $0x10;
	s18 =	sadd.s32 @!p1 $0x5, s18;
	_ =	strace @!p1 $0x80000067  }
.Ltmp1:
0xb2: {  	_ =	swait.ge @!p1 [sflag:s18], $0x800;
	(pc) =	sbr.rel @p0 .LBB2_2-.Ltmp1, $4  }
0xb3: {  	s15 =	sadd.s32 s20, s15;
	[sflag:s18] =	ssyncset.done @!p1 $0x0  }
0xb4: {  	s12 =	sadd.s32 s12, s17;
	[sflag:s18] =	ssyncadd.s32 @!p1 $0xFFFFF800;
	s18 =	simm.s32 @!p1 $0x1  }
0xb5: {  	s14 =	sadd.s32 s14, s17;
	s23 =	sadd.s32 @!p1 $0x1, s19;
	s18 =	simm.s32 @p1 $0x0  }
0xb6: {  	s23 =	smov.u32 @p1 s19;
	_ =	strace @!p1 $0x90000067;
	s10 =	sadd.s32 s10, s18  }
0xb7: {  	s11 =	sand.u32 $0x1, s23  }
0xb8: {  	_ =	strace $0x80000068;
	s11 =	sadd.s32 $0x3, s11  }
0xb9: {  	s9 =	sadd.s32 $0x1, s9;
	_ =	swait.ge [sflag:s11], $0x800  }
0xba: {  	s10 =	sand.u32 $0x1, s10;
	p0 =	sne.s32 s9, s8;
	[sflag:s11] =	ssyncset.done $0x0  }
.Ltmp2:
0xbb: {  	s10 =	sadd.s32 $0x5, s10;
	[sflag:s11] =	ssyncadd.s32 $0xFFFFF800;
	(pc) =	sbr.rel @p0 .LBB2_1-.Ltmp2, $4  }
0xbc: {  	_ =	swait.ge [sflag:s10], $0x800  }
0xbd: {  	[sflag:s10] =	ssyncset.done $0x0  }
0xbe: {  	[sflag:s10] =	ssyncadd.s32 $0xFFFFF800  }
0xbf: {  	_ =	strace $0x90000068  }
0xc0: {  	_ =	sfence.sel $0x180000  }
0xc1: {  	[bflag:$0x0] =	sbarrier.arrive $0xFFFF  }
0xc2: {  	p0 =	sne.s32 s2, $0x0;
	_ =	strace $0x9000005F  }
0xc3: {  	s0 =	sadd.s32 @!p0 $0x100000, s0;
	[bflag:$0x2] =	sbarrier.arrive $0xFFFF  }
0xc4: {  	[sflag:s0] =	ssyncadd.tile.s32 @!p0 $0x1;
	_ =	shalt  }
.Lfunc_end2:
_tile_overlayer_lowered:
.L_overlay_start_2:
0xc5: {  	(tag) =	ssettag $0x2  }
0xc6: {  	s0 =	rddreg [dreg:$0x0];
	s2 =	stileid.u32  }
0xc7: {  	s1 =	rddreg [dreg:$0x1];
	p0 =	sne.s32 s2, $0x0  }
0xc8: {  	s3 =	rddreg [dreg:$0x2];
	[bflag:$0x3] =	sbarrier.arrive $0xFFFF;
	s2 =	simm.s32 @!p0 $0x1C01  }
0xc9: {  	[timem:s3], [sflag:s2] =	dma.local @!p0 [hbm:s0], s1  }
0xca: {  	s0 =	simm.s32 @!p0 $0x1  }
0xcb: {  	_ =	swait.ge @!p0 [sflag:s0], s1  }
0xcc: {  	s1 =	ssub.s32 @!p0 $0x0, s1;
	[sflag:s0] =	ssyncset.done @!p0 $0x0  }
0xcd: {  	[sflag:s0] =	ssyncadd.s32 @!p0 s1  }
0xce: {  	[bflag:$0x3] =	sbarrier.arrive $0xFFFF  }
0xcf: {  	_ =	shalt  }

// kernel: kernel.19.cloned.1.call-start
scs
__scs_entry_jumppad:
0x0: {  	(pc) =	sbr.rel $0x88, $3  }
0x1: {  	(tag) =	ssettag $0x0;
	lr =	simm.s32 $0x1  }
0x2: {  	[smem:$0x3F9E] =	sst lr;
	_ =	strace $0xD0000000  }
0x3: {  	_ = 	snop  }
0x4: {  	_ = 	snop  }
0x5: {  	_ = 	snop  }
0x6: {  	_ = 	snop  }
0x7: {  	_ = 	snop  }
__scs_overlays_trampoline_lowered:
0x8: {  	[smem:$0x3FAD] =	sst s0  }
0x9: {  	[smem:$0x3FAE] =	sst s1  }
0xa: {  	[smem:$0x3FAF] =	sst s2  }
0xb: {  	[smem:$0x3FB0] =	sst s3  }
0xc: {  	[smem:$0x3FB1] =	sst s4  }
0xd: {  	[smem:$0x3FB2] =	sst s5  }
0xe: {  	[smem:$0x3FB3] =	sst s6  }
0xf: {  	[smem:$0x3FB4] =	sst s7  }
0x10: {  	[smem:$0x3FB5] =	sst s8  }
0x11: {  	[smem:$0x3FB6] =	sst s9;
	s0 =	simm.s32 @!p0 $0x0  }
0x12: {  	s1 =	sld [smem:$0x3F9C];
	s0 =	simm.s32 @p0 $0x1  }
0x13: {  	[smem:$0x3FB7] =	sst s0;
	s0 =	simm.s32 @!p1 $0x0  }
0x14: {  	s2 =	sld [smem:$0x3F9B];
	s0 =	simm.s32 @p1 $0x1  }
0x15: {  	[smem:$0x3FB8] =	sst s0;
	s0 =	simm.s32 @!p2 $0x0  }
0x16: {  	s3 =	sld [smem:$0x3FDB];
	s0 =	simm.s32 @p2 $0x1  }
0x17: {  	s4 =	simm.s32 $0x1BF5;
	[smem:$0x3FBA] =	sst s0  }
0x18: {  	s0 =	sld [smem:$0x3F9D];
	_ =	swait.ge [sflag:s4], $0x0  }
0x19: {  	s7 =	sld [smem:$0x3F9E]  }
0x1a: {  	s8 =	sadd.s32 $0xFFFFE003, lr  }
0x1b: {  	s9 =	sadd.s32 $0xFFFFFEF7, lr;
	s5 =	simm.s32 $0xFFFFFFFF;
	p2 =	slt.u32 s8, $0xFFFFF086  }
0x1c: {  	p1 =	slt.u32 s9, $0xF7A;
	s5 =	simm.s32 @!p2 $0x0  }
0x1d: {  	s5 =	simm.s32 @p1 $0x1;
	p0 =	seq.s32 s7, s2  }
0x1e: {  	s7 =	smul.u32 @!p0 $0xF7A, s2;
	p2 =	seq.s32 @!p0 s5, $0x0  }
0x1f: {  	s9 =	smul.u32 $0xF7A, s1;
	s8 =	simm.s32 @!p0 $0x1BF5;
	p2 =	por !p2, p0  }
0x20: {  	[sflag:s8] =	ssyncset.s32 @!p0 $0xFFFFF086;
	s6 =	sadd.s32 @!p0 s3, s7;
	s7 =	simm.s32 @!p0 $0x108  }
0x21: {  	s3 =	sadd.s32 s3, s9;
	s6 =	sadd.s32 @!p0 $0x88, s6;
	s7 =	simm.s32 @p2 $0x1082  }
0x22: {  	[simem:s7], [sflag:s8] =	dma.local @!p0 [hbm:s6], $0xF7A  }
0x23: {  	s9 =	sor.u32 $0xD0000000, s2;
	s6 =	simm.s32 $0x108;
	_ =	swait.ge @!p0 [sflag:s8], $0x0  }
0x24: {  	s3 =	sadd.s32 $0x88, s3;
	s6 =	simm.s32 @!p1 $0x1082;
	[sflag:s4] =	ssyncset.s32 $0xFFFFF086  }
0x25: {  	[simem:s6], [sflag:s4] =	dma.local [hbm:s3], $0xF7A  }
0x26: {  	[smem:$0x3F9E] =	sst s1;
	(tag) =	ssettag s2;
	_ =	strace s9  }
0x27: {  	s1 =	sld [smem:$0x3FAE]  }
0x28: {  	s2 =	sld [smem:$0x3FAF]  }
0x29: {  	s4 =	sld [smem:$0x3FB1]  }
0x2a: {  	p0 =	seq.s32 s5, $0x0;
	s5 =	sld [smem:$0x3FB2]  }
0x2b: {  	s6 =	sld [smem:$0x3FB3]  }
0x2c: {  	s7 =	sld [smem:$0x3FB4]  }
0x2d: {  	s3 =	simm.s32 $0x108;
	s8 =	sld [smem:$0x3FB5]  }
0x2e: {  	s3 =	simm.s32 @!p0 $0x1082;
	s9 =	sld [smem:$0x3FB6]  }
0x2f: {  	lr =	sadd.s32 s0, s3;
	s0 =	sld [smem:$0x3FAD]  }
0x30: {  	s3 =	sld [smem:$0x3FB0]  }
0x31: {  	[smem:$0x3FB9] =	sst s10  }
0x32: {  	s10 =	sld [smem:$0x3FB7];
	_ =	sdelay $0x3  }
0x33: {  	p0 =	seq.s32 s10, $0x1;
	s10 =	sld [smem:$0x3FB9];
	_ =	sdelay $0x3  }
0x34: {  	[smem:$0x3FB9] =	sst s10  }
0x35: {  	s10 =	sld [smem:$0x3FB8];
	_ =	sdelay $0x3  }
0x36: {  	p1 =	seq.s32 s10, $0x1;
	s10 =	sld [smem:$0x3FB9];
	_ =	sdelay $0x3  }
0x37: {  	[smem:$0x3FB9] =	sst s10  }
0x38: {  	s10 =	sld [smem:$0x3FBA]  }
0x39: {  	_ = 	snop;
	(pc) =	sbr.ind lr, $3  }
0x3a: {  	_ = 	snop  }
0x3b: {  	_ = 	snop  }
0x3c: {  	p2 =	seq.s32 s10, $0x1;
	s10 =	sld [smem:$0x3FB9]  }
0x3d: {  	_ =	shalt  }
0x3e: {  	_ =	shalt  }
0x3f: {  	_ =	shalt  }
0x40: {  	_ =	shalt  }
0x41: {  	_ =	shalt  }
0x42: {  	_ =	shalt  }
0x43: {  	_ =	shalt  }
0x44: {  	_ =	shalt  }
0x45: {  	_ =	shalt  }
0x46: {  	_ =	shalt  }
0x47: {  	_ =	shalt  }
0x48: {  	_ =	shalt  }
0x49: {  	_ =	shalt  }
0x4a: {  	_ =	shalt  }
0x4b: {  	_ =	shalt  }
0x4c: {  	_ =	shalt  }
0x4d: {  	_ =	shalt  }
0x4e: {  	_ =	shalt  }
0x4f: {  	_ =	shalt  }
0x50: {  	_ =	shalt  }
0x51: {  	_ =	shalt  }
0x52: {  	_ =	shalt  }
0x53: {  	_ =	shalt  }
0x54: {  	_ =	shalt  }
0x55: {  	_ =	shalt  }
0x56: {  	_ =	shalt  }
0x57: {  	_ =	shalt  }
0x58: {  	_ =	shalt  }
0x59: {  	_ =	shalt  }
0x5a: {  	_ =	shalt  }
0x5b: {  	_ =	shalt  }
0x5c: {  	_ =	shalt  }
0x5d: {  	_ =	shalt  }
0x5e: {  	_ =	shalt  }
0x5f: {  	_ =	shalt  }
0x60: {  	_ =	shalt  }
0x61: {  	_ =	shalt  }
0x62: {  	_ =	shalt  }
0x63: {  	_ =	shalt  }
0x64: {  	_ =	shalt  }
0x65: {  	_ =	shalt  }
0x66: {  	_ =	shalt  }
0x67: {  	_ =	shalt  }
0x68: {  	_ =	shalt  }
0x69: {  	_ =	shalt  }
0x6a: {  	_ =	shalt  }
0x6b: {  	_ =	shalt  }
0x6c: {  	_ =	shalt  }
0x6d: {  	_ =	shalt  }
0x6e: {  	_ =	shalt  }
0x6f: {  	_ =	shalt  }
0x70: {  	_ =	shalt  }
0x71: {  	_ =	shalt  }
0x72: {  	_ =	shalt  }
0x73: {  	_ =	shalt  }
0x74: {  	_ =	shalt  }
0x75: {  	_ =	shalt  }
0x76: {  	_ =	shalt  }
0x77: {  	_ =	shalt  }
0x78: {  	_ =	shalt  }
0x79: {  	_ =	shalt  }
0x7a: {  	_ =	shalt  }
0x7b: {  	_ =	shalt  }
0x7c: {  	_ =	shalt  }
0x7d: {  	_ =	shalt  }
0x7e: {  	_ =	shalt  }
0x7f: {  	_ =	shalt  }
0x80: {  	_ =	shalt  }
0x81: {  	_ =	shalt  }
0x82: {  	_ =	shalt  }
0x83: {  	_ =	shalt  }
0x84: {  	_ =	shalt  }
0x85: {  	_ =	shalt  }
0x86: {  	_ =	shalt  }
0x87: {  	_ =	shalt  }
.Lfunc_end0:
.L_simem_size_0:
called_computation.3_lowered:
.L_overlay_start_0:
0x88: {  	s2 =	sld [smem:$0x3FD9]  }
0x89: {  	s3 =	sld [smem:$0x3FFE];
	_ =	sdelay $0x1  }
0x8a: {  	s1 =	srdreg.scid  }
0x8b: {  	s0 =	sand.u32 $0x1, s1  }
0x8c: {  	s15 =	sshll.u32 s0, $0xA;
	s2 =	sadd.s32 s3, s2  }
0x8d: {  	s2 =	sadd.s32 s2, s15  }
0x8e: {  	[smem:$0x3FC5] =	sst s2  }
0x8f: {  	_ = 	snop  }
0x90: {  	s2 =	sld [smem:$0x3FD0];
	_ =	sdelay $0x2  }
0x91: {  	s16 =	simm.s32 $0xD;
	s4 =	simm.s32 $0x10  }
0x92: {  	[smem:s4], [sflag:s16] =	dma.local [hbm:s2], $0x1  }
0x93: {  	_ =	swait.eq [sflag:s16], $0x1  }
0x94: {  	[sflag:s16] =	ssyncset.done $0x0  }
0x95: {  	[sflag:s16] =	ssyncadd.s32 $0xFFFFFFFF  }
0x96: {  	s17 =	sld [smem:$0x10];
	(tm) =	ssettm $0x1  }
0x97: {  	s18 =	sld [smem:$0x3FFB];
	_ =	sdelay $0x3  }
0x98: {  	_ =	strace s18  }
0x99: {  	s2 =	sld [smem:$0x3FFC];
	_ =	sdelay $0x3  }
0x9a: {  	_ =	strace s2  }
0x9b: {  	s2 =	sld [smem:$0x3FFD];
	_ =	sdelay $0x3  }
0x9c: {  	_ =	strace s2  }
0x9d: {  	_ =	strace $0x8FFFFFFF  }
0x9e: {  	s19 =	sld [smem:$0x3FDB];
	_ =	sdelay $0x1  }
0x9f: {  	s20 =	simm.s32 $_scs_section_size  }
0xa0: {  	s5 =	simm.s32 $_size__tile_overlayer_lowered;
	s6 =	simm.s32 $_tile_overlayer_lowered  }
0xa1: {  	s7 =	simm.s32 $0x1BFF;
	s21 =	sshll.u32 s6, $0x1;
	s4 =	sadd.s32 s20, s19  }
0xa2: {  	s22 =	simm.s32 $0x0;
	s5 =	sshll.u32 s5, $0x1;
	s6 =	sadd.s32 s21, s4  }
0xa3: {  	[timem:s22], [sflag:s7] =	dma.local [hbm:s6], s5  }
0xa4: {  	_ =	swait.ge [sflag:s7], s5  }
0xa5: {  	s5 =	ssub.s32 $0x0, s5;
	[sflag:s7] =	ssyncset.done $0x0  }
0xa6: {  	[sflag:s7] =	ssyncadd.s32 s5;
	_ =	sdelay $0x1  }
0xa7: {  	s23 =	simm.s32 $0x1B8B  }
0xa8: {  	_ =	swait.ge [sflag:s23], $0x1  }
0xa9: {  	[sflag:s23] =	ssyncset.done $0x0  }
0xaa: {  	[sflag:s23] =	ssyncadd.s32 $0xFFFFFFFF  }
0xab: {  	s5 =	sld [smem:$0x0]  }
0xac: {  	s6 =	sand.u32 $0xFFFFFFFE, s1  }
0xad: {  	p0 =	sne.s32 s1, s6  }
0xae: {  	s6 =	sshll.u32 @p0 s6, $0xE  }
0xaf: {  	s6 =	sadd.s32 @p0 $0x11B8D, s6;
	s7 =	sshll.u32 @p0 s5, $0x11  }
0xb0: {  	s6 =	sor.u32 @p0 s7, s6  }
0xb1: {  	[sflag:s6] =	ssyncadd.remote.s32 @p0 $0x1;
	_ =	sdelay $0x1  }
0xb2: {  	s6 =	simm.s32 @p0 $0x1B8D  }
0xb3: {  	_ =	swait.eq @p0 [sflag:s6], $0x1  }
0xb4: {  	[sflag:s6] =	ssyncadd.s32 @p0 $0xFFFFFFFF  }
0xb5: {  	s7 =	sshll.u32 @!p0 s1, $0xE  }
0xb6: {  	s7 =	sor.u32 @!p0 $0x4000, s7;
	s6 =	simm.s32 @!p0 $0x1B8D  }
0xb7: {  	s5 =	sshll.u32 @!p0 s5, $0x11;
	s7 =	sadd.s32 @!p0 $0x11B8D, s7;
	_ =	swait.eq @!p0 [sflag:s6], $0x1  }
0xb8: {  	s5 =	sor.u32 @!p0 s5, s7;
	[sflag:s6] =	ssyncadd.s32 @!p0 $0xFFFFFFFF  }
0xb9: {  	s25 =	simm.s32 $0x1B8E;
	s24 =	sld [smem:$0x3FFE];
	[sflag:s5] =	ssyncadd.remote.s32 @!p0 $0x1  }
0xba: {  	s26 =	simm.s32 $execute0_lowered;
	[smem:$0x3FD2] =	sst s25  }
0xbb: {  	s6 =	sshll.u32 s26, $0x1;
	_ =	strace $0x8000006A;
	[dreg:$0x1] =	wrdreg $0xFFFFFFFF  }
0xbc: {  	s28 =	simm.s32 $_size_execute0_lowered;
	s4 =	sadd.s32 s4, s6;
	[dreg:$0x0] =	wrdreg $0x0  }
0xbd: {  	s6 =	sshll.u32 s28, $0x1;
	[dreg:$0x2] =	wrdreg s4  }
0xbe: {  	[dreg:$0x3] =	wrdreg s6  }
0xbf: {  	[dreg:$0x4] =	wrdreg $0xC0  }
0xc0: {  	_ =	task [dreg:s22], $0x5FFFF  }
0xc1: {  	[dreg:$0x1] =	wrdreg $0xFFFFFFFF  }
0xc2: {  	[dreg:$0x0] =	wrdreg $0x60  }
0xc3: {  	[dreg:$0x2] =	wrdreg s17  }
0xc4: {  	[dreg:$0x3] =	wrdreg s24  }
0xc5: {  	[dreg:$0x4] =	wrdreg $0xC  }
0xc6: {  	_ =	task.clear_ibuf [dreg:s22], $0x5FFFF;
	_ =	strace $0x9000006A  }
0xc7: {  	s29 =	simm.s32 $0xC;
	_ =	strace $0x80000075  }
0xc8: {  	_ =	swait.ge [sflag:s29], $0x1  }
0xc9: {  	[sflag:s29] =	ssyncadd.s32 $0xFFFFFFFF  }
0xca: {  	_ =	strace $0x90000075  }
0xcb: {  	_ =	sfence  }
0xcc: {  	s30 =	sld [smem:$0x0];
	_ =	sdelay $0x2  }
0xcd: {  	s31 =	sshll.u32 s1, $0xD;
	s1 =	sshrl.u32 s1, $0x2  }
0xce: {  	s4 =	sand.u32 $0x4000, s31;
	s1 =	sadd.s32 s1, s30  }
0xcf: {  	s0 =	sor.u32 s4, s0;
	s1 =	sshll.u32 s1, $0x11  }
0xd0: {  	s0 =	sor.u32 s1, s0  }
0xd1: {  	s0 =	sadd.s32 $0x8F2B, s0  }
0xd2: {  	[sflag:s0] =	ssyncadd.remote.s32 $0x1  }
0xd3: {  	_ =	sfence.sel $0xFFFF  }
0xd4: {  	[dreg:$0x0] =	wrdreg $0xFFFFFFFF;
	(pc) =	sbr.abs _section_cstart, $3  }
0xd5: {  	[dreg:$0x1] =	wrdreg $0xFFFFFFFF  }
0xd6: {  	_ =	task.clear_ibuf [dreg:s22], $0x2FFFF;
	_ =	strace $0x9FFFFFFF  }
0xd7: {  	(tm) =	ssettm $0x7FFFFFFF  }
tec
execute0_lowered:
.L_overlay_start_1:
0x0: {  	(tag) =	ssettag $0x1  }
0x1: {  	s1 =	rddreg [dreg:$0x0]  }
0x2: {  	s5 =	rddreg [dreg:$0x1]  }
0x3: {  	s0 =	rddreg [dreg:$0x2];
	s2 =	simm.s32 $0x0  }
0x4: {  	s3 =	srdreg.scid;
	[smem:$0x7FF] =	sst s2  }
0x5: {  	v0 =	vlaneseq.u32;
	s4 =	sadd.s32 $0x123C00, s5;
	s6 =	sand.u32 $0x1, s3;
	s3 =	stileid.u32  }
0x6: {  	v4 =	vmul.u32 $0xFFFFFFFF, v0;
	s5 =	sadd.s32 $0x143C00, s5;
	s7 =	ssub.s32 $0x2, s6;
	s6 =	sshll.u32 s6, $0x4  }
0x7: {  	_ =	strace $0x8000006B;
	s8 =	sshrl.u32 s7, $0x1;
	s9 =	sor.u32 s3, s6  }
0x8: {  	vm0 =	vmmov $0xff;
	v0 =	vimm.s32 $0x0;
	v1 =	vadd.s32 $0x3F, v4;
	s8 =	ssub.s32 s7, s8;
	s6 =	sshll.u32 s9, $0x4;
	s31 =	sshll.u32 s9, $0xC  }
0x9: {  	v2 =	vadd.s32 $0x2F, v4;
	v3 =	vadd.s32 $0x1F, v4;
	v4 =	vadd.s32 $0xF, v4;
	s9 =	simm.s32 $0x0;
	s7 =	sadd.s32 s1, s31;
	s8 =	smax.u32 s8, $0x1  }
.LBB2_1:
0xa: {  	_ =	strace $0x8000006C  }
0xb: {  	s11 =	simm.s32 $0x0;
	s10 =	simm.s32 $0x0;
	s12 =	simm.s32 $0x0  }
0xc: {  	s23 =	simm.s32 $0x0;
	s13 =	simm.s32 $0x0;
	s14 =	simm.s32 $0x0  }
0xd: {  	[tilespmem:s2], [sflag:$0x1] =	stream.linear.gather [hbm4b:s7+s2], $0x800, $0x200038;
	[tilespmem:$0x3000] =	vst v63  }
0xe: {  	s15 =	simm.s32 $0x1;
	s16 =	simm.s32 $0x0;
	_ =	strace $0x9000006C  }
.LBB2_2:
0xf: {  	s17 =	smov.u32 s11;
	s11 =	sadd.s32 $0x1, s11  }
0x10: {  	p0 =	seq.s32 s11, $0x10  }
0x11: {  	s11 =	simm.s32 @p0 $0x0  }
0x12: {  	p1 =	sne.s32 s16, $0xF;
	p0 =	sne.s32 s17, s11  }
0x13: {  	p0 =	por !p1, !p0  }
0x14: {  	p0 =	por !p0, !p0  }
0x15: {  	s18 =	sadd.s32 @p0 s6, s11  }
0x16: {  	s29 =	sand.u32 $0x1, s14;
	_ =	strace @p0 $0x8000006D;
	s18 =	sshll.u32 @p0 s18, $0x8  }
0x17: {  	s19 =	sand.u32 @p0 $0x1, s15;
	s21 =	simm.s32 @p0 $0x0;
	s18 =	sand.u32 @p0 $0x1FFFFF00, s18  }
0x18: {  	s20 =	sshll.u32 @p0 s19, $0xB;
	s19 =	sadd.s32 @p0 $0x1, s19;
	s18 =	sadd.s32 @p0 s1, s18  }
0x19: {  	[tilespmem:s20], [sflag:s19] =	stream.linear.gather @p0 [hbm4b:s18+s21], $0x800, $0x200038;
	[tilespmem:$0x3000] =	vst v63  }
0x1a: {  	s30 =	sshll.u32 s29, $0xB;
	_ =	strace @p0 $0x9000006D  }
0x1b: {  	s18 =	sadd.s32 $0x1, s29;
	s19 =	sor.u32 $0x20, s30;
	_ =	strace $0x8000006E  }
0x1c: {  	v5 =	vmov s19;
	_ =	swait.ge [sflag:s18], $0x800  }
0x1d: {  	[sflag:s18] =	ssyncset.done $0x0  }
0x1e: {  	[sflag:s18] =	ssyncadd.s32 $0xFFFFF800  }
0x1f: {  	_ =	strace $0x9000006E  }
0x20: {  	s18 =	simm.s32 $0x0;
	_ =	strace $0x8000006F  }
0x21: {  	v6 =	vld.idx.msk [tilespmem:v5+s18+$0xFFFFFFF0 ss:$0x1], $0xffff  }
0x22: {  	v8 =	vld.idx.msk [tilespmem:v5+s18+$0x0 ss:$0x1], $0xffff  }
0x23: {  	v7 =	vld.idx.msk [tilespmem:v5+s18+$0x10 ss:$0x1], $0xffff;
	_ =	sdelay $0x1  }
0x24: {  	v9 =	vld.idx.msk [tilespmem:v5+s18+$0xFFFFFFE0 ss:$0x1], $0xffff  }
0x25: {  	vm1 =	vlt.s32 v6, $0x0;
	v6 =	vand.u32 $0xFFFFFFC0, v6  }
0x26: {  	v12 =	vand.u32 $0xFFFFFFC0, v8;
	vm2 =	vlt.s32 v8, $0x0;
	v10 =	vsel vm1, $0x7FFFFFC0, v0  }
0x27: {  	v11 =	vsel vm1, $0x7FFFFFFF, v0;
	vm1 =	vlt.s32 v7, $0x0;
	v7 =	vand.u32 $0xFFFFFFC0, v7  }
0x28: {  	v6 =	vxor.u32 v6, v10;
	v10 =	vsel vm1, $0x7FFFFFC0, v0;
	v8 =	vsel vm1, $0x7FFFFFFF, v0  }
0x29: {  	vm1 =	vlt.s32 v9, $0x0;
	v6 =	vor.u32 v2, v6;
	v7 =	vxor.u32 v7, v10  }
0x2a: {  	v10 =	vsel vm2, $0x7FFFFFC0, v0;
	v7 =	vor.u32 v4, v7;
	v6 =	vxor.u32 v11, v6  }
0x2b: {  	v7 =	vxor.u32 v8, v7;
	v8 =	vand.u32 $0xFFFFFFC0, v9;
	v9 =	vxor.u32 v12, v10  }
0x2c: {  	v10 =	vsel vm2, $0x7FFFFFFF, v0;
	v12 =	vsel vm1, $0x7FFFFFC0, v0;
	(xrf1) =	vsort.dscd.msk.f32 $0xffff, v7, v7;
	v9 =	vor.u32 v3, v9  }
0x2d: {  	v8 =	vxor.u32 v8, v12;
	v11 =	vxor.u32 v10, v9;
	(xrf1) =	vsort.dscd.msk.f32 $0xffff, v6, v6  }
0x2e: {  	v9 =	vsel vm1, $0x7FFFFFFF, v0;
	v8 =	vor.u32 v1, v8;
	(xrf1) =	vsort.dscd.msk.f32 $0xffff, v11, v11  }
0x2f: {  	v8 =	vxor.u32 v9, v8  }
0x30: {  	(xrf1) =	vsort.dscd.msk.f32 $0xffff, v8, v8;
	_ =	sdelay $0x9  }
0x31: {  	v9, _, _ =	vpop (xrf1)  }
0x32: {  	v9 =	vperm.xlane v9, v4;
	v10, _, _ =	vpop (xrf1)  }
0x33: {  	v12, _, _ =	vpop (xrf1)  }
0x34: {  	v10 =	vperm.xlane v10, v4;
	v9 =	vsel vm0, v12, v9  }
0x35: {  	v12, _, _ =	vpop (xrf1);
	(xrf1) =	vsort.dscd.msk.f32 $0xffff, v9, v9  }
0x36: {  	v9 =	vsel vm0, v12, v10  }
0x37: {  	(xrf1) =	vsort.dscd.msk.f32 $0xffff, v9, v9;
	_ =	sdelay $0xb  }
0x38: {  	v9, _, _ =	vpop (xrf1)  }
0x39: {  	v9 =	vperm.xlane v9, v4  }
0x3a: {  	v10, _, _ =	vpop (xrf1)  }
0x3b: {  	v9 =	vsel vm0, v10, v9  }
0x3c: {  	(xrf1) =	vsort.dscd.msk.f32 $0xffff, v9, v9;
	_ =	sdelay $0xd  }
0x3d: {  	v13, _, _ =	vpop (xrf1)  }
0x3e: {  	(xrf0) =	vmax.scan.msk.f32 $0xffff, v13;
	_ =	sdelay $0x5  }
0x3f: {  	v9, _, _ =	vpop (xrf0)  }
0x40: {  	v9 =	vbroadcast v9, $0xF;
	_ =	sdelay $0x1  }
0x41: {  	v10 =	vsub.f32 v8, v9  }
0x42: {  	v12 =	vsub.f32 v6, v9  }
0x43: {  	v10 =	vmul.f32 $1.442695020e+00, v10  }
0x44: {  	v14 =	vsub.f32 v11, v9;
	v12 =	vmul.f32 $1.442695020e+00, v12  }
0x45: {  	v15 =	vnsel vm0, $0x7F800000, v13;
	(erf) = vpow2.f32 v10  }
0x46: {  	(xrf0) =	vmin.scan.msk.f32 $0xffff, v15;
	v9 =	vsub.f32 v7, v9;
	v10 =	vmul.f32 $1.442695020e+00, v14;
	(erf) = vpow2.f32 v12;
	_ =	sdelay $0x1  }
0x47: {  	v9 =	vmul.f32 $1.442695020e+00, v9;
	(erf) = vpow2.f32 v10;
	_ =	sdelay $0x1  }
0x48: {  	(erf) = vpow2.f32 v9;
	_ =	sdelay $0x1  }
0x49: {  	v9, _, _ =	vpop (xrf0)  }
0x4a: {  	v12 =	vbroadcast v9, $0xF  }
0x4b: {  	v9 =	vpop (erf)  }
0x4c: {  	vm1 =	vle.f32 v12, v8;
	vm2 =	vle.f32 v12, v6;
	v6 =	vpop (erf)  }
0x4d: {  	v9 =	vnsel vm1, $0x0, v9;
	v10 =	vnsel vm2, $0x0, v6  }
0x4e: {  	vm1 =	vle.f32 v12, v11;
	v6 =	vpop (erf);
	v8 =	vadd.f32 v10, v9  }
0x4f: {  	v11 =	vnsel vm1, $0x0, v6  }
0x50: {  	vm1 =	vle.f32 v12, v7;
	v6 =	vpop (erf);
	v7 =	vadd.f32 v8, v11  }
0x51: {  	v12 =	vnsel vm1, $0x0, v6  }
0x52: {  	v6 =	vadd.f32 v7, v12;
	_ =	sdelay $0x1  }
0x53: {  	(xrf2) =	vadd.scan.msk.f32 $0xffff, v6;
	_ =	sdelay $0x8  }
0x54: {  	s20 =	sand.u32 $0x1, s12  }
0x55: {  	s21 =	sand.u32 $0x1, s13;
	s31 =	sshll.u32 s20, $0xB;
	v6, _, _ =	vpop (xrf2)  }
0x56: {  	s25 =	sshll.u32 s21, $0xB;
	s22 =	sor.u32 $0x2000, s31;
	v8 =	vand.u32 $0x3F, v13;
	v14 =	vbroadcast v6, $0xF  }
0x57: {  	s19 =	smov.u32 s23;
	s24 =	sor.u32 $0x1020, s25;
	vm1 =	vlt.s32 v13, $0x0;
	v13 =	vxor.u32 $0x3F, v8;
	v7 =	vmov s22  }
0x58: {  	s23 =	sor.u32 $0x1000, s25;
	s25 =	simm.s32 $0x200;
	v8 =	vsel vm1, v8, v13;
	v6 =	vmov s24;
	s24 =	sadd.s32 s6, s17;
	(erf) = vrcp.f32 v14  }
.LBB2_3:
0x59: {  	_ =	sdelay $0x2  }
0x5a: {  	p1 =	sne.s32 s25, $0x1E00;
	s26 =	smov.u32 s25;
	s25 =	sadd.s32 $0x200, s25  }
0x5b: {  	_ =	sdelay $0x1  }
0x5c: {  	s26 =	sshra.s32 s26, $0x2;
	_ =	sdelay $0x1  }
0x5d: {  	v13 =	vpop (erf)  }
0x5e: {  	v9 =	vmul.f32 v13, v9;
	v10 =	vmul.f32 v13, v10;
	_ =	sdelay $0x1  }
0x5f: {  	[tilespmem:v6+s18+$0xFFFFFFE0 ss:$0x1] =	vst.idx.msk $0xffff, v9;
	v9 =	vmul.f32 v13, v11  }
0x60: {  	[tilespmem:v6+s18+$0xFFFFFFF0 ss:$0x1] =	vst.idx.msk $0xffff, v10;
	v10 =	vmul.f32 v13, v12  }
0x61: {  	[tilespmem:v6+s18+$0x0 ss:$0x1] =	vst.idx.msk $0xffff, v9  }
0x62: {  	[tilespmem:v6+s18+$0x10 ss:$0x1] =	vst.idx.msk $0xffff, v10  }
0x63: {  	[tilespmem:v7+s18+$0x0 ss:$0x1] =	vst.idx.msk $0xffff, v8;
	s18 =	smov.u32 s26  }
0x64: {  	v8 =	vld.idx.msk [tilespmem:v5+s18+$0xFFFFFFF0 ss:$0x1], $0xffff  }
0x65: {  	v9 =	vld.idx.msk [tilespmem:v5+s18+$0x10 ss:$0x1], $0xffff;
	_ =	sdelay $0x1  }
0x66: {  	v10 =	vld.idx.msk [tilespmem:v5+s18+$0x0 ss:$0x1], $0xffff;
	_ =	sdelay $0x1  }
0x67: {  	v11 =	vld.idx.msk [tilespmem:v5+s18+$0xFFFFFFE0 ss:$0x1], $0xffff  }
0x68: {  	vm1 =	vlt.s32 v8, $0x0;
	v8 =	vand.u32 $0xFFFFFFC0, v8  }
0x69: {  	v12 =	vsel vm1, $0x7FFFFFC0, v0;
	v13 =	vsel vm1, $0x7FFFFFFF, v0;
	vm1 =	vlt.s32 v9, $0x0  }
0x6a: {  	v9 =	vand.u32 $0xFFFFFFC0, v9;
	v8 =	vxor.u32 v8, v12;
	v12 =	vsel vm1, $0x7FFFFFC0, v0  }
0x6b: {  	v8 =	vor.u32 v2, v8;
	v14 =	vand.u32 $0xFFFFFFC0, v10;
	v9 =	vxor.u32 v9, v12  }
0x6c: {  	vm2 =	vlt.s32 v10, $0x0;
	v10 =	vsel vm1, $0x7FFFFFFF, v0;
	v9 =	vor.u32 v4, v9  }
0x6d: {  	v12 =	vsel vm2, $0x7FFFFFC0, v0;
	vm1 =	vlt.s32 v11, $0x0;
	v9 =	vxor.u32 v10, v9  }
0x6e: {  	v10 =	vand.u32 $0xFFFFFFC0, v11;
	v11 =	vxor.u32 v14, v12;
	v12 =	vsel vm2, $0x7FFFFFFF, v0;
	(xrf1) =	vsort.dscd.msk.f32 $0xffff, v9, v9  }
0x6f: {  	v13 =	vxor.u32 v13, v8;
	v14 =	vsel vm1, $0x7FFFFFC0, v0;
	v8 =	vor.u32 v3, v11  }
0x70: {  	v11 =	vsel vm1, $0x7FFFFFFF, v0;
	v10 =	vxor.u32 v10, v14;
	v12 =	vxor.u32 v12, v8;
	(xrf1) =	vsort.dscd.msk.f32 $0xffff, v13, v13  }
0x71: {  	v8 =	vor.u32 v1, v10;
	(xrf1) =	vsort.dscd.msk.f32 $0xffff, v12, v12  }
0x72: {  	v10 =	vxor.u32 v11, v8  }
0x73: {  	(xrf1) =	vsort.dscd.msk.f32 $0xffff, v10, v10;
	_ =	sdelay $0x8  }
0x74: {  	v8, _, _ =	vpop (xrf1);
	_ =	sdelay $0x1  }
0x75: {  	v8 =	vperm.xlane v8, v4;
	v11, _, _ =	vpop (xrf1)  }
0x76: {  	v14, _, _ =	vpop (xrf1)  }
0x77: {  	v11 =	vperm.xlane v11, v4;
	v8 =	vsel vm0, v14, v8  }
0x78: {  	v14, _, _ =	vpop (xrf1);
	(xrf1) =	vsort.dscd.msk.f32 $0xffff, v8, v8  }
0x79: {  	v8 =	vsel vm0, v14, v11  }
0x7a: {  	(xrf1) =	vsort.dscd.msk.f32 $0xffff, v8, v8;
	_ =	sdelay $0xb  }
0x7b: {  	v8, _, _ =	vpop (xrf1)  }
0x7c: {  	v8 =	vperm.xlane v8, v4  }
0x7d: {  	v11, _, _ =	vpop (xrf1)  }
0x7e: {  	v8 =	vsel vm0, v11, v8  }
0x7f: {  	(xrf1) =	vsort.dscd.msk.f32 $0xffff, v8, v8;
	_ =	sdelay $0xd  }
0x80: {  	v8, _, _ =	vpop (xrf1)  }
0x81: {  	v11 =	vnsel vm0, $0x7F800000, v8;
	v14 =	vand.u32 $0x3F, v8;
	(xrf0) =	vmax.scan.msk.f32 $0xffff, v8  }
0x82: {  	vm1 =	vlt.s32 v8, $0x0;
	v8 =	vxor.u32 $0x3F, v14;
	(xrf0) =	vmin.scan.msk.f32 $0xffff, v11  }
0x83: {  	v8 =	vsel vm1, v14, v8;
	_ =	sdelay $0x3  }
0x84: {  	v11, _, _ =	vpop (xrf0)  }
0x85: {  	v11 =	vbroadcast v11, $0xF;
	v14, _, _ =	vpop (xrf0)  }
0x86: {  	v14 =	vbroadcast v14, $0xF  }
0x87: {  	v15 =	vsub.f32 v10, v11;
	v16 =	vsub.f32 v13, v11  }
0x88: {  	vm1 =	vle.f32 v14, v10;
	v10 =	vsub.f32 v12, v11;
	v11 =	vsub.f32 v9, v11  }
0x89: {  	vm2 =	vle.f32 v14, v13;
	v15 =	vmul.f32 $1.442695020e+00, v15;
	v16 =	vmul.f32 $1.442695020e+00, v16  }
0x8a: {  	vm3 =	vle.f32 v14, v12;
	v10 =	vmul.f32 $1.442695020e+00, v10;
	v11 =	vmul.f32 $1.442695020e+00, v11  }
0x8b: {  	vm4 =	vle.f32 v14, v9;
	(erf) = vpow2.f32 v15  }
0x8c: {  	(erf) = vpow2.f32 v16  }
0x8d: {  	(erf) = vpow2.f32 v10  }
0x8e: {  	(erf) = vpow2.f32 v11;
	_ =	sdelay $0x5  }
0x8f: {  	v9 =	vpop (erf)  }
0x90: {  	v10 =	vpop (erf)  }
0x91: {  	v9 =	vnsel vm1, $0x0, v9;
	v10 =	vnsel vm2, $0x0, v10;
	v11 =	vpop (erf)  }
0x92: {  	v12 =	vadd.f32 v10, v9;
	v13 =	vpop (erf)  }
0x93: {  	v11 =	vnsel vm3, $0x0, v11  }
0x94: {  	v14 =	vadd.f32 v12, v11  }
0x95: {  	v12 =	vnsel vm4, $0x0, v13  }
0x96: {  	v13 =	vadd.f32 v14, v12;
	_ =	sdelay $0x1  }
0x97: {  	(xrf2) =	vadd.scan.msk.f32 $0xffff, v13;
	_ =	sdelay $0x8  }
.Ltmp0:
0x98: {  	(pc) =	sbr.rel @p1 .LBB2_3-.Ltmp0, $3  }
0x99: {  	v13, _, _ =	vpop (xrf2)  }
0x9a: {  	v13 =	vbroadcast v13, $0xF;
	_ =	sdelay $0x1  }
0x9b: {  	(erf) = vrcp.f32 v13  }
0x9c: {  	_ =	sdelay $0x7  }
0x9d: {  	v5 =	vpop (erf)  }
0x9e: {  	v9 =	vmul.f32 v5, v9  }
0x9f: {  	v10 =	vmul.f32 v5, v10  }
0xa0: {  	v63 =	vmul.f32 v5, v11;
	[tilespmem:v6+s18+$0xFFFFFFE0 ss:$0x1] =	vst.idx.msk $0xffff, v9  }
0xa1: {  	p1 =	seq.s32 s16, $0xF;
	v5 =	vmul.f32 v5, v12;
	[tilespmem:v6+s18+$0xFFFFFFF0 ss:$0x1] =	vst.idx.msk $0xffff, v10  }
0xa2: {  	p2 =	seq.s32 @!p1 s17, s11;
	[tilespmem:v6+s18+$0x0 ss:$0x1] =	vst.idx.msk $0xffff, v63  }
0xa3: {  	s17 =	simm.s32 $0x0;
	p1 =	por p1, !p2;
	[tilespmem:v6+s18+$0x10 ss:$0x1] =	vst.idx.msk $0xffff, v5  }
0xa4: {  	s17 =	sshll.u32 @p1 s24, $0x8;
	[tilespmem:v7+s18+$0x0 ss:$0x1] =	vst.idx.msk $0xffff, v8  }
0xa5: {  	s17 =	sand.u32 @p1 $0x1FFFFF00, s17;
	_ =	strace $0x9000006F  }
0xa6: {  	s18 =	sadd.s32 @p1 $0x3, s21;
	s21 =	sadd.s32 @p1 s4, s17;
	_ =	strace @p1 $0x80000070  }
0xa7: {  	[hbm4b:s21+s2] =	stream.linear.scatter @p1 [tilespmem:s23], [sflag:s18], $0x800, $0x200038;
	[tilespmem:$0x3000] =	vst v63  }
0xa8: {  	s13 =	sadd.s32 @p1 $0x1, s13;
	_ =	strace @p1 $0x90000070  }
0xa9: {  	s17 =	sadd.s32 @p1 s5, s17;
	s18 =	sadd.s32 @p1 $0x5, s20;
	_ =	strace @p1 $0x80000071  }
0xaa: {  	[hbm4b:s17+s2] =	stream.linear.scatter @p1 [tilespmem:s22], [sflag:s18], $0x800, $0x200038;
	[tilespmem:$0x3000] =	vst v63  }
0xab: {  	s17 =	simm.s32 @p1 $0x1;
	_ =	strace @p1 $0x90000071;
	p1 =	seq.s32 s16, $0x0  }
0xac: {  	s18 =	sand.u32 @!p1 $0x1, s19  }
0xad: {  	_ =	strace @!p1 $0x80000072;
	s18 =	sadd.s32 @!p1 $0x3, s18  }
0xae: {  	_ =	swait.ge @!p1 [sflag:s18], $0x800  }
0xaf: {  	s20 =	simm.s32 $0x1;
	[sflag:s18] =	ssyncset.done @!p1 $0x0  }
0xb0: {  	s20 =	simm.s32 @!p0 $0x0;
	[sflag:s18] =	ssyncadd.s32 @!p1 $0xFFFFF800  }
0xb1: {  	s16 =	sadd.s32 $0x1, s16;
	s18 =	sand.u32 @!p1 $0x1, s10;
	_ =	strace @!p1 $0x90000072  }
0xb2: {  	p0 =	sne.s32 s16, $0x10;
	s18 =	sadd.s32 @!p1 $0x5, s18;
	_ =	strace @!p1 $0x80000073  }
.Ltmp1:
0xb3: {  	_ =	swait.ge @!p1 [sflag:s18], $0x800;
	(pc) =	sbr.rel @p0 .LBB2_2-.Ltmp1, $4  }
0xb4: {  	s15 =	sadd.s32 s20, s15;
	[sflag:s18] =	ssyncset.done @!p1 $0x0  }
0xb5: {  	s12 =	sadd.s32 s12, s17;
	[sflag:s18] =	ssyncadd.s32 @!p1 $0xFFFFF800;
	s18 =	simm.s32 @!p1 $0x1  }
0xb6: {  	s14 =	sadd.s32 s14, s17;
	s23 =	sadd.s32 @!p1 $0x1, s19;
	s18 =	simm.s32 @p1 $0x0  }
0xb7: {  	s23 =	smov.u32 @p1 s19;
	_ =	strace @!p1 $0x90000073;
	s10 =	sadd.s32 s10, s18  }
0xb8: {  	s11 =	sand.u32 $0x1, s23  }
0xb9: {  	_ =	strace $0x80000074;
	s11 =	sadd.s32 $0x3, s11  }
0xba: {  	s9 =	sadd.s32 $0x1, s9;
	_ =	swait.ge [sflag:s11], $0x800  }
0xbb: {  	s10 =	sand.u32 $0x1, s10;
	p0 =	sne.s32 s9, s8;
	[sflag:s11] =	ssyncset.done $0x0  }
.Ltmp2:
0xbc: {  	s10 =	sadd.s32 $0x5, s10;
	[sflag:s11] =	ssyncadd.s32 $0xFFFFF800;
	(pc) =	sbr.rel @p0 .LBB2_1-.Ltmp2, $4  }
0xbd: {  	_ =	swait.ge [sflag:s10], $0x800  }
0xbe: {  	[sflag:s10] =	ssyncset.done $0x0  }
0xbf: {  	[sflag:s10] =	ssyncadd.s32 $0xFFFFF800  }
0xc0: {  	_ =	strace $0x90000074  }
0xc1: {  	_ =	sfence.sel $0x180000  }
0xc2: {  	[bflag:$0x0] =	sbarrier.arrive $0xFFFF  }
0xc3: {  	p0 =	sne.s32 s3, $0x0;
	_ =	strace $0x9000006B  }
0xc4: {  	s0 =	sadd.s32 @!p0 $0x100000, s0;
	[bflag:$0x2] =	sbarrier.arrive $0xFFFF  }
0xc5: {  	[sflag:s0] =	ssyncadd.tile.s32 @!p0 $0x1;
	_ =	shalt  }
.Lfunc_end2:
_tile_overlayer_lowered:
.L_overlay_start_2:
0xc6: {  	(tag) =	ssettag $0x2  }
0xc7: {  	s0 =	rddreg [dreg:$0x0];
	s2 =	stileid.u32  }
0xc8: {  	s1 =	rddreg [dreg:$0x1];
	p0 =	sne.s32 s2, $0x0  }
0xc9: {  	s3 =	rddreg [dreg:$0x2];
	[bflag:$0x3] =	sbarrier.arrive $0xFFFF;
	s2 =	simm.s32 @!p0 $0x1C01  }
0xca: {  	[timem:s3], [sflag:s2] =	dma.local @!p0 [hbm:s0], s1  }
0xcb: {  	s0 =	simm.s32 @!p0 $0x1  }
0xcc: {  	_ =	swait.ge @!p0 [sflag:s0], s1  }
0xcd: {  	s1 =	ssub.s32 @!p0 $0x0, s1;
	[sflag:s0] =	ssyncset.done @!p0 $0x0  }
0xce: {  	[sflag:s0] =	ssyncadd.s32 @!p0 s1  }
0xcf: {  	[bflag:$0x3] =	sbarrier.arrive $0xFFFF  }
0xd0: {  	_ =	shalt  }

</sc_bundles>
